<compile_context>
chip_gen: v7x
topology: tpu7x:2x2x1
jax: 0.10.2.dev20260603
libtpu: 0.0.44.dev20260713+nightly
codegen_flags: <defaults>
</compile_context>

<pallas_src>
import functools

import jax
import jax.numpy as jnp
from jax import lax
from jax.experimental import pallas as pl
from jax.experimental.pallas import tpu as pltpu
from jax.experimental.pallas import tpu_sc as plsc

B = 4
N = 8192
TI = 1024
TJ = 2048
NI = N // TI
NJ = N // TJ

CK = 256

NW = 32
CH = N // 16


def _nn_body(p1_ref, p2_ref, key1_ref, idx1_ref, key2_ref, idx2_ref):
    i = pl.program_id(1)
    j = pl.program_id(2)
    a = p1_ref[0]
    b = p2_ref[0]
    a16 = a.astype(jnp.bfloat16)
    b16 = b.astype(jnp.bfloat16)
    a16x2 = (a + a).astype(jnp.bfloat16)
    dn = (((0,), (0,)), ((), ()))
    mmT = lax.dot_general((b + b).astype(jnp.bfloat16), a16, dn,
                          preferred_element_type=jnp.float32)
    mm = lax.dot_general(a16x2, b16, dn,
                         preferred_element_type=jnp.float32)
    a2 = jnp.sum(a * a, axis=0)
    b2 = jnp.sum(b * b, axis=0)
    dT = (b2[:, None] + a2[None, :]) - mmT
    d = (a2[:, None] + b2[None, :]) - mm

    def packkey(x, mask, io):
        bits = lax.bitcast_convert_type(x, jnp.int32)
        return lax.bitcast_convert_type((bits & mask) | io, jnp.float32)

    def direction(dtile):
        rows = dtile.shape[0]
        io = (lax.broadcasted_iota(jnp.int32, dtile.shape, 0)
              & jnp.int32(CK - 1))
        key = packkey(dtile, jnp.int32(~(CK - 1)), io)
        ks = ls = None
        for c in range(rows // CK):
            kc = jnp.min(key[c * CK:(c + 1) * CK, :], axis=0)
            lc = (lax.bitcast_convert_type(kc, jnp.int32)
                  & jnp.int32(CK - 1)) + c * CK
            if ks is None:
                ks, ls = kc, lc
            else:
                upd = kc < ks
                ks = jnp.where(upd, kc, ks)
                ls = jnp.where(upd, lc, ls)
        return ks, ls

    k1, l1 = direction(dT)
    l1 = l1 + j * TJ
    k2, l2 = direction(d)
    l2 = l2 + i * TI

    rs = pl.ds(i * TI, TI)
    cs = pl.ds(j * TJ, TJ)

    @pl.when(j == 0)
    def _():
        key1_ref[0, 0, rs] = k1
        idx1_ref[0, 0, rs] = l1

    @pl.when(j > 0)
    def _():
        cur = key1_ref[0, 0, rs]
        upd = k1 < cur
        key1_ref[0, 0, rs] = jnp.where(upd, k1, cur)
        idx1_ref[0, 0, rs] = jnp.where(upd, l1, idx1_ref[0, 0, rs])

    @pl.when(i == 0)
    def _():
        key2_ref[0, 0, cs] = k2
        idx2_ref[0, 0, cs] = l2

    @pl.when(i > 0)
    def _():
        cur = key2_ref[0, 0, cs]
        upd = k2 < cur
        key2_ref[0, 0, cs] = jnp.where(upd, k2, cur)
        idx2_ref[0, 0, cs] = jnp.where(upd, l2, idx2_ref[0, 0, cs])


def _nn_pairs(p1t, p2t, interpret=False):
    f32 = jnp.float32
    i32 = jnp.int32
    return pl.pallas_call(
        _nn_body,
        grid=(B, NI, NJ),
        in_specs=[
            pl.BlockSpec((1, 3, TI), lambda b, i, j: (b, 0, i)),
            pl.BlockSpec((1, 3, TJ), lambda b, i, j: (b, 0, j)),
        ],
        out_specs=[
            pl.BlockSpec((1, 1, N), lambda b, i, j: (b, 0, 0)),
            pl.BlockSpec((1, 1, N), lambda b, i, j: (b, 0, 0)),
            pl.BlockSpec((1, 1, N), lambda b, i, j: (b, 0, 0)),
            pl.BlockSpec((1, 1, N), lambda b, i, j: (b, 0, 0)),
        ],
        out_shape=[
            jax.ShapeDtypeStruct((B, 1, N), f32),
            jax.ShapeDtypeStruct((B, 1, N), i32),
            jax.ShapeDtypeStruct((B, 1, N), f32),
            jax.ShapeDtypeStruct((B, 1, N), i32),
        ],
        interpret=interpret,
    )(p1t, p2t)


def _norm_body(n1_ref, n2_ref, o1_ref, o2_ref):
    for src, dst in ((n1_ref, o1_ref), (n2_ref, o2_ref)):
        nv = src[0]
        s = jnp.sum(nv * nv, axis=0, keepdims=True)
        rn = 1.0 / jnp.maximum(jnp.sqrt(s), 1e-12)
        nh = nv * rn
        sh = jnp.sum(nh * nh, axis=0, keepdims=True)
        dst[0] = jnp.concatenate([nh, sh], axis=0)


def _norm_tables(n1t, n2t, interpret=False):
    f32 = jnp.float32
    return pl.pallas_call(
        _norm_body,
        grid=(B,),
        in_specs=[
            pl.BlockSpec((1, 3, N), lambda b: (b, 0, 0)),
            pl.BlockSpec((1, 3, N), lambda b: (b, 0, 0)),
        ],
        out_specs=[
            pl.BlockSpec((1, 4, N), lambda b: (b, 0, 0)),
            pl.BlockSpec((1, 4, N), lambda b: (b, 0, 0)),
        ],
        out_shape=[
            jax.ShapeDtypeStruct((B, 4, N), f32),
            jax.ShapeDtypeStruct((B, 4, N), f32),
        ],
        interpret=interpret,
    )(n1t, n2t)


def _sc_body(pt1, pt2, nh1, nh2, idx1, idx2, out,
             tabp_v, tabn_v, ownp_v, ownn_v, idx_v, acc_v):
    cid = lax.axis_index("c")
    sid = lax.axis_index("s")
    wid = sid * 2 + cid
    direction = wid // 16
    base = (wid % 16) * CH

    def run_dir(pt_own, pt_other, nh_own, nh_other, idx_hbm):
        acc_d = jnp.zeros((16,), jnp.float32)
        acc_n = jnp.zeros((16,), jnp.float32)
        for bb in range(B):
            pltpu.sync_copy(pt_other.at[bb], tabp_v)
            pltpu.sync_copy(nh_other.at[bb], tabn_v)
            for c in range(3):
                pltpu.sync_copy(pt_own.at[bb, pl.ds(c * N + base, CH)],
                                ownp_v.at[pl.ds(c * CH, CH)])
            for c in range(4):
                pltpu.sync_copy(nh_own.at[bb, pl.ds(c * N + base, CH)],
                                ownn_v.at[pl.ds(c * CH, CH)])
            pltpu.sync_copy(idx_hbm.at[bb, pl.ds(base, CH)], idx_v)

            def step(t, carry):
                ad, an = carry
                sl = pl.ds(t * 16, 16)
                vidx = idx_v[sl]
                dx = ownp_v[pl.ds(t * 16, 16)] - plsc.load_gather(tabp_v, [vidx])
                dy = ownp_v[pl.ds(CH + t * 16, 16)] - plsc.load_gather(tabp_v, [vidx + N])
                dz = ownp_v[pl.ds(2 * CH + t * 16, 16)] - plsc.load_gather(tabp_v, [vidx + 2 * N])
                dist = dx * dx + dy * dy + dz * dz
                ax = ownn_v[pl.ds(t * 16, 16)]
                ay = ownn_v[pl.ds(CH + t * 16, 16)]
                az = ownn_v[pl.ds(2 * CH + t * 16, 16)]
                sa = ownn_v[pl.ds(3 * CH + t * 16, 16)]
                bx = plsc.load_gather(tabn_v, [vidx])
                by = plsc.load_gather(tabn_v, [vidx + N])
                bz = plsc.load_gather(tabn_v, [vidx + 2 * N])
                sb = plsc.load_gather(tabn_v, [vidx + 3 * N])
                dot = ax * bx + ay * by + az * bz
                nd = (sa + sb) - (dot + dot)
                return ad + dist, an + nd

            acc_d, acc_n = lax.fori_loop(0, CH // 16, step, (acc_d, acc_n))
        acc_v[pl.ds(0, 16)] = acc_d
        acc_v[pl.ds(16, 16)] = acc_n
        pltpu.sync_copy(acc_v, out.at[wid])

    @pl.when(direction == 0)
    def _():
        run_dir(pt1, pt2, nh1, nh2, idx1)

    @pl.when(direction == 1)
    def _():
        run_dir(pt2, pt1, nh2, nh1, idx2)


def _sc_reduce(pt1, pt2, nh1, nh2, idx1, idx2):
    fn = functools.partial(
        pl.kernel,
        mesh=plsc.VectorSubcoreMesh(core_axis_name="c", subcore_axis_name="s"),
        compiler_params=pltpu.CompilerParams(needs_layout_passes=False),
        out_type=jax.ShapeDtypeStruct((NW, 32), jnp.float32),
        scratch_types=[
            pltpu.VMEM((3 * N,), jnp.float32),
            pltpu.VMEM((4 * N,), jnp.float32),
            pltpu.VMEM((3 * CH,), jnp.float32),
            pltpu.VMEM((4 * CH,), jnp.float32),
            pltpu.VMEM((CH,), jnp.int32),
            pltpu.VMEM((32,), jnp.float32),
        ],
    )(_sc_body)
    return fn(pt1, pt2, nh1, nh2, idx1, idx2)


def kernel(xyz1, xyz2):
    p1t = jnp.transpose(xyz1[:, :, :3], (0, 2, 1))
    p2t = jnp.transpose(xyz2[:, :, :3], (0, 2, 1))
    n1t = jnp.transpose(xyz1[:, :, 3:], (0, 2, 1))
    n2t = jnp.transpose(xyz2[:, :, 3:], (0, 2, 1))

    _, idx1, _, idx2 = _nn_pairs(p1t, p2t)
    nh1, nh2 = _norm_tables(n1t, n2t)

    parts = _sc_reduce(
        p1t.reshape(B, 3 * N), p2t.reshape(B, 3 * N),
        nh1.reshape(B, 4 * N), nh2.reshape(B, 4 * N),
        idx1.reshape(B, N), idx2.reshape(B, N),
    )
    s = jnp.sum(parts.reshape(NW, 2, 16), axis=(0, 2))
    scale = 1.0 / (B * N)
    return (s[0] * scale, s[1] * scale)

# --- scband reference (transcript-rebuilt; emitter-appended) ---
"""Pipeline reference for scband-chamfer-distance-l2-withnormal-strict-normalindex-55482387530094 (READ-ONLY COPY).

The authoritative reference and input builder live on the scoring server;
editing this copy changes nothing except your own understanding.
"""

import jax, jax.numpy as jnp
import numpy as np


def _nn_idx(a, b):
    # a: [N,3], b: [M,3] -> index of nearest b-point for each a-point
    d = jnp.sum(a * a, axis=1)[:, None] + jnp.sum(b * b, axis=1)[None, :] - 2.0 * (a @ b.T)
    return jnp.argmin(d, axis=1)


def _normalize(x, eps=1e-12):
    # torch.nn.functional.normalize semantics: x / clamp(||x||, min=eps)
    n = jnp.sqrt(jnp.sum(x * x, axis=2, keepdims=True))
    return x / jnp.maximum(n, eps)


def setup_inputs(seed: int = 0) -> dict:
    key = jax.random.key(seed)
    k1, k2 = jax.random.split(key)
    xyz1 = jax.random.normal(k1, (4, 8192, 6), dtype=jnp.float32)
    xyz2 = jax.random.normal(k2, (4, 8192, 6), dtype=jnp.float32)
    return {"xyz1": xyz1, "xyz2": xyz2}


def reference(xyz1, xyz2):
    p1 = xyz1[:, :, :3]
    p2 = xyz2[:, :, :3]

    # chamfer.forward: bidirectional nearest-neighbor indices on 3D coordinates.
    # lax.map over batch keeps the [N, M] distance matrix per-batch (memory-safe).
    def per_batch(ab):
        a, b = ab
        return _nn_idx(a, b), _nn_idx(b, a)

    idx1, idx2 = jax.lax.map(per_batch, (p1, p2))

    # torch.gather(xyz2[:,:,:3], 1, idx1...expand)
    t_xyz1 = jnp.take_along_axis(p2, jnp.broadcast_to(idx1[:, :, None], p1.shape), axis=1)
    t_xyz2 = jnp.take_along_axis(p1, jnp.broadcast_to(idx2[:, :, None], p2.shape), axis=1)
    xyz_d1 = jnp.sum((p1 - t_xyz1) ** 2, axis=2)
    xyz_d2 = jnp.sum((p2 - t_xyz2) ** 2, axis=2)

    n1 = xyz1[:, :, 3:]
    n2 = xyz2[:, :, 3:]
    t_n1 = jnp.take_along_axis(n2, jnp.broadcast_to(idx1[:, :, None], n1.shape), axis=1)
    t_n2 = jnp.take_along_axis(n1, jnp.broadcast_to(idx2[:, :, None], n2.shape), axis=1)
    nd1 = jnp.sum((_normalize(n1) - _normalize(t_n1)) ** 2, axis=2)
    nd2 = jnp.sum((_normalize(n2) - _normalize(t_n2)) ** 2, axis=2)

    return (jnp.mean(xyz_d1) + jnp.mean(xyz_d2), jnp.mean(nd1) + jnp.mean(nd2))

if __name__ == "__main__":
    import jax
    _d = setup_inputs()
    print(jax.jit(kernel)(*tuple(_d.values())))

</pallas_src>

<mosaic_0001>
#map = affine_map<(d0, d1) -> (0, 0)>
module attributes {stable_mosaic.version = 14 : i64} {
  func.func @_sc_body(%arg0: i32, %arg1: i32, %arg2: memref<4x24576xf32, #tpu.memory_space<hbm>>, %arg3: memref<4x24576xf32, #tpu.memory_space<hbm>>, %arg4: memref<4x32768xf32, #tpu.memory_space<hbm>>, %arg5: memref<4x32768xf32, #tpu.memory_space<hbm>>, %arg6: memref<4x8192xi32, #tpu.memory_space<hbm>>, %arg7: memref<4x8192xi32, #tpu.memory_space<hbm>>, %arg8: memref<32x32xf32, #tpu.memory_space<hbm>>, %arg9: memref<24576xf32, #tpu.memory_space<vmem>>, %arg10: memref<32768xf32, #tpu.memory_space<vmem>>, %arg11: memref<1536xf32, #tpu.memory_space<vmem>>, %arg12: memref<2048xf32, #tpu.memory_space<vmem>>, %arg13: memref<512xi32, #tpu.memory_space<vmem>>, %arg14: memref<32xf32, #tpu.memory_space<vmem>>) attributes {dimension_semantics = [#tpu.dimension_semantics<core_parallel>, #tpu.dimension_semantics<subcore_parallel>], iteration_bounds = array<i64: 2, 16>, scalar_prefetch = 0 : i64, scratch_operands = 6 : i64, tpu.core_type = #tpu.core_type<sc_vector_subcore>, window_params = [{transform_indices = #map}, {transform_indices = #map}, {transform_indices = #map}, {transform_indices = #map}, {transform_indices = #map}, {transform_indices = #map}, {transform_indices = #map}]} {
    %mul3A = arith.constant 2 : i32
    %mul3A_0 = arith.muli %arg1, %mul3A : i32
    %add3A = arith.addi %mul3A_0, %arg0 : i32
    %jit3A = arith.constant 16 : i32
    %div3A = arith.divsi %add3A, %jit3A : i32
    %sign3A = arith.constant 0 : i32
    %sign3A_1 = arith.cmpi sgt, %add3A, %sign3A : i32
    %sign3A_2 = arith.extui %sign3A_1 : i1 to i32
    %sign3A_3 = arith.constant 0 : i32
    %sign3A_4 = arith.cmpi slt, %add3A, %sign3A_3 : i32
    %sign3A_5 = arith.extui %sign3A_4 : i1 to i32
    %sign3A_6 = arith.subi %sign3A_2, %sign3A_5 : i32
    %sign3A_7 = arith.constant 0 : i32
    %sign3A_8 = arith.cmpi sgt, %jit3A, %sign3A_7 : i32
    %sign3A_9 = arith.extui %sign3A_8 : i1 to i32
    %sign3A_10 = arith.constant 0 : i32
    %sign3A_11 = arith.cmpi slt, %jit3A, %sign3A_10 : i32
    %sign3A_12 = arith.extui %sign3A_11 : i1 to i32
    %sign3A_13 = arith.subi %sign3A_9, %sign3A_12 : i32
    %ne3A = arith.cmpi ne, %sign3A_6, %sign3A_13 : i32
    %rem3A = arith.remsi %add3A, %jit3A : i32
    %ne3A_14 = arith.constant 0 : i32
    %ne3A_15 = arith.cmpi ne, %rem3A, %ne3A_14 : i32
    %and3A = arith.andi %ne3A, %ne3A_15 : i1
    %sub3A = arith.constant 1 : i32
    %sub3A_16 = arith.subi %div3A, %sub3A : i32
    %select_n3A = arith.select %and3A, %sub3A_16, %div3A : i32
    %jit3A_17 = arith.constant 16 : i32
    %eq3A = arith.constant 0 : i32
    %eq3A_18 = arith.cmpi eq, %jit3A_17, %eq3A : i32
    %jit3A_19 = arith.constant 1 : i32
    %select_n3A_20 = arith.select %eq3A_18, %jit3A_19, %jit3A_17 : i32
    %rem3A_21 = arith.remsi %add3A, %select_n3A_20 : i32
    %ne3A_22 = arith.constant 0 : i32
    %ne3A_23 = arith.cmpi ne, %rem3A_21, %ne3A_22 : i32
    %lt3A = arith.constant 0 : i32
    %lt3A_24 = arith.cmpi slt, %rem3A_21, %lt3A : i32
    %lt3A_25 = arith.constant 0 : i32
    %lt3A_26 = arith.cmpi slt, %select_n3A_20, %lt3A_25 : i32
    %ne3A_27 = arith.xori %lt3A_24, %lt3A_26 : i1
    %and3A_28 = arith.andi %ne3A_27, %ne3A_23 : i1
    %add3A_29 = arith.addi %rem3A_21, %select_n3A_20 : i32
    %select_n3A_30 = arith.select %and3A_28, %add3A_29, %rem3A_21 : i32
    %mul3A_31 = arith.constant 512 : i32
    %mul3A_32 = arith.muli %select_n3A_30, %mul3A_31 : i32
    %eq3A_33 = arith.constant 0 : i32
    %eq3A_34 = arith.cmpi eq, %select_n3A, %eq3A_33 : i32
    %convert_element_type3A = arith.extui %eq3A_34 : i1 to i32
    %cond3A = arith.constant 0 : i32
    %cond3A_35 = arith.cmpi ne, %convert_element_type3A, %cond3A : i32
    scf.if %cond3A_35 {
      %broadcast_in_dim3A = arith.constant 0.000000e+00 : f32
      %broadcast_in_dim3A_41 = vector.broadcast %broadcast_in_dim3A : f32 to vector<16xf32>
      %broadcast_in_dim3A_42 = arith.constant 0.000000e+00 : f32
      %broadcast_in_dim3A_43 = vector.broadcast %broadcast_in_dim3A_42 : f32 to vector<16xf32>
      %run_scoped3A = arith.constant 0 : i32
      "tpu.region"() ({
        %run_scoped3A_165 = tpu.sem_alloc : memref<!tpu.dma_semaphore, #tpu.memory_space<semaphore_mem>>
        %dma_start3A = arith.constant 0 : i32
        %dma_start3A_166 = tpu.memref_slice %arg3[%run_scoped3A, %dma_start3A] : memref<4x24576xf32, #tpu.memory_space<hbm>> -> memref<1x24576xf32, #tpu.memory_space<hbm>>
        %dma_start3A_167 = tpu.memref_squeeze %dma_start3A_166 : memref<1x24576xf32, #tpu.memory_space<hbm>> -> memref<24576xf32, #tpu.memory_space<hbm>>
        %dma_start3A_168 = arith.constant 0 : i32
        %dma_start3A_169 = tpu.memref_slice %arg3[%run_scoped3A, %dma_start3A_168] : memref<4x24576xf32, #tpu.memory_space<hbm>> -> memref<1x24576xf32, #tpu.memory_space<hbm>>
        %dma_start3A_170 = tpu.memref_squeeze %dma_start3A_169 : memref<1x24576xf32, #tpu.memory_space<hbm>> -> memref<24576xf32, #tpu.memory_space<hbm>>
        tpu.enqueue_dma source(%dma_start3A_170 : memref<24576xf32, #tpu.memory_space<hbm>>) target(%arg9 : memref<24576xf32, #tpu.memory_space<vmem>>) target_semaphore(%run_scoped3A_165 : memref<!tpu.dma_semaphore, #tpu.memory_space<semaphore_mem>>)
        %dma_wait3A = arith.constant 0 : i32
        %dma_wait3A_171 = tpu.memref_slice %arg3[%run_scoped3A, %dma_wait3A] : memref<4x24576xf32, #tpu.memory_space<hbm>> -> memref<1x24576xf32, #tpu.memory_space<hbm>>
        %dma_wait3A_172 = tpu.memref_squeeze %dma_wait3A_171 : memref<1x24576xf32, #tpu.memory_space<hbm>> -> memref<24576xf32, #tpu.memory_space<hbm>>
        %dma_wait3A_173 = arith.constant 0 : i32
        %dma_wait3A_174 = tpu.memref_slice %arg3[%run_scoped3A, %dma_wait3A_173] : memref<4x24576xf32, #tpu.memory_space<hbm>> -> memref<1x24576xf32, #tpu.memory_space<hbm>>
        %dma_wait3A_175 = tpu.memref_squeeze %dma_wait3A_174 : memref<1x24576xf32, #tpu.memory_space<hbm>> -> memref<24576xf32, #tpu.memory_space<hbm>>
        tpu.wait_dma2 semaphore(%run_scoped3A_165 : memref<!tpu.dma_semaphore, #tpu.memory_space<semaphore_mem>>) src(%dma_wait3A_175 : memref<24576xf32, #tpu.memory_space<hbm>>) dst(%arg9 : memref<24576xf32, #tpu.memory_space<vmem>>)
        tpu.yield
      }) : () -> ()
      %run_scoped3A_44 = arith.constant 0 : i32
      "tpu.region"() ({
        %run_scoped3A_165 = tpu.sem_alloc : memref<!tpu.dma_semaphore, #tpu.memory_space<semaphore_mem>>
        %dma_start3A = arith.constant 0 : i32
        %dma_start3A_166 = tpu.memref_slice %arg5[%run_scoped3A_44, %dma_start3A] : memref<4x32768xf32, #tpu.memory_space<hbm>> -> memref<1x32768xf32, #tpu.memory_space<hbm>>
        %dma_start3A_167 = tpu.memref_squeeze %dma_start3A_166 : memref<1x32768xf32, #tpu.memory_space<hbm>> -> memref<32768xf32, #tpu.memory_space<hbm>>
        %dma_start3A_168 = arith.constant 0 : i32
        %dma_start3A_169 = tpu.memref_slice %arg5[%run_scoped3A_44, %dma_start3A_168] : memref<4x32768xf32, #tpu.memory_space<hbm>> -> memref<1x32768xf32, #tpu.memory_space<hbm>>
        %dma_start3A_170 = tpu.memref_squeeze %dma_start3A_169 : memref<1x32768xf32, #tpu.memory_space<hbm>> -> memref<32768xf32, #tpu.memory_space<hbm>>
        tpu.enqueue_dma source(%dma_start3A_170 : memref<32768xf32, #tpu.memory_space<hbm>>) target(%arg10 : memref<32768xf32, #tpu.memory_space<vmem>>) target_semaphore(%run_scoped3A_165 : memref<!tpu.dma_semaphore, #tpu.memory_space<semaphore_mem>>)
        %dma_wait3A = arith.constant 0 : i32
        %dma_wait3A_171 = tpu.memref_slice %arg5[%run_scoped3A_44, %dma_wait3A] : memref<4x32768xf32, #tpu.memory_space<hbm>> -> memref<1x32768xf32, #tpu.memory_space<hbm>>
        %dma_wait3A_172 = tpu.memref_squeeze %dma_wait3A_171 : memref<1x32768xf32, #tpu.memory_space<hbm>> -> memref<32768xf32, #tpu.memory_space<hbm>>
        %dma_wait3A_173 = arith.constant 0 : i32
        %dma_wait3A_174 = tpu.memref_slice %arg5[%run_scoped3A_44, %dma_wait3A_173] : memref<4x32768xf32, #tpu.memory_space<hbm>> -> memref<1x32768xf32, #tpu.memory_space<hbm>>
        %dma_wait3A_175 = tpu.memref_squeeze %dma_wait3A_174 : memref<1x32768xf32, #tpu.memory_space<hbm>> -> memref<32768xf32, #tpu.memory_space<hbm>>
        tpu.wait_dma2 semaphore(%run_scoped3A_165 : memref<!tpu.dma_semaphore, #tpu.memory_space<semaphore_mem>>) src(%dma_wait3A_175 : memref<32768xf32, #tpu.memory_space<hbm>>) dst(%arg10 : memref<32768xf32, #tpu.memory_space<vmem>>)
        tpu.yield
      }) : () -> ()
      %add3A_45 = arith.constant 0 : i32
      %add3A_46 = arith.addi %add3A_45, %mul3A_32 : i32
      %run_scoped3A_47 = arith.constant 0 : i32
      "tpu.region"() ({
        %run_scoped3A_165 = tpu.sem_alloc : memref<!tpu.dma_semaphore, #tpu.memory_space<semaphore_mem>>
        %dma_start3A = arith.constant 0 : i32
        %dma_start3A_166 = tpu.memref_slice %arg11[%dma_start3A] : memref<1536xf32, #tpu.memory_space<vmem>> -> memref<512xf32, #tpu.memory_space<vmem>>
        %dma_start3A_167 = tpu.memref_slice %arg2[%run_scoped3A_47, %add3A_46] : memref<4x24576xf32, #tpu.memory_space<hbm>> -> memref<1x512xf32, #tpu.memory_space<hbm>>
        %dma_start3A_168 = tpu.memref_squeeze %dma_start3A_167 : memref<1x512xf32, #tpu.memory_space<hbm>> -> memref<512xf32, #tpu.memory_space<hbm>>
        %dma_start3A_169 = arith.constant 0 : i32
        %dma_start3A_170 = tpu.memref_slice %arg11[%dma_start3A_169] : memref<1536xf32, #tpu.memory_space<vmem>> -> memref<512xf32, #tpu.memory_space<vmem>>
        %dma_start3A_171 = tpu.memref_slice %arg2[%run_scoped3A_47, %add3A_46] : memref<4x24576xf32, #tpu.memory_space<hbm>> -> memref<1x512xf32, #tpu.memory_space<hbm>>
        %dma_start3A_172 = tpu.memref_squeeze %dma_start3A_171 : memref<1x512xf32, #tpu.memory_space<hbm>> -> memref<512xf32, #tpu.memory_space<hbm>>
        tpu.enqueue_dma source(%dma_start3A_172 : memref<512xf32, #tpu.memory_space<hbm>>) target(%dma_start3A_170 : memref<512xf32, #tpu.memory_space<vmem>>) target_semaphore(%run_scoped3A_165 : memref<!tpu.dma_semaphore, #tpu.memory_space<semaphore_mem>>)
        %dma_wait3A = arith.constant 0 : i32
        %dma_wait3A_173 = tpu.memref_slice %arg11[%dma_wait3A] : memref<1536xf32, #tpu.memory_space<vmem>> -> memref<512xf32, #tpu.memory_space<vmem>>
        %dma_wait3A_174 = tpu.memref_slice %arg2[%run_scoped3A_47, %add3A_46] : memref<4x24576xf32, #tpu.memory_space<hbm>> -> memref<1x512xf32, #tpu.memory_space<hbm>>
        %dma_wait3A_175 = tpu.memref_squeeze %dma_wait3A_174 : memref<1x512xf32, #tpu.memory_space<hbm>> -> memref<512xf32, #tpu.memory_space<hbm>>
        %dma_wait3A_176 = arith.constant 0 : i32
        %dma_wait3A_177 = tpu.memref_slice %arg11[%dma_wait3A_176] : memref<1536xf32, #tpu.memory_space<vmem>> -> memref<512xf32, #tpu.memory_space<vmem>>
        %dma_wait3A_178 = tpu.memref_slice %arg2[%run_scoped3A_47, %add3A_46] : memref<4x24576xf32, #tpu.memory_space<hbm>> -> memref<1x512xf32, #tpu.memory_space<hbm>>
        %dma_wait3A_179 = tpu.memref_squeeze %dma_wait3A_178 : memref<1x512xf32, #tpu.memory_space<hbm>> -> memref<512xf32, #tpu.memory_space<hbm>>
        tpu.wait_dma2 semaphore(%run_scoped3A_165 : memref<!tpu.dma_semaphore, #tpu.memory_space<semaphore_mem>>) src(%dma_wait3A_179 : memref<512xf32, #tpu.memory_space<hbm>>) dst(%dma_wait3A_177 : memref<512xf32, #tpu.memory_space<vmem>>)
        tpu.yield
      }) : () -> ()
      %add3A_48 = arith.constant 8192 : i32
      %add3A_49 = arith.addi %add3A_48, %mul3A_32 : i32
      %run_scoped3A_50 = arith.constant 0 : i32
      "tpu.region"() ({
        %run_scoped3A_165 = tpu.sem_alloc : memref<!tpu.dma_semaphore, #tpu.memory_space<semaphore_mem>>
        %dma_start3A = arith.constant 512 : i32
        %dma_start3A_166 = tpu.memref_slice %arg11[%dma_start3A] : memref<1536xf32, #tpu.memory_space<vmem>> -> memref<512xf32, #tpu.memory_space<vmem>>
        %dma_start3A_167 = tpu.memref_slice %arg2[%run_scoped3A_50, %add3A_49] : memref<4x24576xf32, #tpu.memory_space<hbm>> -> memref<1x512xf32, #tpu.memory_space<hbm>>
        %dma_start3A_168 = tpu.memref_squeeze %dma_start3A_167 : memref<1x512xf32, #tpu.memory_space<hbm>> -> memref<512xf32, #tpu.memory_space<hbm>>
        %dma_start3A_169 = arith.constant 512 : i32
        %dma_start3A_170 = tpu.memref_slice %arg11[%dma_start3A_169] : memref<1536xf32, #tpu.memory_space<vmem>> -> memref<512xf32, #tpu.memory_space<vmem>>
        %dma_start3A_171 = tpu.memref_slice %arg2[%run_scoped3A_50, %add3A_49] : memref<4x24576xf32, #tpu.memory_space<hbm>> -> memref<1x512xf32, #tpu.memory_space<hbm>>
        %dma_start3A_172 = tpu.memref_squeeze %dma_start3A_171 : memref<1x512xf32, #tpu.memory_space<hbm>> -> memref<512xf32, #tpu.memory_space<hbm>>
        tpu.enqueue_dma source(%dma_start3A_172 : memref<512xf32, #tpu.memory_space<hbm>>) target(%dma_start3A_170 : memref<512xf32, #tpu.memory_space<vmem>>) target_semaphore(%run_scoped3A_165 : memref<!tpu.dma_semaphore, #tpu.memory_space<semaphore_mem>>)
        %dma_wait3A = arith.constant 512 : i32
        %dma_wait3A_173 = tpu.memref_slice %arg11[%dma_wait3A] : memref<1536xf32, #tpu.memory_space<vmem>> -> memref<512xf32, #tpu.memory_space<vmem>>
        %dma_wait3A_174 = tpu.memref_slice %arg2[%run_scoped3A_50, %add3A_49] : memref<4x24576xf32, #tpu.memory_space<hbm>> -> memref<1x512xf32, #tpu.memory_space<hbm>>
        %dma_wait3A_175 = tpu.memref_squeeze %dma_wait3A_174 : memref<1x512xf32, #tpu.memory_space<hbm>> -> memref<512xf32, #tpu.memory_space<hbm>>
        %dma_wait3A_176 = arith.constant 512 : i32
        %dma_wait3A_177 = tpu.memref_slice %arg11[%dma_wait3A_176] : memref<1536xf32, #tpu.memory_space<vmem>> -> memref<512xf32, #tpu.memory_space<vmem>>
        %dma_wait3A_178 = tpu.memref_slice %arg2[%run_scoped3A_50, %add3A_49] : memref<4x24576xf32, #tpu.memory_space<hbm>> -> memref<1x512xf32, #tpu.memory_space<hbm>>
        %dma_wait3A_179 = tpu.memref_squeeze %dma_wait3A_178 : memref<1x512xf32, #tpu.memory_space<hbm>> -> memref<512xf32, #tpu.memory_space<hbm>>
        tpu.wait_dma2 semaphore(%run_scoped3A_165 : memref<!tpu.dma_semaphore, #tpu.memory_space<semaphore_mem>>) src(%dma_wait3A_179 : memref<512xf32, #tpu.memory_space<hbm>>) dst(%dma_wait3A_177 : memref<512xf32, #tpu.memory_space<vmem>>)
        tpu.yield
      }) : () -> ()
      %add3A_51 = arith.constant 16384 : i32
      %add3A_52 = arith.addi %add3A_51, %mul3A_32 : i32
      %run_scoped3A_53 = arith.constant 0 : i32
      "tpu.region"() ({
        %run_scoped3A_165 = tpu.sem_alloc : memref<!tpu.dma_semaphore, #tpu.memory_space<semaphore_mem>>
        %dma_start3A = arith.constant 1024 : i32
        %dma_start3A_166 = tpu.memref_slice %arg11[%dma_start3A] : memref<1536xf32, #tpu.memory_space<vmem>> -> memref<512xf32, #tpu.memory_space<vmem>>
        %dma_start3A_167 = tpu.memref_slice %arg2[%run_scoped3A_53, %add3A_52] : memref<4x24576xf32, #tpu.memory_space<hbm>> -> memref<1x512xf32, #tpu.memory_space<hbm>>
        %dma_start3A_168 = tpu.memref_squeeze %dma_start3A_167 : memref<1x512xf32, #tpu.memory_space<hbm>> -> memref<512xf32, #tpu.memory_space<hbm>>
        %dma_start3A_169 = arith.constant 1024 : i32
        %dma_start3A_170 = tpu.memref_slice %arg11[%dma_start3A_169] : memref<1536xf32, #tpu.memory_space<vmem>> -> memref<512xf32, #tpu.memory_space<vmem>>
        %dma_start3A_171 = tpu.memref_slice %arg2[%run_scoped3A_53, %add3A_52] : memref<4x24576xf32, #tpu.memory_space<hbm>> -> memref<1x512xf32, #tpu.memory_space<hbm>>
        %dma_start3A_172 = tpu.memref_squeeze %dma_start3A_171 : memref<1x512xf32, #tpu.memory_space<hbm>> -> memref<512xf32, #tpu.memory_space<hbm>>
        tpu.enqueue_dma source(%dma_start3A_172 : memref<512xf32, #tpu.memory_space<hbm>>) target(%dma_start3A_170 : memref<512xf32, #tpu.memory_space<vmem>>) target_semaphore(%run_scoped3A_165 : memref<!tpu.dma_semaphore, #tpu.memory_space<semaphore_mem>>)
        %dma_wait3A = arith.constant 1024 : i32
        %dma_wait3A_173 = tpu.memref_slice %arg11[%dma_wait3A] : memref<1536xf32, #tpu.memory_space<vmem>> -> memref<512xf32, #tpu.memory_space<vmem>>
        %dma_wait3A_174 = tpu.memref_slice %arg2[%run_scoped3A_53, %add3A_52] : memref<4x24576xf32, #tpu.memory_space<hbm>> -> memref<1x512xf32, #tpu.memory_space<hbm>>
        %dma_wait3A_175 = tpu.memref_squeeze %dma_wait3A_174 : memref<1x512xf32, #tpu.memory_space<hbm>> -> memref<512xf32, #tpu.memory_space<hbm>>
        %dma_wait3A_176 = arith.constant 1024 : i32
        %dma_wait3A_177 = tpu.memref_slice %arg11[%dma_wait3A_176] : memref<1536xf32, #tpu.memory_space<vmem>> -> memref<512xf32, #tpu.memory_space<vmem>>
        %dma_wait3A_178 = tpu.memref_slice %arg2[%run_scoped3A_53, %add3A_52] : memref<4x24576xf32, #tpu.memory_space<hbm>> -> memref<1x512xf32, #tpu.memory_space<hbm>>
        %dma_wait3A_179 = tpu.memref_squeeze %dma_wait3A_178 : memref<1x512xf32, #tpu.memory_space<hbm>> -> memref<512xf32, #tpu.memory_space<hbm>>
        tpu.wait_dma2 semaphore(%run_scoped3A_165 : memref<!tpu.dma_semaphore, #tpu.memory_space<semaphore_mem>>) src(%dma_wait3A_179 : memref<512xf32, #tpu.memory_space<hbm>>) dst(%dma_wait3A_177 : memref<512xf32, #tpu.memory_space<vmem>>)
        tpu.yield
      }) : () -> ()
      %add3A_54 = arith.constant 0 : i32
      %add3A_55 = arith.addi %add3A_54, %mul3A_32 : i32
      %run_scoped3A_56 = arith.constant 0 : i32
      "tpu.region"() ({
        %run_scoped3A_165 = tpu.sem_alloc : memref<!tpu.dma_semaphore, #tpu.memory_space<semaphore_mem>>
        %dma_start3A = arith.constant 0 : i32
        %dma_start3A_166 = tpu.memref_slice %arg12[%dma_start3A] : memref<2048xf32, #tpu.memory_space<vmem>> -> memref<512xf32, #tpu.memory_space<vmem>>
        %dma_start3A_167 = tpu.memref_slice %arg4[%run_scoped3A_56, %add3A_55] : memref<4x32768xf32, #tpu.memory_space<hbm>> -> memref<1x512xf32, #tpu.memory_space<hbm>>
        %dma_start3A_168 = tpu.memref_squeeze %dma_start3A_167 : memref<1x512xf32, #tpu.memory_space<hbm>> -> memref<512xf32, #tpu.memory_space<hbm>>
        %dma_start3A_169 = arith.constant 0 : i32
        %dma_start3A_170 = tpu.memref_slice %arg12[%dma_start3A_169] : memref<2048xf32, #tpu.memory_space<vmem>> -> memref<512xf32, #tpu.memory_space<vmem>>
        %dma_start3A_171 = tpu.memref_slice %arg4[%run_scoped3A_56, %add3A_55] : memref<4x32768xf32, #tpu.memory_space<hbm>> -> memref<1x512xf32, #tpu.memory_space<hbm>>
        %dma_start3A_172 = tpu.memref_squeeze %dma_start3A_171 : memref<1x512xf32, #tpu.memory_space<hbm>> -> memref<512xf32, #tpu.memory_space<hbm>>
        tpu.enqueue_dma source(%dma_start3A_172 : memref<512xf32, #tpu.memory_space<hbm>>) target(%dma_start3A_170 : memref<512xf32, #tpu.memory_space<vmem>>) target_semaphore(%run_scoped3A_165 : memref<!tpu.dma_semaphore, #tpu.memory_space<semaphore_mem>>)
        %dma_wait3A = arith.constant 0 : i32
        %dma_wait3A_173 = tpu.memref_slice %arg12[%dma_wait3A] : memref<2048xf32, #tpu.memory_space<vmem>> -> memref<512xf32, #tpu.memory_space<vmem>>
        %dma_wait3A_174 = tpu.memref_slice %arg4[%run_scoped3A_56, %add3A_55] : memref<4x32768xf32, #tpu.memory_space<hbm>> -> memref<1x512xf32, #tpu.memory_space<hbm>>
        %dma_wait3A_175 = tpu.memref_squeeze %dma_wait3A_174 : memref<1x512xf32, #tpu.memory_space<hbm>> -> memref<512xf32, #tpu.memory_space<hbm>>
        %dma_wait3A_176 = arith.constant 0 : i32
        %dma_wait3A_177 = tpu.memref_slice %arg12[%dma_wait3A_176] : memref<2048xf32, #tpu.memory_space<vmem>> -> memref<512xf32, #tpu.memory_space<vmem>>
        %dma_wait3A_178 = tpu.memref_slice %arg4[%run_scoped3A_56, %add3A_55] : memref<4x32768xf32, #tpu.memory_space<hbm>> -> memref<1x512xf32, #tpu.memory_space<hbm>>
        %dma_wait3A_179 = tpu.memref_squeeze %dma_wait3A_178 : memref<1x512xf32, #tpu.memory_space<hbm>> -> memref<512xf32, #tpu.memory_space<hbm>>
        tpu.wait_dma2 semaphore(%run_scoped3A_165 : memref<!tpu.dma_semaphore, #tpu.memory_space<semaphore_mem>>) src(%dma_wait3A_179 : memref<512xf32, #tpu.memory_space<hbm>>) dst(%dma_wait3A_177 : memref<512xf32, #tpu.memory_space<vmem>>)
        tpu.yield
      }) : () -> ()
      %add3A_57 = arith.constant 8192 : i32
      %add3A_58 = arith.addi %add3A_57, %mul3A_32 : i32
      %run_scoped3A_59 = arith.constant 0 : i32
      "tpu.region"() ({
        %run_scoped3A_165 = tpu.sem_alloc : memref<!tpu.dma_semaphore, #tpu.memory_space<semaphore_mem>>
        %dma_start3A = arith.constant 512 : i32
        %dma_start3A_166 = tpu.memref_slice %arg12[%dma_start3A] : memref<2048xf32, #tpu.memory_space<vmem>> -> memref<512xf32, #tpu.memory_space<vmem>>
        %dma_start3A_167 = tpu.memref_slice %arg4[%run_scoped3A_59, %add3A_58] : memref<4x32768xf32, #tpu.memory_space<hbm>> -> memref<1x512xf32, #tpu.memory_space<hbm>>
        %dma_start3A_168 = tpu.memref_squeeze %dma_start3A_167 : memref<1x512xf32, #tpu.memory_space<hbm>> -> memref<512xf32, #tpu.memory_space<hbm>>
        %dma_start3A_169 = arith.constant 512 : i32
        %dma_start3A_170 = tpu.memref_slice %arg12[%dma_start3A_169] : memref<2048xf32, #tpu.memory_space<vmem>> -> memref<512xf32, #tpu.memory_space<vmem>>
        %dma_start3A_171 = tpu.memref_slice %arg4[%run_scoped3A_59, %add3A_58] : memref<4x32768xf32, #tpu.memory_space<hbm>> -> memref<1x512xf32, #tpu.memory_space<hbm>>
        %dma_start3A_172 = tpu.memref_squeeze %dma_start3A_171 : memref<1x512xf32, #tpu.memory_space<hbm>> -> memref<512xf32, #tpu.memory_space<hbm>>
        tpu.enqueue_dma source(%dma_start3A_172 : memref<512xf32, #tpu.memory_space<hbm>>) target(%dma_start3A_170 : memref<512xf32, #tpu.memory_space<vmem>>) target_semaphore(%run_scoped3A_165 : memref<!tpu.dma_semaphore, #tpu.memory_space<semaphore_mem>>)
        %dma_wait3A = arith.constant 512 : i32
        %dma_wait3A_173 = tpu.memref_slice %arg12[%dma_wait3A] : memref<2048xf32, #tpu.memory_space<vmem>> -> memref<512xf32, #tpu.memory_space<vmem>>
        %dma_wait3A_174 = tpu.memref_slice %arg4[%run_scoped3A_59, %add3A_58] : memref<4x32768xf32, #tpu.memory_space<hbm>> -> memref<1x512xf32, #tpu.memory_space<hbm>>
        %dma_wait3A_175 = tpu.memref_squeeze %dma_wait3A_174 : memref<1x512xf32, #tpu.memory_space<hbm>> -> memref<512xf32, #tpu.memory_space<hbm>>
        %dma_wait3A_176 = arith.constant 512 : i32
        %dma_wait3A_177 = tpu.memref_slice %arg12[%dma_wait3A_176] : memref<2048xf32, #tpu.memory_space<vmem>> -> memref<512xf32, #tpu.memory_space<vmem>>
        %dma_wait3A_178 = tpu.memref_slice %arg4[%run_scoped3A_59, %add3A_58] : memref<4x32768xf32, #tpu.memory_space<hbm>> -> memref<1x512xf32, #tpu.memory_space<hbm>>
        %dma_wait3A_179 = tpu.memref_squeeze %dma_wait3A_178 : memref<1x512xf32, #tpu.memory_space<hbm>> -> memref<512xf32, #tpu.memory_space<hbm>>
        tpu.wait_dma2 semaphore(%run_scoped3A_165 : memref<!tpu.dma_semaphore, #tpu.memory_space<semaphore_mem>>) src(%dma_wait3A_179 : memref<512xf32, #tpu.memory_space<hbm>>) dst(%dma_wait3A_177 : memref<512xf32, #tpu.memory_space<vmem>>)
        tpu.yield
      }) : () -> ()
      %add3A_60 = arith.constant 16384 : i32
      %add3A_61 = arith.addi %add3A_60, %mul3A_32 : i32
      %run_scoped3A_62 = arith.constant 0 : i32
      "tpu.region"() ({
        %run_scoped3A_165 = tpu.sem_alloc : memref<!tpu.dma_semaphore, #tpu.memory_space<semaphore_mem>>
        %dma_start3A = arith.constant 1024 : i32
        %dma_start3A_166 = tpu.memref_slice %arg12[%dma_start3A] : memref<2048xf32, #tpu.memory_space<vmem>> -> memref<512xf32, #tpu.memory_space<vmem>>
        %dma_start3A_167 = tpu.memref_slice %arg4[%run_scoped3A_62, %add3A_61] : memref<4x32768xf32, #tpu.memory_space<hbm>> -> memref<1x512xf32, #tpu.memory_space<hbm>>
        %dma_start3A_168 = tpu.memref_squeeze %dma_start3A_167 : memref<1x512xf32, #tpu.memory_space<hbm>> -> memref<512xf32, #tpu.memory_space<hbm>>
        %dma_start3A_169 = arith.constant 1024 : i32
        %dma_start3A_170 = tpu.memref_slice %arg12[%dma_start3A_169] : memref<2048xf32, #tpu.memory_space<vmem>> -> memref<512xf32, #tpu.memory_space<vmem>>
        %dma_start3A_171 = tpu.memref_slice %arg4[%run_scoped3A_62, %add3A_61] : memref<4x32768xf32, #tpu.memory_space<hbm>> -> memref<1x512xf32, #tpu.memory_space<hbm>>
        %dma_start3A_172 = tpu.memref_squeeze %dma_start3A_171 : memref<1x512xf32, #tpu.memory_space<hbm>> -> memref<512xf32, #tpu.memory_space<hbm>>
        tpu.enqueue_dma source(%dma_start3A_172 : memref<512xf32, #tpu.memory_space<hbm>>) target(%dma_start3A_170 : memref<512xf32, #tpu.memory_space<vmem>>) target_semaphore(%run_scoped3A_165 : memref<!tpu.dma_semaphore, #tpu.memory_space<semaphore_mem>>)
        %dma_wait3A = arith.constant 1024 : i32
        %dma_wait3A_173 = tpu.memref_slice %arg12[%dma_wait3A] : memref<2048xf32, #tpu.memory_space<vmem>> -> memref<512xf32, #tpu.memory_space<vmem>>
        %dma_wait3A_174 = tpu.memref_slice %arg4[%run_scoped3A_62, %add3A_61] : memref<4x32768xf32, #tpu.memory_space<hbm>> -> memref<1x512xf32, #tpu.memory_space<hbm>>
        %dma_wait3A_175 = tpu.memref_squeeze %dma_wait3A_174 : memref<1x512xf32, #tpu.memory_space<hbm>> -> memref<512xf32, #tpu.memory_space<hbm>>
        %dma_wait3A_176 = arith.constant 1024 : i32
        %dma_wait3A_177 = tpu.memref_slice %arg12[%dma_wait3A_176] : memref<2048xf32, #tpu.memory_space<vmem>> -> memref<512xf32, #tpu.memory_space<vmem>>
        %dma_wait3A_178 = tpu.memref_slice %arg4[%run_scoped3A_62, %add3A_61] : memref<4x32768xf32, #tpu.memory_space<hbm>> -> memref<1x512xf32, #tpu.memory_space<hbm>>
        %dma_wait3A_179 = tpu.memref_squeeze %dma_wait3A_178 : memref<1x512xf32, #tpu.memory_space<hbm>> -> memref<512xf32, #tpu.memory_space<hbm>>
        tpu.wait_dma2 semaphore(%run_scoped3A_165 : memref<!tpu.dma_semaphore, #tpu.memory_space<semaphore_mem>>) src(%dma_wait3A_179 : memref<512xf32, #tpu.memory_space<hbm>>) dst(%dma_wait3A_177 : memref<512xf32, #tpu.memory_space<vmem>>)
        tpu.yield
      }) : () -> ()
      %add3A_63 = arith.constant 24576 : i32
      %add3A_64 = arith.addi %add3A_63, %mul3A_32 : i32
      %run_scoped3A_65 = arith.constant 0 : i32
      "tpu.region"() ({
        %run_scoped3A_165 = tpu.sem_alloc : memref<!tpu.dma_semaphore, #tpu.memory_space<semaphore_mem>>
        %dma_start3A = arith.constant 1536 : i32
        %dma_start3A_166 = tpu.memref_slice %arg12[%dma_start3A] : memref<2048xf32, #tpu.memory_space<vmem>> -> memref<512xf32, #tpu.memory_space<vmem>>
        %dma_start3A_167 = tpu.memref_slice %arg4[%run_scoped3A_65, %add3A_64] : memref<4x32768xf32, #tpu.memory_space<hbm>> -> memref<1x512xf32, #tpu.memory_space<hbm>>
        %dma_start3A_168 = tpu.memref_squeeze %dma_start3A_167 : memref<1x512xf32, #tpu.memory_space<hbm>> -> memref<512xf32, #tpu.memory_space<hbm>>
        %dma_start3A_169 = arith.constant 1536 : i32
        %dma_start3A_170 = tpu.memref_slice %arg12[%dma_start3A_169] : memref<2048xf32, #tpu.memory_space<vmem>> -> memref<512xf32, #tpu.memory_space<vmem>>
        %dma_start3A_171 = tpu.memref_slice %arg4[%run_scoped3A_65, %add3A_64] : memref<4x32768xf32, #tpu.memory_space<hbm>> -> memref<1x512xf32, #tpu.memory_space<hbm>>
        %dma_start3A_172 = tpu.memref_squeeze %dma_start3A_171 : memref<1x512xf32, #tpu.memory_space<hbm>> -> memref<512xf32, #tpu.memory_space<hbm>>
        tpu.enqueue_dma source(%dma_start3A_172 : memref<512xf32, #tpu.memory_space<hbm>>) target(%dma_start3A_170 : memref<512xf32, #tpu.memory_space<vmem>>) target_semaphore(%run_scoped3A_165 : memref<!tpu.dma_semaphore, #tpu.memory_space<semaphore_mem>>)
        %dma_wait3A = arith.constant 1536 : i32
        %dma_wait3A_173 = tpu.memref_slice %arg12[%dma_wait3A] : memref<2048xf32, #tpu.memory_space<vmem>> -> memref<512xf32, #tpu.memory_space<vmem>>
        %dma_wait3A_174 = tpu.memref_slice %arg4[%run_scoped3A_65, %add3A_64] : memref<4x32768xf32, #tpu.memory_space<hbm>> -> memref<1x512xf32, #tpu.memory_space<hbm>>
        %dma_wait3A_175 = tpu.memref_squeeze %dma_wait3A_174 : memref<1x512xf32, #tpu.memory_space<hbm>> -> memref<512xf32, #tpu.memory_space<hbm>>
        %dma_wait3A_176 = arith.constant 1536 : i32
        %dma_wait3A_177 = tpu.memref_slice %arg12[%dma_wait3A_176] : memref<2048xf32, #tpu.memory_space<vmem>> -> memref<512xf32, #tpu.memory_space<vmem>>
        %dma_wait3A_178 = tpu.memref_slice %arg4[%run_scoped3A_65, %add3A_64] : memref<4x32768xf32, #tpu.memory_space<hbm>> -> memref<1x512xf32, #tpu.memory_space<hbm>>
        %dma_wait3A_179 = tpu.memref_squeeze %dma_wait3A_178 : memref<1x512xf32, #tpu.memory_space<hbm>> -> memref<512xf32, #tpu.memory_space<hbm>>
        tpu.wait_dma2 semaphore(%run_scoped3A_165 : memref<!tpu.dma_semaphore, #tpu.memory_space<semaphore_mem>>) src(%dma_wait3A_179 : memref<512xf32, #tpu.memory_space<hbm>>) dst(%dma_wait3A_177 : memref<512xf32, #tpu.memory_space<vmem>>)
        tpu.yield
      }) : () -> ()
      %run_scoped3A_66 = arith.constant 0 : i32
      "tpu.region"() ({
        %run_scoped3A_165 = tpu.sem_alloc : memref<!tpu.dma_semaphore, #tpu.memory_space<semaphore_mem>>
        %dma_start3A = tpu.memref_slice %arg6[%run_scoped3A_66, %mul3A_32] : memref<4x8192xi32, #tpu.memory_space<hbm>> -> memref<1x512xi32, #tpu.memory_space<hbm>>
        %dma_start3A_166 = tpu.memref_squeeze %dma_start3A : memref<1x512xi32, #tpu.memory_space<hbm>> -> memref<512xi32, #tpu.memory_space<hbm>>
        %dma_start3A_167 = tpu.memref_slice %arg6[%run_scoped3A_66, %mul3A_32] : memref<4x8192xi32, #tpu.memory_space<hbm>> -> memref<1x512xi32, #tpu.memory_space<hbm>>
        %dma_start3A_168 = tpu.memref_squeeze %dma_start3A_167 : memref<1x512xi32, #tpu.memory_space<hbm>> -> memref<512xi32, #tpu.memory_space<hbm>>
        tpu.enqueue_dma source(%dma_start3A_168 : memref<512xi32, #tpu.memory_space<hbm>>) target(%arg13 : memref<512xi32, #tpu.memory_space<vmem>>) target_semaphore(%run_scoped3A_165 : memref<!tpu.dma_semaphore, #tpu.memory_space<semaphore_mem>>)
        %dma_wait3A = tpu.memref_slice %arg6[%run_scoped3A_66, %mul3A_32] : memref<4x8192xi32, #tpu.memory_space<hbm>> -> memref<1x512xi32, #tpu.memory_space<hbm>>
        %dma_wait3A_169 = tpu.memref_squeeze %dma_wait3A : memref<1x512xi32, #tpu.memory_space<hbm>> -> memref<512xi32, #tpu.memory_space<hbm>>
        %dma_wait3A_170 = tpu.memref_slice %arg6[%run_scoped3A_66, %mul3A_32] : memref<4x8192xi32, #tpu.memory_space<hbm>> -> memref<1x512xi32, #tpu.memory_space<hbm>>
        %dma_wait3A_171 = tpu.memref_squeeze %dma_wait3A_170 : memref<1x512xi32, #tpu.memory_space<hbm>> -> memref<512xi32, #tpu.memory_space<hbm>>
        tpu.wait_dma2 semaphore(%run_scoped3A_165 : memref<!tpu.dma_semaphore, #tpu.memory_space<semaphore_mem>>) src(%dma_wait3A_171 : memref<512xi32, #tpu.memory_space<hbm>>) dst(%arg13 : memref<512xi32, #tpu.memory_space<vmem>>)
        tpu.yield
      }) : () -> ()
      %scan3A = arith.constant 0 : i32
      %scan3A_67 = arith.constant 32 : i32
      %scan3A_68 = arith.addi %scan3A, %scan3A_67 : i32
      %scan3A_69 = arith.constant 1 : i32
      %scan3A_70:2 = scf.for %scan3A_165 = %scan3A to %scan3A_68 step %scan3A_69 iter_args(%scan3A_166 = %broadcast_in_dim3A_41, %scan3A_167 = %broadcast_in_dim3A_43) -> (vector<16xf32>, vector<16xf32>)  : i32 {
        %mul3A_168 = arith.constant 16 : i32
        %mul3A_169 = arith.muli %scan3A_165, %mul3A_168 : i32
        %get3A = arith.index_cast %mul3A_169 : i32 to index
        %get3A_170 = tpu.vector_load %arg13[%get3A] {strides = array<i32>} : memref<512xi32, #tpu.memory_space<vmem>>, vector<16xi32>,
        %mul3A_171 = arith.constant 16 : i32
        %mul3A_172 = arith.muli %scan3A_165, %mul3A_171 : i32
        %get3A_173 = arith.index_cast %mul3A_172 : i32 to index
        %get3A_174 = tpu.vector_load %arg11[%get3A_173] {strides = array<i32>} : memref<1536xf32, #tpu.memory_space<vmem>>, vector<16xf32>,
        %gather3A = tpu.vector_load_idx %arg9[%get3A_170] : memref<24576xf32, #tpu.memory_space<vmem>>[vector<16xi32>], vector<16xf32>,
        %sub3A_175 = arith.subf %get3A_174, %gather3A : vector<16xf32>
        %mul3A_176 = arith.constant 16 : i32
        %mul3A_177 = arith.muli %scan3A_165, %mul3A_176 : i32
        %add3A_178 = arith.constant 512 : i32
        %add3A_179 = arith.addi %add3A_178, %mul3A_177 : i32
        %get3A_180 = arith.index_cast %add3A_179 : i32 to index
        %get3A_181 = tpu.vector_load %arg11[%get3A_180] {strides = array<i32>} : memref<1536xf32, #tpu.memory_space<vmem>>, vector<16xf32>,
        %add3A_182 = arith.constant 8192 : i32
        %add3A_183 = vector.broadcast %add3A_182 : i32 to vector<16xi32>
        %add3A_184 = arith.addi %get3A_170, %add3A_183 : vector<16xi32>
        %gather3A_185 = tpu.vector_load_idx %arg9[%add3A_184] : memref<24576xf32, #tpu.memory_space<vmem>>[vector<16xi32>], vector<16xf32>,
        %sub3A_186 = arith.subf %get3A_181, %gather3A_185 : vector<16xf32>
        %mul3A_187 = arith.constant 16 : i32
        %mul3A_188 = arith.muli %scan3A_165, %mul3A_187 : i32
        %add3A_189 = arith.constant 1024 : i32
        %add3A_190 = arith.addi %add3A_189, %mul3A_188 : i32
        %get3A_191 = arith.index_cast %add3A_190 : i32 to index
        %get3A_192 = tpu.vector_load %arg11[%get3A_191] {strides = array<i32>} : memref<1536xf32, #tpu.memory_space<vmem>>, vector<16xf32>,
        %add3A_193 = arith.constant 16384 : i32
        %add3A_194 = vector.broadcast %add3A_193 : i32 to vector<16xi32>
        %add3A_195 = arith.addi %get3A_170, %add3A_194 : vector<16xi32>
        %gather3A_196 = tpu.vector_load_idx %arg9[%add3A_195] : memref<24576xf32, #tpu.memory_space<vmem>>[vector<16xi32>], vector<16xf32>,
        %sub3A_197 = arith.subf %get3A_192, %gather3A_196 : vector<16xf32>
        %mul3A_198 = arith.mulf %sub3A_175, %sub3A_175 : vector<16xf32>
        %mul3A_199 = arith.mulf %sub3A_186, %sub3A_186 : vector<16xf32>
        %add3A_200 = arith.addf %mul3A_198, %mul3A_199 : vector<16xf32>
        %mul3A_201 = arith.mulf %sub3A_197, %sub3A_197 : vector<16xf32>
        %add3A_202 = arith.addf %add3A_200, %mul3A_201 : vector<16xf32>
        %mul3A_203 = arith.constant 16 : i32
        %mul3A_204 = arith.muli %scan3A_165, %mul3A_203 : i32
        %get3A_205 = arith.index_cast %mul3A_204 : i32 to index
        %get3A_206 = tpu.vector_load %arg12[%get3A_205] {strides = array<i32>} : memref<2048xf32, #tpu.memory_space<vmem>>, vector<16xf32>,
        %mul3A_207 = arith.constant 16 : i32
        %mul3A_208 = arith.muli %scan3A_165, %mul3A_207 : i32
        %add3A_209 = arith.constant 512 : i32
        %add3A_210 = arith.addi %add3A_209, %mul3A_208 : i32
        %get3A_211 = arith.index_cast %add3A_210 : i32 to index
        %get3A_212 = tpu.vector_load %arg12[%get3A_211] {strides = array<i32>} : memref<2048xf32, #tpu.memory_space<vmem>>, vector<16xf32>,
        %mul3A_213 = arith.constant 16 : i32
        %mul3A_214 = arith.muli %scan3A_165, %mul3A_213 : i32
        %add3A_215 = arith.constant 1024 : i32
        %add3A_216 = arith.addi %add3A_215, %mul3A_214 : i32
        %get3A_217 = arith.index_cast %add3A_216 : i32 to index
        %get3A_218 = tpu.vector_load %arg12[%get3A_217] {strides = array<i32>} : memref<2048xf32, #tpu.memory_space<vmem>>, vector<16xf32>,
        %mul3A_219 = arith.constant 16 : i32
        %mul3A_220 = arith.muli %scan3A_165, %mul3A_219 : i32
        %add3A_221 = arith.constant 1536 : i32
        %add3A_222 = arith.addi %add3A_221, %mul3A_220 : i32
        %get3A_223 = arith.index_cast %add3A_222 : i32 to index
        %get3A_224 = tpu.vector_load %arg12[%get3A_223] {strides = array<i32>} : memref<2048xf32, #tpu.memory_space<vmem>>, vector<16xf32>,
        %gather3A_225 = tpu.vector_load_idx %arg10[%get3A_170] : memref<32768xf32, #tpu.memory_space<vmem>>[vector<16xi32>], vector<16xf32>,
        %add3A_226 = arith.constant 8192 : i32
        %add3A_227 = vector.broadcast %add3A_226 : i32 to vector<16xi32>
        %add3A_228 = arith.addi %get3A_170, %add3A_227 : vector<16xi32>
        %gather3A_229 = tpu.vector_load_idx %arg10[%add3A_228] : memref<32768xf32, #tpu.memory_space<vmem>>[vector<16xi32>], vector<16xf32>,
        %add3A_230 = arith.constant 16384 : i32
        %add3A_231 = vector.broadcast %add3A_230 : i32 to vector<16xi32>
        %add3A_232 = arith.addi %get3A_170, %add3A_231 : vector<16xi32>
        %gather3A_233 = tpu.vector_load_idx %arg10[%add3A_232] : memref<32768xf32, #tpu.memory_space<vmem>>[vector<16xi32>], vector<16xf32>,
        %add3A_234 = arith.constant 24576 : i32
        %add3A_235 = vector.broadcast %add3A_234 : i32 to vector<16xi32>
        %add3A_236 = arith.addi %get3A_170, %add3A_235 : vector<16xi32>
        %gather3A_237 = tpu.vector_load_idx %arg10[%add3A_236] : memref<32768xf32, #tpu.memory_space<vmem>>[vector<16xi32>], vector<16xf32>,
        %mul3A_238 = arith.mulf %get3A_206, %gather3A_225 : vector<16xf32>
        %mul3A_239 = arith.mulf %get3A_212, %gather3A_229 : vector<16xf32>
        %add3A_240 = arith.addf %mul3A_238, %mul3A_239 : vector<16xf32>
        %mul3A_241 = arith.mulf %get3A_218, %gather3A_233 : vector<16xf32>
        %add3A_242 = arith.addf %add3A_240, %mul3A_241 : vector<16xf32>
        %add3A_243 = arith.addf %get3A_224, %gather3A_237 : vector<16xf32>
        %add3A_244 = arith.addf %add3A_242, %add3A_242 : vector<16xf32>
        %sub3A_245 = arith.subf %add3A_243, %add3A_244 : vector<16xf32>
        %add3A_246 = arith.addf %scan3A_166, %add3A_202 : vector<16xf32>
        %add3A_247 = arith.addf %scan3A_167, %sub3A_245 : vector<16xf32>
        scf.yield %add3A_246, %add3A_247 : vector<16xf32>, vector<16xf32>
      }
      %scan3A_71 = arith.constant 32 : i32
      %run_scoped3A_72 = arith.constant 1 : i32
      "tpu.region"() ({
        %run_scoped3A_165 = tpu.sem_alloc : memref<!tpu.dma_semaphore, #tpu.memory_space<semaphore_mem>>
        %dma_start3A = arith.constant 0 : i32
        %dma_start3A_166 = tpu.memref_slice %arg3[%run_scoped3A_72, %dma_start3A] : memref<4x24576xf32, #tpu.memory_space<hbm>> -> memref<1x24576xf32, #tpu.memory_space<hbm>>
        %dma_start3A_167 = tpu.memref_squeeze %dma_start3A_166 : memref<1x24576xf32, #tpu.memory_space<hbm>> -> memref<24576xf32, #tpu.memory_space<hbm>>
        %dma_start3A_168 = arith.constant 0 : i32
        %dma_start3A_169 = tpu.memref_slice %arg3[%run_scoped3A_72, %dma_start3A_168] : memref<4x24576xf32, #tpu.memory_space<hbm>> -> memref<1x24576xf32, #tpu.memory_space<hbm>>
        %dma_start3A_170 = tpu.memref_squeeze %dma_start3A_169 : memref<1x24576xf32, #tpu.memory_space<hbm>> -> memref<24576xf32, #tpu.memory_space<hbm>>
        tpu.enqueue_dma source(%dma_start3A_170 : memref<24576xf32, #tpu.memory_space<hbm>>) target(%arg9 : memref<24576xf32, #tpu.memory_space<vmem>>) target_semaphore(%run_scoped3A_165 : memref<!tpu.dma_semaphore, #tpu.memory_space<semaphore_mem>>)
        %dma_wait3A = arith.constant 0 : i32
        %dma_wait3A_171 = tpu.memref_slice %arg3[%run_scoped3A_72, %dma_wait3A] : memref<4x24576xf32, #tpu.memory_space<hbm>> -> memref<1x24576xf32, #tpu.memory_space<hbm>>
        %dma_wait3A_172 = tpu.memref_squeeze %dma_wait3A_171 : memref<1x24576xf32, #tpu.memory_space<hbm>> -> memref<24576xf32, #tpu.memory_space<hbm>>
        %dma_wait3A_173 = arith.constant 0 : i32
        %dma_wait3A_174 = tpu.memref_slice %arg3[%run_scoped3A_72, %dma_wait3A_173] : memref<4x24576xf32, #tpu.memory_space<hbm>> -> memref<1x24576xf32, #tpu.memory_space<hbm>>
        %dma_wait3A_175 = tpu.memref_squeeze %dma_wait3A_174 : memref<1x24576xf32, #tpu.memory_space<hbm>> -> memref<24576xf32, #tpu.memory_space<hbm>>
        tpu.wait_dma2 semaphore(%run_scoped3A_165 : memref<!tpu.dma_semaphore, #tpu.memory_space<semaphore_mem>>) src(%dma_wait3A_175 : memref<24576xf32, #tpu.memory_space<hbm>>) dst(%arg9 : memref<24576xf32, #tpu.memory_space<vmem>>)
        tpu.yield
      }) : () -> ()
      %run_scoped3A_73 = arith.constant 1 : i32
      "tpu.region"() ({
        %run_scoped3A_165 = tpu.sem_alloc : memref<!tpu.dma_semaphore, #tpu.memory_space<semaphore_mem>>
        %dma_start3A = arith.constant 0 : i32
        %dma_start3A_166 = tpu.memref_slice %arg5[%run_scoped3A_73, %dma_start3A] : memref<4x32768xf32, #tpu.memory_space<hbm>> -> memref<1x32768xf32, #tpu.memory_space<hbm>>
        %dma_start3A_167 = tpu.memref_squeeze %dma_start3A_166 : memref<1x32768xf32, #tpu.memory_space<hbm>> -> memref<32768xf32, #tpu.memory_space<hbm>>
        %dma_start3A_168 = arith.constant 0 : i32
        %dma_start3A_169 = tpu.memref_slice %arg5[%run_scoped3A_73, %dma_start3A_168] : memref<4x32768xf32, #tpu.memory_space<hbm>> -> memref<1x32768xf32, #tpu.memory_space<hbm>>
        %dma_start3A_170 = tpu.memref_squeeze %dma_start3A_169 : memref<1x32768xf32, #tpu.memory_space<hbm>> -> memref<32768xf32, #tpu.memory_space<hbm>>
        tpu.enqueue_dma source(%dma_start3A_170 : memref<32768xf32, #tpu.memory_space<hbm>>) target(%arg10 : memref<32768xf32, #tpu.memory_space<vmem>>) target_semaphore(%run_scoped3A_165 : memref<!tpu.dma_semaphore, #tpu.memory_space<semaphore_mem>>)
        %dma_wait3A = arith.constant 0 : i32
        %dma_wait3A_171 = tpu.memref_slice %arg5[%run_scoped3A_73, %dma_wait3A] : memref<4x32768xf32, #tpu.memory_space<hbm>> -> memref<1x32768xf32, #tpu.memory_space<hbm>>
        %dma_wait3A_172 = tpu.memref_squeeze %dma_wait3A_171 : memref<1x32768xf32, #tpu.memory_space<hbm>> -> memref<32768xf32, #tpu.memory_space<hbm>>
        %dma_wait3A_173 = arith.constant 0 : i32
        %dma_wait3A_174 = tpu.memref_slice %arg5[%run_scoped3A_73, %dma_wait3A_173] : memref<4x32768xf32, #tpu.memory_space<hbm>> -> memref<1x32768xf32, #tpu.memory_space<hbm>>
        %dma_wait3A_175 = tpu.memref_squeeze %dma_wait3A_174 : memref<1x32768xf32, #tpu.memory_space<hbm>> -> memref<32768xf32, #tpu.memory_space<hbm>>
        tpu.wait_dma2 semaphore(%run_scoped3A_165 : memref<!tpu.dma_semaphore, #tpu.memory_space<semaphore_mem>>) src(%dma_wait3A_175 : memref<32768xf32, #tpu.memory_space<hbm>>) dst(%arg10 : memref<32768xf32, #tpu.memory_space<vmem>>)
        tpu.yield
      }) : () -> ()
      %add3A_74 = arith.constant 0 : i32
      %add3A_75 = arith.addi %add3A_74, %mul3A_32 : i32
      %run_scoped3A_76 = arith.constant 1 : i32
      "tpu.region"() ({
        %run_scoped3A_165 = tpu.sem_alloc : memref<!tpu.dma_semaphore, #tpu.memory_space<semaphore_mem>>
        %dma_start3A = arith.constant 0 : i32
        %dma_start3A_166 = tpu.memref_slice %arg11[%dma_start3A] : memref<1536xf32, #tpu.memory_space<vmem>> -> memref<512xf32, #tpu.memory_space<vmem>>
        %dma_start3A_167 = tpu.memref_slice %arg2[%run_scoped3A_76, %add3A_75] : memref<4x24576xf32, #tpu.memory_space<hbm>> -> memref<1x512xf32, #tpu.memory_space<hbm>>
        %dma_start3A_168 = tpu.memref_squeeze %dma_start3A_167 : memref<1x512xf32, #tpu.memory_space<hbm>> -> memref<512xf32, #tpu.memory_space<hbm>>
        %dma_start3A_169 = arith.constant 0 : i32
        %dma_start3A_170 = tpu.memref_slice %arg11[%dma_start3A_169] : memref<1536xf32, #tpu.memory_space<vmem>> -> memref<512xf32, #tpu.memory_space<vmem>>
        %dma_start3A_171 = tpu.memref_slice %arg2[%run_scoped3A_76, %add3A_75] : memref<4x24576xf32, #tpu.memory_space<hbm>> -> memref<1x512xf32, #tpu.memory_space<hbm>>
        %dma_start3A_172 = tpu.memref_squeeze %dma_start3A_171 : memref<1x512xf32, #tpu.memory_space<hbm>> -> memref<512xf32, #tpu.memory_space<hbm>>
        tpu.enqueue_dma source(%dma_start3A_172 : memref<512xf32, #tpu.memory_space<hbm>>) target(%dma_start3A_170 : memref<512xf32, #tpu.memory_space<vmem>>) target_semaphore(%run_scoped3A_165 : memref<!tpu.dma_semaphore, #tpu.memory_space<semaphore_mem>>)
        %dma_wait3A = arith.constant 0 : i32
        %dma_wait3A_173 = tpu.memref_slice %arg11[%dma_wait3A] : memref<1536xf32, #tpu.memory_space<vmem>> -> memref<512xf32, #tpu.memory_space<vmem>>
        %dma_wait3A_174 = tpu.memref_slice %arg2[%run_scoped3A_76, %add3A_75] : memref<4x24576xf32, #tpu.memory_space<hbm>> -> memref<1x512xf32, #tpu.memory_space<hbm>>
        %dma_wait3A_175 = tpu.memref_squeeze %dma_wait3A_174 : memref<1x512xf32, #tpu.memory_space<hbm>> -> memref<512xf32, #tpu.memory_space<hbm>>
        %dma_wait3A_176 = arith.constant 0 : i32
        %dma_wait3A_177 = tpu.memref_slice %arg11[%dma_wait3A_176] : memref<1536xf32, #tpu.memory_space<vmem>> -> memref<512xf32, #tpu.memory_space<vmem>>
        %dma_wait3A_178 = tpu.memref_slice %arg2[%run_scoped3A_76, %add3A_75] : memref<4x24576xf32, #tpu.memory_space<hbm>> -> memref<1x512xf32, #tpu.memory_space<hbm>>
        %dma_wait3A_179 = tpu.memref_squeeze %dma_wait3A_178 : memref<1x512xf32, #tpu.memory_space<hbm>> -> memref<512xf32, #tpu.memory_space<hbm>>
        tpu.wait_dma2 semaphore(%run_scoped3A_165 : memref<!tpu.dma_semaphore, #tpu.memory_space<semaphore_mem>>) src(%dma_wait3A_179 : memref<512xf32, #tpu.memory_space<hbm>>) dst(%dma_wait3A_177 : memref<512xf32, #tpu.memory_space<vmem>>)
        tpu.yield
      }) : () -> ()
      %add3A_77 = arith.constant 8192 : i32
      %add3A_78 = arith.addi %add3A_77, %mul3A_32 : i32
      %run_scoped3A_79 = arith.constant 1 : i32
      "tpu.region"() ({
        %run_scoped3A_165 = tpu.sem_alloc : memref<!tpu.dma_semaphore, #tpu.memory_space<semaphore_mem>>
        %dma_start3A = arith.constant 512 : i32
        %dma_start3A_166 = tpu.memref_slice %arg11[%dma_start3A] : memref<1536xf32, #tpu.memory_space<vmem>> -> memref<512xf32, #tpu.memory_space<vmem>>
        %dma_start3A_167 = tpu.memref_slice %arg2[%run_scoped3A_79, %add3A_78] : memref<4x24576xf32, #tpu.memory_space<hbm>> -> memref<1x512xf32, #tpu.memory_space<hbm>>
        %dma_start3A_168 = tpu.memref_squeeze %dma_start3A_167 : memref<1x512xf32, #tpu.memory_space<hbm>> -> memref<512xf32, #tpu.memory_space<hbm>>
        %dma_start3A_169 = arith.constant 512 : i32
        %dma_start3A_170 = tpu.memref_slice %arg11[%dma_start3A_169] : memref<1536xf32, #tpu.memory_space<vmem>> -> memref<512xf32, #tpu.memory_space<vmem>>
        %dma_start3A_171 = tpu.memref_slice %arg2[%run_scoped3A_79, %add3A_78] : memref<4x24576xf32, #tpu.memory_space<hbm>> -> memref<1x512xf32, #tpu.memory_space<hbm>>
        %dma_start3A_172 = tpu.memref_squeeze %dma_start3A_171 : memref<1x512xf32, #tpu.memory_space<hbm>> -> memref<512xf32, #tpu.memory_space<hbm>>
        tpu.enqueue_dma source(%dma_start3A_172 : memref<512xf32, #tpu.memory_space<hbm>>) target(%dma_start3A_170 : memref<512xf32, #tpu.memory_space<vmem>>) target_semaphore(%run_scoped3A_165 : memref<!tpu.dma_semaphore, #tpu.memory_space<semaphore_mem>>)
        %dma_wait3A = arith.constant 512 : i32
        %dma_wait3A_173 = tpu.memref_slice %arg11[%dma_wait3A] : memref<1536xf32, #tpu.memory_space<vmem>> -> memref<512xf32, #tpu.memory_space<vmem>>
        %dma_wait3A_174 = tpu.memref_slice %arg2[%run_scoped3A_79, %add3A_78] : memref<4x24576xf32, #tpu.memory_space<hbm>> -> memref<1x512xf32, #tpu.memory_space<hbm>>
        %dma_wait3A_175 = tpu.memref_squeeze %dma_wait3A_174 : memref<1x512xf32, #tpu.memory_space<hbm>> -> memref<512xf32, #tpu.memory_space<hbm>>
        %dma_wait3A_176 = arith.constant 512 : i32
        %dma_wait3A_177 = tpu.memref_slice %arg11[%dma_wait3A_176] : memref<1536xf32, #tpu.memory_space<vmem>> -> memref<512xf32, #tpu.memory_space<vmem>>
        %dma_wait3A_178 = tpu.memref_slice %arg2[%run_scoped3A_79, %add3A_78] : memref<4x24576xf32, #tpu.memory_space<hbm>> -> memref<1x512xf32, #tpu.memory_space<hbm>>
        %dma_wait3A_179 = tpu.memref_squeeze %dma_wait3A_178 : memref<1x512xf32, #tpu.memory_space<hbm>> -> memref<512xf32, #tpu.memory_space<hbm>>
        tpu.wait_dma2 semaphore(%run_scoped3A_165 : memref<!tpu.dma_semaphore, #tpu.memory_space<semaphore_mem>>) src(%dma_wait3A_179 : memref<512xf32, #tpu.memory_space<hbm>>) dst(%dma_wait3A_177 : memref<512xf32, #tpu.memory_space<vmem>>)
        tpu.yield
      }) : () -> ()
      %add3A_80 = arith.constant 16384 : i32
      %add3A_81 = arith.addi %add3A_80, %mul3A_32 : i32
      %run_scoped3A_82 = arith.constant 1 : i32
      "tpu.region"() ({
        %run_scoped3A_165 = tpu.sem_alloc : memref<!tpu.dma_semaphore, #tpu.memory_space<semaphore_mem>>
        %dma_start3A = arith.constant 1024 : i32
        %dma_start3A_166 = tpu.memref_slice %arg11[%dma_start3A] : memref<1536xf32, #tpu.memory_space<vmem>> -> memref<512xf32, #tpu.memory_space<vmem>>
        %dma_start3A_167 = tpu.memref_slice %arg2[%run_scoped3A_82, %add3A_81] : memref<4x24576xf32, #tpu.memory_space<hbm>> -> memref<1x512xf32, #tpu.memory_space<hbm>>
        %dma_start3A_168 = tpu.memref_squeeze %dma_start3A_167 : memref<1x512xf32, #tpu.memory_space<hbm>> -> memref<512xf32, #tpu.memory_space<hbm>>
        %dma_start3A_169 = arith.constant 1024 : i32
        %dma_start3A_170 = tpu.memref_slice %arg11[%dma_start3A_169] : memref<1536xf32, #tpu.memory_space<vmem>> -> memref<512xf32, #tpu.memory_space<vmem>>
        %dma_start3A_171 = tpu.memref_slice %arg2[%run_scoped3A_82, %add3A_81] : memref<4x24576xf32, #tpu.memory_space<hbm>> -> memref<1x512xf32, #tpu.memory_space<hbm>>
        %dma_start3A_172 = tpu.memref_squeeze %dma_start3A_171 : memref<1x512xf32, #tpu.memory_space<hbm>> -> memref<512xf32, #tpu.memory_space<hbm>>
        tpu.enqueue_dma source(%dma_start3A_172 : memref<512xf32, #tpu.memory_space<hbm>>) target(%dma_start3A_170 : memref<512xf32, #tpu.memory_space<vmem>>) target_semaphore(%run_scoped3A_165 : memref<!tpu.dma_semaphore, #tpu.memory_space<semaphore_mem>>)
        %dma_wait3A = arith.constant 1024 : i32
        %dma_wait3A_173 = tpu.memref_slice %arg11[%dma_wait3A] : memref<1536xf32, #tpu.memory_space<vmem>> -> memref<512xf32, #tpu.memory_space<vmem>>
        %dma_wait3A_174 = tpu.memref_slice %arg2[%run_scoped3A_82, %add3A_81] : memref<4x24576xf32, #tpu.memory_space<hbm>> -> memref<1x512xf32, #tpu.memory_space<hbm>>
        %dma_wait3A_175 = tpu.memref_squeeze %dma_wait3A_174 : memref<1x512xf32, #tpu.memory_space<hbm>> -> memref<512xf32, #tpu.memory_space<hbm>>
        %dma_wait3A_176 = arith.constant 1024 : i32
        %dma_wait3A_177 = tpu.memref_slice %arg11[%dma_wait3A_176] : memref<1536xf32, #tpu.memory_space<vmem>> -> memref<512xf32, #tpu.memory_space<vmem>>
        %dma_wait3A_178 = tpu.memref_slice %arg2[%run_scoped3A_82, %add3A_81] : memref<4x24576xf32, #tpu.memory_space<hbm>> -> memref<1x512xf32, #tpu.memory_space<hbm>>
        %dma_wait3A_179 = tpu.memref_squeeze %dma_wait3A_178 : memref<1x512xf32, #tpu.memory_space<hbm>> -> memref<512xf32, #tpu.memory_space<hbm>>
        tpu.wait_dma2 semaphore(%run_scoped3A_165 : memref<!tpu.dma_semaphore, #tpu.memory_space<semaphore_mem>>) src(%dma_wait3A_179 : memref<512xf32, #tpu.memory_space<hbm>>) dst(%dma_wait3A_177 : memref<512xf32, #tpu.memory_space<vmem>>)
        tpu.yield
      }) : () -> ()
      %add3A_83 = arith.constant 0 : i32
      %add3A_84 = arith.addi %add3A_83, %mul3A_32 : i32
      %run_scoped3A_85 = arith.constant 1 : i32
      "tpu.region"() ({
        %run_scoped3A_165 = tpu.sem_alloc : memref<!tpu.dma_semaphore, #tpu.memory_space<semaphore_mem>>
        %dma_start3A = arith.constant 0 : i32
        %dma_start3A_166 = tpu.memref_slice %arg12[%dma_start3A] : memref<2048xf32, #tpu.memory_space<vmem>> -> memref<512xf32, #tpu.memory_space<vmem>>
        %dma_start3A_167 = tpu.memref_slice %arg4[%run_scoped3A_85, %add3A_84] : memref<4x32768xf32, #tpu.memory_space<hbm>> -> memref<1x512xf32, #tpu.memory_space<hbm>>
        %dma_start3A_168 = tpu.memref_squeeze %dma_start3A_167 : memref<1x512xf32, #tpu.memory_space<hbm>> -> memref<512xf32, #tpu.memory_space<hbm>>
        %dma_start3A_169 = arith.constant 0 : i32
        %dma_start3A_170 = tpu.memref_slice %arg12[%dma_start3A_169] : memref<2048xf32, #tpu.memory_space<vmem>> -> memref<512xf32, #tpu.memory_space<vmem>>
        %dma_start3A_171 = tpu.memref_slice %arg4[%run_scoped3A_85, %add3A_84] : memref<4x32768xf32, #tpu.memory_space<hbm>> -> memref<1x512xf32, #tpu.memory_space<hbm>>
        %dma_start3A_172 = tpu.memref_squeeze %dma_start3A_171 : memref<1x512xf32, #tpu.memory_space<hbm>> -> memref<512xf32, #tpu.memory_space<hbm>>
        tpu.enqueue_dma source(%dma_start3A_172 : memref<512xf32, #tpu.memory_space<hbm>>) target(%dma_start3A_170 : memref<512xf32, #tpu.memory_space<vmem>>) target_semaphore(%run_scoped3A_165 : memref<!tpu.dma_semaphore, #tpu.memory_space<semaphore_mem>>)
        %dma_wait3A = arith.constant 0 : i32
        %dma_wait3A_173 = tpu.memref_slice %arg12[%dma_wait3A] : memref<2048xf32, #tpu.memory_space<vmem>> -> memref<512xf32, #tpu.memory_space<vmem>>
        %dma_wait3A_174 = tpu.memref_slice %arg4[%run_scoped3A_85, %add3A_84] : memref<4x32768xf32, #tpu.memory_space<hbm>> -> memref<1x512xf32, #tpu.memory_space<hbm>>
        %dma_wait3A_175 = tpu.memref_squeeze %dma_wait3A_174 : memref<1x512xf32, #tpu.memory_space<hbm>> -> memref<512xf32, #tpu.memory_space<hbm>>
        %dma_wait3A_176 = arith.constant 0 : i32
        %dma_wait3A_177 = tpu.memref_slice %arg12[%dma_wait3A_176] : memref<2048xf32, #tpu.memory_space<vmem>> -> memref<512xf32, #tpu.memory_space<vmem>>
        %dma_wait3A_178 = tpu.memref_slice %arg4[%run_scoped3A_85, %add3A_84] : memref<4x32768xf32, #tpu.memory_space<hbm>> -> memref<1x512xf32, #tpu.memory_space<hbm>>
        %dma_wait3A_179 = tpu.memref_squeeze %dma_wait3A_178 : memref<1x512xf32, #tpu.memory_space<hbm>> -> memref<512xf32, #tpu.memory_space<hbm>>
        tpu.wait_dma2 semaphore(%run_scoped3A_165 : memref<!tpu.dma_semaphore, #tpu.memory_space<semaphore_mem>>) src(%dma_wait3A_179 : memref<512xf32, #tpu.memory_space<hbm>>) dst(%dma_wait3A_177 : memref<512xf32, #tpu.memory_space<vmem>>)
        tpu.yield
      }) : () -> ()
      %add3A_86 = arith.constant 8192 : i32
      %add3A_87 = arith.addi %add3A_86, %mul3A_32 : i32
      %run_scoped3A_88 = arith.constant 1 : i32
      "tpu.region"() ({
        %run_scoped3A_165 = tpu.sem_alloc : memref<!tpu.dma_semaphore, #tpu.memory_space<semaphore_mem>>
        %dma_start3A = arith.constant 512 : i32
        %dma_start3A_166 = tpu.memref_slice %arg12[%dma_start3A] : memref<2048xf32, #tpu.memory_space<vmem>> -> memref<512xf32, #tpu.memory_space<vmem>>
        %dma_start3A_167 = tpu.memref_slice %arg4[%run_scoped3A_88, %add3A_87] : memref<4x32768xf32, #tpu.memory_space<hbm>> -> memref<1x512xf32, #tpu.memory_space<hbm>>
        %dma_start3A_168 = tpu.memref_squeeze %dma_start3A_167 : memref<1x512xf32, #tpu.memory_space<hbm>> -> memref<512xf32, #tpu.memory_space<hbm>>
        %dma_start3A_169 = arith.constant 512 : i32
        %dma_start3A_170 = tpu.memref_slice %arg12[%dma_start3A_169] : memref<2048xf32, #tpu.memory_space<vmem>> -> memref<512xf32, #tpu.memory_space<vmem>>
        %dma_start3A_171 = tpu.memref_slice %arg4[%run_scoped3A_88, %add3A_87] : memref<4x32768xf32, #tpu.memory_space<hbm>> -> memref<1x512xf32, #tpu.memory_space<hbm>>
        %dma_start3A_172 = tpu.memref_squeeze %dma_start3A_171 : memref<1x512xf32, #tpu.memory_space<hbm>> -> memref<512xf32, #tpu.memory_space<hbm>>
        tpu.enqueue_dma source(%dma_start3A_172 : memref<512xf32, #tpu.memory_space<hbm>>) target(%dma_start3A_170 : memref<512xf32, #tpu.memory_space<vmem>>) target_semaphore(%run_scoped3A_165 : memref<!tpu.dma_semaphore, #tpu.memory_space<semaphore_mem>>)
        %dma_wait3A = arith.constant 512 : i32
        %dma_wait3A_173 = tpu.memref_slice %arg12[%dma_wait3A] : memref<2048xf32, #tpu.memory_space<vmem>> -> memref<512xf32, #tpu.memory_space<vmem>>
        %dma_wait3A_174 = tpu.memref_slice %arg4[%run_scoped3A_88, %add3A_87] : memref<4x32768xf32, #tpu.memory_space<hbm>> -> memref<1x512xf32, #tpu.memory_space<hbm>>
        %dma_wait3A_175 = tpu.memref_squeeze %dma_wait3A_174 : memref<1x512xf32, #tpu.memory_space<hbm>> -> memref<512xf32, #tpu.memory_space<hbm>>
        %dma_wait3A_176 = arith.constant 512 : i32
        %dma_wait3A_177 = tpu.memref_slice %arg12[%dma_wait3A_176] : memref<2048xf32, #tpu.memory_space<vmem>> -> memref<512xf32, #tpu.memory_space<vmem>>
        %dma_wait3A_178 = tpu.memref_slice %arg4[%run_scoped3A_88, %add3A_87] : memref<4x32768xf32, #tpu.memory_space<hbm>> -> memref<1x512xf32, #tpu.memory_space<hbm>>
        %dma_wait3A_179 = tpu.memref_squeeze %dma_wait3A_178 : memref<1x512xf32, #tpu.memory_space<hbm>> -> memref<512xf32, #tpu.memory_space<hbm>>
        tpu.wait_dma2 semaphore(%run_scoped3A_165 : memref<!tpu.dma_semaphore, #tpu.memory_space<semaphore_mem>>) src(%dma_wait3A_179 : memref<512xf32, #tpu.memory_space<hbm>>) dst(%dma_wait3A_177 : memref<512xf32, #tpu.memory_space<vmem>>)
        tpu.yield
      }) : () -> ()
      %add3A_89 = arith.constant 16384 : i32
      %add3A_90 = arith.addi %add3A_89, %mul3A_32 : i32
      %run_scoped3A_91 = arith.constant 1 : i32
      "tpu.region"() ({
        %run_scoped3A_165 = tpu.sem_alloc : memref<!tpu.dma_semaphore, #tpu.memory_space<semaphore_mem>>
        %dma_start3A = arith.constant 1024 : i32
        %dma_start3A_166 = tpu.memref_slice %arg12[%dma_start3A] : memref<2048xf32, #tpu.memory_space<vmem>> -> memref<512xf32, #tpu.memory_space<vmem>>
        %dma_start3A_167 = tpu.memref_slice %arg4[%run_scoped3A_91, %add3A_90] : memref<4x32768xf32, #tpu.memory_space<hbm>> -> memref<1x512xf32, #tpu.memory_space<hbm>>
        %dma_start3A_168 = tpu.memref_squeeze %dma_start3A_167 : memref<1x512xf32, #tpu.memory_space<hbm>> -> memref<512xf32, #tpu.memory_space<hbm>>
        %dma_start3A_169 = arith.constant 1024 : i32
        %dma_start3A_170 = tpu.memref_slice %arg12[%dma_start3A_169] : memref<2048xf32, #tpu.memory_space<vmem>> -> memref<512xf32, #tpu.memory_space<vmem>>
        %dma_start3A_171 = tpu.memref_slice %arg4[%run_scoped3A_91, %add3A_90] : memref<4x32768xf32, #tpu.memory_space<hbm>> -> memref<1x512xf32, #tpu.memory_space<hbm>>
        %dma_start3A_172 = tpu.memref_squeeze %dma_start3A_171 : memref<1x512xf32, #tpu.memory_space<hbm>> -> memref<512xf32, #tpu.memory_space<hbm>>
        tpu.enqueue_dma source(%dma_start3A_172 : memref<512xf32, #tpu.memory_space<hbm>>) target(%dma_start3A_170 : memref<512xf32, #tpu.memory_space<vmem>>) target_semaphore(%run_scoped3A_165 : memref<!tpu.dma_semaphore, #tpu.memory_space<semaphore_mem>>)
        %dma_wait3A = arith.constant 1024 : i32
        %dma_wait3A_173 = tpu.memref_slice %arg12[%dma_wait3A] : memref<2048xf32, #tpu.memory_space<vmem>> -> memref<512xf32, #tpu.memory_space<vmem>>
        %dma_wait3A_174 = tpu.memref_slice %arg4[%run_scoped3A_91, %add3A_90] : memref<4x32768xf32, #tpu.memory_space<hbm>> -> memref<1x512xf32, #tpu.memory_space<hbm>>
        %dma_wait3A_175 = tpu.memref_squeeze %dma_wait3A_174 : memref<1x512xf32, #tpu.memory_space<hbm>> -> memref<512xf32, #tpu.memory_space<hbm>>
        %dma_wait3A_176 = arith.constant 1024 : i32
        %dma_wait3A_177 = tpu.memref_slice %arg12[%dma_wait3A_176] : memref<2048xf32, #tpu.memory_space<vmem>> -> memref<512xf32, #tpu.memory_space<vmem>>
        %dma_wait3A_178 = tpu.memref_slice %arg4[%run_scoped3A_91, %add3A_90] : memref<4x32768xf32, #tpu.memory_space<hbm>> -> memref<1x512xf32, #tpu.memory_space<hbm>>
        %dma_wait3A_179 = tpu.memref_squeeze %dma_wait3A_178 : memref<1x512xf32, #tpu.memory_space<hbm>> -> memref<512xf32, #tpu.memory_space<hbm>>
        tpu.wait_dma2 semaphore(%run_scoped3A_165 : memref<!tpu.dma_semaphore, #tpu.memory_space<semaphore_mem>>) src(%dma_wait3A_179 : memref<512xf32, #tpu.memory_space<hbm>>) dst(%dma_wait3A_177 : memref<512xf32, #tpu.memory_space<vmem>>)
        tpu.yield
      }) : () -> ()
      %add3A_92 = arith.constant 24576 : i32
      %add3A_93 = arith.addi %add3A_92, %mul3A_32 : i32
      %run_scoped3A_94 = arith.constant 1 : i32
      "tpu.region"() ({
        %run_scoped3A_165 = tpu.sem_alloc : memref<!tpu.dma_semaphore, #tpu.memory_space<semaphore_mem>>
        %dma_start3A = arith.constant 1536 : i32
        %dma_start3A_166 = tpu.memref_slice %arg12[%dma_start3A] : memref<2048xf32, #tpu.memory_space<vmem>> -> memref<512xf32, #tpu.memory_space<vmem>>
        %dma_start3A_167 = tpu.memref_slice %arg4[%run_scoped3A_94, %add3A_93] : memref<4x32768xf32, #tpu.memory_space<hbm>> -> memref<1x512xf32, #tpu.memory_space<hbm>>
        %dma_start3A_168 = tpu.memref_squeeze %dma_start3A_167 : memref<1x512xf32, #tpu.memory_space<hbm>> -> memref<512xf32, #tpu.memory_space<hbm>>
        %dma_start3A_169 = arith.constant 1536 : i32
        %dma_start3A_170 = tpu.memref_slice %arg12[%dma_start3A_169] : memref<2048xf32, #tpu.memory_space<vmem>> -> memref<512xf32, #tpu.memory_space<vmem>>
        %dma_start3A_171 = tpu.memref_slice %arg4[%run_scoped3A_94, %add3A_93] : memref<4x32768xf32, #tpu.memory_space<hbm>> -> memref<1x512xf32, #tpu.memory_space<hbm>>
        %dma_start3A_172 = tpu.memref_squeeze %dma_start3A_171 : memref<1x512xf32, #tpu.memory_space<hbm>> -> memref<512xf32, #tpu.memory_space<hbm>>
        tpu.enqueue_dma source(%dma_start3A_172 : memref<512xf32, #tpu.memory_space<hbm>>) target(%dma_start3A_170 : memref<512xf32, #tpu.memory_space<vmem>>) target_semaphore(%run_scoped3A_165 : memref<!tpu.dma_semaphore, #tpu.memory_space<semaphore_mem>>)
        %dma_wait3A = arith.constant 1536 : i32
        %dma_wait3A_173 = tpu.memref_slice %arg12[%dma_wait3A] : memref<2048xf32, #tpu.memory_space<vmem>> -> memref<512xf32, #tpu.memory_space<vmem>>
        %dma_wait3A_174 = tpu.memref_slice %arg4[%run_scoped3A_94, %add3A_93] : memref<4x32768xf32, #tpu.memory_space<hbm>> -> memref<1x512xf32, #tpu.memory_space<hbm>>
        %dma_wait3A_175 = tpu.memref_squeeze %dma_wait3A_174 : memref<1x512xf32, #tpu.memory_space<hbm>> -> memref<512xf32, #tpu.memory_space<hbm>>
        %dma_wait3A_176 = arith.constant 1536 : i32
        %dma_wait3A_177 = tpu.memref_slice %arg12[%dma_wait3A_176] : memref<2048xf32, #tpu.memory_space<vmem>> -> memref<512xf32, #tpu.memory_space<vmem>>
        %dma_wait3A_178 = tpu.memref_slice %arg4[%run_scoped3A_94, %add3A_93] : memref<4x32768xf32, #tpu.memory_space<hbm>> -> memref<1x512xf32, #tpu.memory_space<hbm>>
        %dma_wait3A_179 = tpu.memref_squeeze %dma_wait3A_178 : memref<1x512xf32, #tpu.memory_space<hbm>> -> memref<512xf32, #tpu.memory_space<hbm>>
        tpu.wait_dma2 semaphore(%run_scoped3A_165 : memref<!tpu.dma_semaphore, #tpu.memory_space<semaphore_mem>>) src(%dma_wait3A_179 : memref<512xf32, #tpu.memory_space<hbm>>) dst(%dma_wait3A_177 : memref<512xf32, #tpu.memory_space<vmem>>)
        tpu.yield
      }) : () -> ()
      %run_scoped3A_95 = arith.constant 1 : i32
      "tpu.region"() ({
        %run_scoped3A_165 = tpu.sem_alloc : memref<!tpu.dma_semaphore, #tpu.memory_space<semaphore_mem>>
        %dma_start3A = tpu.memref_slice %arg6[%run_scoped3A_95, %mul3A_32] : memref<4x8192xi32, #tpu.memory_space<hbm>> -> memref<1x512xi32, #tpu.memory_space<hbm>>
        %dma_start3A_166 = tpu.memref_squeeze %dma_start3A : memref<1x512xi32, #tpu.memory_space<hbm>> -> memref<512xi32, #tpu.memory_space<hbm>>
        %dma_start3A_167 = tpu.memref_slice %arg6[%run_scoped3A_95, %mul3A_32] : memref<4x8192xi32, #tpu.memory_space<hbm>> -> memref<1x512xi32, #tpu.memory_space<hbm>>
        %dma_start3A_168 = tpu.memref_squeeze %dma_start3A_167 : memref<1x512xi32, #tpu.memory_space<hbm>> -> memref<512xi32, #tpu.memory_space<hbm>>
        tpu.enqueue_dma source(%dma_start3A_168 : memref<512xi32, #tpu.memory_space<hbm>>) target(%arg13 : memref<512xi32, #tpu.memory_space<vmem>>) target_semaphore(%run_scoped3A_165 : memref<!tpu.dma_semaphore, #tpu.memory_space<semaphore_mem>>)
        %dma_wait3A = tpu.memref_slice %arg6[%run_scoped3A_95, %mul3A_32] : memref<4x8192xi32, #tpu.memory_space<hbm>> -> memref<1x512xi32, #tpu.memory_space<hbm>>
        %dma_wait3A_169 = tpu.memref_squeeze %dma_wait3A : memref<1x512xi32, #tpu.memory_space<hbm>> -> memref<512xi32, #tpu.memory_space<hbm>>
        %dma_wait3A_170 = tpu.memref_slice %arg6[%run_scoped3A_95, %mul3A_32] : memref<4x8192xi32, #tpu.memory_space<hbm>> -> memref<1x512xi32, #tpu.memory_space<hbm>>
        %dma_wait3A_171 = tpu.memref_squeeze %dma_wait3A_170 : memref<1x512xi32, #tpu.memory_space<hbm>> -> memref<512xi32, #tpu.memory_space<hbm>>
        tpu.wait_dma2 semaphore(%run_scoped3A_165 : memref<!tpu.dma_semaphore, #tpu.memory_space<semaphore_mem>>) src(%dma_wait3A_171 : memref<512xi32, #tpu.memory_space<hbm>>) dst(%arg13 : memref<512xi32, #tpu.memory_space<vmem>>)
        tpu.yield
      }) : () -> ()
      %scan3A_96 = arith.constant 0 : i32
      %scan3A_97 = arith.constant 32 : i32
      %scan3A_98 = arith.addi %scan3A_96, %scan3A_97 : i32
      %scan3A_99 = arith.constant 1 : i32
      %scan3A_100:2 = scf.for %scan3A_165 = %scan3A_96 to %scan3A_98 step %scan3A_99 iter_args(%scan3A_166 = %scan3A_70#0, %scan3A_167 = %scan3A_70#1) -> (vector<16xf32>, vector<16xf32>)  : i32 {
        %mul3A_168 = arith.constant 16 : i32
        %mul3A_169 = arith.muli %scan3A_165, %mul3A_168 : i32
        %get3A = arith.index_cast %mul3A_169 : i32 to index
        %get3A_170 = tpu.vector_load %arg13[%get3A] {strides = array<i32>} : memref<512xi32, #tpu.memory_space<vmem>>, vector<16xi32>,
        %mul3A_171 = arith.constant 16 : i32
        %mul3A_172 = arith.muli %scan3A_165, %mul3A_171 : i32
        %get3A_173 = arith.index_cast %mul3A_172 : i32 to index
        %get3A_174 = tpu.vector_load %arg11[%get3A_173] {strides = array<i32>} : memref<1536xf32, #tpu.memory_space<vmem>>, vector<16xf32>,
        %gather3A = tpu.vector_load_idx %arg9[%get3A_170] : memref<24576xf32, #tpu.memory_space<vmem>>[vector<16xi32>], vector<16xf32>,
        %sub3A_175 = arith.subf %get3A_174, %gather3A : vector<16xf32>
        %mul3A_176 = arith.constant 16 : i32
        %mul3A_177 = arith.muli %scan3A_165, %mul3A_176 : i32
        %add3A_178 = arith.constant 512 : i32
        %add3A_179 = arith.addi %add3A_178, %mul3A_177 : i32
        %get3A_180 = arith.index_cast %add3A_179 : i32 to index
        %get3A_181 = tpu.vector_load %arg11[%get3A_180] {strides = array<i32>} : memref<1536xf32, #tpu.memory_space<vmem>>, vector<16xf32>,
        %add3A_182 = arith.constant 8192 : i32
        %add3A_183 = vector.broadcast %add3A_182 : i32 to vector<16xi32>
        %add3A_184 = arith.addi %get3A_170, %add3A_183 : vector<16xi32>
        %gather3A_185 = tpu.vector_load_idx %arg9[%add3A_184] : memref<24576xf32, #tpu.memory_space<vmem>>[vector<16xi32>], vector<16xf32>,
        %sub3A_186 = arith.subf %get3A_181, %gather3A_185 : vector<16xf32>
        %mul3A_187 = arith.constant 16 : i32
        %mul3A_188 = arith.muli %scan3A_165, %mul3A_187 : i32
        %add3A_189 = arith.constant 1024 : i32
        %add3A_190 = arith.addi %add3A_189, %mul3A_188 : i32
        %get3A_191 = arith.index_cast %add3A_190 : i32 to index
        %get3A_192 = tpu.vector_load %arg11[%get3A_191] {strides = array<i32>} : memref<1536xf32, #tpu.memory_space<vmem>>, vector<16xf32>,
        %add3A_193 = arith.constant 16384 : i32
        %add3A_194 = vector.broadcast %add3A_193 : i32 to vector<16xi32>
        %add3A_195 = arith.addi %get3A_170, %add3A_194 : vector<16xi32>
        %gather3A_196 = tpu.vector_load_idx %arg9[%add3A_195] : memref<24576xf32, #tpu.memory_space<vmem>>[vector<16xi32>], vector<16xf32>,
        %sub3A_197 = arith.subf %get3A_192, %gather3A_196 : vector<16xf32>
        %mul3A_198 = arith.mulf %sub3A_175, %sub3A_175 : vector<16xf32>
        %mul3A_199 = arith.mulf %sub3A_186, %sub3A_186 : vector<16xf32>
        %add3A_200 = arith.addf %mul3A_198, %mul3A_199 : vector<16xf32>
        %mul3A_201 = arith.mulf %sub3A_197, %sub3A_197 : vector<16xf32>
        %add3A_202 = arith.addf %add3A_200, %mul3A_201 : vector<16xf32>
        %mul3A_203 = arith.constant 16 : i32
        %mul3A_204 = arith.muli %scan3A_165, %mul3A_203 : i32
        %get3A_205 = arith.index_cast %mul3A_204 : i32 to index
        %get3A_206 = tpu.vector_load %arg12[%get3A_205] {strides = array<i32>} : memref<2048xf32, #tpu.memory_space<vmem>>, vector<16xf32>,
        %mul3A_207 = arith.constant 16 : i32
        %mul3A_208 = arith.muli %scan3A_165, %mul3A_207 : i32
        %add3A_209 = arith.constant 512 : i32
        %add3A_210 = arith.addi %add3A_209, %mul3A_208 : i32
        %get3A_211 = arith.index_cast %add3A_210 : i32 to index
        %get3A_212 = tpu.vector_load %arg12[%get3A_211] {strides = array<i32>} : memref<2048xf32, #tpu.memory_space<vmem>>, vector<16xf32>,
        %mul3A_213 = arith.constant 16 : i32
        %mul3A_214 = arith.muli %scan3A_165, %mul3A_213 : i32
        %add3A_215 = arith.constant 1024 : i32
        %add3A_216 = arith.addi %add3A_215, %mul3A_214 : i32
        %get3A_217 = arith.index_cast %add3A_216 : i32 to index
        %get3A_218 = tpu.vector_load %arg12[%get3A_217] {strides = array<i32>} : memref<2048xf32, #tpu.memory_space<vmem>>, vector<16xf32>,
        %mul3A_219 = arith.constant 16 : i32
        %mul3A_220 = arith.muli %scan3A_165, %mul3A_219 : i32
        %add3A_221 = arith.constant 1536 : i32
        %add3A_222 = arith.addi %add3A_221, %mul3A_220 : i32
        %get3A_223 = arith.index_cast %add3A_222 : i32 to index
        %get3A_224 = tpu.vector_load %arg12[%get3A_223] {strides = array<i32>} : memref<2048xf32, #tpu.memory_space<vmem>>, vector<16xf32>,
        %gather3A_225 = tpu.vector_load_idx %arg10[%get3A_170] : memref<32768xf32, #tpu.memory_space<vmem>>[vector<16xi32>], vector<16xf32>,
        %add3A_226 = arith.constant 8192 : i32
        %add3A_227 = vector.broadcast %add3A_226 : i32 to vector<16xi32>
        %add3A_228 = arith.addi %get3A_170, %add3A_227 : vector<16xi32>
        %gather3A_229 = tpu.vector_load_idx %arg10[%add3A_228] : memref<32768xf32, #tpu.memory_space<vmem>>[vector<16xi32>], vector<16xf32>,
        %add3A_230 = arith.constant 16384 : i32
        %add3A_231 = vector.broadcast %add3A_230 : i32 to vector<16xi32>
        %add3A_232 = arith.addi %get3A_170, %add3A_231 : vector<16xi32>
        %gather3A_233 = tpu.vector_load_idx %arg10[%add3A_232] : memref<32768xf32, #tpu.memory_space<vmem>>[vector<16xi32>], vector<16xf32>,
        %add3A_234 = arith.constant 24576 : i32
        %add3A_235 = vector.broadcast %add3A_234 : i32 to vector<16xi32>
        %add3A_236 = arith.addi %get3A_170, %add3A_235 : vector<16xi32>
        %gather3A_237 = tpu.vector_load_idx %arg10[%add3A_236] : memref<32768xf32, #tpu.memory_space<vmem>>[vector<16xi32>], vector<16xf32>,
        %mul3A_238 = arith.mulf %get3A_206, %gather3A_225 : vector<16xf32>
        %mul3A_239 = arith.mulf %get3A_212, %gather3A_229 : vector<16xf32>
        %add3A_240 = arith.addf %mul3A_238, %mul3A_239 : vector<16xf32>
        %mul3A_241 = arith.mulf %get3A_218, %gather3A_233 : vector<16xf32>
        %add3A_242 = arith.addf %add3A_240, %mul3A_241 : vector<16xf32>
        %add3A_243 = arith.addf %get3A_224, %gather3A_237 : vector<16xf32>
        %add3A_244 = arith.addf %add3A_242, %add3A_242 : vector<16xf32>
        %sub3A_245 = arith.subf %add3A_243, %add3A_244 : vector<16xf32>
        %add3A_246 = arith.addf %scan3A_166, %add3A_202 : vector<16xf32>
        %add3A_247 = arith.addf %scan3A_167, %sub3A_245 : vector<16xf32>
        scf.yield %add3A_246, %add3A_247 : vector<16xf32>, vector<16xf32>
      }
      %scan3A_101 = arith.constant 32 : i32
      %run_scoped3A_102 = arith.constant 2 : i32
      "tpu.region"() ({
        %run_scoped3A_165 = tpu.sem_alloc : memref<!tpu.dma_semaphore, #tpu.memory_space<semaphore_mem>>
        %dma_start3A = arith.constant 0 : i32
        %dma_start3A_166 = tpu.memref_slice %arg3[%run_scoped3A_102, %dma_start3A] : memref<4x24576xf32, #tpu.memory_space<hbm>> -> memref<1x24576xf32, #tpu.memory_space<hbm>>
        %dma_start3A_167 = tpu.memref_squeeze %dma_start3A_166 : memref<1x24576xf32, #tpu.memory_space<hbm>> -> memref<24576xf32, #tpu.memory_space<hbm>>
        %dma_start3A_168 = arith.constant 0 : i32
        %dma_start3A_169 = tpu.memref_slice %arg3[%run_scoped3A_102, %dma_start3A_168] : memref<4x24576xf32, #tpu.memory_space<hbm>> -> memref<1x24576xf32, #tpu.memory_space<hbm>>
        %dma_start3A_170 = tpu.memref_squeeze %dma_start3A_169 : memref<1x24576xf32, #tpu.memory_space<hbm>> -> memref<24576xf32, #tpu.memory_space<hbm>>
        tpu.enqueue_dma source(%dma_start3A_170 : memref<24576xf32, #tpu.memory_space<hbm>>) target(%arg9 : memref<24576xf32, #tpu.memory_space<vmem>>) target_semaphore(%run_scoped3A_165 : memref<!tpu.dma_semaphore, #tpu.memory_space<semaphore_mem>>)
        %dma_wait3A = arith.constant 0 : i32
        %dma_wait3A_171 = tpu.memref_slice %arg3[%run_scoped3A_102, %dma_wait3A] : memref<4x24576xf32, #tpu.memory_space<hbm>> -> memref<1x24576xf32, #tpu.memory_space<hbm>>
        %dma_wait3A_172 = tpu.memref_squeeze %dma_wait3A_171 : memref<1x24576xf32, #tpu.memory_space<hbm>> -> memref<24576xf32, #tpu.memory_space<hbm>>
        %dma_wait3A_173 = arith.constant 0 : i32
        %dma_wait3A_174 = tpu.memref_slice %arg3[%run_scoped3A_102, %dma_wait3A_173] : memref<4x24576xf32, #tpu.memory_space<hbm>> -> memref<1x24576xf32, #tpu.memory_space<hbm>>
        %dma_wait3A_175 = tpu.memref_squeeze %dma_wait3A_174 : memref<1x24576xf32, #tpu.memory_space<hbm>> -> memref<24576xf32, #tpu.memory_space<hbm>>
        tpu.wait_dma2 semaphore(%run_scoped3A_165 : memref<!tpu.dma_semaphore, #tpu.memory_space<semaphore_mem>>) src(%dma_wait3A_175 : memref<24576xf32, #tpu.memory_space<hbm>>) dst(%arg9 : memref<24576xf32, #tpu.memory_space<vmem>>)
        tpu.yield
      }) : () -> ()
      %run_scoped3A_103 = arith.constant 2 : i32
      "tpu.region"() ({
        %run_scoped3A_165 = tpu.sem_alloc : memref<!tpu.dma_semaphore, #tpu.memory_space<semaphore_mem>>
        %dma_start3A = arith.constant 0 : i32
        %dma_start3A_166 = tpu.memref_slice %arg5[%run_scoped3A_103, %dma_start3A] : memref<4x32768xf32, #tpu.memory_space<hbm>> -> memref<1x32768xf32, #tpu.memory_space<hbm>>
        %dma_start3A_167 = tpu.memref_squeeze %dma_start3A_166 : memref<1x32768xf32, #tpu.memory_space<hbm>> -> memref<32768xf32, #tpu.memory_space<hbm>>
        %dma_start3A_168 = arith.constant 0 : i32
        %dma_start3A_169 = tpu.memref_slice %arg5[%run_scoped3A_103, %dma_start3A_168] : memref<4x32768xf32, #tpu.memory_space<hbm>> -> memref<1x32768xf32, #tpu.memory_space<hbm>>
        %dma_start3A_170 = tpu.memref_squeeze %dma_start3A_169 : memref<1x32768xf32, #tpu.memory_space<hbm>> -> memref<32768xf32, #tpu.memory_space<hbm>>
        tpu.enqueue_dma source(%dma_start3A_170 : memref<32768xf32, #tpu.memory_space<hbm>>) target(%arg10 : memref<32768xf32, #tpu.memory_space<vmem>>) target_semaphore(%run_scoped3A_165 : memref<!tpu.dma_semaphore, #tpu.memory_space<semaphore_mem>>)
        %dma_wait3A = arith.constant 0 : i32
        %dma_wait3A_171 = tpu.memref_slice %arg5[%run_scoped3A_103, %dma_wait3A] : memref<4x32768xf32, #tpu.memory_space<hbm>> -> memref<1x32768xf32, #tpu.memory_space<hbm>>
        %dma_wait3A_172 = tpu.memref_squeeze %dma_wait3A_171 : memref<1x32768xf32, #tpu.memory_space<hbm>> -> memref<32768xf32, #tpu.memory_space<hbm>>
        %dma_wait3A_173 = arith.constant 0 : i32
        %dma_wait3A_174 = tpu.memref_slice %arg5[%run_scoped3A_103, %dma_wait3A_173] : memref<4x32768xf32, #tpu.memory_space<hbm>> -> memref<1x32768xf32, #tpu.memory_space<hbm>>
        %dma_wait3A_175 = tpu.memref_squeeze %dma_wait3A_174 : memref<1x32768xf32, #tpu.memory_space<hbm>> -> memref<32768xf32, #tpu.memory_space<hbm>>
        tpu.wait_dma2 semaphore(%run_scoped3A_165 : memref<!tpu.dma_semaphore, #tpu.memory_space<semaphore_mem>>) src(%dma_wait3A_175 : memref<32768xf32, #tpu.memory_space<hbm>>) dst(%arg10 : memref<32768xf32, #tpu.memory_space<vmem>>)
        tpu.yield
      }) : () -> ()
      %add3A_104 = arith.constant 0 : i32
      %add3A_105 = arith.addi %add3A_104, %mul3A_32 : i32
      %run_scoped3A_106 = arith.constant 2 : i32
      "tpu.region"() ({
        %run_scoped3A_165 = tpu.sem_alloc : memref<!tpu.dma_semaphore, #tpu.memory_space<semaphore_mem>>
        %dma_start3A = arith.constant 0 : i32
        %dma_start3A_166 = tpu.memref_slice %arg11[%dma_start3A] : memref<1536xf32, #tpu.memory_space<vmem>> -> memref<512xf32, #tpu.memory_space<vmem>>
        %dma_start3A_167 = tpu.memref_slice %arg2[%run_scoped3A_106, %add3A_105] : memref<4x24576xf32, #tpu.memory_space<hbm>> -> memref<1x512xf32, #tpu.memory_space<hbm>>
        %dma_start3A_168 = tpu.memref_squeeze %dma_start3A_167 : memref<1x512xf32, #tpu.memory_space<hbm>> -> memref<512xf32, #tpu.memory_space<hbm>>
        %dma_start3A_169 = arith.constant 0 : i32
        %dma_start3A_170 = tpu.memref_slice %arg11[%dma_start3A_169] : memref<1536xf32, #tpu.memory_space<vmem>> -> memref<512xf32, #tpu.memory_space<vmem>>
        %dma_start3A_171 = tpu.memref_slice %arg2[%run_scoped3A_106, %add3A_105] : memref<4x24576xf32, #tpu.memory_space<hbm>> -> memref<1x512xf32, #tpu.memory_space<hbm>>
        %dma_start3A_172 = tpu.memref_squeeze %dma_start3A_171 : memref<1x512xf32, #tpu.memory_space<hbm>> -> memref<512xf32, #tpu.memory_space<hbm>>
        tpu.enqueue_dma source(%dma_start3A_172 : memref<512xf32, #tpu.memory_space<hbm>>) target(%dma_start3A_170 : memref<512xf32, #tpu.memory_space<vmem>>) target_semaphore(%run_scoped3A_165 : memref<!tpu.dma_semaphore, #tpu.memory_space<semaphore_mem>>)
        %dma_wait3A = arith.constant 0 : i32
        %dma_wait3A_173 = tpu.memref_slice %arg11[%dma_wait3A] : memref<1536xf32, #tpu.memory_space<vmem>> -> memref<512xf32, #tpu.memory_space<vmem>>
        %dma_wait3A_174 = tpu.memref_slice %arg2[%run_scoped3A_106, %add3A_105] : memref<4x24576xf32, #tpu.memory_space<hbm>> -> memref<1x512xf32, #tpu.memory_space<hbm>>
        %dma_wait3A_175 = tpu.memref_squeeze %dma_wait3A_174 : memref<1x512xf32, #tpu.memory_space<hbm>> -> memref<512xf32, #tpu.memory_space<hbm>>
        %dma_wait3A_176 = arith.constant 0 : i32
        %dma_wait3A_177 = tpu.memref_slice %arg11[%dma_wait3A_176] : memref<1536xf32, #tpu.memory_space<vmem>> -> memref<512xf32, #tpu.memory_space<vmem>>
        %dma_wait3A_178 = tpu.memref_slice %arg2[%run_scoped3A_106, %add3A_105] : memref<4x24576xf32, #tpu.memory_space<hbm>> -> memref<1x512xf32, #tpu.memory_space<hbm>>
        %dma_wait3A_179 = tpu.memref_squeeze %dma_wait3A_178 : memref<1x512xf32, #tpu.memory_space<hbm>> -> memref<512xf32, #tpu.memory_space<hbm>>
        tpu.wait_dma2 semaphore(%run_scoped3A_165 : memref<!tpu.dma_semaphore, #tpu.memory_space<semaphore_mem>>) src(%dma_wait3A_179 : memref<512xf32, #tpu.memory_space<hbm>>) dst(%dma_wait3A_177 : memref<512xf32, #tpu.memory_space<vmem>>)
        tpu.yield
      }) : () -> ()
      %add3A_107 = arith.constant 8192 : i32
      %add3A_108 = arith.addi %add3A_107, %mul3A_32 : i32
      %run_scoped3A_109 = arith.constant 2 : i32
      "tpu.region"() ({
        %run_scoped3A_165 = tpu.sem_alloc : memref<!tpu.dma_semaphore, #tpu.memory_space<semaphore_mem>>
        %dma_start3A = arith.constant 512 : i32
        %dma_start3A_166 = tpu.memref_slice %arg11[%dma_start3A] : memref<1536xf32, #tpu.memory_space<vmem>> -> memref<512xf32, #tpu.memory_space<vmem>>
        %dma_start3A_167 = tpu.memref_slice %arg2[%run_scoped3A_109, %add3A_108] : memref<4x24576xf32, #tpu.memory_space<hbm>> -> memref<1x512xf32, #tpu.memory_space<hbm>>
        %dma_start3A_168 = tpu.memref_squeeze %dma_start3A_167 : memref<1x512xf32, #tpu.memory_space<hbm>> -> memref<512xf32, #tpu.memory_space<hbm>>
        %dma_start3A_169 = arith.constant 512 : i32
        %dma_start3A_170 = tpu.memref_slice %arg11[%dma_start3A_169] : memref<1536xf32, #tpu.memory_space<vmem>> -> memref<512xf32, #tpu.memory_space<vmem>>
        %dma_start3A_171 = tpu.memref_slice %arg2[%run_scoped3A_109, %add3A_108] : memref<4x24576xf32, #tpu.memory_space<hbm>> -> memref<1x512xf32, #tpu.memory_space<hbm>>
        %dma_start3A_172 = tpu.memref_squeeze %dma_start3A_171 : memref<1x512xf32, #tpu.memory_space<hbm>> -> memref<512xf32, #tpu.memory_space<hbm>>
        tpu.enqueue_dma source(%dma_start3A_172 : memref<512xf32, #tpu.memory_space<hbm>>) target(%dma_start3A_170 : memref<512xf32, #tpu.memory_space<vmem>>) target_semaphore(%run_scoped3A_165 : memref<!tpu.dma_semaphore, #tpu.memory_space<semaphore_mem>>)
        %dma_wait3A = arith.constant 512 : i32
        %dma_wait3A_173 = tpu.memref_slice %arg11[%dma_wait3A] : memref<1536xf32, #tpu.memory_space<vmem>> -> memref<512xf32, #tpu.memory_space<vmem>>
        %dma_wait3A_174 = tpu.memref_slice %arg2[%run_scoped3A_109, %add3A_108] : memref<4x24576xf32, #tpu.memory_space<hbm>> -> memref<1x512xf32, #tpu.memory_space<hbm>>
        %dma_wait3A_175 = tpu.memref_squeeze %dma_wait3A_174 : memref<1x512xf32, #tpu.memory_space<hbm>> -> memref<512xf32, #tpu.memory_space<hbm>>
        %dma_wait3A_176 = arith.constant 512 : i32
        %dma_wait3A_177 = tpu.memref_slice %arg11[%dma_wait3A_176] : memref<1536xf32, #tpu.memory_space<vmem>> -> memref<512xf32, #tpu.memory_space<vmem>>
        %dma_wait3A_178 = tpu.memref_slice %arg2[%run_scoped3A_109, %add3A_108] : memref<4x24576xf32, #tpu.memory_space<hbm>> -> memref<1x512xf32, #tpu.memory_space<hbm>>
        %dma_wait3A_179 = tpu.memref_squeeze %dma_wait3A_178 : memref<1x512xf32, #tpu.memory_space<hbm>> -> memref<512xf32, #tpu.memory_space<hbm>>
        tpu.wait_dma2 semaphore(%run_scoped3A_165 : memref<!tpu.dma_semaphore, #tpu.memory_space<semaphore_mem>>) src(%dma_wait3A_179 : memref<512xf32, #tpu.memory_space<hbm>>) dst(%dma_wait3A_177 : memref<512xf32, #tpu.memory_space<vmem>>)
        tpu.yield
      }) : () -> ()
      %add3A_110 = arith.constant 16384 : i32
      %add3A_111 = arith.addi %add3A_110, %mul3A_32 : i32
      %run_scoped3A_112 = arith.constant 2 : i32
      "tpu.region"() ({
        %run_scoped3A_165 = tpu.sem_alloc : memref<!tpu.dma_semaphore, #tpu.memory_space<semaphore_mem>>
        %dma_start3A = arith.constant 1024 : i32
        %dma_start3A_166 = tpu.memref_slice %arg11[%dma_start3A] : memref<1536xf32, #tpu.memory_space<vmem>> -> memref<512xf32, #tpu.memory_space<vmem>>
        %dma_start3A_167 = tpu.memref_slice %arg2[%run_scoped3A_112, %add3A_111] : memref<4x24576xf32, #tpu.memory_space<hbm>> -> memref<1x512xf32, #tpu.memory_space<hbm>>
        %dma_start3A_168 = tpu.memref_squeeze %dma_start3A_167 : memref<1x512xf32, #tpu.memory_space<hbm>> -> memref<512xf32, #tpu.memory_space<hbm>>
        %dma_start3A_169 = arith.constant 1024 : i32
        %dma_start3A_170 = tpu.memref_slice %arg11[%dma_start3A_169] : memref<1536xf32, #tpu.memory_space<vmem>> -> memref<512xf32, #tpu.memory_space<vmem>>
        %dma_start3A_171 = tpu.memref_slice %arg2[%run_scoped3A_112, %add3A_111] : memref<4x24576xf32, #tpu.memory_space<hbm>> -> memref<1x512xf32, #tpu.memory_space<hbm>>
        %dma_start3A_172 = tpu.memref_squeeze %dma_start3A_171 : memref<1x512xf32, #tpu.memory_space<hbm>> -> memref<512xf32, #tpu.memory_space<hbm>>
        tpu.enqueue_dma source(%dma_start3A_172 : memref<512xf32, #tpu.memory_space<hbm>>) target(%dma_start3A_170 : memref<512xf32, #tpu.memory_space<vmem>>) target_semaphore(%run_scoped3A_165 : memref<!tpu.dma_semaphore, #tpu.memory_space<semaphore_mem>>)
        %dma_wait3A = arith.constant 1024 : i32
        %dma_wait3A_173 = tpu.memref_slice %arg11[%dma_wait3A] : memref<1536xf32, #tpu.memory_space<vmem>> -> memref<512xf32, #tpu.memory_space<vmem>>
        %dma_wait3A_174 = tpu.memref_slice %arg2[%run_scoped3A_112, %add3A_111] : memref<4x24576xf32, #tpu.memory_space<hbm>> -> memref<1x512xf32, #tpu.memory_space<hbm>>
        %dma_wait3A_175 = tpu.memref_squeeze %dma_wait3A_174 : memref<1x512xf32, #tpu.memory_space<hbm>> -> memref<512xf32, #tpu.memory_space<hbm>>
        %dma_wait3A_176 = arith.constant 1024 : i32
        %dma_wait3A_177 = tpu.memref_slice %arg11[%dma_wait3A_176] : memref<1536xf32, #tpu.memory_space<vmem>> -> memref<512xf32, #tpu.memory_space<vmem>>
        %dma_wait3A_178 = tpu.memref_slice %arg2[%run_scoped3A_112, %add3A_111] : memref<4x24576xf32, #tpu.memory_space<hbm>> -> memref<1x512xf32, #tpu.memory_space<hbm>>
        %dma_wait3A_179 = tpu.memref_squeeze %dma_wait3A_178 : memref<1x512xf32, #tpu.memory_space<hbm>> -> memref<512xf32, #tpu.memory_space<hbm>>
        tpu.wait_dma2 semaphore(%run_scoped3A_165 : memref<!tpu.dma_semaphore, #tpu.memory_space<semaphore_mem>>) src(%dma_wait3A_179 : memref<512xf32, #tpu.memory_space<hbm>>) dst(%dma_wait3A_177 : memref<512xf32, #tpu.memory_space<vmem>>)
        tpu.yield
      }) : () -> ()
      %add3A_113 = arith.constant 0 : i32
      %add3A_114 = arith.addi %add3A_113, %mul3A_32 : i32
      %run_scoped3A_115 = arith.constant 2 : i32
      "tpu.region"() ({
        %run_scoped3A_165 = tpu.sem_alloc : memref<!tpu.dma_semaphore, #tpu.memory_space<semaphore_mem>>
        %dma_start3A = arith.constant 0 : i32
        %dma_start3A_166 = tpu.memref_slice %arg12[%dma_start3A] : memref<2048xf32, #tpu.memory_space<vmem>> -> memref<512xf32, #tpu.memory_space<vmem>>
        %dma_start3A_167 = tpu.memref_slice %arg4[%run_scoped3A_115, %add3A_114] : memref<4x32768xf32, #tpu.memory_space<hbm>> -> memref<1x512xf32, #tpu.memory_space<hbm>>
        %dma_start3A_168 = tpu.memref_squeeze %dma_start3A_167 : memref<1x512xf32, #tpu.memory_space<hbm>> -> memref<512xf32, #tpu.memory_space<hbm>>
        %dma_start3A_169 = arith.constant 0 : i32
        %dma_start3A_170 = tpu.memref_slice %arg12[%dma_start3A_169] : memref<2048xf32, #tpu.memory_space<vmem>> -> memref<512xf32, #tpu.memory_space<vmem>>
        %dma_start3A_171 = tpu.memref_slice %arg4[%run_scoped3A_115, %add3A_114] : memref<4x32768xf32, #tpu.memory_space<hbm>> -> memref<1x512xf32, #tpu.memory_space<hbm>>
        %dma_start3A_172 = tpu.memref_squeeze %dma_start3A_171 : memref<1x512xf32, #tpu.memory_space<hbm>> -> memref<512xf32, #tpu.memory_space<hbm>>
        tpu.enqueue_dma source(%dma_start3A_172 : memref<512xf32, #tpu.memory_space<hbm>>) target(%dma_start3A_170 : memref<512xf32, #tpu.memory_space<vmem>>) target_semaphore(%run_scoped3A_165 : memref<!tpu.dma_semaphore, #tpu.memory_space<semaphore_mem>>)
        %dma_wait3A = arith.constant 0 : i32
        %dma_wait3A_173 = tpu.memref_slice %arg12[%dma_wait3A] : memref<2048xf32, #tpu.memory_space<vmem>> -> memref<512xf32, #tpu.memory_space<vmem>>
        %dma_wait3A_174 = tpu.memref_slice %arg4[%run_scoped3A_115, %add3A_114] : memref<4x32768xf32, #tpu.memory_space<hbm>> -> memref<1x512xf32, #tpu.memory_space<hbm>>
        %dma_wait3A_175 = tpu.memref_squeeze %dma_wait3A_174 : memref<1x512xf32, #tpu.memory_space<hbm>> -> memref<512xf32, #tpu.memory_space<hbm>>
        %dma_wait3A_176 = arith.constant 0 : i32
        %dma_wait3A_177 = tpu.memref_slice %arg12[%dma_wait3A_176] : memref<2048xf32, #tpu.memory_space<vmem>> -> memref<512xf32, #tpu.memory_space<vmem>>
        %dma_wait3A_178 = tpu.memref_slice %arg4[%run_scoped3A_115, %add3A_114] : memref<4x32768xf32, #tpu.memory_space<hbm>> -> memref<1x512xf32, #tpu.memory_space<hbm>>
        %dma_wait3A_179 = tpu.memref_squeeze %dma_wait3A_178 : memref<1x512xf32, #tpu.memory_space<hbm>> -> memref<512xf32, #tpu.memory_space<hbm>>
        tpu.wait_dma2 semaphore(%run_scoped3A_165 : memref<!tpu.dma_semaphore, #tpu.memory_space<semaphore_mem>>) src(%dma_wait3A_179 : memref<512xf32, #tpu.memory_space<hbm>>) dst(%dma_wait3A_177 : memref<512xf32, #tpu.memory_space<vmem>>)
        tpu.yield
      }) : () -> ()
      %add3A_116 = arith.constant 8192 : i32
      %add3A_117 = arith.addi %add3A_116, %mul3A_32 : i32
      %run_scoped3A_118 = arith.constant 2 : i32
      "tpu.region"() ({
        %run_scoped3A_165 = tpu.sem_alloc : memref<!tpu.dma_semaphore, #tpu.memory_space<semaphore_mem>>
        %dma_start3A = arith.constant 512 : i32
        %dma_start3A_166 = tpu.memref_slice %arg12[%dma_start3A] : memref<2048xf32, #tpu.memory_space<vmem>> -> memref<512xf32, #tpu.memory_space<vmem>>
        %dma_start3A_167 = tpu.memref_slice %arg4[%run_scoped3A_118, %add3A_117] : memref<4x32768xf32, #tpu.memory_space<hbm>> -> memref<1x512xf32, #tpu.memory_space<hbm>>
        %dma_start3A_168 = tpu.memref_squeeze %dma_start3A_167 : memref<1x512xf32, #tpu.memory_space<hbm>> -> memref<512xf32, #tpu.memory_space<hbm>>
        %dma_start3A_169 = arith.constant 512 : i32
        %dma_start3A_170 = tpu.memref_slice %arg12[%dma_start3A_169] : memref<2048xf32, #tpu.memory_space<vmem>> -> memref<512xf32, #tpu.memory_space<vmem>>
        %dma_start3A_171 = tpu.memref_slice %arg4[%run_scoped3A_118, %add3A_117] : memref<4x32768xf32, #tpu.memory_space<hbm>> -> memref<1x512xf32, #tpu.memory_space<hbm>>
        %dma_start3A_172 = tpu.memref_squeeze %dma_start3A_171 : memref<1x512xf32, #tpu.memory_space<hbm>> -> memref<512xf32, #tpu.memory_space<hbm>>
        tpu.enqueue_dma source(%dma_start3A_172 : memref<512xf32, #tpu.memory_space<hbm>>) target(%dma_start3A_170 : memref<512xf32, #tpu.memory_space<vmem>>) target_semaphore(%run_scoped3A_165 : memref<!tpu.dma_semaphore, #tpu.memory_space<semaphore_mem>>)
        %dma_wait3A = arith.constant 512 : i32
        %dma_wait3A_173 = tpu.memref_slice %arg12[%dma_wait3A] : memref<2048xf32, #tpu.memory_space<vmem>> -> memref<512xf32, #tpu.memory_space<vmem>>
        %dma_wait3A_174 = tpu.memref_slice %arg4[%run_scoped3A_118, %add3A_117] : memref<4x32768xf32, #tpu.memory_space<hbm>> -> memref<1x512xf32, #tpu.memory_space<hbm>>
        %dma_wait3A_175 = tpu.memref_squeeze %dma_wait3A_174 : memref<1x512xf32, #tpu.memory_space<hbm>> -> memref<512xf32, #tpu.memory_space<hbm>>
        %dma_wait3A_176 = arith.constant 512 : i32
        %dma_wait3A_177 = tpu.memref_slice %arg12[%dma_wait3A_176] : memref<2048xf32, #tpu.memory_space<vmem>> -> memref<512xf32, #tpu.memory_space<vmem>>
        %dma_wait3A_178 = tpu.memref_slice %arg4[%run_scoped3A_118, %add3A_117] : memref<4x32768xf32, #tpu.memory_space<hbm>> -> memref<1x512xf32, #tpu.memory_space<hbm>>
        %dma_wait3A_179 = tpu.memref_squeeze %dma_wait3A_178 : memref<1x512xf32, #tpu.memory_space<hbm>> -> memref<512xf32, #tpu.memory_space<hbm>>
        tpu.wait_dma2 semaphore(%run_scoped3A_165 : memref<!tpu.dma_semaphore, #tpu.memory_space<semaphore_mem>>) src(%dma_wait3A_179 : memref<512xf32, #tpu.memory_space<hbm>>) dst(%dma_wait3A_177 : memref<512xf32, #tpu.memory_space<vmem>>)
        tpu.yield
      }) : () -> ()
      %add3A_119 = arith.constant 16384 : i32
      %add3A_120 = arith.addi %add3A_119, %mul3A_32 : i32
      %run_scoped3A_121 = arith.constant 2 : i32
      "tpu.region"() ({
        %run_scoped3A_165 = tpu.sem_alloc : memref<!tpu.dma_semaphore, #tpu.memory_space<semaphore_mem>>
        %dma_start3A = arith.constant 1024 : i32
        %dma_start3A_166 = tpu.memref_slice %arg12[%dma_start3A] : memref<2048xf32, #tpu.memory_space<vmem>> -> memref<512xf32, #tpu.memory_space<vmem>>
        %dma_start3A_167 = tpu.memref_slice %arg4[%run_scoped3A_121, %add3A_120] : memref<4x32768xf32, #tpu.memory_space<hbm>> -> memref<1x512xf32, #tpu.memory_space<hbm>>
        %dma_start3A_168 = tpu.memref_squeeze %dma_start3A_167 : memref<1x512xf32, #tpu.memory_space<hbm>> -> memref<512xf32, #tpu.memory_space<hbm>>
        %dma_start3A_169 = arith.constant 1024 : i32
        %dma_start3A_170 = tpu.memref_slice %arg12[%dma_start3A_169] : memref<2048xf32, #tpu.memory_space<vmem>> -> memref<512xf32, #tpu.memory_space<vmem>>
        %dma_start3A_171 = tpu.memref_slice %arg4[%run_scoped3A_121, %add3A_120] : memref<4x32768xf32, #tpu.memory_space<hbm>> -> memref<1x512xf32, #tpu.memory_space<hbm>>
        %dma_start3A_172 = tpu.memref_squeeze %dma_start3A_171 : memref<1x512xf32, #tpu.memory_space<hbm>> -> memref<512xf32, #tpu.memory_space<hbm>>
        tpu.enqueue_dma source(%dma_start3A_172 : memref<512xf32, #tpu.memory_space<hbm>>) target(%dma_start3A_170 : memref<512xf32, #tpu.memory_space<vmem>>) target_semaphore(%run_scoped3A_165 : memref<!tpu.dma_semaphore, #tpu.memory_space<semaphore_mem>>)
        %dma_wait3A = arith.constant 1024 : i32
        %dma_wait3A_173 = tpu.memref_slice %arg12[%dma_wait3A] : memref<2048xf32, #tpu.memory_space<vmem>> -> memref<512xf32, #tpu.memory_space<vmem>>
        %dma_wait3A_174 = tpu.memref_slice %arg4[%run_scoped3A_121, %add3A_120] : memref<4x32768xf32, #tpu.memory_space<hbm>> -> memref<1x512xf32, #tpu.memory_space<hbm>>
        %dma_wait3A_175 = tpu.memref_squeeze %dma_wait3A_174 : memref<1x512xf32, #tpu.memory_space<hbm>> -> memref<512xf32, #tpu.memory_space<hbm>>
        %dma_wait3A_176 = arith.constant 1024 : i32
        %dma_wait3A_177 = tpu.memref_slice %arg12[%dma_wait3A_176] : memref<2048xf32, #tpu.memory_space<vmem>> -> memref<512xf32, #tpu.memory_space<vmem>>
        %dma_wait3A_178 = tpu.memref_slice %arg4[%run_scoped3A_121, %add3A_120] : memref<4x32768xf32, #tpu.memory_space<hbm>> -> memref<1x512xf32, #tpu.memory_space<hbm>>
        %dma_wait3A_179 = tpu.memref_squeeze %dma_wait3A_178 : memref<1x512xf32, #tpu.memory_space<hbm>> -> memref<512xf32, #tpu.memory_space<hbm>>
        tpu.wait_dma2 semaphore(%run_scoped3A_165 : memref<!tpu.dma_semaphore, #tpu.memory_space<semaphore_mem>>) src(%dma_wait3A_179 : memref<512xf32, #tpu.memory_space<hbm>>) dst(%dma_wait3A_177 : memref<512xf32, #tpu.memory_space<vmem>>)
        tpu.yield
      }) : () -> ()
      %add3A_122 = arith.constant 24576 : i32
      %add3A_123 = arith.addi %add3A_122, %mul3A_32 : i32
      %run_scoped3A_124 = arith.constant 2 : i32
      "tpu.region"() ({
        %run_scoped3A_165 = tpu.sem_alloc : memref<!tpu.dma_semaphore, #tpu.memory_space<semaphore_mem>>
        %dma_start3A = arith.constant 1536 : i32
        %dma_start3A_166 = tpu.memref_slice %arg12[%dma_start3A] : memref<2048xf32, #tpu.memory_space<vmem>> -> memref<512xf32, #tpu.memory_space<vmem>>
        %dma_start3A_167 = tpu.memref_slice %arg4[%run_scoped3A_124, %add3A_123] : memref<4x32768xf32, #tpu.memory_space<hbm>> -> memref<1x512xf32, #tpu.memory_space<hbm>>
        %dma_start3A_168 = tpu.memref_squeeze %dma_start3A_167 : memref<1x512xf32, #tpu.memory_space<hbm>> -> memref<512xf32, #tpu.memory_space<hbm>>
        %dma_start3A_169 = arith.constant 1536 : i32
        %dma_start3A_170 = tpu.memref_slice %arg12[%dma_start3A_169] : memref<2048xf32, #tpu.memory_space<vmem>> -> memref<512xf32, #tpu.memory_space<vmem>>
        %dma_start3A_171 = tpu.memref_slice %arg4[%run_scoped3A_124, %add3A_123] : memref<4x32768xf32, #tpu.memory_space<hbm>> -> memref<1x512xf32, #tpu.memory_space<hbm>>
        %dma_start3A_172 = tpu.memref_squeeze %dma_start3A_171 : memref<1x512xf32, #tpu.memory_space<hbm>> -> memref<512xf32, #tpu.memory_space<hbm>>
        tpu.enqueue_dma source(%dma_start3A_172 : memref<512xf32, #tpu.memory_space<hbm>>) target(%dma_start3A_170 : memref<512xf32, #tpu.memory_space<vmem>>) target_semaphore(%run_scoped3A_165 : memref<!tpu.dma_semaphore, #tpu.memory_space<semaphore_mem>>)
        %dma_wait3A = arith.constant 1536 : i32
        %dma_wait3A_173 = tpu.memref_slice %arg12[%dma_wait3A] : memref<2048xf32, #tpu.memory_space<vmem>> -> memref<512xf32, #tpu.memory_space<vmem>>
        %dma_wait3A_174 = tpu.memref_slice %arg4[%run_scoped3A_124, %add3A_123] : memref<4x32768xf32, #tpu.memory_space<hbm>> -> memref<1x512xf32, #tpu.memory_space<hbm>>
        %dma_wait3A_175 = tpu.memref_squeeze %dma_wait3A_174 : memref<1x512xf32, #tpu.memory_space<hbm>> -> memref<512xf32, #tpu.memory_space<hbm>>
        %dma_wait3A_176 = arith.constant 1536 : i32
        %dma_wait3A_177 = tpu.memref_slice %arg12[%dma_wait3A_176] : memref<2048xf32, #tpu.memory_space<vmem>> -> memref<512xf32, #tpu.memory_space<vmem>>
        %dma_wait3A_178 = tpu.memref_slice %arg4[%run_scoped3A_124, %add3A_123] : memref<4x32768xf32, #tpu.memory_space<hbm>> -> memref<1x512xf32, #tpu.memory_space<hbm>>
        %dma_wait3A_179 = tpu.memref_squeeze %dma_wait3A_178 : memref<1x512xf32, #tpu.memory_space<hbm>> -> memref<512xf32, #tpu.memory_space<hbm>>
        tpu.wait_dma2 semaphore(%run_scoped3A_165 : memref<!tpu.dma_semaphore, #tpu.memory_space<semaphore_mem>>) src(%dma_wait3A_179 : memref<512xf32, #tpu.memory_space<hbm>>) dst(%dma_wait3A_177 : memref<512xf32, #tpu.memory_space<vmem>>)
        tpu.yield
      }) : () -> ()
      %run_scoped3A_125 = arith.constant 2 : i32
      "tpu.region"() ({
        %run_scoped3A_165 = tpu.sem_alloc : memref<!tpu.dma_semaphore, #tpu.memory_space<semaphore_mem>>
        %dma_start3A = tpu.memref_slice %arg6[%run_scoped3A_125, %mul3A_32] : memref<4x8192xi32, #tpu.memory_space<hbm>> -> memref<1x512xi32, #tpu.memory_space<hbm>>
        %dma_start3A_166 = tpu.memref_squeeze %dma_start3A : memref<1x512xi32, #tpu.memory_space<hbm>> -> memref<512xi32, #tpu.memory_space<hbm>>
        %dma_start3A_167 = tpu.memref_slice %arg6[%run_scoped3A_125, %mul3A_32] : memref<4x8192xi32, #tpu.memory_space<hbm>> -> memref<1x512xi32, #tpu.memory_space<hbm>>
        %dma_start3A_168 = tpu.memref_squeeze %dma_start3A_167 : memref<1x512xi32, #tpu.memory_space<hbm>> -> memref<512xi32, #tpu.memory_space<hbm>>
        tpu.enqueue_dma source(%dma_start3A_168 : memref<512xi32, #tpu.memory_space<hbm>>) target(%arg13 : memref<512xi32, #tpu.memory_space<vmem>>) target_semaphore(%run_scoped3A_165 : memref<!tpu.dma_semaphore, #tpu.memory_space<semaphore_mem>>)
        %dma_wait3A = tpu.memref_slice %arg6[%run_scoped3A_125, %mul3A_32] : memref<4x8192xi32, #tpu.memory_space<hbm>> -> memref<1x512xi32, #tpu.memory_space<hbm>>
        %dma_wait3A_169 = tpu.memref_squeeze %dma_wait3A : memref<1x512xi32, #tpu.memory_space<hbm>> -> memref<512xi32, #tpu.memory_space<hbm>>
        %dma_wait3A_170 = tpu.memref_slice %arg6[%run_scoped3A_125, %mul3A_32] : memref<4x8192xi32, #tpu.memory_space<hbm>> -> memref<1x512xi32, #tpu.memory_space<hbm>>
        %dma_wait3A_171 = tpu.memref_squeeze %dma_wait3A_170 : memref<1x512xi32, #tpu.memory_space<hbm>> -> memref<512xi32, #tpu.memory_space<hbm>>
        tpu.wait_dma2 semaphore(%run_scoped3A_165 : memref<!tpu.dma_semaphore, #tpu.memory_space<semaphore_mem>>) src(%dma_wait3A_171 : memref<512xi32, #tpu.memory_space<hbm>>) dst(%arg13 : memref<512xi32, #tpu.memory_space<vmem>>)
        tpu.yield
      }) : () -> ()
      %scan3A_126 = arith.constant 0 : i32
      %scan3A_127 = arith.constant 32 : i32
      %scan3A_128 = arith.addi %scan3A_126, %scan3A_127 : i32
      %scan3A_129 = arith.constant 1 : i32
      %scan3A_130:2 = scf.for %scan3A_165 = %scan3A_126 to %scan3A_128 step %scan3A_129 iter_args(%scan3A_166 = %scan3A_100#0, %scan3A_167 = %scan3A_100#1) -> (vector<16xf32>, vector<16xf32>)  : i32 {
        %mul3A_168 = arith.constant 16 : i32
        %mul3A_169 = arith.muli %scan3A_165, %mul3A_168 : i32
        %get3A = arith.index_cast %mul3A_169 : i32 to index
        %get3A_170 = tpu.vector_load %arg13[%get3A] {strides = array<i32>} : memref<512xi32, #tpu.memory_space<vmem>>, vector<16xi32>,
        %mul3A_171 = arith.constant 16 : i32
        %mul3A_172 = arith.muli %scan3A_165, %mul3A_171 : i32
        %get3A_173 = arith.index_cast %mul3A_172 : i32 to index
        %get3A_174 = tpu.vector_load %arg11[%get3A_173] {strides = array<i32>} : memref<1536xf32, #tpu.memory_space<vmem>>, vector<16xf32>,
        %gather3A = tpu.vector_load_idx %arg9[%get3A_170] : memref<24576xf32, #tpu.memory_space<vmem>>[vector<16xi32>], vector<16xf32>,
        %sub3A_175 = arith.subf %get3A_174, %gather3A : vector<16xf32>
        %mul3A_176 = arith.constant 16 : i32
        %mul3A_177 = arith.muli %scan3A_165, %mul3A_176 : i32
        %add3A_178 = arith.constant 512 : i32
        %add3A_179 = arith.addi %add3A_178, %mul3A_177 : i32
        %get3A_180 = arith.index_cast %add3A_179 : i32 to index
        %get3A_181 = tpu.vector_load %arg11[%get3A_180] {strides = array<i32>} : memref<1536xf32, #tpu.memory_space<vmem>>, vector<16xf32>,
        %add3A_182 = arith.constant 8192 : i32
        %add3A_183 = vector.broadcast %add3A_182 : i32 to vector<16xi32>
        %add3A_184 = arith.addi %get3A_170, %add3A_183 : vector<16xi32>
        %gather3A_185 = tpu.vector_load_idx %arg9[%add3A_184] : memref<24576xf32, #tpu.memory_space<vmem>>[vector<16xi32>], vector<16xf32>,
        %sub3A_186 = arith.subf %get3A_181, %gather3A_185 : vector<16xf32>
        %mul3A_187 = arith.constant 16 : i32
        %mul3A_188 = arith.muli %scan3A_165, %mul3A_187 : i32
        %add3A_189 = arith.constant 1024 : i32
        %add3A_190 = arith.addi %add3A_189, %mul3A_188 : i32
        %get3A_191 = arith.index_cast %add3A_190 : i32 to index
        %get3A_192 = tpu.vector_load %arg11[%get3A_191] {strides = array<i32>} : memref<1536xf32, #tpu.memory_space<vmem>>, vector<16xf32>,
        %add3A_193 = arith.constant 16384 : i32
        %add3A_194 = vector.broadcast %add3A_193 : i32 to vector<16xi32>
        %add3A_195 = arith.addi %get3A_170, %add3A_194 : vector<16xi32>
        %gather3A_196 = tpu.vector_load_idx %arg9[%add3A_195] : memref<24576xf32, #tpu.memory_space<vmem>>[vector<16xi32>], vector<16xf32>,
        %sub3A_197 = arith.subf %get3A_192, %gather3A_196 : vector<16xf32>
        %mul3A_198 = arith.mulf %sub3A_175, %sub3A_175 : vector<16xf32>
        %mul3A_199 = arith.mulf %sub3A_186, %sub3A_186 : vector<16xf32>
        %add3A_200 = arith.addf %mul3A_198, %mul3A_199 : vector<16xf32>
        %mul3A_201 = arith.mulf %sub3A_197, %sub3A_197 : vector<16xf32>
        %add3A_202 = arith.addf %add3A_200, %mul3A_201 : vector<16xf32>
        %mul3A_203 = arith.constant 16 : i32
        %mul3A_204 = arith.muli %scan3A_165, %mul3A_203 : i32
        %get3A_205 = arith.index_cast %mul3A_204 : i32 to index
        %get3A_206 = tpu.vector_load %arg12[%get3A_205] {strides = array<i32>} : memref<2048xf32, #tpu.memory_space<vmem>>, vector<16xf32>,
        %mul3A_207 = arith.constant 16 : i32
        %mul3A_208 = arith.muli %scan3A_165, %mul3A_207 : i32
        %add3A_209 = arith.constant 512 : i32
        %add3A_210 = arith.addi %add3A_209, %mul3A_208 : i32
        %get3A_211 = arith.index_cast %add3A_210 : i32 to index
        %get3A_212 = tpu.vector_load %arg12[%get3A_211] {strides = array<i32>} : memref<2048xf32, #tpu.memory_space<vmem>>, vector<16xf32>,
        %mul3A_213 = arith.constant 16 : i32
        %mul3A_214 = arith.muli %scan3A_165, %mul3A_213 : i32
        %add3A_215 = arith.constant 1024 : i32
        %add3A_216 = arith.addi %add3A_215, %mul3A_214 : i32
        %get3A_217 = arith.index_cast %add3A_216 : i32 to index
        %get3A_218 = tpu.vector_load %arg12[%get3A_217] {strides = array<i32>} : memref<2048xf32, #tpu.memory_space<vmem>>, vector<16xf32>,
        %mul3A_219 = arith.constant 16 : i32
        %mul3A_220 = arith.muli %scan3A_165, %mul3A_219 : i32
        %add3A_221 = arith.constant 1536 : i32
        %add3A_222 = arith.addi %add3A_221, %mul3A_220 : i32
        %get3A_223 = arith.index_cast %add3A_222 : i32 to index
        %get3A_224 = tpu.vector_load %arg12[%get3A_223] {strides = array<i32>} : memref<2048xf32, #tpu.memory_space<vmem>>, vector<16xf32>,
        %gather3A_225 = tpu.vector_load_idx %arg10[%get3A_170] : memref<32768xf32, #tpu.memory_space<vmem>>[vector<16xi32>], vector<16xf32>,
        %add3A_226 = arith.constant 8192 : i32
        %add3A_227 = vector.broadcast %add3A_226 : i32 to vector<16xi32>
        %add3A_228 = arith.addi %get3A_170, %add3A_227 : vector<16xi32>
        %gather3A_229 = tpu.vector_load_idx %arg10[%add3A_228] : memref<32768xf32, #tpu.memory_space<vmem>>[vector<16xi32>], vector<16xf32>,
        %add3A_230 = arith.constant 16384 : i32
        %add3A_231 = vector.broadcast %add3A_230 : i32 to vector<16xi32>
        %add3A_232 = arith.addi %get3A_170, %add3A_231 : vector<16xi32>
        %gather3A_233 = tpu.vector_load_idx %arg10[%add3A_232] : memref<32768xf32, #tpu.memory_space<vmem>>[vector<16xi32>], vector<16xf32>,
        %add3A_234 = arith.constant 24576 : i32
        %add3A_235 = vector.broadcast %add3A_234 : i32 to vector<16xi32>
        %add3A_236 = arith.addi %get3A_170, %add3A_235 : vector<16xi32>
        %gather3A_237 = tpu.vector_load_idx %arg10[%add3A_236] : memref<32768xf32, #tpu.memory_space<vmem>>[vector<16xi32>], vector<16xf32>,
        %mul3A_238 = arith.mulf %get3A_206, %gather3A_225 : vector<16xf32>
        %mul3A_239 = arith.mulf %get3A_212, %gather3A_229 : vector<16xf32>
        %add3A_240 = arith.addf %mul3A_238, %mul3A_239 : vector<16xf32>
        %mul3A_241 = arith.mulf %get3A_218, %gather3A_233 : vector<16xf32>
        %add3A_242 = arith.addf %add3A_240, %mul3A_241 : vector<16xf32>
        %add3A_243 = arith.addf %get3A_224, %gather3A_237 : vector<16xf32>
        %add3A_244 = arith.addf %add3A_242, %add3A_242 : vector<16xf32>
        %sub3A_245 = arith.subf %add3A_243, %add3A_244 : vector<16xf32>
        %add3A_246 = arith.addf %scan3A_166, %add3A_202 : vector<16xf32>
        %add3A_247 = arith.addf %scan3A_167, %sub3A_245 : vector<16xf32>
        scf.yield %add3A_246, %add3A_247 : vector<16xf32>, vector<16xf32>
      }
      %scan3A_131 = arith.constant 32 : i32
      %run_scoped3A_132 = arith.constant 3 : i32
      "tpu.region"() ({
        %run_scoped3A_165 = tpu.sem_alloc : memref<!tpu.dma_semaphore, #tpu.memory_space<semaphore_mem>>
        %dma_start3A = arith.constant 0 : i32
        %dma_start3A_166 = tpu.memref_slice %arg3[%run_scoped3A_132, %dma_start3A] : memref<4x24576xf32, #tpu.memory_space<hbm>> -> memref<1x24576xf32, #tpu.memory_space<hbm>>
        %dma_start3A_167 = tpu.memref_squeeze %dma_start3A_166 : memref<1x24576xf32, #tpu.memory_space<hbm>> -> memref<24576xf32, #tpu.memory_space<hbm>>
        %dma_start3A_168 = arith.constant 0 : i32
        %dma_start3A_169 = tpu.memref_slice %arg3[%run_scoped3A_132, %dma_start3A_168] : memref<4x24576xf32, #tpu.memory_space<hbm>> -> memref<1x24576xf32, #tpu.memory_space<hbm>>
        %dma_start3A_170 = tpu.memref_squeeze %dma_start3A_169 : memref<1x24576xf32, #tpu.memory_space<hbm>> -> memref<24576xf32, #tpu.memory_space<hbm>>
        tpu.enqueue_dma source(%dma_start3A_170 : memref<24576xf32, #tpu.memory_space<hbm>>) target(%arg9 : memref<24576xf32, #tpu.memory_space<vmem>>) target_semaphore(%run_scoped3A_165 : memref<!tpu.dma_semaphore, #tpu.memory_space<semaphore_mem>>)
        %dma_wait3A = arith.constant 0 : i32
        %dma_wait3A_171 = tpu.memref_slice %arg3[%run_scoped3A_132, %dma_wait3A] : memref<4x24576xf32, #tpu.memory_space<hbm>> -> memref<1x24576xf32, #tpu.memory_space<hbm>>
        %dma_wait3A_172 = tpu.memref_squeeze %dma_wait3A_171 : memref<1x24576xf32, #tpu.memory_space<hbm>> -> memref<24576xf32, #tpu.memory_space<hbm>>
        %dma_wait3A_173 = arith.constant 0 : i32
        %dma_wait3A_174 = tpu.memref_slice %arg3[%run_scoped3A_132, %dma_wait3A_173] : memref<4x24576xf32, #tpu.memory_space<hbm>> -> memref<1x24576xf32, #tpu.memory_space<hbm>>
        %dma_wait3A_175 = tpu.memref_squeeze %dma_wait3A_174 : memref<1x24576xf32, #tpu.memory_space<hbm>> -> memref<24576xf32, #tpu.memory_space<hbm>>
        tpu.wait_dma2 semaphore(%run_scoped3A_165 : memref<!tpu.dma_semaphore, #tpu.memory_space<semaphore_mem>>) src(%dma_wait3A_175 : memref<24576xf32, #tpu.memory_space<hbm>>) dst(%arg9 : memref<24576xf32, #tpu.memory_space<vmem>>)
        tpu.yield
      }) : () -> ()
      %run_scoped3A_133 = arith.constant 3 : i32
      "tpu.region"() ({
        %run_scoped3A_165 = tpu.sem_alloc : memref<!tpu.dma_semaphore, #tpu.memory_space<semaphore_mem>>
        %dma_start3A = arith.constant 0 : i32
        %dma_start3A_166 = tpu.memref_slice %arg5[%run_scoped3A_133, %dma_start3A] : memref<4x32768xf32, #tpu.memory_space<hbm>> -> memref<1x32768xf32, #tpu.memory_space<hbm>>
        %dma_start3A_167 = tpu.memref_squeeze %dma_start3A_166 : memref<1x32768xf32, #tpu.memory_space<hbm>> -> memref<32768xf32, #tpu.memory_space<hbm>>
        %dma_start3A_168 = arith.constant 0 : i32
        %dma_start3A_169 = tpu.memref_slice %arg5[%run_scoped3A_133, %dma_start3A_168] : memref<4x32768xf32, #tpu.memory_space<hbm>> -> memref<1x32768xf32, #tpu.memory_space<hbm>>
        %dma_start3A_170 = tpu.memref_squeeze %dma_start3A_169 : memref<1x32768xf32, #tpu.memory_space<hbm>> -> memref<32768xf32, #tpu.memory_space<hbm>>
        tpu.enqueue_dma source(%dma_start3A_170 : memref<32768xf32, #tpu.memory_space<hbm>>) target(%arg10 : memref<32768xf32, #tpu.memory_space<vmem>>) target_semaphore(%run_scoped3A_165 : memref<!tpu.dma_semaphore, #tpu.memory_space<semaphore_mem>>)
        %dma_wait3A = arith.constant 0 : i32
        %dma_wait3A_171 = tpu.memref_slice %arg5[%run_scoped3A_133, %dma_wait3A] : memref<4x32768xf32, #tpu.memory_space<hbm>> -> memref<1x32768xf32, #tpu.memory_space<hbm>>
        %dma_wait3A_172 = tpu.memref_squeeze %dma_wait3A_171 : memref<1x32768xf32, #tpu.memory_space<hbm>> -> memref<32768xf32, #tpu.memory_space<hbm>>
        %dma_wait3A_173 = arith.constant 0 : i32
        %dma_wait3A_174 = tpu.memref_slice %arg5[%run_scoped3A_133, %dma_wait3A_173] : memref<4x32768xf32, #tpu.memory_space<hbm>> -> memref<1x32768xf32, #tpu.memory_space<hbm>>
        %dma_wait3A_175 = tpu.memref_squeeze %dma_wait3A_174 : memref<1x32768xf32, #tpu.memory_space<hbm>> -> memref<32768xf32, #tpu.memory_space<hbm>>
        tpu.wait_dma2 semaphore(%run_scoped3A_165 : memref<!tpu.dma_semaphore, #tpu.memory_space<semaphore_mem>>) src(%dma_wait3A_175 : memref<32768xf32, #tpu.memory_space<hbm>>) dst(%arg10 : memref<32768xf32, #tpu.memory_space<vmem>>)
        tpu.yield
      }) : () -> ()
      %add3A_134 = arith.constant 0 : i32
      %add3A_135 = arith.addi %add3A_134, %mul3A_32 : i32
      %run_scoped3A_136 = arith.constant 3 : i32
      "tpu.region"() ({
        %run_scoped3A_165 = tpu.sem_alloc : memref<!tpu.dma_semaphore, #tpu.memory_space<semaphore_mem>>
        %dma_start3A = arith.constant 0 : i32
        %dma_start3A_166 = tpu.memref_slice %arg11[%dma_start3A] : memref<1536xf32, #tpu.memory_space<vmem>> -> memref<512xf32, #tpu.memory_space<vmem>>
        %dma_start3A_167 = tpu.memref_slice %arg2[%run_scoped3A_136, %add3A_135] : memref<4x24576xf32, #tpu.memory_space<hbm>> -> memref<1x512xf32, #tpu.memory_space<hbm>>
        %dma_start3A_168 = tpu.memref_squeeze %dma_start3A_167 : memref<1x512xf32, #tpu.memory_space<hbm>> -> memref<512xf32, #tpu.memory_space<hbm>>
        %dma_start3A_169 = arith.constant 0 : i32
        %dma_start3A_170 = tpu.memref_slice %arg11[%dma_start3A_169] : memref<1536xf32, #tpu.memory_space<vmem>> -> memref<512xf32, #tpu.memory_space<vmem>>
        %dma_start3A_171 = tpu.memref_slice %arg2[%run_scoped3A_136, %add3A_135] : memref<4x24576xf32, #tpu.memory_space<hbm>> -> memref<1x512xf32, #tpu.memory_space<hbm>>
        %dma_start3A_172 = tpu.memref_squeeze %dma_start3A_171 : memref<1x512xf32, #tpu.memory_space<hbm>> -> memref<512xf32, #tpu.memory_space<hbm>>
        tpu.enqueue_dma source(%dma_start3A_172 : memref<512xf32, #tpu.memory_space<hbm>>) target(%dma_start3A_170 : memref<512xf32, #tpu.memory_space<vmem>>) target_semaphore(%run_scoped3A_165 : memref<!tpu.dma_semaphore, #tpu.memory_space<semaphore_mem>>)
        %dma_wait3A = arith.constant 0 : i32
        %dma_wait3A_173 = tpu.memref_slice %arg11[%dma_wait3A] : memref<1536xf32, #tpu.memory_space<vmem>> -> memref<512xf32, #tpu.memory_space<vmem>>
        %dma_wait3A_174 = tpu.memref_slice %arg2[%run_scoped3A_136, %add3A_135] : memref<4x24576xf32, #tpu.memory_space<hbm>> -> memref<1x512xf32, #tpu.memory_space<hbm>>
        %dma_wait3A_175 = tpu.memref_squeeze %dma_wait3A_174 : memref<1x512xf32, #tpu.memory_space<hbm>> -> memref<512xf32, #tpu.memory_space<hbm>>
        %dma_wait3A_176 = arith.constant 0 : i32
        %dma_wait3A_177 = tpu.memref_slice %arg11[%dma_wait3A_176] : memref<1536xf32, #tpu.memory_space<vmem>> -> memref<512xf32, #tpu.memory_space<vmem>>
        %dma_wait3A_178 = tpu.memref_slice %arg2[%run_scoped3A_136, %add3A_135] : memref<4x24576xf32, #tpu.memory_space<hbm>> -> memref<1x512xf32, #tpu.memory_space<hbm>>
        %dma_wait3A_179 = tpu.memref_squeeze %dma_wait3A_178 : memref<1x512xf32, #tpu.memory_space<hbm>> -> memref<512xf32, #tpu.memory_space<hbm>>
        tpu.wait_dma2 semaphore(%run_scoped3A_165 : memref<!tpu.dma_semaphore, #tpu.memory_space<semaphore_mem>>) src(%dma_wait3A_179 : memref<512xf32, #tpu.memory_space<hbm>>) dst(%dma_wait3A_177 : memref<512xf32, #tpu.memory_space<vmem>>)
        tpu.yield
      }) : () -> ()
      %add3A_137 = arith.constant 8192 : i32
      %add3A_138 = arith.addi %add3A_137, %mul3A_32 : i32
      %run_scoped3A_139 = arith.constant 3 : i32
      "tpu.region"() ({
        %run_scoped3A_165 = tpu.sem_alloc : memref<!tpu.dma_semaphore, #tpu.memory_space<semaphore_mem>>
        %dma_start3A = arith.constant 512 : i32
        %dma_start3A_166 = tpu.memref_slice %arg11[%dma_start3A] : memref<1536xf32, #tpu.memory_space<vmem>> -> memref<512xf32, #tpu.memory_space<vmem>>
        %dma_start3A_167 = tpu.memref_slice %arg2[%run_scoped3A_139, %add3A_138] : memref<4x24576xf32, #tpu.memory_space<hbm>> -> memref<1x512xf32, #tpu.memory_space<hbm>>
        %dma_start3A_168 = tpu.memref_squeeze %dma_start3A_167 : memref<1x512xf32, #tpu.memory_space<hbm>> -> memref<512xf32, #tpu.memory_space<hbm>>
        %dma_start3A_169 = arith.constant 512 : i32
        %dma_start3A_170 = tpu.memref_slice %arg11[%dma_start3A_169] : memref<1536xf32, #tpu.memory_space<vmem>> -> memref<512xf32, #tpu.memory_space<vmem>>
        %dma_start3A_171 = tpu.memref_slice %arg2[%run_scoped3A_139, %add3A_138] : memref<4x24576xf32, #tpu.memory_space<hbm>> -> memref<1x512xf32, #tpu.memory_space<hbm>>
        %dma_start3A_172 = tpu.memref_squeeze %dma_start3A_171 : memref<1x512xf32, #tpu.memory_space<hbm>> -> memref<512xf32, #tpu.memory_space<hbm>>
        tpu.enqueue_dma source(%dma_start3A_172 : memref<512xf32, #tpu.memory_space<hbm>>) target(%dma_start3A_170 : memref<512xf32, #tpu.memory_space<vmem>>) target_semaphore(%run_scoped3A_165 : memref<!tpu.dma_semaphore, #tpu.memory_space<semaphore_mem>>)
        %dma_wait3A = arith.constant 512 : i32
        %dma_wait3A_173 = tpu.memref_slice %arg11[%dma_wait3A] : memref<1536xf32, #tpu.memory_space<vmem>> -> memref<512xf32, #tpu.memory_space<vmem>>
        %dma_wait3A_174 = tpu.memref_slice %arg2[%run_scoped3A_139, %add3A_138] : memref<4x24576xf32, #tpu.memory_space<hbm>> -> memref<1x512xf32, #tpu.memory_space<hbm>>
        %dma_wait3A_175 = tpu.memref_squeeze %dma_wait3A_174 : memref<1x512xf32, #tpu.memory_space<hbm>> -> memref<512xf32, #tpu.memory_space<hbm>>
        %dma_wait3A_176 = arith.constant 512 : i32
        %dma_wait3A_177 = tpu.memref_slice %arg11[%dma_wait3A_176] : memref<1536xf32, #tpu.memory_space<vmem>> -> memref<512xf32, #tpu.memory_space<vmem>>
        %dma_wait3A_178 = tpu.memref_slice %arg2[%run_scoped3A_139, %add3A_138] : memref<4x24576xf32, #tpu.memory_space<hbm>> -> memref<1x512xf32, #tpu.memory_space<hbm>>
        %dma_wait3A_179 = tpu.memref_squeeze %dma_wait3A_178 : memref<1x512xf32, #tpu.memory_space<hbm>> -> memref<512xf32, #tpu.memory_space<hbm>>
        tpu.wait_dma2 semaphore(%run_scoped3A_165 : memref<!tpu.dma_semaphore, #tpu.memory_space<semaphore_mem>>) src(%dma_wait3A_179 : memref<512xf32, #tpu.memory_space<hbm>>) dst(%dma_wait3A_177 : memref<512xf32, #tpu.memory_space<vmem>>)
        tpu.yield
      }) : () -> ()
      %add3A_140 = arith.constant 16384 : i32
      %add3A_141 = arith.addi %add3A_140, %mul3A_32 : i32
      %run_scoped3A_142 = arith.constant 3 : i32
      "tpu.region"() ({
        %run_scoped3A_165 = tpu.sem_alloc : memref<!tpu.dma_semaphore, #tpu.memory_space<semaphore_mem>>
        %dma_start3A = arith.constant 1024 : i32
        %dma_start3A_166 = tpu.memref_slice %arg11[%dma_start3A] : memref<1536xf32, #tpu.memory_space<vmem>> -> memref<512xf32, #tpu.memory_space<vmem>>
        %dma_start3A_167 = tpu.memref_slice %arg2[%run_scoped3A_142, %add3A_141] : memref<4x24576xf32, #tpu.memory_space<hbm>> -> memref<1x512xf32, #tpu.memory_space<hbm>>
        %dma_start3A_168 = tpu.memref_squeeze %dma_start3A_167 : memref<1x512xf32, #tpu.memory_space<hbm>> -> memref<512xf32, #tpu.memory_space<hbm>>
        %dma_start3A_169 = arith.constant 1024 : i32
        %dma_start3A_170 = tpu.memref_slice %arg11[%dma_start3A_169] : memref<1536xf32, #tpu.memory_space<vmem>> -> memref<512xf32, #tpu.memory_space<vmem>>
        %dma_start3A_171 = tpu.memref_slice %arg2[%run_scoped3A_142, %add3A_141] : memref<4x24576xf32, #tpu.memory_space<hbm>> -> memref<1x512xf32, #tpu.memory_space<hbm>>
        %dma_start3A_172 = tpu.memref_squeeze %dma_start3A_171 : memref<1x512xf32, #tpu.memory_space<hbm>> -> memref<512xf32, #tpu.memory_space<hbm>>
        tpu.enqueue_dma source(%dma_start3A_172 : memref<512xf32, #tpu.memory_space<hbm>>) target(%dma_start3A_170 : memref<512xf32, #tpu.memory_space<vmem>>) target_semaphore(%run_scoped3A_165 : memref<!tpu.dma_semaphore, #tpu.memory_space<semaphore_mem>>)
        %dma_wait3A = arith.constant 1024 : i32
        %dma_wait3A_173 = tpu.memref_slice %arg11[%dma_wait3A] : memref<1536xf32, #tpu.memory_space<vmem>> -> memref<512xf32, #tpu.memory_space<vmem>>
        %dma_wait3A_174 = tpu.memref_slice %arg2[%run_scoped3A_142, %add3A_141] : memref<4x24576xf32, #tpu.memory_space<hbm>> -> memref<1x512xf32, #tpu.memory_space<hbm>>
        %dma_wait3A_175 = tpu.memref_squeeze %dma_wait3A_174 : memref<1x512xf32, #tpu.memory_space<hbm>> -> memref<512xf32, #tpu.memory_space<hbm>>
        %dma_wait3A_176 = arith.constant 1024 : i32
        %dma_wait3A_177 = tpu.memref_slice %arg11[%dma_wait3A_176] : memref<1536xf32, #tpu.memory_space<vmem>> -> memref<512xf32, #tpu.memory_space<vmem>>
        %dma_wait3A_178 = tpu.memref_slice %arg2[%run_scoped3A_142, %add3A_141] : memref<4x24576xf32, #tpu.memory_space<hbm>> -> memref<1x512xf32, #tpu.memory_space<hbm>>
        %dma_wait3A_179 = tpu.memref_squeeze %dma_wait3A_178 : memref<1x512xf32, #tpu.memory_space<hbm>> -> memref<512xf32, #tpu.memory_space<hbm>>
        tpu.wait_dma2 semaphore(%run_scoped3A_165 : memref<!tpu.dma_semaphore, #tpu.memory_space<semaphore_mem>>) src(%dma_wait3A_179 : memref<512xf32, #tpu.memory_space<hbm>>) dst(%dma_wait3A_177 : memref<512xf32, #tpu.memory_space<vmem>>)
        tpu.yield
      }) : () -> ()
      %add3A_143 = arith.constant 0 : i32
      %add3A_144 = arith.addi %add3A_143, %mul3A_32 : i32
      %run_scoped3A_145 = arith.constant 3 : i32
      "tpu.region"() ({
        %run_scoped3A_165 = tpu.sem_alloc : memref<!tpu.dma_semaphore, #tpu.memory_space<semaphore_mem>>
        %dma_start3A = arith.constant 0 : i32
        %dma_start3A_166 = tpu.memref_slice %arg12[%dma_start3A] : memref<2048xf32, #tpu.memory_space<vmem>> -> memref<512xf32, #tpu.memory_space<vmem>>
        %dma_start3A_167 = tpu.memref_slice %arg4[%run_scoped3A_145, %add3A_144] : memref<4x32768xf32, #tpu.memory_space<hbm>> -> memref<1x512xf32, #tpu.memory_space<hbm>>
        %dma_start3A_168 = tpu.memref_squeeze %dma_start3A_167 : memref<1x512xf32, #tpu.memory_space<hbm>> -> memref<512xf32, #tpu.memory_space<hbm>>
        %dma_start3A_169 = arith.constant 0 : i32
        %dma_start3A_170 = tpu.memref_slice %arg12[%dma_start3A_169] : memref<2048xf32, #tpu.memory_space<vmem>> -> memref<512xf32, #tpu.memory_space<vmem>>
        %dma_start3A_171 = tpu.memref_slice %arg4[%run_scoped3A_145, %add3A_144] : memref<4x32768xf32, #tpu.memory_space<hbm>> -> memref<1x512xf32, #tpu.memory_space<hbm>>
        %dma_start3A_172 = tpu.memref_squeeze %dma_start3A_171 : memref<1x512xf32, #tpu.memory_space<hbm>> -> memref<512xf32, #tpu.memory_space<hbm>>
        tpu.enqueue_dma source(%dma_start3A_172 : memref<512xf32, #tpu.memory_space<hbm>>) target(%dma_start3A_170 : memref<512xf32, #tpu.memory_space<vmem>>) target_semaphore(%run_scoped3A_165 : memref<!tpu.dma_semaphore, #tpu.memory_space<semaphore_mem>>)
        %dma_wait3A = arith.constant 0 : i32
        %dma_wait3A_173 = tpu.memref_slice %arg12[%dma_wait3A] : memref<2048xf32, #tpu.memory_space<vmem>> -> memref<512xf32, #tpu.memory_space<vmem>>
        %dma_wait3A_174 = tpu.memref_slice %arg4[%run_scoped3A_145, %add3A_144] : memref<4x32768xf32, #tpu.memory_space<hbm>> -> memref<1x512xf32, #tpu.memory_space<hbm>>
        %dma_wait3A_175 = tpu.memref_squeeze %dma_wait3A_174 : memref<1x512xf32, #tpu.memory_space<hbm>> -> memref<512xf32, #tpu.memory_space<hbm>>
        %dma_wait3A_176 = arith.constant 0 : i32
        %dma_wait3A_177 = tpu.memref_slice %arg12[%dma_wait3A_176] : memref<2048xf32, #tpu.memory_space<vmem>> -> memref<512xf32, #tpu.memory_space<vmem>>
        %dma_wait3A_178 = tpu.memref_slice %arg4[%run_scoped3A_145, %add3A_144] : memref<4x32768xf32, #tpu.memory_space<hbm>> -> memref<1x512xf32, #tpu.memory_space<hbm>>
        %dma_wait3A_179 = tpu.memref_squeeze %dma_wait3A_178 : memref<1x512xf32, #tpu.memory_space<hbm>> -> memref<512xf32, #tpu.memory_space<hbm>>
        tpu.wait_dma2 semaphore(%run_scoped3A_165 : memref<!tpu.dma_semaphore, #tpu.memory_space<semaphore_mem>>) src(%dma_wait3A_179 : memref<512xf32, #tpu.memory_space<hbm>>) dst(%dma_wait3A_177 : memref<512xf32, #tpu.memory_space<vmem>>)
        tpu.yield
      }) : () -> ()
      %add3A_146 = arith.constant 8192 : i32
      %add3A_147 = arith.addi %add3A_146, %mul3A_32 : i32
      %run_scoped3A_148 = arith.constant 3 : i32
      "tpu.region"() ({
        %run_scoped3A_165 = tpu.sem_alloc : memref<!tpu.dma_semaphore, #tpu.memory_space<semaphore_mem>>
        %dma_start3A = arith.constant 512 : i32
        %dma_start3A_166 = tpu.memref_slice %arg12[%dma_start3A] : memref<2048xf32, #tpu.memory_space<vmem>> -> memref<512xf32, #tpu.memory_space<vmem>>
        %dma_start3A_167 = tpu.memref_slice %arg4[%run_scoped3A_148, %add3A_147] : memref<4x32768xf32, #tpu.memory_space<hbm>> -> memref<1x512xf32, #tpu.memory_space<hbm>>
        %dma_start3A_168 = tpu.memref_squeeze %dma_start3A_167 : memref<1x512xf32, #tpu.memory_space<hbm>> -> memref<512xf32, #tpu.memory_space<hbm>>
        %dma_start3A_169 = arith.constant 512 : i32
        %dma_start3A_170 = tpu.memref_slice %arg12[%dma_start3A_169] : memref<2048xf32, #tpu.memory_space<vmem>> -> memref<512xf32, #tpu.memory_space<vmem>>
        %dma_start3A_171 = tpu.memref_slice %arg4[%run_scoped3A_148, %add3A_147] : memref<4x32768xf32, #tpu.memory_space<hbm>> -> memref<1x512xf32, #tpu.memory_space<hbm>>
        %dma_start3A_172 = tpu.memref_squeeze %dma_start3A_171 : memref<1x512xf32, #tpu.memory_space<hbm>> -> memref<512xf32, #tpu.memory_space<hbm>>
        tpu.enqueue_dma source(%dma_start3A_172 : memref<512xf32, #tpu.memory_space<hbm>>) target(%dma_start3A_170 : memref<512xf32, #tpu.memory_space<vmem>>) target_semaphore(%run_scoped3A_165 : memref<!tpu.dma_semaphore, #tpu.memory_space<semaphore_mem>>)
        %dma_wait3A = arith.constant 512 : i32
        %dma_wait3A_173 = tpu.memref_slice %arg12[%dma_wait3A] : memref<2048xf32, #tpu.memory_space<vmem>> -> memref<512xf32, #tpu.memory_space<vmem>>
        %dma_wait3A_174 = tpu.memref_slice %arg4[%run_scoped3A_148, %add3A_147] : memref<4x32768xf32, #tpu.memory_space<hbm>> -> memref<1x512xf32, #tpu.memory_space<hbm>>
        %dma_wait3A_175 = tpu.memref_squeeze %dma_wait3A_174 : memref<1x512xf32, #tpu.memory_space<hbm>> -> memref<512xf32, #tpu.memory_space<hbm>>
        %dma_wait3A_176 = arith.constant 512 : i32
        %dma_wait3A_177 = tpu.memref_slice %arg12[%dma_wait3A_176] : memref<2048xf32, #tpu.memory_space<vmem>> -> memref<512xf32, #tpu.memory_space<vmem>>
        %dma_wait3A_178 = tpu.memref_slice %arg4[%run_scoped3A_148, %add3A_147] : memref<4x32768xf32, #tpu.memory_space<hbm>> -> memref<1x512xf32, #tpu.memory_space<hbm>>
        %dma_wait3A_179 = tpu.memref_squeeze %dma_wait3A_178 : memref<1x512xf32, #tpu.memory_space<hbm>> -> memref<512xf32, #tpu.memory_space<hbm>>
        tpu.wait_dma2 semaphore(%run_scoped3A_165 : memref<!tpu.dma_semaphore, #tpu.memory_space<semaphore_mem>>) src(%dma_wait3A_179 : memref<512xf32, #tpu.memory_space<hbm>>) dst(%dma_wait3A_177 : memref<512xf32, #tpu.memory_space<vmem>>)
        tpu.yield
      }) : () -> ()
      %add3A_149 = arith.constant 16384 : i32
      %add3A_150 = arith.addi %add3A_149, %mul3A_32 : i32
      %run_scoped3A_151 = arith.constant 3 : i32
      "tpu.region"() ({
        %run_scoped3A_165 = tpu.sem_alloc : memref<!tpu.dma_semaphore, #tpu.memory_space<semaphore_mem>>
        %dma_start3A = arith.constant 1024 : i32
        %dma_start3A_166 = tpu.memref_slice %arg12[%dma_start3A] : memref<2048xf32, #tpu.memory_space<vmem>> -> memref<512xf32, #tpu.memory_space<vmem>>
        %dma_start3A_167 = tpu.memref_slice %arg4[%run_scoped3A_151, %add3A_150] : memref<4x32768xf32, #tpu.memory_space<hbm>> -> memref<1x512xf32, #tpu.memory_space<hbm>>
        %dma_start3A_168 = tpu.memref_squeeze %dma_start3A_167 : memref<1x512xf32, #tpu.memory_space<hbm>> -> memref<512xf32, #tpu.memory_space<hbm>>
        %dma_start3A_169 = arith.constant 1024 : i32
        %dma_start3A_170 = tpu.memref_slice %arg12[%dma_start3A_169] : memref<2048xf32, #tpu.memory_space<vmem>> -> memref<512xf32, #tpu.memory_space<vmem>>
        %dma_start3A_171 = tpu.memref_slice %arg4[%run_scoped3A_151, %add3A_150] : memref<4x32768xf32, #tpu.memory_space<hbm>> -> memref<1x512xf32, #tpu.memory_space<hbm>>
        %dma_start3A_172 = tpu.memref_squeeze %dma_start3A_171 : memref<1x512xf32, #tpu.memory_space<hbm>> -> memref<512xf32, #tpu.memory_space<hbm>>
        tpu.enqueue_dma source(%dma_start3A_172 : memref<512xf32, #tpu.memory_space<hbm>>) target(%dma_start3A_170 : memref<512xf32, #tpu.memory_space<vmem>>) target_semaphore(%run_scoped3A_165 : memref<!tpu.dma_semaphore, #tpu.memory_space<semaphore_mem>>)
        %dma_wait3A = arith.constant 1024 : i32
        %dma_wait3A_173 = tpu.memref_slice %arg12[%dma_wait3A] : memref<2048xf32, #tpu.memory_space<vmem>> -> memref<512xf32, #tpu.memory_space<vmem>>
        %dma_wait3A_174 = tpu.memref_slice %arg4[%run_scoped3A_151, %add3A_150] : memref<4x32768xf32, #tpu.memory_space<hbm>> -> memref<1x512xf32, #tpu.memory_space<hbm>>
        %dma_wait3A_175 = tpu.memref_squeeze %dma_wait3A_174 : memref<1x512xf32, #tpu.memory_space<hbm>> -> memref<512xf32, #tpu.memory_space<hbm>>
        %dma_wait3A_176 = arith.constant 1024 : i32
        %dma_wait3A_177 = tpu.memref_slice %arg12[%dma_wait3A_176] : memref<2048xf32, #tpu.memory_space<vmem>> -> memref<512xf32, #tpu.memory_space<vmem>>
        %dma_wait3A_178 = tpu.memref_slice %arg4[%run_scoped3A_151, %add3A_150] : memref<4x32768xf32, #tpu.memory_space<hbm>> -> memref<1x512xf32, #tpu.memory_space<hbm>>
        %dma_wait3A_179 = tpu.memref_squeeze %dma_wait3A_178 : memref<1x512xf32, #tpu.memory_space<hbm>> -> memref<512xf32, #tpu.memory_space<hbm>>
        tpu.wait_dma2 semaphore(%run_scoped3A_165 : memref<!tpu.dma_semaphore, #tpu.memory_space<semaphore_mem>>) src(%dma_wait3A_179 : memref<512xf32, #tpu.memory_space<hbm>>) dst(%dma_wait3A_177 : memref<512xf32, #tpu.memory_space<vmem>>)
        tpu.yield
      }) : () -> ()
      %add3A_152 = arith.constant 24576 : i32
      %add3A_153 = arith.addi %add3A_152, %mul3A_32 : i32
      %run_scoped3A_154 = arith.constant 3 : i32
      "tpu.region"() ({
        %run_scoped3A_165 = tpu.sem_alloc : memref<!tpu.dma_semaphore, #tpu.memory_space<semaphore_mem>>
        %dma_start3A = arith.constant 1536 : i32
        %dma_start3A_166 = tpu.memref_slice %arg12[%dma_start3A] : memref<2048xf32, #tpu.memory_space<vmem>> -> memref<512xf32, #tpu.memory_space<vmem>>
        %dma_start3A_167 = tpu.memref_slice %arg4[%run_scoped3A_154, %add3A_153] : memref<4x32768xf32, #tpu.memory_space<hbm>> -> memref<1x512xf32, #tpu.memory_space<hbm>>
        %dma_start3A_168 = tpu.memref_squeeze %dma_start3A_167 : memref<1x512xf32, #tpu.memory_space<hbm>> -> memref<512xf32, #tpu.memory_space<hbm>>
        %dma_start3A_169 = arith.constant 1536 : i32
        %dma_start3A_170 = tpu.memref_slice %arg12[%dma_start3A_169] : memref<2048xf32, #tpu.memory_space<vmem>> -> memref<512xf32, #tpu.memory_space<vmem>>
        %dma_start3A_171 = tpu.memref_slice %arg4[%run_scoped3A_154, %add3A_153] : memref<4x32768xf32, #tpu.memory_space<hbm>> -> memref<1x512xf32, #tpu.memory_space<hbm>>
        %dma_start3A_172 = tpu.memref_squeeze %dma_start3A_171 : memref<1x512xf32, #tpu.memory_space<hbm>> -> memref<512xf32, #tpu.memory_space<hbm>>
        tpu.enqueue_dma source(%dma_start3A_172 : memref<512xf32, #tpu.memory_space<hbm>>) target(%dma_start3A_170 : memref<512xf32, #tpu.memory_space<vmem>>) target_semaphore(%run_scoped3A_165 : memref<!tpu.dma_semaphore, #tpu.memory_space<semaphore_mem>>)
        %dma_wait3A = arith.constant 1536 : i32
        %dma_wait3A_173 = tpu.memref_slice %arg12[%dma_wait3A] : memref<2048xf32, #tpu.memory_space<vmem>> -> memref<512xf32, #tpu.memory_space<vmem>>
        %dma_wait3A_174 = tpu.memref_slice %arg4[%run_scoped3A_154, %add3A_153] : memref<4x32768xf32, #tpu.memory_space<hbm>> -> memref<1x512xf32, #tpu.memory_space<hbm>>
        %dma_wait3A_175 = tpu.memref_squeeze %dma_wait3A_174 : memref<1x512xf32, #tpu.memory_space<hbm>> -> memref<512xf32, #tpu.memory_space<hbm>>
        %dma_wait3A_176 = arith.constant 1536 : i32
        %dma_wait3A_177 = tpu.memref_slice %arg12[%dma_wait3A_176] : memref<2048xf32, #tpu.memory_space<vmem>> -> memref<512xf32, #tpu.memory_space<vmem>>
        %dma_wait3A_178 = tpu.memref_slice %arg4[%run_scoped3A_154, %add3A_153] : memref<4x32768xf32, #tpu.memory_space<hbm>> -> memref<1x512xf32, #tpu.memory_space<hbm>>
        %dma_wait3A_179 = tpu.memref_squeeze %dma_wait3A_178 : memref<1x512xf32, #tpu.memory_space<hbm>> -> memref<512xf32, #tpu.memory_space<hbm>>
        tpu.wait_dma2 semaphore(%run_scoped3A_165 : memref<!tpu.dma_semaphore, #tpu.memory_space<semaphore_mem>>) src(%dma_wait3A_179 : memref<512xf32, #tpu.memory_space<hbm>>) dst(%dma_wait3A_177 : memref<512xf32, #tpu.memory_space<vmem>>)
        tpu.yield
      }) : () -> ()
      %run_scoped3A_155 = arith.constant 3 : i32
      "tpu.region"() ({
        %run_scoped3A_165 = tpu.sem_alloc : memref<!tpu.dma_semaphore, #tpu.memory_space<semaphore_mem>>
        %dma_start3A = tpu.memref_slice %arg6[%run_scoped3A_155, %mul3A_32] : memref<4x8192xi32, #tpu.memory_space<hbm>> -> memref<1x512xi32, #tpu.memory_space<hbm>>
        %dma_start3A_166 = tpu.memref_squeeze %dma_start3A : memref<1x512xi32, #tpu.memory_space<hbm>> -> memref<512xi32, #tpu.memory_space<hbm>>
        %dma_start3A_167 = tpu.memref_slice %arg6[%run_scoped3A_155, %mul3A_32] : memref<4x8192xi32, #tpu.memory_space<hbm>> -> memref<1x512xi32, #tpu.memory_space<hbm>>
        %dma_start3A_168 = tpu.memref_squeeze %dma_start3A_167 : memref<1x512xi32, #tpu.memory_space<hbm>> -> memref<512xi32, #tpu.memory_space<hbm>>
        tpu.enqueue_dma source(%dma_start3A_168 : memref<512xi32, #tpu.memory_space<hbm>>) target(%arg13 : memref<512xi32, #tpu.memory_space<vmem>>) target_semaphore(%run_scoped3A_165 : memref<!tpu.dma_semaphore, #tpu.memory_space<semaphore_mem>>)
        %dma_wait3A = tpu.memref_slice %arg6[%run_scoped3A_155, %mul3A_32] : memref<4x8192xi32, #tpu.memory_space<hbm>> -> memref<1x512xi32, #tpu.memory_space<hbm>>
        %dma_wait3A_169 = tpu.memref_squeeze %dma_wait3A : memref<1x512xi32, #tpu.memory_space<hbm>> -> memref<512xi32, #tpu.memory_space<hbm>>
        %dma_wait3A_170 = tpu.memref_slice %arg6[%run_scoped3A_155, %mul3A_32] : memref<4x8192xi32, #tpu.memory_space<hbm>> -> memref<1x512xi32, #tpu.memory_space<hbm>>
        %dma_wait3A_171 = tpu.memref_squeeze %dma_wait3A_170 : memref<1x512xi32, #tpu.memory_space<hbm>> -> memref<512xi32, #tpu.memory_space<hbm>>
        tpu.wait_dma2 semaphore(%run_scoped3A_165 : memref<!tpu.dma_semaphore, #tpu.memory_space<semaphore_mem>>) src(%dma_wait3A_171 : memref<512xi32, #tpu.memory_space<hbm>>) dst(%arg13 : memref<512xi32, #tpu.memory_space<vmem>>)
        tpu.yield
      }) : () -> ()
      %scan3A_156 = arith.constant 0 : i32
      %scan3A_157 = arith.constant 32 : i32
      %scan3A_158 = arith.addi %scan3A_156, %scan3A_157 : i32
      %scan3A_159 = arith.constant 1 : i32
      %scan3A_160:2 = scf.for %scan3A_165 = %scan3A_156 to %scan3A_158 step %scan3A_159 iter_args(%scan3A_166 = %scan3A_130#0, %scan3A_167 = %scan3A_130#1) -> (vector<16xf32>, vector<16xf32>)  : i32 {
        %mul3A_168 = arith.constant 16 : i32
        %mul3A_169 = arith.muli %scan3A_165, %mul3A_168 : i32
        %get3A = arith.index_cast %mul3A_169 : i32 to index
        %get3A_170 = tpu.vector_load %arg13[%get3A] {strides = array<i32>} : memref<512xi32, #tpu.memory_space<vmem>>, vector<16xi32>,
        %mul3A_171 = arith.constant 16 : i32
        %mul3A_172 = arith.muli %scan3A_165, %mul3A_171 : i32
        %get3A_173 = arith.index_cast %mul3A_172 : i32 to index
        %get3A_174 = tpu.vector_load %arg11[%get3A_173] {strides = array<i32>} : memref<1536xf32, #tpu.memory_space<vmem>>, vector<16xf32>,
        %gather3A = tpu.vector_load_idx %arg9[%get3A_170] : memref<24576xf32, #tpu.memory_space<vmem>>[vector<16xi32>], vector<16xf32>,
        %sub3A_175 = arith.subf %get3A_174, %gather3A : vector<16xf32>
        %mul3A_176 = arith.constant 16 : i32
        %mul3A_177 = arith.muli %scan3A_165, %mul3A_176 : i32
        %add3A_178 = arith.constant 512 : i32
        %add3A_179 = arith.addi %add3A_178, %mul3A_177 : i32
        %get3A_180 = arith.index_cast %add3A_179 : i32 to index
        %get3A_181 = tpu.vector_load %arg11[%get3A_180] {strides = array<i32>} : memref<1536xf32, #tpu.memory_space<vmem>>, vector<16xf32>,
        %add3A_182 = arith.constant 8192 : i32
        %add3A_183 = vector.broadcast %add3A_182 : i32 to vector<16xi32>
        %add3A_184 = arith.addi %get3A_170, %add3A_183 : vector<16xi32>
        %gather3A_185 = tpu.vector_load_idx %arg9[%add3A_184] : memref<24576xf32, #tpu.memory_space<vmem>>[vector<16xi32>], vector<16xf32>,
        %sub3A_186 = arith.subf %get3A_181, %gather3A_185 : vector<16xf32>
        %mul3A_187 = arith.constant 16 : i32
        %mul3A_188 = arith.muli %scan3A_165, %mul3A_187 : i32
        %add3A_189 = arith.constant 1024 : i32
        %add3A_190 = arith.addi %add3A_189, %mul3A_188 : i32
        %get3A_191 = arith.index_cast %add3A_190 : i32 to index
        %get3A_192 = tpu.vector_load %arg11[%get3A_191] {strides = array<i32>} : memref<1536xf32, #tpu.memory_space<vmem>>, vector<16xf32>,
        %add3A_193 = arith.constant 16384 : i32
        %add3A_194 = vector.broadcast %add3A_193 : i32 to vector<16xi32>
        %add3A_195 = arith.addi %get3A_170, %add3A_194 : vector<16xi32>
        %gather3A_196 = tpu.vector_load_idx %arg9[%add3A_195] : memref<24576xf32, #tpu.memory_space<vmem>>[vector<16xi32>], vector<16xf32>,
        %sub3A_197 = arith.subf %get3A_192, %gather3A_196 : vector<16xf32>
        %mul3A_198 = arith.mulf %sub3A_175, %sub3A_175 : vector<16xf32>
        %mul3A_199 = arith.mulf %sub3A_186, %sub3A_186 : vector<16xf32>
        %add3A_200 = arith.addf %mul3A_198, %mul3A_199 : vector<16xf32>
        %mul3A_201 = arith.mulf %sub3A_197, %sub3A_197 : vector<16xf32>
        %add3A_202 = arith.addf %add3A_200, %mul3A_201 : vector<16xf32>
        %mul3A_203 = arith.constant 16 : i32
        %mul3A_204 = arith.muli %scan3A_165, %mul3A_203 : i32
        %get3A_205 = arith.index_cast %mul3A_204 : i32 to index
        %get3A_206 = tpu.vector_load %arg12[%get3A_205] {strides = array<i32>} : memref<2048xf32, #tpu.memory_space<vmem>>, vector<16xf32>,
        %mul3A_207 = arith.constant 16 : i32
        %mul3A_208 = arith.muli %scan3A_165, %mul3A_207 : i32
        %add3A_209 = arith.constant 512 : i32
        %add3A_210 = arith.addi %add3A_209, %mul3A_208 : i32
        %get3A_211 = arith.index_cast %add3A_210 : i32 to index
        %get3A_212 = tpu.vector_load %arg12[%get3A_211] {strides = array<i32>} : memref<2048xf32, #tpu.memory_space<vmem>>, vector<16xf32>,
        %mul3A_213 = arith.constant 16 : i32
        %mul3A_214 = arith.muli %scan3A_165, %mul3A_213 : i32
        %add3A_215 = arith.constant 1024 : i32
        %add3A_216 = arith.addi %add3A_215, %mul3A_214 : i32
        %get3A_217 = arith.index_cast %add3A_216 : i32 to index
        %get3A_218 = tpu.vector_load %arg12[%get3A_217] {strides = array<i32>} : memref<2048xf32, #tpu.memory_space<vmem>>, vector<16xf32>,
        %mul3A_219 = arith.constant 16 : i32
        %mul3A_220 = arith.muli %scan3A_165, %mul3A_219 : i32
        %add3A_221 = arith.constant 1536 : i32
        %add3A_222 = arith.addi %add3A_221, %mul3A_220 : i32
        %get3A_223 = arith.index_cast %add3A_222 : i32 to index
        %get3A_224 = tpu.vector_load %arg12[%get3A_223] {strides = array<i32>} : memref<2048xf32, #tpu.memory_space<vmem>>, vector<16xf32>,
        %gather3A_225 = tpu.vector_load_idx %arg10[%get3A_170] : memref<32768xf32, #tpu.memory_space<vmem>>[vector<16xi32>], vector<16xf32>,
        %add3A_226 = arith.constant 8192 : i32
        %add3A_227 = vector.broadcast %add3A_226 : i32 to vector<16xi32>
        %add3A_228 = arith.addi %get3A_170, %add3A_227 : vector<16xi32>
        %gather3A_229 = tpu.vector_load_idx %arg10[%add3A_228] : memref<32768xf32, #tpu.memory_space<vmem>>[vector<16xi32>], vector<16xf32>,
        %add3A_230 = arith.constant 16384 : i32
        %add3A_231 = vector.broadcast %add3A_230 : i32 to vector<16xi32>
        %add3A_232 = arith.addi %get3A_170, %add3A_231 : vector<16xi32>
        %gather3A_233 = tpu.vector_load_idx %arg10[%add3A_232] : memref<32768xf32, #tpu.memory_space<vmem>>[vector<16xi32>], vector<16xf32>,
        %add3A_234 = arith.constant 24576 : i32
        %add3A_235 = vector.broadcast %add3A_234 : i32 to vector<16xi32>
        %add3A_236 = arith.addi %get3A_170, %add3A_235 : vector<16xi32>
        %gather3A_237 = tpu.vector_load_idx %arg10[%add3A_236] : memref<32768xf32, #tpu.memory_space<vmem>>[vector<16xi32>], vector<16xf32>,
        %mul3A_238 = arith.mulf %get3A_206, %gather3A_225 : vector<16xf32>
        %mul3A_239 = arith.mulf %get3A_212, %gather3A_229 : vector<16xf32>
        %add3A_240 = arith.addf %mul3A_238, %mul3A_239 : vector<16xf32>
        %mul3A_241 = arith.mulf %get3A_218, %gather3A_233 : vector<16xf32>
        %add3A_242 = arith.addf %add3A_240, %mul3A_241 : vector<16xf32>
        %add3A_243 = arith.addf %get3A_224, %gather3A_237 : vector<16xf32>
        %add3A_244 = arith.addf %add3A_242, %add3A_242 : vector<16xf32>
        %sub3A_245 = arith.subf %add3A_243, %add3A_244 : vector<16xf32>
        %add3A_246 = arith.addf %scan3A_166, %add3A_202 : vector<16xf32>
        %add3A_247 = arith.addf %scan3A_167, %sub3A_245 : vector<16xf32>
        scf.yield %add3A_246, %add3A_247 : vector<16xf32>, vector<16xf32>
      }
      %scan3A_161 = arith.constant 32 : i32
      %swap3A = arith.constant 0 : index
      %swap3A_162 = tpu.vector_load %arg14[%swap3A] {strides = array<i32>} : memref<32xf32, #tpu.memory_space<vmem>>, vector<16xf32>,
      tpu.vector_store %arg14[%swap3A], %scan3A_160#0 {strides = array<i32>} : memref<32xf32, #tpu.memory_space<vmem>>, vector<16xf32>,
      %swap3A_163 = arith.constant 16 : index
      %swap3A_164 = tpu.vector_load %arg14[%swap3A_163] {strides = array<i32>} : memref<32xf32, #tpu.memory_space<vmem>>, vector<16xf32>,
      tpu.vector_store %arg14[%swap3A_163], %scan3A_160#1 {strides = array<i32>} : memref<32xf32, #tpu.memory_space<vmem>>, vector<16xf32>,
      "tpu.region"() ({
        %run_scoped3A_165 = tpu.sem_alloc : memref<!tpu.dma_semaphore, #tpu.memory_space<semaphore_mem>>
        %dma_start3A = arith.constant 0 : i32
        %dma_start3A_166 = tpu.memref_slice %arg8[%add3A, %dma_start3A] : memref<32x32xf32, #tpu.memory_space<hbm>> -> memref<1x32xf32, #tpu.memory_space<hbm>>
        %dma_start3A_167 = tpu.memref_squeeze %dma_start3A_166 : memref<1x32xf32, #tpu.memory_space<hbm>> -> memref<32xf32, #tpu.memory_space<hbm>>
        %dma_start3A_168 = arith.constant 0 : i32
        %dma_start3A_169 = tpu.memref_slice %arg8[%add3A, %dma_start3A_168] : memref<32x32xf32, #tpu.memory_space<hbm>> -> memref<1x32xf32, #tpu.memory_space<hbm>>
        %dma_start3A_170 = tpu.memref_squeeze %dma_start3A_169 : memref<1x32xf32, #tpu.memory_space<hbm>> -> memref<32xf32, #tpu.memory_space<hbm>>
        tpu.enqueue_dma source(%arg14 : memref<32xf32, #tpu.memory_space<vmem>>) target(%dma_start3A_170 : memref<32xf32, #tpu.memory_space<hbm>>) target_semaphore(%run_scoped3A_165 : memref<!tpu.dma_semaphore, #tpu.memory_space<semaphore_mem>>)
        %dma_wait3A = arith.constant 0 : i32
        %dma_wait3A_171 = tpu.memref_slice %arg8[%add3A, %dma_wait3A] : memref<32x32xf32, #tpu.memory_space<hbm>> -> memref<1x32xf32, #tpu.memory_space<hbm>>
        %dma_wait3A_172 = tpu.memref_squeeze %dma_wait3A_171 : memref<1x32xf32, #tpu.memory_space<hbm>> -> memref<32xf32, #tpu.memory_space<hbm>>
        %dma_wait3A_173 = arith.constant 0 : i32
        %dma_wait3A_174 = tpu.memref_slice %arg8[%add3A, %dma_wait3A_173] : memref<32x32xf32, #tpu.memory_space<hbm>> -> memref<1x32xf32, #tpu.memory_space<hbm>>
        %dma_wait3A_175 = tpu.memref_squeeze %dma_wait3A_174 : memref<1x32xf32, #tpu.memory_space<hbm>> -> memref<32xf32, #tpu.memory_space<hbm>>
        tpu.wait_dma2 semaphore(%run_scoped3A_165 : memref<!tpu.dma_semaphore, #tpu.memory_space<semaphore_mem>>) src(%arg14 : memref<32xf32, #tpu.memory_space<vmem>>) dst(%dma_wait3A_175 : memref<32xf32, #tpu.memory_space<hbm>>)
        tpu.yield
      }) : () -> ()
    } else {
    }
    %eq3A_36 = arith.constant 1 : i32
    %eq3A_37 = arith.cmpi eq, %select_n3A, %eq3A_36 : i32
    %convert_element_type3A_38 = arith.extui %eq3A_37 : i1 to i32
    %cond3A_39 = arith.constant 0 : i32
    %cond3A_40 = arith.cmpi ne, %convert_element_type3A_38, %cond3A_39 : i32
    scf.if %cond3A_40 {
      %broadcast_in_dim3A = arith.constant 0.000000e+00 : f32
      %broadcast_in_dim3A_41 = vector.broadcast %broadcast_in_dim3A : f32 to vector<16xf32>
      %broadcast_in_dim3A_42 = arith.constant 0.000000e+00 : f32
      %broadcast_in_dim3A_43 = vector.broadcast %broadcast_in_dim3A_42 : f32 to vector<16xf32>
      %run_scoped3A = arith.constant 0 : i32
      "tpu.region"() ({
        %run_scoped3A_165 = tpu.sem_alloc : memref<!tpu.dma_semaphore, #tpu.memory_space<semaphore_mem>>
        %dma_start3A = arith.constant 0 : i32
        %dma_start3A_166 = tpu.memref_slice %arg2[%run_scoped3A, %dma_start3A] : memref<4x24576xf32, #tpu.memory_space<hbm>> -> memref<1x24576xf32, #tpu.memory_space<hbm>>
        %dma_start3A_167 = tpu.memref_squeeze %dma_start3A_166 : memref<1x24576xf32, #tpu.memory_space<hbm>> -> memref<24576xf32, #tpu.memory_space<hbm>>
        %dma_start3A_168 = arith.constant 0 : i32
        %dma_start3A_169 = tpu.memref_slice %arg2[%run_scoped3A, %dma_start3A_168] : memref<4x24576xf32, #tpu.memory_space<hbm>> -> memref<1x24576xf32, #tpu.memory_space<hbm>>
        %dma_start3A_170 = tpu.memref_squeeze %dma_start3A_169 : memref<1x24576xf32, #tpu.memory_space<hbm>> -> memref<24576xf32, #tpu.memory_space<hbm>>
        tpu.enqueue_dma source(%dma_start3A_170 : memref<24576xf32, #tpu.memory_space<hbm>>) target(%arg9 : memref<24576xf32, #tpu.memory_space<vmem>>) target_semaphore(%run_scoped3A_165 : memref<!tpu.dma_semaphore, #tpu.memory_space<semaphore_mem>>)
        %dma_wait3A = arith.constant 0 : i32
        %dma_wait3A_171 = tpu.memref_slice %arg2[%run_scoped3A, %dma_wait3A] : memref<4x24576xf32, #tpu.memory_space<hbm>> -> memref<1x24576xf32, #tpu.memory_space<hbm>>
        %dma_wait3A_172 = tpu.memref_squeeze %dma_wait3A_171 : memref<1x24576xf32, #tpu.memory_space<hbm>> -> memref<24576xf32, #tpu.memory_space<hbm>>
        %dma_wait3A_173 = arith.constant 0 : i32
        %dma_wait3A_174 = tpu.memref_slice %arg2[%run_scoped3A, %dma_wait3A_173] : memref<4x24576xf32, #tpu.memory_space<hbm>> -> memref<1x24576xf32, #tpu.memory_space<hbm>>
        %dma_wait3A_175 = tpu.memref_squeeze %dma_wait3A_174 : memref<1x24576xf32, #tpu.memory_space<hbm>> -> memref<24576xf32, #tpu.memory_space<hbm>>
        tpu.wait_dma2 semaphore(%run_scoped3A_165 : memref<!tpu.dma_semaphore, #tpu.memory_space<semaphore_mem>>) src(%dma_wait3A_175 : memref<24576xf32, #tpu.memory_space<hbm>>) dst(%arg9 : memref<24576xf32, #tpu.memory_space<vmem>>)
        tpu.yield
      }) : () -> ()
      %run_scoped3A_44 = arith.constant 0 : i32
      "tpu.region"() ({
        %run_scoped3A_165 = tpu.sem_alloc : memref<!tpu.dma_semaphore, #tpu.memory_space<semaphore_mem>>
        %dma_start3A = arith.constant 0 : i32
        %dma_start3A_166 = tpu.memref_slice %arg4[%run_scoped3A_44, %dma_start3A] : memref<4x32768xf32, #tpu.memory_space<hbm>> -> memref<1x32768xf32, #tpu.memory_space<hbm>>
        %dma_start3A_167 = tpu.memref_squeeze %dma_start3A_166 : memref<1x32768xf32, #tpu.memory_space<hbm>> -> memref<32768xf32, #tpu.memory_space<hbm>>
        %dma_start3A_168 = arith.constant 0 : i32
        %dma_start3A_169 = tpu.memref_slice %arg4[%run_scoped3A_44, %dma_start3A_168] : memref<4x32768xf32, #tpu.memory_space<hbm>> -> memref<1x32768xf32, #tpu.memory_space<hbm>>
        %dma_start3A_170 = tpu.memref_squeeze %dma_start3A_169 : memref<1x32768xf32, #tpu.memory_space<hbm>> -> memref<32768xf32, #tpu.memory_space<hbm>>
        tpu.enqueue_dma source(%dma_start3A_170 : memref<32768xf32, #tpu.memory_space<hbm>>) target(%arg10 : memref<32768xf32, #tpu.memory_space<vmem>>) target_semaphore(%run_scoped3A_165 : memref<!tpu.dma_semaphore, #tpu.memory_space<semaphore_mem>>)
        %dma_wait3A = arith.constant 0 : i32
        %dma_wait3A_171 = tpu.memref_slice %arg4[%run_scoped3A_44, %dma_wait3A] : memref<4x32768xf32, #tpu.memory_space<hbm>> -> memref<1x32768xf32, #tpu.memory_space<hbm>>
        %dma_wait3A_172 = tpu.memref_squeeze %dma_wait3A_171 : memref<1x32768xf32, #tpu.memory_space<hbm>> -> memref<32768xf32, #tpu.memory_space<hbm>>
        %dma_wait3A_173 = arith.constant 0 : i32
        %dma_wait3A_174 = tpu.memref_slice %arg4[%run_scoped3A_44, %dma_wait3A_173] : memref<4x32768xf32, #tpu.memory_space<hbm>> -> memref<1x32768xf32, #tpu.memory_space<hbm>>
        %dma_wait3A_175 = tpu.memref_squeeze %dma_wait3A_174 : memref<1x32768xf32, #tpu.memory_space<hbm>> -> memref<32768xf32, #tpu.memory_space<hbm>>
        tpu.wait_dma2 semaphore(%run_scoped3A_165 : memref<!tpu.dma_semaphore, #tpu.memory_space<semaphore_mem>>) src(%dma_wait3A_175 : memref<32768xf32, #tpu.memory_space<hbm>>) dst(%arg10 : memref<32768xf32, #tpu.memory_space<vmem>>)
        tpu.yield
      }) : () -> ()
      %add3A_45 = arith.constant 0 : i32
      %add3A_46 = arith.addi %add3A_45, %mul3A_32 : i32
      %run_scoped3A_47 = arith.constant 0 : i32
      "tpu.region"() ({
        %run_scoped3A_165 = tpu.sem_alloc : memref<!tpu.dma_semaphore, #tpu.memory_space<semaphore_mem>>
        %dma_start3A = arith.constant 0 : i32
        %dma_start3A_166 = tpu.memref_slice %arg11[%dma_start3A] : memref<1536xf32, #tpu.memory_space<vmem>> -> memref<512xf32, #tpu.memory_space<vmem>>
        %dma_start3A_167 = tpu.memref_slice %arg3[%run_scoped3A_47, %add3A_46] : memref<4x24576xf32, #tpu.memory_space<hbm>> -> memref<1x512xf32, #tpu.memory_space<hbm>>
        %dma_start3A_168 = tpu.memref_squeeze %dma_start3A_167 : memref<1x512xf32, #tpu.memory_space<hbm>> -> memref<512xf32, #tpu.memory_space<hbm>>
        %dma_start3A_169 = arith.constant 0 : i32
        %dma_start3A_170 = tpu.memref_slice %arg11[%dma_start3A_169] : memref<1536xf32, #tpu.memory_space<vmem>> -> memref<512xf32, #tpu.memory_space<vmem>>
        %dma_start3A_171 = tpu.memref_slice %arg3[%run_scoped3A_47, %add3A_46] : memref<4x24576xf32, #tpu.memory_space<hbm>> -> memref<1x512xf32, #tpu.memory_space<hbm>>
        %dma_start3A_172 = tpu.memref_squeeze %dma_start3A_171 : memref<1x512xf32, #tpu.memory_space<hbm>> -> memref<512xf32, #tpu.memory_space<hbm>>
        tpu.enqueue_dma source(%dma_start3A_172 : memref<512xf32, #tpu.memory_space<hbm>>) target(%dma_start3A_170 : memref<512xf32, #tpu.memory_space<vmem>>) target_semaphore(%run_scoped3A_165 : memref<!tpu.dma_semaphore, #tpu.memory_space<semaphore_mem>>)
        %dma_wait3A = arith.constant 0 : i32
        %dma_wait3A_173 = tpu.memref_slice %arg11[%dma_wait3A] : memref<1536xf32, #tpu.memory_space<vmem>> -> memref<512xf32, #tpu.memory_space<vmem>>
        %dma_wait3A_174 = tpu.memref_slice %arg3[%run_scoped3A_47, %add3A_46] : memref<4x24576xf32, #tpu.memory_space<hbm>> -> memref<1x512xf32, #tpu.memory_space<hbm>>
        %dma_wait3A_175 = tpu.memref_squeeze %dma_wait3A_174 : memref<1x512xf32, #tpu.memory_space<hbm>> -> memref<512xf32, #tpu.memory_space<hbm>>
        %dma_wait3A_176 = arith.constant 0 : i32
        %dma_wait3A_177 = tpu.memref_slice %arg11[%dma_wait3A_176] : memref<1536xf32, #tpu.memory_space<vmem>> -> memref<512xf32, #tpu.memory_space<vmem>>
        %dma_wait3A_178 = tpu.memref_slice %arg3[%run_scoped3A_47, %add3A_46] : memref<4x24576xf32, #tpu.memory_space<hbm>> -> memref<1x512xf32, #tpu.memory_space<hbm>>
        %dma_wait3A_179 = tpu.memref_squeeze %dma_wait3A_178 : memref<1x512xf32, #tpu.memory_space<hbm>> -> memref<512xf32, #tpu.memory_space<hbm>>
        tpu.wait_dma2 semaphore(%run_scoped3A_165 : memref<!tpu.dma_semaphore, #tpu.memory_space<semaphore_mem>>) src(%dma_wait3A_179 : memref<512xf32, #tpu.memory_space<hbm>>) dst(%dma_wait3A_177 : memref<512xf32, #tpu.memory_space<vmem>>)
        tpu.yield
      }) : () -> ()
      %add3A_48 = arith.constant 8192 : i32
      %add3A_49 = arith.addi %add3A_48, %mul3A_32 : i32
      %run_scoped3A_50 = arith.constant 0 : i32
      "tpu.region"() ({
        %run_scoped3A_165 = tpu.sem_alloc : memref<!tpu.dma_semaphore, #tpu.memory_space<semaphore_mem>>
        %dma_start3A = arith.constant 512 : i32
        %dma_start3A_166 = tpu.memref_slice %arg11[%dma_start3A] : memref<1536xf32, #tpu.memory_space<vmem>> -> memref<512xf32, #tpu.memory_space<vmem>>
        %dma_start3A_167 = tpu.memref_slice %arg3[%run_scoped3A_50, %add3A_49] : memref<4x24576xf32, #tpu.memory_space<hbm>> -> memref<1x512xf32, #tpu.memory_space<hbm>>
        %dma_start3A_168 = tpu.memref_squeeze %dma_start3A_167 : memref<1x512xf32, #tpu.memory_space<hbm>> -> memref<512xf32, #tpu.memory_space<hbm>>
        %dma_start3A_169 = arith.constant 512 : i32
        %dma_start3A_170 = tpu.memref_slice %arg11[%dma_start3A_169] : memref<1536xf32, #tpu.memory_space<vmem>> -> memref<512xf32, #tpu.memory_space<vmem>>
        %dma_start3A_171 = tpu.memref_slice %arg3[%run_scoped3A_50, %add3A_49] : memref<4x24576xf32, #tpu.memory_space<hbm>> -> memref<1x512xf32, #tpu.memory_space<hbm>>
        %dma_start3A_172 = tpu.memref_squeeze %dma_start3A_171 : memref<1x512xf32, #tpu.memory_space<hbm>> -> memref<512xf32, #tpu.memory_space<hbm>>
        tpu.enqueue_dma source(%dma_start3A_172 : memref<512xf32, #tpu.memory_space<hbm>>) target(%dma_start3A_170 : memref<512xf32, #tpu.memory_space<vmem>>) target_semaphore(%run_scoped3A_165 : memref<!tpu.dma_semaphore, #tpu.memory_space<semaphore_mem>>)
        %dma_wait3A = arith.constant 512 : i32
        %dma_wait3A_173 = tpu.memref_slice %arg11[%dma_wait3A] : memref<1536xf32, #tpu.memory_space<vmem>> -> memref<512xf32, #tpu.memory_space<vmem>>
        %dma_wait3A_174 = tpu.memref_slice %arg3[%run_scoped3A_50, %add3A_49] : memref<4x24576xf32, #tpu.memory_space<hbm>> -> memref<1x512xf32, #tpu.memory_space<hbm>>
        %dma_wait3A_175 = tpu.memref_squeeze %dma_wait3A_174 : memref<1x512xf32, #tpu.memory_space<hbm>> -> memref<512xf32, #tpu.memory_space<hbm>>
        %dma_wait3A_176 = arith.constant 512 : i32
        %dma_wait3A_177 = tpu.memref_slice %arg11[%dma_wait3A_176] : memref<1536xf32, #tpu.memory_space<vmem>> -> memref<512xf32, #tpu.memory_space<vmem>>
        %dma_wait3A_178 = tpu.memref_slice %arg3[%run_scoped3A_50, %add3A_49] : memref<4x24576xf32, #tpu.memory_space<hbm>> -> memref<1x512xf32, #tpu.memory_space<hbm>>
        %dma_wait3A_179 = tpu.memref_squeeze %dma_wait3A_178 : memref<1x512xf32, #tpu.memory_space<hbm>> -> memref<512xf32, #tpu.memory_space<hbm>>
        tpu.wait_dma2 semaphore(%run_scoped3A_165 : memref<!tpu.dma_semaphore, #tpu.memory_space<semaphore_mem>>) src(%dma_wait3A_179 : memref<512xf32, #tpu.memory_space<hbm>>) dst(%dma_wait3A_177 : memref<512xf32, #tpu.memory_space<vmem>>)
        tpu.yield
      }) : () -> ()
      %add3A_51 = arith.constant 16384 : i32
      %add3A_52 = arith.addi %add3A_51, %mul3A_32 : i32
      %run_scoped3A_53 = arith.constant 0 : i32
      "tpu.region"() ({
        %run_scoped3A_165 = tpu.sem_alloc : memref<!tpu.dma_semaphore, #tpu.memory_space<semaphore_mem>>
        %dma_start3A = arith.constant 1024 : i32
        %dma_start3A_166 = tpu.memref_slice %arg11[%dma_start3A] : memref<1536xf32, #tpu.memory_space<vmem>> -> memref<512xf32, #tpu.memory_space<vmem>>
        %dma_start3A_167 = tpu.memref_slice %arg3[%run_scoped3A_53, %add3A_52] : memref<4x24576xf32, #tpu.memory_space<hbm>> -> memref<1x512xf32, #tpu.memory_space<hbm>>
        %dma_start3A_168 = tpu.memref_squeeze %dma_start3A_167 : memref<1x512xf32, #tpu.memory_space<hbm>> -> memref<512xf32, #tpu.memory_space<hbm>>
        %dma_start3A_169 = arith.constant 1024 : i32
        %dma_start3A_170 = tpu.memref_slice %arg11[%dma_start3A_169] : memref<1536xf32, #tpu.memory_space<vmem>> -> memref<512xf32, #tpu.memory_space<vmem>>
        %dma_start3A_171 = tpu.memref_slice %arg3[%run_scoped3A_53, %add3A_52] : memref<4x24576xf32, #tpu.memory_space<hbm>> -> memref<1x512xf32, #tpu.memory_space<hbm>>
        %dma_start3A_172 = tpu.memref_squeeze %dma_start3A_171 : memref<1x512xf32, #tpu.memory_space<hbm>> -> memref<512xf32, #tpu.memory_space<hbm>>
        tpu.enqueue_dma source(%dma_start3A_172 : memref<512xf32, #tpu.memory_space<hbm>>) target(%dma_start3A_170 : memref<512xf32, #tpu.memory_space<vmem>>) target_semaphore(%run_scoped3A_165 : memref<!tpu.dma_semaphore, #tpu.memory_space<semaphore_mem>>)
        %dma_wait3A = arith.constant 1024 : i32
        %dma_wait3A_173 = tpu.memref_slice %arg11[%dma_wait3A] : memref<1536xf32, #tpu.memory_space<vmem>> -> memref<512xf32, #tpu.memory_space<vmem>>
        %dma_wait3A_174 = tpu.memref_slice %arg3[%run_scoped3A_53, %add3A_52] : memref<4x24576xf32, #tpu.memory_space<hbm>> -> memref<1x512xf32, #tpu.memory_space<hbm>>
        %dma_wait3A_175 = tpu.memref_squeeze %dma_wait3A_174 : memref<1x512xf32, #tpu.memory_space<hbm>> -> memref<512xf32, #tpu.memory_space<hbm>>
        %dma_wait3A_176 = arith.constant 1024 : i32
        %dma_wait3A_177 = tpu.memref_slice %arg11[%dma_wait3A_176] : memref<1536xf32, #tpu.memory_space<vmem>> -> memref<512xf32, #tpu.memory_space<vmem>>
        %dma_wait3A_178 = tpu.memref_slice %arg3[%run_scoped3A_53, %add3A_52] : memref<4x24576xf32, #tpu.memory_space<hbm>> -> memref<1x512xf32, #tpu.memory_space<hbm>>
        %dma_wait3A_179 = tpu.memref_squeeze %dma_wait3A_178 : memref<1x512xf32, #tpu.memory_space<hbm>> -> memref<512xf32, #tpu.memory_space<hbm>>
        tpu.wait_dma2 semaphore(%run_scoped3A_165 : memref<!tpu.dma_semaphore, #tpu.memory_space<semaphore_mem>>) src(%dma_wait3A_179 : memref<512xf32, #tpu.memory_space<hbm>>) dst(%dma_wait3A_177 : memref<512xf32, #tpu.memory_space<vmem>>)
        tpu.yield
      }) : () -> ()
      %add3A_54 = arith.constant 0 : i32
      %add3A_55 = arith.addi %add3A_54, %mul3A_32 : i32
      %run_scoped3A_56 = arith.constant 0 : i32
      "tpu.region"() ({
        %run_scoped3A_165 = tpu.sem_alloc : memref<!tpu.dma_semaphore, #tpu.memory_space<semaphore_mem>>
        %dma_start3A = arith.constant 0 : i32
        %dma_start3A_166 = tpu.memref_slice %arg12[%dma_start3A] : memref<2048xf32, #tpu.memory_space<vmem>> -> memref<512xf32, #tpu.memory_space<vmem>>
        %dma_start3A_167 = tpu.memref_slice %arg5[%run_scoped3A_56, %add3A_55] : memref<4x32768xf32, #tpu.memory_space<hbm>> -> memref<1x512xf32, #tpu.memory_space<hbm>>
        %dma_start3A_168 = tpu.memref_squeeze %dma_start3A_167 : memref<1x512xf32, #tpu.memory_space<hbm>> -> memref<512xf32, #tpu.memory_space<hbm>>
        %dma_start3A_169 = arith.constant 0 : i32
        %dma_start3A_170 = tpu.memref_slice %arg12[%dma_start3A_169] : memref<2048xf32, #tpu.memory_space<vmem>> -> memref<512xf32, #tpu.memory_space<vmem>>
        %dma_start3A_171 = tpu.memref_slice %arg5[%run_scoped3A_56, %add3A_55] : memref<4x32768xf32, #tpu.memory_space<hbm>> -> memref<1x512xf32, #tpu.memory_space<hbm>>
        %dma_start3A_172 = tpu.memref_squeeze %dma_start3A_171 : memref<1x512xf32, #tpu.memory_space<hbm>> -> memref<512xf32, #tpu.memory_space<hbm>>
        tpu.enqueue_dma source(%dma_start3A_172 : memref<512xf32, #tpu.memory_space<hbm>>) target(%dma_start3A_170 : memref<512xf32, #tpu.memory_space<vmem>>) target_semaphore(%run_scoped3A_165 : memref<!tpu.dma_semaphore, #tpu.memory_space<semaphore_mem>>)
        %dma_wait3A = arith.constant 0 : i32
        %dma_wait3A_173 = tpu.memref_slice %arg12[%dma_wait3A] : memref<2048xf32, #tpu.memory_space<vmem>> -> memref<512xf32, #tpu.memory_space<vmem>>
        %dma_wait3A_174 = tpu.memref_slice %arg5[%run_scoped3A_56, %add3A_55] : memref<4x32768xf32, #tpu.memory_space<hbm>> -> memref<1x512xf32, #tpu.memory_space<hbm>>
        %dma_wait3A_175 = tpu.memref_squeeze %dma_wait3A_174 : memref<1x512xf32, #tpu.memory_space<hbm>> -> memref<512xf32, #tpu.memory_space<hbm>>
        %dma_wait3A_176 = arith.constant 0 : i32
        %dma_wait3A_177 = tpu.memref_slice %arg12[%dma_wait3A_176] : memref<2048xf32, #tpu.memory_space<vmem>> -> memref<512xf32, #tpu.memory_space<vmem>>
        %dma_wait3A_178 = tpu.memref_slice %arg5[%run_scoped3A_56, %add3A_55] : memref<4x32768xf32, #tpu.memory_space<hbm>> -> memref<1x512xf32, #tpu.memory_space<hbm>>
        %dma_wait3A_179 = tpu.memref_squeeze %dma_wait3A_178 : memref<1x512xf32, #tpu.memory_space<hbm>> -> memref<512xf32, #tpu.memory_space<hbm>>
        tpu.wait_dma2 semaphore(%run_scoped3A_165 : memref<!tpu.dma_semaphore, #tpu.memory_space<semaphore_mem>>) src(%dma_wait3A_179 : memref<512xf32, #tpu.memory_space<hbm>>) dst(%dma_wait3A_177 : memref<512xf32, #tpu.memory_space<vmem>>)
        tpu.yield
      }) : () -> ()
      %add3A_57 = arith.constant 8192 : i32
      %add3A_58 = arith.addi %add3A_57, %mul3A_32 : i32
      %run_scoped3A_59 = arith.constant 0 : i32
      "tpu.region"() ({
        %run_scoped3A_165 = tpu.sem_alloc : memref<!tpu.dma_semaphore, #tpu.memory_space<semaphore_mem>>
        %dma_start3A = arith.constant 512 : i32
        %dma_start3A_166 = tpu.memref_slice %arg12[%dma_start3A] : memref<2048xf32, #tpu.memory_space<vmem>> -> memref<512xf32, #tpu.memory_space<vmem>>
        %dma_start3A_167 = tpu.memref_slice %arg5[%run_scoped3A_59, %add3A_58] : memref<4x32768xf32, #tpu.memory_space<hbm>> -> memref<1x512xf32, #tpu.memory_space<hbm>>
        %dma_start3A_168 = tpu.memref_squeeze %dma_start3A_167 : memref<1x512xf32, #tpu.memory_space<hbm>> -> memref<512xf32, #tpu.memory_space<hbm>>
        %dma_start3A_169 = arith.constant 512 : i32
        %dma_start3A_170 = tpu.memref_slice %arg12[%dma_start3A_169] : memref<2048xf32, #tpu.memory_space<vmem>> -> memref<512xf32, #tpu.memory_space<vmem>>
        %dma_start3A_171 = tpu.memref_slice %arg5[%run_scoped3A_59, %add3A_58] : memref<4x32768xf32, #tpu.memory_space<hbm>> -> memref<1x512xf32, #tpu.memory_space<hbm>>
        %dma_start3A_172 = tpu.memref_squeeze %dma_start3A_171 : memref<1x512xf32, #tpu.memory_space<hbm>> -> memref<512xf32, #tpu.memory_space<hbm>>
        tpu.enqueue_dma source(%dma_start3A_172 : memref<512xf32, #tpu.memory_space<hbm>>) target(%dma_start3A_170 : memref<512xf32, #tpu.memory_space<vmem>>) target_semaphore(%run_scoped3A_165 : memref<!tpu.dma_semaphore, #tpu.memory_space<semaphore_mem>>)
        %dma_wait3A = arith.constant 512 : i32
        %dma_wait3A_173 = tpu.memref_slice %arg12[%dma_wait3A] : memref<2048xf32, #tpu.memory_space<vmem>> -> memref<512xf32, #tpu.memory_space<vmem>>
        %dma_wait3A_174 = tpu.memref_slice %arg5[%run_scoped3A_59, %add3A_58] : memref<4x32768xf32, #tpu.memory_space<hbm>> -> memref<1x512xf32, #tpu.memory_space<hbm>>
        %dma_wait3A_175 = tpu.memref_squeeze %dma_wait3A_174 : memref<1x512xf32, #tpu.memory_space<hbm>> -> memref<512xf32, #tpu.memory_space<hbm>>
        %dma_wait3A_176 = arith.constant 512 : i32
        %dma_wait3A_177 = tpu.memref_slice %arg12[%dma_wait3A_176] : memref<2048xf32, #tpu.memory_space<vmem>> -> memref<512xf32, #tpu.memory_space<vmem>>
        %dma_wait3A_178 = tpu.memref_slice %arg5[%run_scoped3A_59, %add3A_58] : memref<4x32768xf32, #tpu.memory_space<hbm>> -> memref<1x512xf32, #tpu.memory_space<hbm>>
        %dma_wait3A_179 = tpu.memref_squeeze %dma_wait3A_178 : memref<1x512xf32, #tpu.memory_space<hbm>> -> memref<512xf32, #tpu.memory_space<hbm>>
        tpu.wait_dma2 semaphore(%run_scoped3A_165 : memref<!tpu.dma_semaphore, #tpu.memory_space<semaphore_mem>>) src(%dma_wait3A_179 : memref<512xf32, #tpu.memory_space<hbm>>) dst(%dma_wait3A_177 : memref<512xf32, #tpu.memory_space<vmem>>)
        tpu.yield
      }) : () -> ()
      %add3A_60 = arith.constant 16384 : i32
      %add3A_61 = arith.addi %add3A_60, %mul3A_32 : i32
      %run_scoped3A_62 = arith.constant 0 : i32
      "tpu.region"() ({
        %run_scoped3A_165 = tpu.sem_alloc : memref<!tpu.dma_semaphore, #tpu.memory_space<semaphore_mem>>
        %dma_start3A = arith.constant 1024 : i32
        %dma_start3A_166 = tpu.memref_slice %arg12[%dma_start3A] : memref<2048xf32, #tpu.memory_space<vmem>> -> memref<512xf32, #tpu.memory_space<vmem>>
        %dma_start3A_167 = tpu.memref_slice %arg5[%run_scoped3A_62, %add3A_61] : memref<4x32768xf32, #tpu.memory_space<hbm>> -> memref<1x512xf32, #tpu.memory_space<hbm>>
        %dma_start3A_168 = tpu.memref_squeeze %dma_start3A_167 : memref<1x512xf32, #tpu.memory_space<hbm>> -> memref<512xf32, #tpu.memory_space<hbm>>
        %dma_start3A_169 = arith.constant 1024 : i32
        %dma_start3A_170 = tpu.memref_slice %arg12[%dma_start3A_169] : memref<2048xf32, #tpu.memory_space<vmem>> -> memref<512xf32, #tpu.memory_space<vmem>>
        %dma_start3A_171 = tpu.memref_slice %arg5[%run_scoped3A_62, %add3A_61] : memref<4x32768xf32, #tpu.memory_space<hbm>> -> memref<1x512xf32, #tpu.memory_space<hbm>>
        %dma_start3A_172 = tpu.memref_squeeze %dma_start3A_171 : memref<1x512xf32, #tpu.memory_space<hbm>> -> memref<512xf32, #tpu.memory_space<hbm>>
        tpu.enqueue_dma source(%dma_start3A_172 : memref<512xf32, #tpu.memory_space<hbm>>) target(%dma_start3A_170 : memref<512xf32, #tpu.memory_space<vmem>>) target_semaphore(%run_scoped3A_165 : memref<!tpu.dma_semaphore, #tpu.memory_space<semaphore_mem>>)
        %dma_wait3A = arith.constant 1024 : i32
        %dma_wait3A_173 = tpu.memref_slice %arg12[%dma_wait3A] : memref<2048xf32, #tpu.memory_space<vmem>> -> memref<512xf32, #tpu.memory_space<vmem>>
        %dma_wait3A_174 = tpu.memref_slice %arg5[%run_scoped3A_62, %add3A_61] : memref<4x32768xf32, #tpu.memory_space<hbm>> -> memref<1x512xf32, #tpu.memory_space<hbm>>
        %dma_wait3A_175 = tpu.memref_squeeze %dma_wait3A_174 : memref<1x512xf32, #tpu.memory_space<hbm>> -> memref<512xf32, #tpu.memory_space<hbm>>
        %dma_wait3A_176 = arith.constant 1024 : i32
        %dma_wait3A_177 = tpu.memref_slice %arg12[%dma_wait3A_176] : memref<2048xf32, #tpu.memory_space<vmem>> -> memref<512xf32, #tpu.memory_space<vmem>>
        %dma_wait3A_178 = tpu.memref_slice %arg5[%run_scoped3A_62, %add3A_61] : memref<4x32768xf32, #tpu.memory_space<hbm>> -> memref<1x512xf32, #tpu.memory_space<hbm>>
        %dma_wait3A_179 = tpu.memref_squeeze %dma_wait3A_178 : memref<1x512xf32, #tpu.memory_space<hbm>> -> memref<512xf32, #tpu.memory_space<hbm>>
        tpu.wait_dma2 semaphore(%run_scoped3A_165 : memref<!tpu.dma_semaphore, #tpu.memory_space<semaphore_mem>>) src(%dma_wait3A_179 : memref<512xf32, #tpu.memory_space<hbm>>) dst(%dma_wait3A_177 : memref<512xf32, #tpu.memory_space<vmem>>)
        tpu.yield
      }) : () -> ()
      %add3A_63 = arith.constant 24576 : i32
      %add3A_64 = arith.addi %add3A_63, %mul3A_32 : i32
      %run_scoped3A_65 = arith.constant 0 : i32
      "tpu.region"() ({
        %run_scoped3A_165 = tpu.sem_alloc : memref<!tpu.dma_semaphore, #tpu.memory_space<semaphore_mem>>
        %dma_start3A = arith.constant 1536 : i32
        %dma_start3A_166 = tpu.memref_slice %arg12[%dma_start3A] : memref<2048xf32, #tpu.memory_space<vmem>> -> memref<512xf32, #tpu.memory_space<vmem>>
        %dma_start3A_167 = tpu.memref_slice %arg5[%run_scoped3A_65, %add3A_64] : memref<4x32768xf32, #tpu.memory_space<hbm>> -> memref<1x512xf32, #tpu.memory_space<hbm>>
        %dma_start3A_168 = tpu.memref_squeeze %dma_start3A_167 : memref<1x512xf32, #tpu.memory_space<hbm>> -> memref<512xf32, #tpu.memory_space<hbm>>
        %dma_start3A_169 = arith.constant 1536 : i32
        %dma_start3A_170 = tpu.memref_slice %arg12[%dma_start3A_169] : memref<2048xf32, #tpu.memory_space<vmem>> -> memref<512xf32, #tpu.memory_space<vmem>>
        %dma_start3A_171 = tpu.memref_slice %arg5[%run_scoped3A_65, %add3A_64] : memref<4x32768xf32, #tpu.memory_space<hbm>> -> memref<1x512xf32, #tpu.memory_space<hbm>>
        %dma_start3A_172 = tpu.memref_squeeze %dma_start3A_171 : memref<1x512xf32, #tpu.memory_space<hbm>> -> memref<512xf32, #tpu.memory_space<hbm>>
        tpu.enqueue_dma source(%dma_start3A_172 : memref<512xf32, #tpu.memory_space<hbm>>) target(%dma_start3A_170 : memref<512xf32, #tpu.memory_space<vmem>>) target_semaphore(%run_scoped3A_165 : memref<!tpu.dma_semaphore, #tpu.memory_space<semaphore_mem>>)
        %dma_wait3A = arith.constant 1536 : i32
        %dma_wait3A_173 = tpu.memref_slice %arg12[%dma_wait3A] : memref<2048xf32, #tpu.memory_space<vmem>> -> memref<512xf32, #tpu.memory_space<vmem>>
        %dma_wait3A_174 = tpu.memref_slice %arg5[%run_scoped3A_65, %add3A_64] : memref<4x32768xf32, #tpu.memory_space<hbm>> -> memref<1x512xf32, #tpu.memory_space<hbm>>
        %dma_wait3A_175 = tpu.memref_squeeze %dma_wait3A_174 : memref<1x512xf32, #tpu.memory_space<hbm>> -> memref<512xf32, #tpu.memory_space<hbm>>
        %dma_wait3A_176 = arith.constant 1536 : i32
        %dma_wait3A_177 = tpu.memref_slice %arg12[%dma_wait3A_176] : memref<2048xf32, #tpu.memory_space<vmem>> -> memref<512xf32, #tpu.memory_space<vmem>>
        %dma_wait3A_178 = tpu.memref_slice %arg5[%run_scoped3A_65, %add3A_64] : memref<4x32768xf32, #tpu.memory_space<hbm>> -> memref<1x512xf32, #tpu.memory_space<hbm>>
        %dma_wait3A_179 = tpu.memref_squeeze %dma_wait3A_178 : memref<1x512xf32, #tpu.memory_space<hbm>> -> memref<512xf32, #tpu.memory_space<hbm>>
        tpu.wait_dma2 semaphore(%run_scoped3A_165 : memref<!tpu.dma_semaphore, #tpu.memory_space<semaphore_mem>>) src(%dma_wait3A_179 : memref<512xf32, #tpu.memory_space<hbm>>) dst(%dma_wait3A_177 : memref<512xf32, #tpu.memory_space<vmem>>)
        tpu.yield
      }) : () -> ()
      %run_scoped3A_66 = arith.constant 0 : i32
      "tpu.region"() ({
        %run_scoped3A_165 = tpu.sem_alloc : memref<!tpu.dma_semaphore, #tpu.memory_space<semaphore_mem>>
        %dma_start3A = tpu.memref_slice %arg7[%run_scoped3A_66, %mul3A_32] : memref<4x8192xi32, #tpu.memory_space<hbm>> -> memref<1x512xi32, #tpu.memory_space<hbm>>
        %dma_start3A_166 = tpu.memref_squeeze %dma_start3A : memref<1x512xi32, #tpu.memory_space<hbm>> -> memref<512xi32, #tpu.memory_space<hbm>>
        %dma_start3A_167 = tpu.memref_slice %arg7[%run_scoped3A_66, %mul3A_32] : memref<4x8192xi32, #tpu.memory_space<hbm>> -> memref<1x512xi32, #tpu.memory_space<hbm>>
        %dma_start3A_168 = tpu.memref_squeeze %dma_start3A_167 : memref<1x512xi32, #tpu.memory_space<hbm>> -> memref<512xi32, #tpu.memory_space<hbm>>
        tpu.enqueue_dma source(%dma_start3A_168 : memref<512xi32, #tpu.memory_space<hbm>>) target(%arg13 : memref<512xi32, #tpu.memory_space<vmem>>) target_semaphore(%run_scoped3A_165 : memref<!tpu.dma_semaphore, #tpu.memory_space<semaphore_mem>>)
        %dma_wait3A = tpu.memref_slice %arg7[%run_scoped3A_66, %mul3A_32] : memref<4x8192xi32, #tpu.memory_space<hbm>> -> memref<1x512xi32, #tpu.memory_space<hbm>>
        %dma_wait3A_169 = tpu.memref_squeeze %dma_wait3A : memref<1x512xi32, #tpu.memory_space<hbm>> -> memref<512xi32, #tpu.memory_space<hbm>>
        %dma_wait3A_170 = tpu.memref_slice %arg7[%run_scoped3A_66, %mul3A_32] : memref<4x8192xi32, #tpu.memory_space<hbm>> -> memref<1x512xi32, #tpu.memory_space<hbm>>
        %dma_wait3A_171 = tpu.memref_squeeze %dma_wait3A_170 : memref<1x512xi32, #tpu.memory_space<hbm>> -> memref<512xi32, #tpu.memory_space<hbm>>
        tpu.wait_dma2 semaphore(%run_scoped3A_165 : memref<!tpu.dma_semaphore, #tpu.memory_space<semaphore_mem>>) src(%dma_wait3A_171 : memref<512xi32, #tpu.memory_space<hbm>>) dst(%arg13 : memref<512xi32, #tpu.memory_space<vmem>>)
        tpu.yield
      }) : () -> ()
      %scan3A = arith.constant 0 : i32
      %scan3A_67 = arith.constant 32 : i32
      %scan3A_68 = arith.addi %scan3A, %scan3A_67 : i32
      %scan3A_69 = arith.constant 1 : i32
      %scan3A_70:2 = scf.for %scan3A_165 = %scan3A to %scan3A_68 step %scan3A_69 iter_args(%scan3A_166 = %broadcast_in_dim3A_41, %scan3A_167 = %broadcast_in_dim3A_43) -> (vector<16xf32>, vector<16xf32>)  : i32 {
        %mul3A_168 = arith.constant 16 : i32
        %mul3A_169 = arith.muli %scan3A_165, %mul3A_168 : i32
        %get3A = arith.index_cast %mul3A_169 : i32 to index
        %get3A_170 = tpu.vector_load %arg13[%get3A] {strides = array<i32>} : memref<512xi32, #tpu.memory_space<vmem>>, vector<16xi32>,
        %mul3A_171 = arith.constant 16 : i32
        %mul3A_172 = arith.muli %scan3A_165, %mul3A_171 : i32
        %get3A_173 = arith.index_cast %mul3A_172 : i32 to index
        %get3A_174 = tpu.vector_load %arg11[%get3A_173] {strides = array<i32>} : memref<1536xf32, #tpu.memory_space<vmem>>, vector<16xf32>,
        %gather3A = tpu.vector_load_idx %arg9[%get3A_170] : memref<24576xf32, #tpu.memory_space<vmem>>[vector<16xi32>], vector<16xf32>,
        %sub3A_175 = arith.subf %get3A_174, %gather3A : vector<16xf32>
        %mul3A_176 = arith.constant 16 : i32
        %mul3A_177 = arith.muli %scan3A_165, %mul3A_176 : i32
        %add3A_178 = arith.constant 512 : i32
        %add3A_179 = arith.addi %add3A_178, %mul3A_177 : i32
        %get3A_180 = arith.index_cast %add3A_179 : i32 to index
        %get3A_181 = tpu.vector_load %arg11[%get3A_180] {strides = array<i32>} : memref<1536xf32, #tpu.memory_space<vmem>>, vector<16xf32>,
        %add3A_182 = arith.constant 8192 : i32
        %add3A_183 = vector.broadcast %add3A_182 : i32 to vector<16xi32>
        %add3A_184 = arith.addi %get3A_170, %add3A_183 : vector<16xi32>
        %gather3A_185 = tpu.vector_load_idx %arg9[%add3A_184] : memref<24576xf32, #tpu.memory_space<vmem>>[vector<16xi32>], vector<16xf32>,
        %sub3A_186 = arith.subf %get3A_181, %gather3A_185 : vector<16xf32>
        %mul3A_187 = arith.constant 16 : i32
        %mul3A_188 = arith.muli %scan3A_165, %mul3A_187 : i32
        %add3A_189 = arith.constant 1024 : i32
        %add3A_190 = arith.addi %add3A_189, %mul3A_188 : i32
        %get3A_191 = arith.index_cast %add3A_190 : i32 to index
        %get3A_192 = tpu.vector_load %arg11[%get3A_191] {strides = array<i32>} : memref<1536xf32, #tpu.memory_space<vmem>>, vector<16xf32>,
        %add3A_193 = arith.constant 16384 : i32
        %add3A_194 = vector.broadcast %add3A_193 : i32 to vector<16xi32>
        %add3A_195 = arith.addi %get3A_170, %add3A_194 : vector<16xi32>
        %gather3A_196 = tpu.vector_load_idx %arg9[%add3A_195] : memref<24576xf32, #tpu.memory_space<vmem>>[vector<16xi32>], vector<16xf32>,
        %sub3A_197 = arith.subf %get3A_192, %gather3A_196 : vector<16xf32>
        %mul3A_198 = arith.mulf %sub3A_175, %sub3A_175 : vector<16xf32>
        %mul3A_199 = arith.mulf %sub3A_186, %sub3A_186 : vector<16xf32>
        %add3A_200 = arith.addf %mul3A_198, %mul3A_199 : vector<16xf32>
        %mul3A_201 = arith.mulf %sub3A_197, %sub3A_197 : vector<16xf32>
        %add3A_202 = arith.addf %add3A_200, %mul3A_201 : vector<16xf32>
        %mul3A_203 = arith.constant 16 : i32
        %mul3A_204 = arith.muli %scan3A_165, %mul3A_203 : i32
        %get3A_205 = arith.index_cast %mul3A_204 : i32 to index
        %get3A_206 = tpu.vector_load %arg12[%get3A_205] {strides = array<i32>} : memref<2048xf32, #tpu.memory_space<vmem>>, vector<16xf32>,
        %mul3A_207 = arith.constant 16 : i32
        %mul3A_208 = arith.muli %scan3A_165, %mul3A_207 : i32
        %add3A_209 = arith.constant 512 : i32
        %add3A_210 = arith.addi %add3A_209, %mul3A_208 : i32
        %get3A_211 = arith.index_cast %add3A_210 : i32 to index
        %get3A_212 = tpu.vector_load %arg12[%get3A_211] {strides = array<i32>} : memref<2048xf32, #tpu.memory_space<vmem>>, vector<16xf32>,
        %mul3A_213 = arith.constant 16 : i32
        %mul3A_214 = arith.muli %scan3A_165, %mul3A_213 : i32
        %add3A_215 = arith.constant 1024 : i32
        %add3A_216 = arith.addi %add3A_215, %mul3A_214 : i32
        %get3A_217 = arith.index_cast %add3A_216 : i32 to index
        %get3A_218 = tpu.vector_load %arg12[%get3A_217] {strides = array<i32>} : memref<2048xf32, #tpu.memory_space<vmem>>, vector<16xf32>,
        %mul3A_219 = arith.constant 16 : i32
        %mul3A_220 = arith.muli %scan3A_165, %mul3A_219 : i32
        %add3A_221 = arith.constant 1536 : i32
        %add3A_222 = arith.addi %add3A_221, %mul3A_220 : i32
        %get3A_223 = arith.index_cast %add3A_222 : i32 to index
        %get3A_224 = tpu.vector_load %arg12[%get3A_223] {strides = array<i32>} : memref<2048xf32, #tpu.memory_space<vmem>>, vector<16xf32>,
        %gather3A_225 = tpu.vector_load_idx %arg10[%get3A_170] : memref<32768xf32, #tpu.memory_space<vmem>>[vector<16xi32>], vector<16xf32>,
        %add3A_226 = arith.constant 8192 : i32
        %add3A_227 = vector.broadcast %add3A_226 : i32 to vector<16xi32>
        %add3A_228 = arith.addi %get3A_170, %add3A_227 : vector<16xi32>
        %gather3A_229 = tpu.vector_load_idx %arg10[%add3A_228] : memref<32768xf32, #tpu.memory_space<vmem>>[vector<16xi32>], vector<16xf32>,
        %add3A_230 = arith.constant 16384 : i32
        %add3A_231 = vector.broadcast %add3A_230 : i32 to vector<16xi32>
        %add3A_232 = arith.addi %get3A_170, %add3A_231 : vector<16xi32>
        %gather3A_233 = tpu.vector_load_idx %arg10[%add3A_232] : memref<32768xf32, #tpu.memory_space<vmem>>[vector<16xi32>], vector<16xf32>,
        %add3A_234 = arith.constant 24576 : i32
        %add3A_235 = vector.broadcast %add3A_234 : i32 to vector<16xi32>
        %add3A_236 = arith.addi %get3A_170, %add3A_235 : vector<16xi32>
        %gather3A_237 = tpu.vector_load_idx %arg10[%add3A_236] : memref<32768xf32, #tpu.memory_space<vmem>>[vector<16xi32>], vector<16xf32>,
        %mul3A_238 = arith.mulf %get3A_206, %gather3A_225 : vector<16xf32>
        %mul3A_239 = arith.mulf %get3A_212, %gather3A_229 : vector<16xf32>
        %add3A_240 = arith.addf %mul3A_238, %mul3A_239 : vector<16xf32>
        %mul3A_241 = arith.mulf %get3A_218, %gather3A_233 : vector<16xf32>
        %add3A_242 = arith.addf %add3A_240, %mul3A_241 : vector<16xf32>
        %add3A_243 = arith.addf %get3A_224, %gather3A_237 : vector<16xf32>
        %add3A_244 = arith.addf %add3A_242, %add3A_242 : vector<16xf32>
        %sub3A_245 = arith.subf %add3A_243, %add3A_244 : vector<16xf32>
        %add3A_246 = arith.addf %scan3A_166, %add3A_202 : vector<16xf32>
        %add3A_247 = arith.addf %scan3A_167, %sub3A_245 : vector<16xf32>
        scf.yield %add3A_246, %add3A_247 : vector<16xf32>, vector<16xf32>
      }
      %scan3A_71 = arith.constant 32 : i32
      %run_scoped3A_72 = arith.constant 1 : i32
      "tpu.region"() ({
        %run_scoped3A_165 = tpu.sem_alloc : memref<!tpu.dma_semaphore, #tpu.memory_space<semaphore_mem>>
        %dma_start3A = arith.constant 0 : i32
        %dma_start3A_166 = tpu.memref_slice %arg2[%run_scoped3A_72, %dma_start3A] : memref<4x24576xf32, #tpu.memory_space<hbm>> -> memref<1x24576xf32, #tpu.memory_space<hbm>>
        %dma_start3A_167 = tpu.memref_squeeze %dma_start3A_166 : memref<1x24576xf32, #tpu.memory_space<hbm>> -> memref<24576xf32, #tpu.memory_space<hbm>>
        %dma_start3A_168 = arith.constant 0 : i32
        %dma_start3A_169 = tpu.memref_slice %arg2[%run_scoped3A_72, %dma_start3A_168] : memref<4x24576xf32, #tpu.memory_space<hbm>> -> memref<1x24576xf32, #tpu.memory_space<hbm>>
        %dma_start3A_170 = tpu.memref_squeeze %dma_start3A_169 : memref<1x24576xf32, #tpu.memory_space<hbm>> -> memref<24576xf32, #tpu.memory_space<hbm>>
        tpu.enqueue_dma source(%dma_start3A_170 : memref<24576xf32, #tpu.memory_space<hbm>>) target(%arg9 : memref<24576xf32, #tpu.memory_space<vmem>>) target_semaphore(%run_scoped3A_165 : memref<!tpu.dma_semaphore, #tpu.memory_space<semaphore_mem>>)
        %dma_wait3A = arith.constant 0 : i32
        %dma_wait3A_171 = tpu.memref_slice %arg2[%run_scoped3A_72, %dma_wait3A] : memref<4x24576xf32, #tpu.memory_space<hbm>> -> memref<1x24576xf32, #tpu.memory_space<hbm>>
        %dma_wait3A_172 = tpu.memref_squeeze %dma_wait3A_171 : memref<1x24576xf32, #tpu.memory_space<hbm>> -> memref<24576xf32, #tpu.memory_space<hbm>>
        %dma_wait3A_173 = arith.constant 0 : i32
        %dma_wait3A_174 = tpu.memref_slice %arg2[%run_scoped3A_72, %dma_wait3A_173] : memref<4x24576xf32, #tpu.memory_space<hbm>> -> memref<1x24576xf32, #tpu.memory_space<hbm>>
        %dma_wait3A_175 = tpu.memref_squeeze %dma_wait3A_174 : memref<1x24576xf32, #tpu.memory_space<hbm>> -> memref<24576xf32, #tpu.memory_space<hbm>>
        tpu.wait_dma2 semaphore(%run_scoped3A_165 : memref<!tpu.dma_semaphore, #tpu.memory_space<semaphore_mem>>) src(%dma_wait3A_175 : memref<24576xf32, #tpu.memory_space<hbm>>) dst(%arg9 : memref<24576xf32, #tpu.memory_space<vmem>>)
        tpu.yield
      }) : () -> ()
      %run_scoped3A_73 = arith.constant 1 : i32
      "tpu.region"() ({
        %run_scoped3A_165 = tpu.sem_alloc : memref<!tpu.dma_semaphore, #tpu.memory_space<semaphore_mem>>
        %dma_start3A = arith.constant 0 : i32
        %dma_start3A_166 = tpu.memref_slice %arg4[%run_scoped3A_73, %dma_start3A] : memref<4x32768xf32, #tpu.memory_space<hbm>> -> memref<1x32768xf32, #tpu.memory_space<hbm>>
        %dma_start3A_167 = tpu.memref_squeeze %dma_start3A_166 : memref<1x32768xf32, #tpu.memory_space<hbm>> -> memref<32768xf32, #tpu.memory_space<hbm>>
        %dma_start3A_168 = arith.constant 0 : i32
        %dma_start3A_169 = tpu.memref_slice %arg4[%run_scoped3A_73, %dma_start3A_168] : memref<4x32768xf32, #tpu.memory_space<hbm>> -> memref<1x32768xf32, #tpu.memory_space<hbm>>
        %dma_start3A_170 = tpu.memref_squeeze %dma_start3A_169 : memref<1x32768xf32, #tpu.memory_space<hbm>> -> memref<32768xf32, #tpu.memory_space<hbm>>
        tpu.enqueue_dma source(%dma_start3A_170 : memref<32768xf32, #tpu.memory_space<hbm>>) target(%arg10 : memref<32768xf32, #tpu.memory_space<vmem>>) target_semaphore(%run_scoped3A_165 : memref<!tpu.dma_semaphore, #tpu.memory_space<semaphore_mem>>)
        %dma_wait3A = arith.constant 0 : i32
        %dma_wait3A_171 = tpu.memref_slice %arg4[%run_scoped3A_73, %dma_wait3A] : memref<4x32768xf32, #tpu.memory_space<hbm>> -> memref<1x32768xf32, #tpu.memory_space<hbm>>
        %dma_wait3A_172 = tpu.memref_squeeze %dma_wait3A_171 : memref<1x32768xf32, #tpu.memory_space<hbm>> -> memref<32768xf32, #tpu.memory_space<hbm>>
        %dma_wait3A_173 = arith.constant 0 : i32
        %dma_wait3A_174 = tpu.memref_slice %arg4[%run_scoped3A_73, %dma_wait3A_173] : memref<4x32768xf32, #tpu.memory_space<hbm>> -> memref<1x32768xf32, #tpu.memory_space<hbm>>
        %dma_wait3A_175 = tpu.memref_squeeze %dma_wait3A_174 : memref<1x32768xf32, #tpu.memory_space<hbm>> -> memref<32768xf32, #tpu.memory_space<hbm>>
        tpu.wait_dma2 semaphore(%run_scoped3A_165 : memref<!tpu.dma_semaphore, #tpu.memory_space<semaphore_mem>>) src(%dma_wait3A_175 : memref<32768xf32, #tpu.memory_space<hbm>>) dst(%arg10 : memref<32768xf32, #tpu.memory_space<vmem>>)
        tpu.yield
      }) : () -> ()
      %add3A_74 = arith.constant 0 : i32
      %add3A_75 = arith.addi %add3A_74, %mul3A_32 : i32
      %run_scoped3A_76 = arith.constant 1 : i32
      "tpu.region"() ({
        %run_scoped3A_165 = tpu.sem_alloc : memref<!tpu.dma_semaphore, #tpu.memory_space<semaphore_mem>>
        %dma_start3A = arith.constant 0 : i32
        %dma_start3A_166 = tpu.memref_slice %arg11[%dma_start3A] : memref<1536xf32, #tpu.memory_space<vmem>> -> memref<512xf32, #tpu.memory_space<vmem>>
        %dma_start3A_167 = tpu.memref_slice %arg3[%run_scoped3A_76, %add3A_75] : memref<4x24576xf32, #tpu.memory_space<hbm>> -> memref<1x512xf32, #tpu.memory_space<hbm>>
        %dma_start3A_168 = tpu.memref_squeeze %dma_start3A_167 : memref<1x512xf32, #tpu.memory_space<hbm>> -> memref<512xf32, #tpu.memory_space<hbm>>
        %dma_start3A_169 = arith.constant 0 : i32
        %dma_start3A_170 = tpu.memref_slice %arg11[%dma_start3A_169] : memref<1536xf32, #tpu.memory_space<vmem>> -> memref<512xf32, #tpu.memory_space<vmem>>
        %dma_start3A_171 = tpu.memref_slice %arg3[%run_scoped3A_76, %add3A_75] : memref<4x24576xf32, #tpu.memory_space<hbm>> -> memref<1x512xf32, #tpu.memory_space<hbm>>
        %dma_start3A_172 = tpu.memref_squeeze %dma_start3A_171 : memref<1x512xf32, #tpu.memory_space<hbm>> -> memref<512xf32, #tpu.memory_space<hbm>>
        tpu.enqueue_dma source(%dma_start3A_172 : memref<512xf32, #tpu.memory_space<hbm>>) target(%dma_start3A_170 : memref<512xf32, #tpu.memory_space<vmem>>) target_semaphore(%run_scoped3A_165 : memref<!tpu.dma_semaphore, #tpu.memory_space<semaphore_mem>>)
        %dma_wait3A = arith.constant 0 : i32
        %dma_wait3A_173 = tpu.memref_slice %arg11[%dma_wait3A] : memref<1536xf32, #tpu.memory_space<vmem>> -> memref<512xf32, #tpu.memory_space<vmem>>
        %dma_wait3A_174 = tpu.memref_slice %arg3[%run_scoped3A_76, %add3A_75] : memref<4x24576xf32, #tpu.memory_space<hbm>> -> memref<1x512xf32, #tpu.memory_space<hbm>>
        %dma_wait3A_175 = tpu.memref_squeeze %dma_wait3A_174 : memref<1x512xf32, #tpu.memory_space<hbm>> -> memref<512xf32, #tpu.memory_space<hbm>>
        %dma_wait3A_176 = arith.constant 0 : i32
        %dma_wait3A_177 = tpu.memref_slice %arg11[%dma_wait3A_176] : memref<1536xf32, #tpu.memory_space<vmem>> -> memref<512xf32, #tpu.memory_space<vmem>>
        %dma_wait3A_178 = tpu.memref_slice %arg3[%run_scoped3A_76, %add3A_75] : memref<4x24576xf32, #tpu.memory_space<hbm>> -> memref<1x512xf32, #tpu.memory_space<hbm>>
        %dma_wait3A_179 = tpu.memref_squeeze %dma_wait3A_178 : memref<1x512xf32, #tpu.memory_space<hbm>> -> memref<512xf32, #tpu.memory_space<hbm>>
        tpu.wait_dma2 semaphore(%run_scoped3A_165 : memref<!tpu.dma_semaphore, #tpu.memory_space<semaphore_mem>>) src(%dma_wait3A_179 : memref<512xf32, #tpu.memory_space<hbm>>) dst(%dma_wait3A_177 : memref<512xf32, #tpu.memory_space<vmem>>)
        tpu.yield
      }) : () -> ()
      %add3A_77 = arith.constant 8192 : i32
      %add3A_78 = arith.addi %add3A_77, %mul3A_32 : i32
      %run_scoped3A_79 = arith.constant 1 : i32
      "tpu.region"() ({
        %run_scoped3A_165 = tpu.sem_alloc : memref<!tpu.dma_semaphore, #tpu.memory_space<semaphore_mem>>
        %dma_start3A = arith.constant 512 : i32
        %dma_start3A_166 = tpu.memref_slice %arg11[%dma_start3A] : memref<1536xf32, #tpu.memory_space<vmem>> -> memref<512xf32, #tpu.memory_space<vmem>>
        %dma_start3A_167 = tpu.memref_slice %arg3[%run_scoped3A_79, %add3A_78] : memref<4x24576xf32, #tpu.memory_space<hbm>> -> memref<1x512xf32, #tpu.memory_space<hbm>>
        %dma_start3A_168 = tpu.memref_squeeze %dma_start3A_167 : memref<1x512xf32, #tpu.memory_space<hbm>> -> memref<512xf32, #tpu.memory_space<hbm>>
        %dma_start3A_169 = arith.constant 512 : i32
        %dma_start3A_170 = tpu.memref_slice %arg11[%dma_start3A_169] : memref<1536xf32, #tpu.memory_space<vmem>> -> memref<512xf32, #tpu.memory_space<vmem>>
        %dma_start3A_171 = tpu.memref_slice %arg3[%run_scoped3A_79, %add3A_78] : memref<4x24576xf32, #tpu.memory_space<hbm>> -> memref<1x512xf32, #tpu.memory_space<hbm>>
        %dma_start3A_172 = tpu.memref_squeeze %dma_start3A_171 : memref<1x512xf32, #tpu.memory_space<hbm>> -> memref<512xf32, #tpu.memory_space<hbm>>
        tpu.enqueue_dma source(%dma_start3A_172 : memref<512xf32, #tpu.memory_space<hbm>>) target(%dma_start3A_170 : memref<512xf32, #tpu.memory_space<vmem>>) target_semaphore(%run_scoped3A_165 : memref<!tpu.dma_semaphore, #tpu.memory_space<semaphore_mem>>)
        %dma_wait3A = arith.constant 512 : i32
        %dma_wait3A_173 = tpu.memref_slice %arg11[%dma_wait3A] : memref<1536xf32, #tpu.memory_space<vmem>> -> memref<512xf32, #tpu.memory_space<vmem>>
        %dma_wait3A_174 = tpu.memref_slice %arg3[%run_scoped3A_79, %add3A_78] : memref<4x24576xf32, #tpu.memory_space<hbm>> -> memref<1x512xf32, #tpu.memory_space<hbm>>
        %dma_wait3A_175 = tpu.memref_squeeze %dma_wait3A_174 : memref<1x512xf32, #tpu.memory_space<hbm>> -> memref<512xf32, #tpu.memory_space<hbm>>
        %dma_wait3A_176 = arith.constant 512 : i32
        %dma_wait3A_177 = tpu.memref_slice %arg11[%dma_wait3A_176] : memref<1536xf32, #tpu.memory_space<vmem>> -> memref<512xf32, #tpu.memory_space<vmem>>
        %dma_wait3A_178 = tpu.memref_slice %arg3[%run_scoped3A_79, %add3A_78] : memref<4x24576xf32, #tpu.memory_space<hbm>> -> memref<1x512xf32, #tpu.memory_space<hbm>>
        %dma_wait3A_179 = tpu.memref_squeeze %dma_wait3A_178 : memref<1x512xf32, #tpu.memory_space<hbm>> -> memref<512xf32, #tpu.memory_space<hbm>>
        tpu.wait_dma2 semaphore(%run_scoped3A_165 : memref<!tpu.dma_semaphore, #tpu.memory_space<semaphore_mem>>) src(%dma_wait3A_179 : memref<512xf32, #tpu.memory_space<hbm>>) dst(%dma_wait3A_177 : memref<512xf32, #tpu.memory_space<vmem>>)
        tpu.yield
      }) : () -> ()
      %add3A_80 = arith.constant 16384 : i32
      %add3A_81 = arith.addi %add3A_80, %mul3A_32 : i32
      %run_scoped3A_82 = arith.constant 1 : i32
      "tpu.region"() ({
        %run_scoped3A_165 = tpu.sem_alloc : memref<!tpu.dma_semaphore, #tpu.memory_space<semaphore_mem>>
        %dma_start3A = arith.constant 1024 : i32
        %dma_start3A_166 = tpu.memref_slice %arg11[%dma_start3A] : memref<1536xf32, #tpu.memory_space<vmem>> -> memref<512xf32, #tpu.memory_space<vmem>>
        %dma_start3A_167 = tpu.memref_slice %arg3[%run_scoped3A_82, %add3A_81] : memref<4x24576xf32, #tpu.memory_space<hbm>> -> memref<1x512xf32, #tpu.memory_space<hbm>>
        %dma_start3A_168 = tpu.memref_squeeze %dma_start3A_167 : memref<1x512xf32, #tpu.memory_space<hbm>> -> memref<512xf32, #tpu.memory_space<hbm>>
        %dma_start3A_169 = arith.constant 1024 : i32
        %dma_start3A_170 = tpu.memref_slice %arg11[%dma_start3A_169] : memref<1536xf32, #tpu.memory_space<vmem>> -> memref<512xf32, #tpu.memory_space<vmem>>
        %dma_start3A_171 = tpu.memref_slice %arg3[%run_scoped3A_82, %add3A_81] : memref<4x24576xf32, #tpu.memory_space<hbm>> -> memref<1x512xf32, #tpu.memory_space<hbm>>
        %dma_start3A_172 = tpu.memref_squeeze %dma_start3A_171 : memref<1x512xf32, #tpu.memory_space<hbm>> -> memref<512xf32, #tpu.memory_space<hbm>>
        tpu.enqueue_dma source(%dma_start3A_172 : memref<512xf32, #tpu.memory_space<hbm>>) target(%dma_start3A_170 : memref<512xf32, #tpu.memory_space<vmem>>) target_semaphore(%run_scoped3A_165 : memref<!tpu.dma_semaphore, #tpu.memory_space<semaphore_mem>>)
        %dma_wait3A = arith.constant 1024 : i32
        %dma_wait3A_173 = tpu.memref_slice %arg11[%dma_wait3A] : memref<1536xf32, #tpu.memory_space<vmem>> -> memref<512xf32, #tpu.memory_space<vmem>>
        %dma_wait3A_174 = tpu.memref_slice %arg3[%run_scoped3A_82, %add3A_81] : memref<4x24576xf32, #tpu.memory_space<hbm>> -> memref<1x512xf32, #tpu.memory_space<hbm>>
        %dma_wait3A_175 = tpu.memref_squeeze %dma_wait3A_174 : memref<1x512xf32, #tpu.memory_space<hbm>> -> memref<512xf32, #tpu.memory_space<hbm>>
        %dma_wait3A_176 = arith.constant 1024 : i32
        %dma_wait3A_177 = tpu.memref_slice %arg11[%dma_wait3A_176] : memref<1536xf32, #tpu.memory_space<vmem>> -> memref<512xf32, #tpu.memory_space<vmem>>
        %dma_wait3A_178 = tpu.memref_slice %arg3[%run_scoped3A_82, %add3A_81] : memref<4x24576xf32, #tpu.memory_space<hbm>> -> memref<1x512xf32, #tpu.memory_space<hbm>>
        %dma_wait3A_179 = tpu.memref_squeeze %dma_wait3A_178 : memref<1x512xf32, #tpu.memory_space<hbm>> -> memref<512xf32, #tpu.memory_space<hbm>>
        tpu.wait_dma2 semaphore(%run_scoped3A_165 : memref<!tpu.dma_semaphore, #tpu.memory_space<semaphore_mem>>) src(%dma_wait3A_179 : memref<512xf32, #tpu.memory_space<hbm>>) dst(%dma_wait3A_177 : memref<512xf32, #tpu.memory_space<vmem>>)
        tpu.yield
      }) : () -> ()
      %add3A_83 = arith.constant 0 : i32
      %add3A_84 = arith.addi %add3A_83, %mul3A_32 : i32
      %run_scoped3A_85 = arith.constant 1 : i32
      "tpu.region"() ({
        %run_scoped3A_165 = tpu.sem_alloc : memref<!tpu.dma_semaphore, #tpu.memory_space<semaphore_mem>>
        %dma_start3A = arith.constant 0 : i32
        %dma_start3A_166 = tpu.memref_slice %arg12[%dma_start3A] : memref<2048xf32, #tpu.memory_space<vmem>> -> memref<512xf32, #tpu.memory_space<vmem>>
        %dma_start3A_167 = tpu.memref_slice %arg5[%run_scoped3A_85, %add3A_84] : memref<4x32768xf32, #tpu.memory_space<hbm>> -> memref<1x512xf32, #tpu.memory_space<hbm>>
        %dma_start3A_168 = tpu.memref_squeeze %dma_start3A_167 : memref<1x512xf32, #tpu.memory_space<hbm>> -> memref<512xf32, #tpu.memory_space<hbm>>
        %dma_start3A_169 = arith.constant 0 : i32
        %dma_start3A_170 = tpu.memref_slice %arg12[%dma_start3A_169] : memref<2048xf32, #tpu.memory_space<vmem>> -> memref<512xf32, #tpu.memory_space<vmem>>
        %dma_start3A_171 = tpu.memref_slice %arg5[%run_scoped3A_85, %add3A_84] : memref<4x32768xf32, #tpu.memory_space<hbm>> -> memref<1x512xf32, #tpu.memory_space<hbm>>
        %dma_start3A_172 = tpu.memref_squeeze %dma_start3A_171 : memref<1x512xf32, #tpu.memory_space<hbm>> -> memref<512xf32, #tpu.memory_space<hbm>>
        tpu.enqueue_dma source(%dma_start3A_172 : memref<512xf32, #tpu.memory_space<hbm>>) target(%dma_start3A_170 : memref<512xf32, #tpu.memory_space<vmem>>) target_semaphore(%run_scoped3A_165 : memref<!tpu.dma_semaphore, #tpu.memory_space<semaphore_mem>>)
        %dma_wait3A = arith.constant 0 : i32
        %dma_wait3A_173 = tpu.memref_slice %arg12[%dma_wait3A] : memref<2048xf32, #tpu.memory_space<vmem>> -> memref<512xf32, #tpu.memory_space<vmem>>
        %dma_wait3A_174 = tpu.memref_slice %arg5[%run_scoped3A_85, %add3A_84] : memref<4x32768xf32, #tpu.memory_space<hbm>> -> memref<1x512xf32, #tpu.memory_space<hbm>>
        %dma_wait3A_175 = tpu.memref_squeeze %dma_wait3A_174 : memref<1x512xf32, #tpu.memory_space<hbm>> -> memref<512xf32, #tpu.memory_space<hbm>>
        %dma_wait3A_176 = arith.constant 0 : i32
        %dma_wait3A_177 = tpu.memref_slice %arg12[%dma_wait3A_176] : memref<2048xf32, #tpu.memory_space<vmem>> -> memref<512xf32, #tpu.memory_space<vmem>>
        %dma_wait3A_178 = tpu.memref_slice %arg5[%run_scoped3A_85, %add3A_84] : memref<4x32768xf32, #tpu.memory_space<hbm>> -> memref<1x512xf32, #tpu.memory_space<hbm>>
        %dma_wait3A_179 = tpu.memref_squeeze %dma_wait3A_178 : memref<1x512xf32, #tpu.memory_space<hbm>> -> memref<512xf32, #tpu.memory_space<hbm>>
        tpu.wait_dma2 semaphore(%run_scoped3A_165 : memref<!tpu.dma_semaphore, #tpu.memory_space<semaphore_mem>>) src(%dma_wait3A_179 : memref<512xf32, #tpu.memory_space<hbm>>) dst(%dma_wait3A_177 : memref<512xf32, #tpu.memory_space<vmem>>)
        tpu.yield
      }) : () -> ()
      %add3A_86 = arith.constant 8192 : i32
      %add3A_87 = arith.addi %add3A_86, %mul3A_32 : i32
      %run_scoped3A_88 = arith.constant 1 : i32
      "tpu.region"() ({
        %run_scoped3A_165 = tpu.sem_alloc : memref<!tpu.dma_semaphore, #tpu.memory_space<semaphore_mem>>
        %dma_start3A = arith.constant 512 : i32
        %dma_start3A_166 = tpu.memref_slice %arg12[%dma_start3A] : memref<2048xf32, #tpu.memory_space<vmem>> -> memref<512xf32, #tpu.memory_space<vmem>>
        %dma_start3A_167 = tpu.memref_slice %arg5[%run_scoped3A_88, %add3A_87] : memref<4x32768xf32, #tpu.memory_space<hbm>> -> memref<1x512xf32, #tpu.memory_space<hbm>>
        %dma_start3A_168 = tpu.memref_squeeze %dma_start3A_167 : memref<1x512xf32, #tpu.memory_space<hbm>> -> memref<512xf32, #tpu.memory_space<hbm>>
        %dma_start3A_169 = arith.constant 512 : i32
        %dma_start3A_170 = tpu.memref_slice %arg12[%dma_start3A_169] : memref<2048xf32, #tpu.memory_space<vmem>> -> memref<512xf32, #tpu.memory_space<vmem>>
        %dma_start3A_171 = tpu.memref_slice %arg5[%run_scoped3A_88, %add3A_87] : memref<4x32768xf32, #tpu.memory_space<hbm>> -> memref<1x512xf32, #tpu.memory_space<hbm>>
        %dma_start3A_172 = tpu.memref_squeeze %dma_start3A_171 : memref<1x512xf32, #tpu.memory_space<hbm>> -> memref<512xf32, #tpu.memory_space<hbm>>
        tpu.enqueue_dma source(%dma_start3A_172 : memref<512xf32, #tpu.memory_space<hbm>>) target(%dma_start3A_170 : memref<512xf32, #tpu.memory_space<vmem>>) target_semaphore(%run_scoped3A_165 : memref<!tpu.dma_semaphore, #tpu.memory_space<semaphore_mem>>)
        %dma_wait3A = arith.constant 512 : i32
        %dma_wait3A_173 = tpu.memref_slice %arg12[%dma_wait3A] : memref<2048xf32, #tpu.memory_space<vmem>> -> memref<512xf32, #tpu.memory_space<vmem>>
        %dma_wait3A_174 = tpu.memref_slice %arg5[%run_scoped3A_88, %add3A_87] : memref<4x32768xf32, #tpu.memory_space<hbm>> -> memref<1x512xf32, #tpu.memory_space<hbm>>
        %dma_wait3A_175 = tpu.memref_squeeze %dma_wait3A_174 : memref<1x512xf32, #tpu.memory_space<hbm>> -> memref<512xf32, #tpu.memory_space<hbm>>
        %dma_wait3A_176 = arith.constant 512 : i32
        %dma_wait3A_177 = tpu.memref_slice %arg12[%dma_wait3A_176] : memref<2048xf32, #tpu.memory_space<vmem>> -> memref<512xf32, #tpu.memory_space<vmem>>
        %dma_wait3A_178 = tpu.memref_slice %arg5[%run_scoped3A_88, %add3A_87] : memref<4x32768xf32, #tpu.memory_space<hbm>> -> memref<1x512xf32, #tpu.memory_space<hbm>>
        %dma_wait3A_179 = tpu.memref_squeeze %dma_wait3A_178 : memref<1x512xf32, #tpu.memory_space<hbm>> -> memref<512xf32, #tpu.memory_space<hbm>>
        tpu.wait_dma2 semaphore(%run_scoped3A_165 : memref<!tpu.dma_semaphore, #tpu.memory_space<semaphore_mem>>) src(%dma_wait3A_179 : memref<512xf32, #tpu.memory_space<hbm>>) dst(%dma_wait3A_177 : memref<512xf32, #tpu.memory_space<vmem>>)
        tpu.yield
      }) : () -> ()
      %add3A_89 = arith.constant 16384 : i32
      %add3A_90 = arith.addi %add3A_89, %mul3A_32 : i32
      %run_scoped3A_91 = arith.constant 1 : i32
      "tpu.region"() ({
        %run_scoped3A_165 = tpu.sem_alloc : memref<!tpu.dma_semaphore, #tpu.memory_space<semaphore_mem>>
        %dma_start3A = arith.constant 1024 : i32
        %dma_start3A_166 = tpu.memref_slice %arg12[%dma_start3A] : memref<2048xf32, #tpu.memory_space<vmem>> -> memref<512xf32, #tpu.memory_space<vmem>>
        %dma_start3A_167 = tpu.memref_slice %arg5[%run_scoped3A_91, %add3A_90] : memref<4x32768xf32, #tpu.memory_space<hbm>> -> memref<1x512xf32, #tpu.memory_space<hbm>>
        %dma_start3A_168 = tpu.memref_squeeze %dma_start3A_167 : memref<1x512xf32, #tpu.memory_space<hbm>> -> memref<512xf32, #tpu.memory_space<hbm>>
        %dma_start3A_169 = arith.constant 1024 : i32
        %dma_start3A_170 = tpu.memref_slice %arg12[%dma_start3A_169] : memref<2048xf32, #tpu.memory_space<vmem>> -> memref<512xf32, #tpu.memory_space<vmem>>
        %dma_start3A_171 = tpu.memref_slice %arg5[%run_scoped3A_91, %add3A_90] : memref<4x32768xf32, #tpu.memory_space<hbm>> -> memref<1x512xf32, #tpu.memory_space<hbm>>
        %dma_start3A_172 = tpu.memref_squeeze %dma_start3A_171 : memref<1x512xf32, #tpu.memory_space<hbm>> -> memref<512xf32, #tpu.memory_space<hbm>>
        tpu.enqueue_dma source(%dma_start3A_172 : memref<512xf32, #tpu.memory_space<hbm>>) target(%dma_start3A_170 : memref<512xf32, #tpu.memory_space<vmem>>) target_semaphore(%run_scoped3A_165 : memref<!tpu.dma_semaphore, #tpu.memory_space<semaphore_mem>>)
        %dma_wait3A = arith.constant 1024 : i32
        %dma_wait3A_173 = tpu.memref_slice %arg12[%dma_wait3A] : memref<2048xf32, #tpu.memory_space<vmem>> -> memref<512xf32, #tpu.memory_space<vmem>>
        %dma_wait3A_174 = tpu.memref_slice %arg5[%run_scoped3A_91, %add3A_90] : memref<4x32768xf32, #tpu.memory_space<hbm>> -> memref<1x512xf32, #tpu.memory_space<hbm>>
        %dma_wait3A_175 = tpu.memref_squeeze %dma_wait3A_174 : memref<1x512xf32, #tpu.memory_space<hbm>> -> memref<512xf32, #tpu.memory_space<hbm>>
        %dma_wait3A_176 = arith.constant 1024 : i32
        %dma_wait3A_177 = tpu.memref_slice %arg12[%dma_wait3A_176] : memref<2048xf32, #tpu.memory_space<vmem>> -> memref<512xf32, #tpu.memory_space<vmem>>
        %dma_wait3A_178 = tpu.memref_slice %arg5[%run_scoped3A_91, %add3A_90] : memref<4x32768xf32, #tpu.memory_space<hbm>> -> memref<1x512xf32, #tpu.memory_space<hbm>>
        %dma_wait3A_179 = tpu.memref_squeeze %dma_wait3A_178 : memref<1x512xf32, #tpu.memory_space<hbm>> -> memref<512xf32, #tpu.memory_space<hbm>>
        tpu.wait_dma2 semaphore(%run_scoped3A_165 : memref<!tpu.dma_semaphore, #tpu.memory_space<semaphore_mem>>) src(%dma_wait3A_179 : memref<512xf32, #tpu.memory_space<hbm>>) dst(%dma_wait3A_177 : memref<512xf32, #tpu.memory_space<vmem>>)
        tpu.yield
      }) : () -> ()
      %add3A_92 = arith.constant 24576 : i32
      %add3A_93 = arith.addi %add3A_92, %mul3A_32 : i32
      %run_scoped3A_94 = arith.constant 1 : i32
      "tpu.region"() ({
        %run_scoped3A_165 = tpu.sem_alloc : memref<!tpu.dma_semaphore, #tpu.memory_space<semaphore_mem>>
        %dma_start3A = arith.constant 1536 : i32
        %dma_start3A_166 = tpu.memref_slice %arg12[%dma_start3A] : memref<2048xf32, #tpu.memory_space<vmem>> -> memref<512xf32, #tpu.memory_space<vmem>>
        %dma_start3A_167 = tpu.memref_slice %arg5[%run_scoped3A_94, %add3A_93] : memref<4x32768xf32, #tpu.memory_space<hbm>> -> memref<1x512xf32, #tpu.memory_space<hbm>>
        %dma_start3A_168 = tpu.memref_squeeze %dma_start3A_167 : memref<1x512xf32, #tpu.memory_space<hbm>> -> memref<512xf32, #tpu.memory_space<hbm>>
        %dma_start3A_169 = arith.constant 1536 : i32
        %dma_start3A_170 = tpu.memref_slice %arg12[%dma_start3A_169] : memref<2048xf32, #tpu.memory_space<vmem>> -> memref<512xf32, #tpu.memory_space<vmem>>
        %dma_start3A_171 = tpu.memref_slice %arg5[%run_scoped3A_94, %add3A_93] : memref<4x32768xf32, #tpu.memory_space<hbm>> -> memref<1x512xf32, #tpu.memory_space<hbm>>
        %dma_start3A_172 = tpu.memref_squeeze %dma_start3A_171 : memref<1x512xf32, #tpu.memory_space<hbm>> -> memref<512xf32, #tpu.memory_space<hbm>>
        tpu.enqueue_dma source(%dma_start3A_172 : memref<512xf32, #tpu.memory_space<hbm>>) target(%dma_start3A_170 : memref<512xf32, #tpu.memory_space<vmem>>) target_semaphore(%run_scoped3A_165 : memref<!tpu.dma_semaphore, #tpu.memory_space<semaphore_mem>>)
        %dma_wait3A = arith.constant 1536 : i32
        %dma_wait3A_173 = tpu.memref_slice %arg12[%dma_wait3A] : memref<2048xf32, #tpu.memory_space<vmem>> -> memref<512xf32, #tpu.memory_space<vmem>>
        %dma_wait3A_174 = tpu.memref_slice %arg5[%run_scoped3A_94, %add3A_93] : memref<4x32768xf32, #tpu.memory_space<hbm>> -> memref<1x512xf32, #tpu.memory_space<hbm>>
        %dma_wait3A_175 = tpu.memref_squeeze %dma_wait3A_174 : memref<1x512xf32, #tpu.memory_space<hbm>> -> memref<512xf32, #tpu.memory_space<hbm>>
        %dma_wait3A_176 = arith.constant 1536 : i32
        %dma_wait3A_177 = tpu.memref_slice %arg12[%dma_wait3A_176] : memref<2048xf32, #tpu.memory_space<vmem>> -> memref<512xf32, #tpu.memory_space<vmem>>
        %dma_wait3A_178 = tpu.memref_slice %arg5[%run_scoped3A_94, %add3A_93] : memref<4x32768xf32, #tpu.memory_space<hbm>> -> memref<1x512xf32, #tpu.memory_space<hbm>>
        %dma_wait3A_179 = tpu.memref_squeeze %dma_wait3A_178 : memref<1x512xf32, #tpu.memory_space<hbm>> -> memref<512xf32, #tpu.memory_space<hbm>>
        tpu.wait_dma2 semaphore(%run_scoped3A_165 : memref<!tpu.dma_semaphore, #tpu.memory_space<semaphore_mem>>) src(%dma_wait3A_179 : memref<512xf32, #tpu.memory_space<hbm>>) dst(%dma_wait3A_177 : memref<512xf32, #tpu.memory_space<vmem>>)
        tpu.yield
      }) : () -> ()
      %run_scoped3A_95 = arith.constant 1 : i32
      "tpu.region"() ({
        %run_scoped3A_165 = tpu.sem_alloc : memref<!tpu.dma_semaphore, #tpu.memory_space<semaphore_mem>>
        %dma_start3A = tpu.memref_slice %arg7[%run_scoped3A_95, %mul3A_32] : memref<4x8192xi32, #tpu.memory_space<hbm>> -> memref<1x512xi32, #tpu.memory_space<hbm>>
        %dma_start3A_166 = tpu.memref_squeeze %dma_start3A : memref<1x512xi32, #tpu.memory_space<hbm>> -> memref<512xi32, #tpu.memory_space<hbm>>
        %dma_start3A_167 = tpu.memref_slice %arg7[%run_scoped3A_95, %mul3A_32] : memref<4x8192xi32, #tpu.memory_space<hbm>> -> memref<1x512xi32, #tpu.memory_space<hbm>>
        %dma_start3A_168 = tpu.memref_squeeze %dma_start3A_167 : memref<1x512xi32, #tpu.memory_space<hbm>> -> memref<512xi32, #tpu.memory_space<hbm>>
        tpu.enqueue_dma source(%dma_start3A_168 : memref<512xi32, #tpu.memory_space<hbm>>) target(%arg13 : memref<512xi32, #tpu.memory_space<vmem>>) target_semaphore(%run_scoped3A_165 : memref<!tpu.dma_semaphore, #tpu.memory_space<semaphore_mem>>)
        %dma_wait3A = tpu.memref_slice %arg7[%run_scoped3A_95, %mul3A_32] : memref<4x8192xi32, #tpu.memory_space<hbm>> -> memref<1x512xi32, #tpu.memory_space<hbm>>
        %dma_wait3A_169 = tpu.memref_squeeze %dma_wait3A : memref<1x512xi32, #tpu.memory_space<hbm>> -> memref<512xi32, #tpu.memory_space<hbm>>
        %dma_wait3A_170 = tpu.memref_slice %arg7[%run_scoped3A_95, %mul3A_32] : memref<4x8192xi32, #tpu.memory_space<hbm>> -> memref<1x512xi32, #tpu.memory_space<hbm>>
        %dma_wait3A_171 = tpu.memref_squeeze %dma_wait3A_170 : memref<1x512xi32, #tpu.memory_space<hbm>> -> memref<512xi32, #tpu.memory_space<hbm>>
        tpu.wait_dma2 semaphore(%run_scoped3A_165 : memref<!tpu.dma_semaphore, #tpu.memory_space<semaphore_mem>>) src(%dma_wait3A_171 : memref<512xi32, #tpu.memory_space<hbm>>) dst(%arg13 : memref<512xi32, #tpu.memory_space<vmem>>)
        tpu.yield
      }) : () -> ()
      %scan3A_96 = arith.constant 0 : i32
      %scan3A_97 = arith.constant 32 : i32
      %scan3A_98 = arith.addi %scan3A_96, %scan3A_97 : i32
      %scan3A_99 = arith.constant 1 : i32
      %scan3A_100:2 = scf.for %scan3A_165 = %scan3A_96 to %scan3A_98 step %scan3A_99 iter_args(%scan3A_166 = %scan3A_70#0, %scan3A_167 = %scan3A_70#1) -> (vector<16xf32>, vector<16xf32>)  : i32 {
        %mul3A_168 = arith.constant 16 : i32
        %mul3A_169 = arith.muli %scan3A_165, %mul3A_168 : i32
        %get3A = arith.index_cast %mul3A_169 : i32 to index
        %get3A_170 = tpu.vector_load %arg13[%get3A] {strides = array<i32>} : memref<512xi32, #tpu.memory_space<vmem>>, vector<16xi32>,
        %mul3A_171 = arith.constant 16 : i32
        %mul3A_172 = arith.muli %scan3A_165, %mul3A_171 : i32
        %get3A_173 = arith.index_cast %mul3A_172 : i32 to index
        %get3A_174 = tpu.vector_load %arg11[%get3A_173] {strides = array<i32>} : memref<1536xf32, #tpu.memory_space<vmem>>, vector<16xf32>,
        %gather3A = tpu.vector_load_idx %arg9[%get3A_170] : memref<24576xf32, #tpu.memory_space<vmem>>[vector<16xi32>], vector<16xf32>,
        %sub3A_175 = arith.subf %get3A_174, %gather3A : vector<16xf32>
        %mul3A_176 = arith.constant 16 : i32
        %mul3A_177 = arith.muli %scan3A_165, %mul3A_176 : i32
        %add3A_178 = arith.constant 512 : i32
        %add3A_179 = arith.addi %add3A_178, %mul3A_177 : i32
        %get3A_180 = arith.index_cast %add3A_179 : i32 to index
        %get3A_181 = tpu.vector_load %arg11[%get3A_180] {strides = array<i32>} : memref<1536xf32, #tpu.memory_space<vmem>>, vector<16xf32>,
        %add3A_182 = arith.constant 8192 : i32
        %add3A_183 = vector.broadcast %add3A_182 : i32 to vector<16xi32>
        %add3A_184 = arith.addi %get3A_170, %add3A_183 : vector<16xi32>
        %gather3A_185 = tpu.vector_load_idx %arg9[%add3A_184] : memref<24576xf32, #tpu.memory_space<vmem>>[vector<16xi32>], vector<16xf32>,
        %sub3A_186 = arith.subf %get3A_181, %gather3A_185 : vector<16xf32>
        %mul3A_187 = arith.constant 16 : i32
        %mul3A_188 = arith.muli %scan3A_165, %mul3A_187 : i32
        %add3A_189 = arith.constant 1024 : i32
        %add3A_190 = arith.addi %add3A_189, %mul3A_188 : i32
        %get3A_191 = arith.index_cast %add3A_190 : i32 to index
        %get3A_192 = tpu.vector_load %arg11[%get3A_191] {strides = array<i32>} : memref<1536xf32, #tpu.memory_space<vmem>>, vector<16xf32>,
        %add3A_193 = arith.constant 16384 : i32
        %add3A_194 = vector.broadcast %add3A_193 : i32 to vector<16xi32>
        %add3A_195 = arith.addi %get3A_170, %add3A_194 : vector<16xi32>
        %gather3A_196 = tpu.vector_load_idx %arg9[%add3A_195] : memref<24576xf32, #tpu.memory_space<vmem>>[vector<16xi32>], vector<16xf32>,
        %sub3A_197 = arith.subf %get3A_192, %gather3A_196 : vector<16xf32>
        %mul3A_198 = arith.mulf %sub3A_175, %sub3A_175 : vector<16xf32>
        %mul3A_199 = arith.mulf %sub3A_186, %sub3A_186 : vector<16xf32>
        %add3A_200 = arith.addf %mul3A_198, %mul3A_199 : vector<16xf32>
        %mul3A_201 = arith.mulf %sub3A_197, %sub3A_197 : vector<16xf32>
        %add3A_202 = arith.addf %add3A_200, %mul3A_201 : vector<16xf32>
        %mul3A_203 = arith.constant 16 : i32
        %mul3A_204 = arith.muli %scan3A_165, %mul3A_203 : i32
        %get3A_205 = arith.index_cast %mul3A_204 : i32 to index
        %get3A_206 = tpu.vector_load %arg12[%get3A_205] {strides = array<i32>} : memref<2048xf32, #tpu.memory_space<vmem>>, vector<16xf32>,
        %mul3A_207 = arith.constant 16 : i32
        %mul3A_208 = arith.muli %scan3A_165, %mul3A_207 : i32
        %add3A_209 = arith.constant 512 : i32
        %add3A_210 = arith.addi %add3A_209, %mul3A_208 : i32
        %get3A_211 = arith.index_cast %add3A_210 : i32 to index
        %get3A_212 = tpu.vector_load %arg12[%get3A_211] {strides = array<i32>} : memref<2048xf32, #tpu.memory_space<vmem>>, vector<16xf32>,
        %mul3A_213 = arith.constant 16 : i32
        %mul3A_214 = arith.muli %scan3A_165, %mul3A_213 : i32
        %add3A_215 = arith.constant 1024 : i32
        %add3A_216 = arith.addi %add3A_215, %mul3A_214 : i32
        %get3A_217 = arith.index_cast %add3A_216 : i32 to index
        %get3A_218 = tpu.vector_load %arg12[%get3A_217] {strides = array<i32>} : memref<2048xf32, #tpu.memory_space<vmem>>, vector<16xf32>,
        %mul3A_219 = arith.constant 16 : i32
        %mul3A_220 = arith.muli %scan3A_165, %mul3A_219 : i32
        %add3A_221 = arith.constant 1536 : i32
        %add3A_222 = arith.addi %add3A_221, %mul3A_220 : i32
        %get3A_223 = arith.index_cast %add3A_222 : i32 to index
        %get3A_224 = tpu.vector_load %arg12[%get3A_223] {strides = array<i32>} : memref<2048xf32, #tpu.memory_space<vmem>>, vector<16xf32>,
        %gather3A_225 = tpu.vector_load_idx %arg10[%get3A_170] : memref<32768xf32, #tpu.memory_space<vmem>>[vector<16xi32>], vector<16xf32>,
        %add3A_226 = arith.constant 8192 : i32
        %add3A_227 = vector.broadcast %add3A_226 : i32 to vector<16xi32>
        %add3A_228 = arith.addi %get3A_170, %add3A_227 : vector<16xi32>
        %gather3A_229 = tpu.vector_load_idx %arg10[%add3A_228] : memref<32768xf32, #tpu.memory_space<vmem>>[vector<16xi32>], vector<16xf32>,
        %add3A_230 = arith.constant 16384 : i32
        %add3A_231 = vector.broadcast %add3A_230 : i32 to vector<16xi32>
        %add3A_232 = arith.addi %get3A_170, %add3A_231 : vector<16xi32>
        %gather3A_233 = tpu.vector_load_idx %arg10[%add3A_232] : memref<32768xf32, #tpu.memory_space<vmem>>[vector<16xi32>], vector<16xf32>,
        %add3A_234 = arith.constant 24576 : i32
        %add3A_235 = vector.broadcast %add3A_234 : i32 to vector<16xi32>
        %add3A_236 = arith.addi %get3A_170, %add3A_235 : vector<16xi32>
        %gather3A_237 = tpu.vector_load_idx %arg10[%add3A_236] : memref<32768xf32, #tpu.memory_space<vmem>>[vector<16xi32>], vector<16xf32>,
        %mul3A_238 = arith.mulf %get3A_206, %gather3A_225 : vector<16xf32>
        %mul3A_239 = arith.mulf %get3A_212, %gather3A_229 : vector<16xf32>
        %add3A_240 = arith.addf %mul3A_238, %mul3A_239 : vector<16xf32>
        %mul3A_241 = arith.mulf %get3A_218, %gather3A_233 : vector<16xf32>
        %add3A_242 = arith.addf %add3A_240, %mul3A_241 : vector<16xf32>
        %add3A_243 = arith.addf %get3A_224, %gather3A_237 : vector<16xf32>
        %add3A_244 = arith.addf %add3A_242, %add3A_242 : vector<16xf32>
        %sub3A_245 = arith.subf %add3A_243, %add3A_244 : vector<16xf32>
        %add3A_246 = arith.addf %scan3A_166, %add3A_202 : vector<16xf32>
        %add3A_247 = arith.addf %scan3A_167, %sub3A_245 : vector<16xf32>
        scf.yield %add3A_246, %add3A_247 : vector<16xf32>, vector<16xf32>
      }
      %scan3A_101 = arith.constant 32 : i32
      %run_scoped3A_102 = arith.constant 2 : i32
      "tpu.region"() ({
        %run_scoped3A_165 = tpu.sem_alloc : memref<!tpu.dma_semaphore, #tpu.memory_space<semaphore_mem>>
        %dma_start3A = arith.constant 0 : i32
        %dma_start3A_166 = tpu.memref_slice %arg2[%run_scoped3A_102, %dma_start3A] : memref<4x24576xf32, #tpu.memory_space<hbm>> -> memref<1x24576xf32, #tpu.memory_space<hbm>>
        %dma_start3A_167 = tpu.memref_squeeze %dma_start3A_166 : memref<1x24576xf32, #tpu.memory_space<hbm>> -> memref<24576xf32, #tpu.memory_space<hbm>>
        %dma_start3A_168 = arith.constant 0 : i32
        %dma_start3A_169 = tpu.memref_slice %arg2[%run_scoped3A_102, %dma_start3A_168] : memref<4x24576xf32, #tpu.memory_space<hbm>> -> memref<1x24576xf32, #tpu.memory_space<hbm>>
        %dma_start3A_170 = tpu.memref_squeeze %dma_start3A_169 : memref<1x24576xf32, #tpu.memory_space<hbm>> -> memref<24576xf32, #tpu.memory_space<hbm>>
        tpu.enqueue_dma source(%dma_start3A_170 : memref<24576xf32, #tpu.memory_space<hbm>>) target(%arg9 : memref<24576xf32, #tpu.memory_space<vmem>>) target_semaphore(%run_scoped3A_165 : memref<!tpu.dma_semaphore, #tpu.memory_space<semaphore_mem>>)
        %dma_wait3A = arith.constant 0 : i32
        %dma_wait3A_171 = tpu.memref_slice %arg2[%run_scoped3A_102, %dma_wait3A] : memref<4x24576xf32, #tpu.memory_space<hbm>> -> memref<1x24576xf32, #tpu.memory_space<hbm>>
        %dma_wait3A_172 = tpu.memref_squeeze %dma_wait3A_171 : memref<1x24576xf32, #tpu.memory_space<hbm>> -> memref<24576xf32, #tpu.memory_space<hbm>>
        %dma_wait3A_173 = arith.constant 0 : i32
        %dma_wait3A_174 = tpu.memref_slice %arg2[%run_scoped3A_102, %dma_wait3A_173] : memref<4x24576xf32, #tpu.memory_space<hbm>> -> memref<1x24576xf32, #tpu.memory_space<hbm>>
        %dma_wait3A_175 = tpu.memref_squeeze %dma_wait3A_174 : memref<1x24576xf32, #tpu.memory_space<hbm>> -> memref<24576xf32, #tpu.memory_space<hbm>>
        tpu.wait_dma2 semaphore(%run_scoped3A_165 : memref<!tpu.dma_semaphore, #tpu.memory_space<semaphore_mem>>) src(%dma_wait3A_175 : memref<24576xf32, #tpu.memory_space<hbm>>) dst(%arg9 : memref<24576xf32, #tpu.memory_space<vmem>>)
        tpu.yield
      }) : () -> ()
      %run_scoped3A_103 = arith.constant 2 : i32
      "tpu.region"() ({
        %run_scoped3A_165 = tpu.sem_alloc : memref<!tpu.dma_semaphore, #tpu.memory_space<semaphore_mem>>
        %dma_start3A = arith.constant 0 : i32
        %dma_start3A_166 = tpu.memref_slice %arg4[%run_scoped3A_103, %dma_start3A] : memref<4x32768xf32, #tpu.memory_space<hbm>> -> memref<1x32768xf32, #tpu.memory_space<hbm>>
        %dma_start3A_167 = tpu.memref_squeeze %dma_start3A_166 : memref<1x32768xf32, #tpu.memory_space<hbm>> -> memref<32768xf32, #tpu.memory_space<hbm>>
        %dma_start3A_168 = arith.constant 0 : i32
        %dma_start3A_169 = tpu.memref_slice %arg4[%run_scoped3A_103, %dma_start3A_168] : memref<4x32768xf32, #tpu.memory_space<hbm>> -> memref<1x32768xf32, #tpu.memory_space<hbm>>
        %dma_start3A_170 = tpu.memref_squeeze %dma_start3A_169 : memref<1x32768xf32, #tpu.memory_space<hbm>> -> memref<32768xf32, #tpu.memory_space<hbm>>
        tpu.enqueue_dma source(%dma_start3A_170 : memref<32768xf32, #tpu.memory_space<hbm>>) target(%arg10 : memref<32768xf32, #tpu.memory_space<vmem>>) target_semaphore(%run_scoped3A_165 : memref<!tpu.dma_semaphore, #tpu.memory_space<semaphore_mem>>)
        %dma_wait3A = arith.constant 0 : i32
        %dma_wait3A_171 = tpu.memref_slice %arg4[%run_scoped3A_103, %dma_wait3A] : memref<4x32768xf32, #tpu.memory_space<hbm>> -> memref<1x32768xf32, #tpu.memory_space<hbm>>
        %dma_wait3A_172 = tpu.memref_squeeze %dma_wait3A_171 : memref<1x32768xf32, #tpu.memory_space<hbm>> -> memref<32768xf32, #tpu.memory_space<hbm>>
        %dma_wait3A_173 = arith.constant 0 : i32
        %dma_wait3A_174 = tpu.memref_slice %arg4[%run_scoped3A_103, %dma_wait3A_173] : memref<4x32768xf32, #tpu.memory_space<hbm>> -> memref<1x32768xf32, #tpu.memory_space<hbm>>
        %dma_wait3A_175 = tpu.memref_squeeze %dma_wait3A_174 : memref<1x32768xf32, #tpu.memory_space<hbm>> -> memref<32768xf32, #tpu.memory_space<hbm>>
        tpu.wait_dma2 semaphore(%run_scoped3A_165 : memref<!tpu.dma_semaphore, #tpu.memory_space<semaphore_mem>>) src(%dma_wait3A_175 : memref<32768xf32, #tpu.memory_space<hbm>>) dst(%arg10 : memref<32768xf32, #tpu.memory_space<vmem>>)
        tpu.yield
      }) : () -> ()
      %add3A_104 = arith.constant 0 : i32
      %add3A_105 = arith.addi %add3A_104, %mul3A_32 : i32
      %run_scoped3A_106 = arith.constant 2 : i32
      "tpu.region"() ({
        %run_scoped3A_165 = tpu.sem_alloc : memref<!tpu.dma_semaphore, #tpu.memory_space<semaphore_mem>>
        %dma_start3A = arith.constant 0 : i32
        %dma_start3A_166 = tpu.memref_slice %arg11[%dma_start3A] : memref<1536xf32, #tpu.memory_space<vmem>> -> memref<512xf32, #tpu.memory_space<vmem>>
        %dma_start3A_167 = tpu.memref_slice %arg3[%run_scoped3A_106, %add3A_105] : memref<4x24576xf32, #tpu.memory_space<hbm>> -> memref<1x512xf32, #tpu.memory_space<hbm>>
        %dma_start3A_168 = tpu.memref_squeeze %dma_start3A_167 : memref<1x512xf32, #tpu.memory_space<hbm>> -> memref<512xf32, #tpu.memory_space<hbm>>
        %dma_start3A_169 = arith.constant 0 : i32
        %dma_start3A_170 = tpu.memref_slice %arg11[%dma_start3A_169] : memref<1536xf32, #tpu.memory_space<vmem>> -> memref<512xf32, #tpu.memory_space<vmem>>
        %dma_start3A_171 = tpu.memref_slice %arg3[%run_scoped3A_106, %add3A_105] : memref<4x24576xf32, #tpu.memory_space<hbm>> -> memref<1x512xf32, #tpu.memory_space<hbm>>
        %dma_start3A_172 = tpu.memref_squeeze %dma_start3A_171 : memref<1x512xf32, #tpu.memory_space<hbm>> -> memref<512xf32, #tpu.memory_space<hbm>>
        tpu.enqueue_dma source(%dma_start3A_172 : memref<512xf32, #tpu.memory_space<hbm>>) target(%dma_start3A_170 : memref<512xf32, #tpu.memory_space<vmem>>) target_semaphore(%run_scoped3A_165 : memref<!tpu.dma_semaphore, #tpu.memory_space<semaphore_mem>>)
        %dma_wait3A = arith.constant 0 : i32
        %dma_wait3A_173 = tpu.memref_slice %arg11[%dma_wait3A] : memref<1536xf32, #tpu.memory_space<vmem>> -> memref<512xf32, #tpu.memory_space<vmem>>
        %dma_wait3A_174 = tpu.memref_slice %arg3[%run_scoped3A_106, %add3A_105] : memref<4x24576xf32, #tpu.memory_space<hbm>> -> memref<1x512xf32, #tpu.memory_space<hbm>>
        %dma_wait3A_175 = tpu.memref_squeeze %dma_wait3A_174 : memref<1x512xf32, #tpu.memory_space<hbm>> -> memref<512xf32, #tpu.memory_space<hbm>>
        %dma_wait3A_176 = arith.constant 0 : i32
        %dma_wait3A_177 = tpu.memref_slice %arg11[%dma_wait3A_176] : memref<1536xf32, #tpu.memory_space<vmem>> -> memref<512xf32, #tpu.memory_space<vmem>>
        %dma_wait3A_178 = tpu.memref_slice %arg3[%run_scoped3A_106, %add3A_105] : memref<4x24576xf32, #tpu.memory_space<hbm>> -> memref<1x512xf32, #tpu.memory_space<hbm>>
        %dma_wait3A_179 = tpu.memref_squeeze %dma_wait3A_178 : memref<1x512xf32, #tpu.memory_space<hbm>> -> memref<512xf32, #tpu.memory_space<hbm>>
        tpu.wait_dma2 semaphore(%run_scoped3A_165 : memref<!tpu.dma_semaphore, #tpu.memory_space<semaphore_mem>>) src(%dma_wait3A_179 : memref<512xf32, #tpu.memory_space<hbm>>) dst(%dma_wait3A_177 : memref<512xf32, #tpu.memory_space<vmem>>)
        tpu.yield
      }) : () -> ()
      %add3A_107 = arith.constant 8192 : i32
      %add3A_108 = arith.addi %add3A_107, %mul3A_32 : i32
      %run_scoped3A_109 = arith.constant 2 : i32
      "tpu.region"() ({
        %run_scoped3A_165 = tpu.sem_alloc : memref<!tpu.dma_semaphore, #tpu.memory_space<semaphore_mem>>
        %dma_start3A = arith.constant 512 : i32
        %dma_start3A_166 = tpu.memref_slice %arg11[%dma_start3A] : memref<1536xf32, #tpu.memory_space<vmem>> -> memref<512xf32, #tpu.memory_space<vmem>>
        %dma_start3A_167 = tpu.memref_slice %arg3[%run_scoped3A_109, %add3A_108] : memref<4x24576xf32, #tpu.memory_space<hbm>> -> memref<1x512xf32, #tpu.memory_space<hbm>>
        %dma_start3A_168 = tpu.memref_squeeze %dma_start3A_167 : memref<1x512xf32, #tpu.memory_space<hbm>> -> memref<512xf32, #tpu.memory_space<hbm>>
        %dma_start3A_169 = arith.constant 512 : i32
        %dma_start3A_170 = tpu.memref_slice %arg11[%dma_start3A_169] : memref<1536xf32, #tpu.memory_space<vmem>> -> memref<512xf32, #tpu.memory_space<vmem>>
        %dma_start3A_171 = tpu.memref_slice %arg3[%run_scoped3A_109, %add3A_108] : memref<4x24576xf32, #tpu.memory_space<hbm>> -> memref<1x512xf32, #tpu.memory_space<hbm>>
        %dma_start3A_172 = tpu.memref_squeeze %dma_start3A_171 : memref<1x512xf32, #tpu.memory_space<hbm>> -> memref<512xf32, #tpu.memory_space<hbm>>
        tpu.enqueue_dma source(%dma_start3A_172 : memref<512xf32, #tpu.memory_space<hbm>>) target(%dma_start3A_170 : memref<512xf32, #tpu.memory_space<vmem>>) target_semaphore(%run_scoped3A_165 : memref<!tpu.dma_semaphore, #tpu.memory_space<semaphore_mem>>)
        %dma_wait3A = arith.constant 512 : i32
        %dma_wait3A_173 = tpu.memref_slice %arg11[%dma_wait3A] : memref<1536xf32, #tpu.memory_space<vmem>> -> memref<512xf32, #tpu.memory_space<vmem>>
        %dma_wait3A_174 = tpu.memref_slice %arg3[%run_scoped3A_109, %add3A_108] : memref<4x24576xf32, #tpu.memory_space<hbm>> -> memref<1x512xf32, #tpu.memory_space<hbm>>
        %dma_wait3A_175 = tpu.memref_squeeze %dma_wait3A_174 : memref<1x512xf32, #tpu.memory_space<hbm>> -> memref<512xf32, #tpu.memory_space<hbm>>
        %dma_wait3A_176 = arith.constant 512 : i32
        %dma_wait3A_177 = tpu.memref_slice %arg11[%dma_wait3A_176] : memref<1536xf32, #tpu.memory_space<vmem>> -> memref<512xf32, #tpu.memory_space<vmem>>
        %dma_wait3A_178 = tpu.memref_slice %arg3[%run_scoped3A_109, %add3A_108] : memref<4x24576xf32, #tpu.memory_space<hbm>> -> memref<1x512xf32, #tpu.memory_space<hbm>>
        %dma_wait3A_179 = tpu.memref_squeeze %dma_wait3A_178 : memref<1x512xf32, #tpu.memory_space<hbm>> -> memref<512xf32, #tpu.memory_space<hbm>>
        tpu.wait_dma2 semaphore(%run_scoped3A_165 : memref<!tpu.dma_semaphore, #tpu.memory_space<semaphore_mem>>) src(%dma_wait3A_179 : memref<512xf32, #tpu.memory_space<hbm>>) dst(%dma_wait3A_177 : memref<512xf32, #tpu.memory_space<vmem>>)
        tpu.yield
      }) : () -> ()
      %add3A_110 = arith.constant 16384 : i32
      %add3A_111 = arith.addi %add3A_110, %mul3A_32 : i32
      %run_scoped3A_112 = arith.constant 2 : i32
      "tpu.region"() ({
        %run_scoped3A_165 = tpu.sem_alloc : memref<!tpu.dma_semaphore, #tpu.memory_space<semaphore_mem>>
        %dma_start3A = arith.constant 1024 : i32
        %dma_start3A_166 = tpu.memref_slice %arg11[%dma_start3A] : memref<1536xf32, #tpu.memory_space<vmem>> -> memref<512xf32, #tpu.memory_space<vmem>>
        %dma_start3A_167 = tpu.memref_slice %arg3[%run_scoped3A_112, %add3A_111] : memref<4x24576xf32, #tpu.memory_space<hbm>> -> memref<1x512xf32, #tpu.memory_space<hbm>>
        %dma_start3A_168 = tpu.memref_squeeze %dma_start3A_167 : memref<1x512xf32, #tpu.memory_space<hbm>> -> memref<512xf32, #tpu.memory_space<hbm>>
        %dma_start3A_169 = arith.constant 1024 : i32
        %dma_start3A_170 = tpu.memref_slice %arg11[%dma_start3A_169] : memref<1536xf32, #tpu.memory_space<vmem>> -> memref<512xf32, #tpu.memory_space<vmem>>
        %dma_start3A_171 = tpu.memref_slice %arg3[%run_scoped3A_112, %add3A_111] : memref<4x24576xf32, #tpu.memory_space<hbm>> -> memref<1x512xf32, #tpu.memory_space<hbm>>
        %dma_start3A_172 = tpu.memref_squeeze %dma_start3A_171 : memref<1x512xf32, #tpu.memory_space<hbm>> -> memref<512xf32, #tpu.memory_space<hbm>>
        tpu.enqueue_dma source(%dma_start3A_172 : memref<512xf32, #tpu.memory_space<hbm>>) target(%dma_start3A_170 : memref<512xf32, #tpu.memory_space<vmem>>) target_semaphore(%run_scoped3A_165 : memref<!tpu.dma_semaphore, #tpu.memory_space<semaphore_mem>>)
        %dma_wait3A = arith.constant 1024 : i32
        %dma_wait3A_173 = tpu.memref_slice %arg11[%dma_wait3A] : memref<1536xf32, #tpu.memory_space<vmem>> -> memref<512xf32, #tpu.memory_space<vmem>>
        %dma_wait3A_174 = tpu.memref_slice %arg3[%run_scoped3A_112, %add3A_111] : memref<4x24576xf32, #tpu.memory_space<hbm>> -> memref<1x512xf32, #tpu.memory_space<hbm>>
        %dma_wait3A_175 = tpu.memref_squeeze %dma_wait3A_174 : memref<1x512xf32, #tpu.memory_space<hbm>> -> memref<512xf32, #tpu.memory_space<hbm>>
        %dma_wait3A_176 = arith.constant 1024 : i32
        %dma_wait3A_177 = tpu.memref_slice %arg11[%dma_wait3A_176] : memref<1536xf32, #tpu.memory_space<vmem>> -> memref<512xf32, #tpu.memory_space<vmem>>
        %dma_wait3A_178 = tpu.memref_slice %arg3[%run_scoped3A_112, %add3A_111] : memref<4x24576xf32, #tpu.memory_space<hbm>> -> memref<1x512xf32, #tpu.memory_space<hbm>>
        %dma_wait3A_179 = tpu.memref_squeeze %dma_wait3A_178 : memref<1x512xf32, #tpu.memory_space<hbm>> -> memref<512xf32, #tpu.memory_space<hbm>>
        tpu.wait_dma2 semaphore(%run_scoped3A_165 : memref<!tpu.dma_semaphore, #tpu.memory_space<semaphore_mem>>) src(%dma_wait3A_179 : memref<512xf32, #tpu.memory_space<hbm>>) dst(%dma_wait3A_177 : memref<512xf32, #tpu.memory_space<vmem>>)
        tpu.yield
      }) : () -> ()
      %add3A_113 = arith.constant 0 : i32
      %add3A_114 = arith.addi %add3A_113, %mul3A_32 : i32
      %run_scoped3A_115 = arith.constant 2 : i32
      "tpu.region"() ({
        %run_scoped3A_165 = tpu.sem_alloc : memref<!tpu.dma_semaphore, #tpu.memory_space<semaphore_mem>>
        %dma_start3A = arith.constant 0 : i32
        %dma_start3A_166 = tpu.memref_slice %arg12[%dma_start3A] : memref<2048xf32, #tpu.memory_space<vmem>> -> memref<512xf32, #tpu.memory_space<vmem>>
        %dma_start3A_167 = tpu.memref_slice %arg5[%run_scoped3A_115, %add3A_114] : memref<4x32768xf32, #tpu.memory_space<hbm>> -> memref<1x512xf32, #tpu.memory_space<hbm>>
        %dma_start3A_168 = tpu.memref_squeeze %dma_start3A_167 : memref<1x512xf32, #tpu.memory_space<hbm>> -> memref<512xf32, #tpu.memory_space<hbm>>
        %dma_start3A_169 = arith.constant 0 : i32
        %dma_start3A_170 = tpu.memref_slice %arg12[%dma_start3A_169] : memref<2048xf32, #tpu.memory_space<vmem>> -> memref<512xf32, #tpu.memory_space<vmem>>
        %dma_start3A_171 = tpu.memref_slice %arg5[%run_scoped3A_115, %add3A_114] : memref<4x32768xf32, #tpu.memory_space<hbm>> -> memref<1x512xf32, #tpu.memory_space<hbm>>
        %dma_start3A_172 = tpu.memref_squeeze %dma_start3A_171 : memref<1x512xf32, #tpu.memory_space<hbm>> -> memref<512xf32, #tpu.memory_space<hbm>>
        tpu.enqueue_dma source(%dma_start3A_172 : memref<512xf32, #tpu.memory_space<hbm>>) target(%dma_start3A_170 : memref<512xf32, #tpu.memory_space<vmem>>) target_semaphore(%run_scoped3A_165 : memref<!tpu.dma_semaphore, #tpu.memory_space<semaphore_mem>>)
        %dma_wait3A = arith.constant 0 : i32
        %dma_wait3A_173 = tpu.memref_slice %arg12[%dma_wait3A] : memref<2048xf32, #tpu.memory_space<vmem>> -> memref<512xf32, #tpu.memory_space<vmem>>
        %dma_wait3A_174 = tpu.memref_slice %arg5[%run_scoped3A_115, %add3A_114] : memref<4x32768xf32, #tpu.memory_space<hbm>> -> memref<1x512xf32, #tpu.memory_space<hbm>>
        %dma_wait3A_175 = tpu.memref_squeeze %dma_wait3A_174 : memref<1x512xf32, #tpu.memory_space<hbm>> -> memref<512xf32, #tpu.memory_space<hbm>>
        %dma_wait3A_176 = arith.constant 0 : i32
        %dma_wait3A_177 = tpu.memref_slice %arg12[%dma_wait3A_176] : memref<2048xf32, #tpu.memory_space<vmem>> -> memref<512xf32, #tpu.memory_space<vmem>>
        %dma_wait3A_178 = tpu.memref_slice %arg5[%run_scoped3A_115, %add3A_114] : memref<4x32768xf32, #tpu.memory_space<hbm>> -> memref<1x512xf32, #tpu.memory_space<hbm>>
        %dma_wait3A_179 = tpu.memref_squeeze %dma_wait3A_178 : memref<1x512xf32, #tpu.memory_space<hbm>> -> memref<512xf32, #tpu.memory_space<hbm>>
        tpu.wait_dma2 semaphore(%run_scoped3A_165 : memref<!tpu.dma_semaphore, #tpu.memory_space<semaphore_mem>>) src(%dma_wait3A_179 : memref<512xf32, #tpu.memory_space<hbm>>) dst(%dma_wait3A_177 : memref<512xf32, #tpu.memory_space<vmem>>)
        tpu.yield
      }) : () -> ()
      %add3A_116 = arith.constant 8192 : i32
      %add3A_117 = arith.addi %add3A_116, %mul3A_32 : i32
      %run_scoped3A_118 = arith.constant 2 : i32
      "tpu.region"() ({
        %run_scoped3A_165 = tpu.sem_alloc : memref<!tpu.dma_semaphore, #tpu.memory_space<semaphore_mem>>
        %dma_start3A = arith.constant 512 : i32
        %dma_start3A_166 = tpu.memref_slice %arg12[%dma_start3A] : memref<2048xf32, #tpu.memory_space<vmem>> -> memref<512xf32, #tpu.memory_space<vmem>>
        %dma_start3A_167 = tpu.memref_slice %arg5[%run_scoped3A_118, %add3A_117] : memref<4x32768xf32, #tpu.memory_space<hbm>> -> memref<1x512xf32, #tpu.memory_space<hbm>>
        %dma_start3A_168 = tpu.memref_squeeze %dma_start3A_167 : memref<1x512xf32, #tpu.memory_space<hbm>> -> memref<512xf32, #tpu.memory_space<hbm>>
        %dma_start3A_169 = arith.constant 512 : i32
        %dma_start3A_170 = tpu.memref_slice %arg12[%dma_start3A_169] : memref<2048xf32, #tpu.memory_space<vmem>> -> memref<512xf32, #tpu.memory_space<vmem>>
        %dma_start3A_171 = tpu.memref_slice %arg5[%run_scoped3A_118, %add3A_117] : memref<4x32768xf32, #tpu.memory_space<hbm>> -> memref<1x512xf32, #tpu.memory_space<hbm>>
        %dma_start3A_172 = tpu.memref_squeeze %dma_start3A_171 : memref<1x512xf32, #tpu.memory_space<hbm>> -> memref<512xf32, #tpu.memory_space<hbm>>
        tpu.enqueue_dma source(%dma_start3A_172 : memref<512xf32, #tpu.memory_space<hbm>>) target(%dma_start3A_170 : memref<512xf32, #tpu.memory_space<vmem>>) target_semaphore(%run_scoped3A_165 : memref<!tpu.dma_semaphore, #tpu.memory_space<semaphore_mem>>)
        %dma_wait3A = arith.constant 512 : i32
        %dma_wait3A_173 = tpu.memref_slice %arg12[%dma_wait3A] : memref<2048xf32, #tpu.memory_space<vmem>> -> memref<512xf32, #tpu.memory_space<vmem>>
        %dma_wait3A_174 = tpu.memref_slice %arg5[%run_scoped3A_118, %add3A_117] : memref<4x32768xf32, #tpu.memory_space<hbm>> -> memref<1x512xf32, #tpu.memory_space<hbm>>
        %dma_wait3A_175 = tpu.memref_squeeze %dma_wait3A_174 : memref<1x512xf32, #tpu.memory_space<hbm>> -> memref<512xf32, #tpu.memory_space<hbm>>
        %dma_wait3A_176 = arith.constant 512 : i32
        %dma_wait3A_177 = tpu.memref_slice %arg12[%dma_wait3A_176] : memref<2048xf32, #tpu.memory_space<vmem>> -> memref<512xf32, #tpu.memory_space<vmem>>
        %dma_wait3A_178 = tpu.memref_slice %arg5[%run_scoped3A_118, %add3A_117] : memref<4x32768xf32, #tpu.memory_space<hbm>> -> memref<1x512xf32, #tpu.memory_space<hbm>>
        %dma_wait3A_179 = tpu.memref_squeeze %dma_wait3A_178 : memref<1x512xf32, #tpu.memory_space<hbm>> -> memref<512xf32, #tpu.memory_space<hbm>>
        tpu.wait_dma2 semaphore(%run_scoped3A_165 : memref<!tpu.dma_semaphore, #tpu.memory_space<semaphore_mem>>) src(%dma_wait3A_179 : memref<512xf32, #tpu.memory_space<hbm>>) dst(%dma_wait3A_177 : memref<512xf32, #tpu.memory_space<vmem>>)
        tpu.yield
      }) : () -> ()
      %add3A_119 = arith.constant 16384 : i32
      %add3A_120 = arith.addi %add3A_119, %mul3A_32 : i32
      %run_scoped3A_121 = arith.constant 2 : i32
      "tpu.region"() ({
        %run_scoped3A_165 = tpu.sem_alloc : memref<!tpu.dma_semaphore, #tpu.memory_space<semaphore_mem>>
        %dma_start3A = arith.constant 1024 : i32
        %dma_start3A_166 = tpu.memref_slice %arg12[%dma_start3A] : memref<2048xf32, #tpu.memory_space<vmem>> -> memref<512xf32, #tpu.memory_space<vmem>>
        %dma_start3A_167 = tpu.memref_slice %arg5[%run_scoped3A_121, %add3A_120] : memref<4x32768xf32, #tpu.memory_space<hbm>> -> memref<1x512xf32, #tpu.memory_space<hbm>>
        %dma_start3A_168 = tpu.memref_squeeze %dma_start3A_167 : memref<1x512xf32, #tpu.memory_space<hbm>> -> memref<512xf32, #tpu.memory_space<hbm>>
        %dma_start3A_169 = arith.constant 1024 : i32
        %dma_start3A_170 = tpu.memref_slice %arg12[%dma_start3A_169] : memref<2048xf32, #tpu.memory_space<vmem>> -> memref<512xf32, #tpu.memory_space<vmem>>
        %dma_start3A_171 = tpu.memref_slice %arg5[%run_scoped3A_121, %add3A_120] : memref<4x32768xf32, #tpu.memory_space<hbm>> -> memref<1x512xf32, #tpu.memory_space<hbm>>
        %dma_start3A_172 = tpu.memref_squeeze %dma_start3A_171 : memref<1x512xf32, #tpu.memory_space<hbm>> -> memref<512xf32, #tpu.memory_space<hbm>>
        tpu.enqueue_dma source(%dma_start3A_172 : memref<512xf32, #tpu.memory_space<hbm>>) target(%dma_start3A_170 : memref<512xf32, #tpu.memory_space<vmem>>) target_semaphore(%run_scoped3A_165 : memref<!tpu.dma_semaphore, #tpu.memory_space<semaphore_mem>>)
        %dma_wait3A = arith.constant 1024 : i32
        %dma_wait3A_173 = tpu.memref_slice %arg12[%dma_wait3A] : memref<2048xf32, #tpu.memory_space<vmem>> -> memref<512xf32, #tpu.memory_space<vmem>>
        %dma_wait3A_174 = tpu.memref_slice %arg5[%run_scoped3A_121, %add3A_120] : memref<4x32768xf32, #tpu.memory_space<hbm>> -> memref<1x512xf32, #tpu.memory_space<hbm>>
        %dma_wait3A_175 = tpu.memref_squeeze %dma_wait3A_174 : memref<1x512xf32, #tpu.memory_space<hbm>> -> memref<512xf32, #tpu.memory_space<hbm>>
        %dma_wait3A_176 = arith.constant 1024 : i32
        %dma_wait3A_177 = tpu.memref_slice %arg12[%dma_wait3A_176] : memref<2048xf32, #tpu.memory_space<vmem>> -> memref<512xf32, #tpu.memory_space<vmem>>
        %dma_wait3A_178 = tpu.memref_slice %arg5[%run_scoped3A_121, %add3A_120] : memref<4x32768xf32, #tpu.memory_space<hbm>> -> memref<1x512xf32, #tpu.memory_space<hbm>>
        %dma_wait3A_179 = tpu.memref_squeeze %dma_wait3A_178 : memref<1x512xf32, #tpu.memory_space<hbm>> -> memref<512xf32, #tpu.memory_space<hbm>>
        tpu.wait_dma2 semaphore(%run_scoped3A_165 : memref<!tpu.dma_semaphore, #tpu.memory_space<semaphore_mem>>) src(%dma_wait3A_179 : memref<512xf32, #tpu.memory_space<hbm>>) dst(%dma_wait3A_177 : memref<512xf32, #tpu.memory_space<vmem>>)
        tpu.yield
      }) : () -> ()
      %add3A_122 = arith.constant 24576 : i32
      %add3A_123 = arith.addi %add3A_122, %mul3A_32 : i32
      %run_scoped3A_124 = arith.constant 2 : i32
      "tpu.region"() ({
        %run_scoped3A_165 = tpu.sem_alloc : memref<!tpu.dma_semaphore, #tpu.memory_space<semaphore_mem>>
        %dma_start3A = arith.constant 1536 : i32
        %dma_start3A_166 = tpu.memref_slice %arg12[%dma_start3A] : memref<2048xf32, #tpu.memory_space<vmem>> -> memref<512xf32, #tpu.memory_space<vmem>>
        %dma_start3A_167 = tpu.memref_slice %arg5[%run_scoped3A_124, %add3A_123] : memref<4x32768xf32, #tpu.memory_space<hbm>> -> memref<1x512xf32, #tpu.memory_space<hbm>>
        %dma_start3A_168 = tpu.memref_squeeze %dma_start3A_167 : memref<1x512xf32, #tpu.memory_space<hbm>> -> memref<512xf32, #tpu.memory_space<hbm>>
        %dma_start3A_169 = arith.constant 1536 : i32
        %dma_start3A_170 = tpu.memref_slice %arg12[%dma_start3A_169] : memref<2048xf32, #tpu.memory_space<vmem>> -> memref<512xf32, #tpu.memory_space<vmem>>
        %dma_start3A_171 = tpu.memref_slice %arg5[%run_scoped3A_124, %add3A_123] : memref<4x32768xf32, #tpu.memory_space<hbm>> -> memref<1x512xf32, #tpu.memory_space<hbm>>
        %dma_start3A_172 = tpu.memref_squeeze %dma_start3A_171 : memref<1x512xf32, #tpu.memory_space<hbm>> -> memref<512xf32, #tpu.memory_space<hbm>>
        tpu.enqueue_dma source(%dma_start3A_172 : memref<512xf32, #tpu.memory_space<hbm>>) target(%dma_start3A_170 : memref<512xf32, #tpu.memory_space<vmem>>) target_semaphore(%run_scoped3A_165 : memref<!tpu.dma_semaphore, #tpu.memory_space<semaphore_mem>>)
        %dma_wait3A = arith.constant 1536 : i32
        %dma_wait3A_173 = tpu.memref_slice %arg12[%dma_wait3A] : memref<2048xf32, #tpu.memory_space<vmem>> -> memref<512xf32, #tpu.memory_space<vmem>>
        %dma_wait3A_174 = tpu.memref_slice %arg5[%run_scoped3A_124, %add3A_123] : memref<4x32768xf32, #tpu.memory_space<hbm>> -> memref<1x512xf32, #tpu.memory_space<hbm>>
        %dma_wait3A_175 = tpu.memref_squeeze %dma_wait3A_174 : memref<1x512xf32, #tpu.memory_space<hbm>> -> memref<512xf32, #tpu.memory_space<hbm>>
        %dma_wait3A_176 = arith.constant 1536 : i32
        %dma_wait3A_177 = tpu.memref_slice %arg12[%dma_wait3A_176] : memref<2048xf32, #tpu.memory_space<vmem>> -> memref<512xf32, #tpu.memory_space<vmem>>
        %dma_wait3A_178 = tpu.memref_slice %arg5[%run_scoped3A_124, %add3A_123] : memref<4x32768xf32, #tpu.memory_space<hbm>> -> memref<1x512xf32, #tpu.memory_space<hbm>>
        %dma_wait3A_179 = tpu.memref_squeeze %dma_wait3A_178 : memref<1x512xf32, #tpu.memory_space<hbm>> -> memref<512xf32, #tpu.memory_space<hbm>>
        tpu.wait_dma2 semaphore(%run_scoped3A_165 : memref<!tpu.dma_semaphore, #tpu.memory_space<semaphore_mem>>) src(%dma_wait3A_179 : memref<512xf32, #tpu.memory_space<hbm>>) dst(%dma_wait3A_177 : memref<512xf32, #tpu.memory_space<vmem>>)
        tpu.yield
      }) : () -> ()
      %run_scoped3A_125 = arith.constant 2 : i32
      "tpu.region"() ({
        %run_scoped3A_165 = tpu.sem_alloc : memref<!tpu.dma_semaphore, #tpu.memory_space<semaphore_mem>>
        %dma_start3A = tpu.memref_slice %arg7[%run_scoped3A_125, %mul3A_32] : memref<4x8192xi32, #tpu.memory_space<hbm>> -> memref<1x512xi32, #tpu.memory_space<hbm>>
        %dma_start3A_166 = tpu.memref_squeeze %dma_start3A : memref<1x512xi32, #tpu.memory_space<hbm>> -> memref<512xi32, #tpu.memory_space<hbm>>
        %dma_start3A_167 = tpu.memref_slice %arg7[%run_scoped3A_125, %mul3A_32] : memref<4x8192xi32, #tpu.memory_space<hbm>> -> memref<1x512xi32, #tpu.memory_space<hbm>>
        %dma_start3A_168 = tpu.memref_squeeze %dma_start3A_167 : memref<1x512xi32, #tpu.memory_space<hbm>> -> memref<512xi32, #tpu.memory_space<hbm>>
        tpu.enqueue_dma source(%dma_start3A_168 : memref<512xi32, #tpu.memory_space<hbm>>) target(%arg13 : memref<512xi32, #tpu.memory_space<vmem>>) target_semaphore(%run_scoped3A_165 : memref<!tpu.dma_semaphore, #tpu.memory_space<semaphore_mem>>)
        %dma_wait3A = tpu.memref_slice %arg7[%run_scoped3A_125, %mul3A_32] : memref<4x8192xi32, #tpu.memory_space<hbm>> -> memref<1x512xi32, #tpu.memory_space<hbm>>
        %dma_wait3A_169 = tpu.memref_squeeze %dma_wait3A : memref<1x512xi32, #tpu.memory_space<hbm>> -> memref<512xi32, #tpu.memory_space<hbm>>
        %dma_wait3A_170 = tpu.memref_slice %arg7[%run_scoped3A_125, %mul3A_32] : memref<4x8192xi32, #tpu.memory_space<hbm>> -> memref<1x512xi32, #tpu.memory_space<hbm>>
        %dma_wait3A_171 = tpu.memref_squeeze %dma_wait3A_170 : memref<1x512xi32, #tpu.memory_space<hbm>> -> memref<512xi32, #tpu.memory_space<hbm>>
        tpu.wait_dma2 semaphore(%run_scoped3A_165 : memref<!tpu.dma_semaphore, #tpu.memory_space<semaphore_mem>>) src(%dma_wait3A_171 : memref<512xi32, #tpu.memory_space<hbm>>) dst(%arg13 : memref<512xi32, #tpu.memory_space<vmem>>)
        tpu.yield
      }) : () -> ()
      %scan3A_126 = arith.constant 0 : i32
      %scan3A_127 = arith.constant 32 : i32
      %scan3A_128 = arith.addi %scan3A_126, %scan3A_127 : i32
      %scan3A_129 = arith.constant 1 : i32
      %scan3A_130:2 = scf.for %scan3A_165 = %scan3A_126 to %scan3A_128 step %scan3A_129 iter_args(%scan3A_166 = %scan3A_100#0, %scan3A_167 = %scan3A_100#1) -> (vector<16xf32>, vector<16xf32>)  : i32 {
        %mul3A_168 = arith.constant 16 : i32
        %mul3A_169 = arith.muli %scan3A_165, %mul3A_168 : i32
        %get3A = arith.index_cast %mul3A_169 : i32 to index
        %get3A_170 = tpu.vector_load %arg13[%get3A] {strides = array<i32>} : memref<512xi32, #tpu.memory_space<vmem>>, vector<16xi32>,
        %mul3A_171 = arith.constant 16 : i32
        %mul3A_172 = arith.muli %scan3A_165, %mul3A_171 : i32
        %get3A_173 = arith.index_cast %mul3A_172 : i32 to index
        %get3A_174 = tpu.vector_load %arg11[%get3A_173] {strides = array<i32>} : memref<1536xf32, #tpu.memory_space<vmem>>, vector<16xf32>,
        %gather3A = tpu.vector_load_idx %arg9[%get3A_170] : memref<24576xf32, #tpu.memory_space<vmem>>[vector<16xi32>], vector<16xf32>,
        %sub3A_175 = arith.subf %get3A_174, %gather3A : vector<16xf32>
        %mul3A_176 = arith.constant 16 : i32
        %mul3A_177 = arith.muli %scan3A_165, %mul3A_176 : i32
        %add3A_178 = arith.constant 512 : i32
        %add3A_179 = arith.addi %add3A_178, %mul3A_177 : i32
        %get3A_180 = arith.index_cast %add3A_179 : i32 to index
        %get3A_181 = tpu.vector_load %arg11[%get3A_180] {strides = array<i32>} : memref<1536xf32, #tpu.memory_space<vmem>>, vector<16xf32>,
        %add3A_182 = arith.constant 8192 : i32
        %add3A_183 = vector.broadcast %add3A_182 : i32 to vector<16xi32>
        %add3A_184 = arith.addi %get3A_170, %add3A_183 : vector<16xi32>
        %gather3A_185 = tpu.vector_load_idx %arg9[%add3A_184] : memref<24576xf32, #tpu.memory_space<vmem>>[vector<16xi32>], vector<16xf32>,
        %sub3A_186 = arith.subf %get3A_181, %gather3A_185 : vector<16xf32>
        %mul3A_187 = arith.constant 16 : i32
        %mul3A_188 = arith.muli %scan3A_165, %mul3A_187 : i32
        %add3A_189 = arith.constant 1024 : i32
        %add3A_190 = arith.addi %add3A_189, %mul3A_188 : i32
        %get3A_191 = arith.index_cast %add3A_190 : i32 to index
        %get3A_192 = tpu.vector_load %arg11[%get3A_191] {strides = array<i32>} : memref<1536xf32, #tpu.memory_space<vmem>>, vector<16xf32>,
        %add3A_193 = arith.constant 16384 : i32
        %add3A_194 = vector.broadcast %add3A_193 : i32 to vector<16xi32>
        %add3A_195 = arith.addi %get3A_170, %add3A_194 : vector<16xi32>
        %gather3A_196 = tpu.vector_load_idx %arg9[%add3A_195] : memref<24576xf32, #tpu.memory_space<vmem>>[vector<16xi32>], vector<16xf32>,
        %sub3A_197 = arith.subf %get3A_192, %gather3A_196 : vector<16xf32>
        %mul3A_198 = arith.mulf %sub3A_175, %sub3A_175 : vector<16xf32>
        %mul3A_199 = arith.mulf %sub3A_186, %sub3A_186 : vector<16xf32>
        %add3A_200 = arith.addf %mul3A_198, %mul3A_199 : vector<16xf32>
        %mul3A_201 = arith.mulf %sub3A_197, %sub3A_197 : vector<16xf32>
        %add3A_202 = arith.addf %add3A_200, %mul3A_201 : vector<16xf32>
        %mul3A_203 = arith.constant 16 : i32
        %mul3A_204 = arith.muli %scan3A_165, %mul3A_203 : i32
        %get3A_205 = arith.index_cast %mul3A_204 : i32 to index
        %get3A_206 = tpu.vector_load %arg12[%get3A_205] {strides = array<i32>} : memref<2048xf32, #tpu.memory_space<vmem>>, vector<16xf32>,
        %mul3A_207 = arith.constant 16 : i32
        %mul3A_208 = arith.muli %scan3A_165, %mul3A_207 : i32
        %add3A_209 = arith.constant 512 : i32
        %add3A_210 = arith.addi %add3A_209, %mul3A_208 : i32
        %get3A_211 = arith.index_cast %add3A_210 : i32 to index
        %get3A_212 = tpu.vector_load %arg12[%get3A_211] {strides = array<i32>} : memref<2048xf32, #tpu.memory_space<vmem>>, vector<16xf32>,
        %mul3A_213 = arith.constant 16 : i32
        %mul3A_214 = arith.muli %scan3A_165, %mul3A_213 : i32
        %add3A_215 = arith.constant 1024 : i32
        %add3A_216 = arith.addi %add3A_215, %mul3A_214 : i32
        %get3A_217 = arith.index_cast %add3A_216 : i32 to index
        %get3A_218 = tpu.vector_load %arg12[%get3A_217] {strides = array<i32>} : memref<2048xf32, #tpu.memory_space<vmem>>, vector<16xf32>,
        %mul3A_219 = arith.constant 16 : i32
        %mul3A_220 = arith.muli %scan3A_165, %mul3A_219 : i32
        %add3A_221 = arith.constant 1536 : i32
        %add3A_222 = arith.addi %add3A_221, %mul3A_220 : i32
        %get3A_223 = arith.index_cast %add3A_222 : i32 to index
        %get3A_224 = tpu.vector_load %arg12[%get3A_223] {strides = array<i32>} : memref<2048xf32, #tpu.memory_space<vmem>>, vector<16xf32>,
        %gather3A_225 = tpu.vector_load_idx %arg10[%get3A_170] : memref<32768xf32, #tpu.memory_space<vmem>>[vector<16xi32>], vector<16xf32>,
        %add3A_226 = arith.constant 8192 : i32
        %add3A_227 = vector.broadcast %add3A_226 : i32 to vector<16xi32>
        %add3A_228 = arith.addi %get3A_170, %add3A_227 : vector<16xi32>
        %gather3A_229 = tpu.vector_load_idx %arg10[%add3A_228] : memref<32768xf32, #tpu.memory_space<vmem>>[vector<16xi32>], vector<16xf32>,
        %add3A_230 = arith.constant 16384 : i32
        %add3A_231 = vector.broadcast %add3A_230 : i32 to vector<16xi32>
        %add3A_232 = arith.addi %get3A_170, %add3A_231 : vector<16xi32>
        %gather3A_233 = tpu.vector_load_idx %arg10[%add3A_232] : memref<32768xf32, #tpu.memory_space<vmem>>[vector<16xi32>], vector<16xf32>,
        %add3A_234 = arith.constant 24576 : i32
        %add3A_235 = vector.broadcast %add3A_234 : i32 to vector<16xi32>
        %add3A_236 = arith.addi %get3A_170, %add3A_235 : vector<16xi32>
        %gather3A_237 = tpu.vector_load_idx %arg10[%add3A_236] : memref<32768xf32, #tpu.memory_space<vmem>>[vector<16xi32>], vector<16xf32>,
        %mul3A_238 = arith.mulf %get3A_206, %gather3A_225 : vector<16xf32>
        %mul3A_239 = arith.mulf %get3A_212, %gather3A_229 : vector<16xf32>
        %add3A_240 = arith.addf %mul3A_238, %mul3A_239 : vector<16xf32>
        %mul3A_241 = arith.mulf %get3A_218, %gather3A_233 : vector<16xf32>
        %add3A_242 = arith.addf %add3A_240, %mul3A_241 : vector<16xf32>
        %add3A_243 = arith.addf %get3A_224, %gather3A_237 : vector<16xf32>
        %add3A_244 = arith.addf %add3A_242, %add3A_242 : vector<16xf32>
        %sub3A_245 = arith.subf %add3A_243, %add3A_244 : vector<16xf32>
        %add3A_246 = arith.addf %scan3A_166, %add3A_202 : vector<16xf32>
        %add3A_247 = arith.addf %scan3A_167, %sub3A_245 : vector<16xf32>
        scf.yield %add3A_246, %add3A_247 : vector<16xf32>, vector<16xf32>
      }
      %scan3A_131 = arith.constant 32 : i32
      %run_scoped3A_132 = arith.constant 3 : i32
      "tpu.region"() ({
        %run_scoped3A_165 = tpu.sem_alloc : memref<!tpu.dma_semaphore, #tpu.memory_space<semaphore_mem>>
        %dma_start3A = arith.constant 0 : i32
        %dma_start3A_166 = tpu.memref_slice %arg2[%run_scoped3A_132, %dma_start3A] : memref<4x24576xf32, #tpu.memory_space<hbm>> -> memref<1x24576xf32, #tpu.memory_space<hbm>>
        %dma_start3A_167 = tpu.memref_squeeze %dma_start3A_166 : memref<1x24576xf32, #tpu.memory_space<hbm>> -> memref<24576xf32, #tpu.memory_space<hbm>>
        %dma_start3A_168 = arith.constant 0 : i32
        %dma_start3A_169 = tpu.memref_slice %arg2[%run_scoped3A_132, %dma_start3A_168] : memref<4x24576xf32, #tpu.memory_space<hbm>> -> memref<1x24576xf32, #tpu.memory_space<hbm>>
        %dma_start3A_170 = tpu.memref_squeeze %dma_start3A_169 : memref<1x24576xf32, #tpu.memory_space<hbm>> -> memref<24576xf32, #tpu.memory_space<hbm>>
        tpu.enqueue_dma source(%dma_start3A_170 : memref<24576xf32, #tpu.memory_space<hbm>>) target(%arg9 : memref<24576xf32, #tpu.memory_space<vmem>>) target_semaphore(%run_scoped3A_165 : memref<!tpu.dma_semaphore, #tpu.memory_space<semaphore_mem>>)
        %dma_wait3A = arith.constant 0 : i32
        %dma_wait3A_171 = tpu.memref_slice %arg2[%run_scoped3A_132, %dma_wait3A] : memref<4x24576xf32, #tpu.memory_space<hbm>> -> memref<1x24576xf32, #tpu.memory_space<hbm>>
        %dma_wait3A_172 = tpu.memref_squeeze %dma_wait3A_171 : memref<1x24576xf32, #tpu.memory_space<hbm>> -> memref<24576xf32, #tpu.memory_space<hbm>>
        %dma_wait3A_173 = arith.constant 0 : i32
        %dma_wait3A_174 = tpu.memref_slice %arg2[%run_scoped3A_132, %dma_wait3A_173] : memref<4x24576xf32, #tpu.memory_space<hbm>> -> memref<1x24576xf32, #tpu.memory_space<hbm>>
        %dma_wait3A_175 = tpu.memref_squeeze %dma_wait3A_174 : memref<1x24576xf32, #tpu.memory_space<hbm>> -> memref<24576xf32, #tpu.memory_space<hbm>>
        tpu.wait_dma2 semaphore(%run_scoped3A_165 : memref<!tpu.dma_semaphore, #tpu.memory_space<semaphore_mem>>) src(%dma_wait3A_175 : memref<24576xf32, #tpu.memory_space<hbm>>) dst(%arg9 : memref<24576xf32, #tpu.memory_space<vmem>>)
        tpu.yield
      }) : () -> ()
      %run_scoped3A_133 = arith.constant 3 : i32
      "tpu.region"() ({
        %run_scoped3A_165 = tpu.sem_alloc : memref<!tpu.dma_semaphore, #tpu.memory_space<semaphore_mem>>
        %dma_start3A = arith.constant 0 : i32
        %dma_start3A_166 = tpu.memref_slice %arg4[%run_scoped3A_133, %dma_start3A] : memref<4x32768xf32, #tpu.memory_space<hbm>> -> memref<1x32768xf32, #tpu.memory_space<hbm>>
        %dma_start3A_167 = tpu.memref_squeeze %dma_start3A_166 : memref<1x32768xf32, #tpu.memory_space<hbm>> -> memref<32768xf32, #tpu.memory_space<hbm>>
        %dma_start3A_168 = arith.constant 0 : i32
        %dma_start3A_169 = tpu.memref_slice %arg4[%run_scoped3A_133, %dma_start3A_168] : memref<4x32768xf32, #tpu.memory_space<hbm>> -> memref<1x32768xf32, #tpu.memory_space<hbm>>
        %dma_start3A_170 = tpu.memref_squeeze %dma_start3A_169 : memref<1x32768xf32, #tpu.memory_space<hbm>> -> memref<32768xf32, #tpu.memory_space<hbm>>
        tpu.enqueue_dma source(%dma_start3A_170 : memref<32768xf32, #tpu.memory_space<hbm>>) target(%arg10 : memref<32768xf32, #tpu.memory_space<vmem>>) target_semaphore(%run_scoped3A_165 : memref<!tpu.dma_semaphore, #tpu.memory_space<semaphore_mem>>)
        %dma_wait3A = arith.constant 0 : i32
        %dma_wait3A_171 = tpu.memref_slice %arg4[%run_scoped3A_133, %dma_wait3A] : memref<4x32768xf32, #tpu.memory_space<hbm>> -> memref<1x32768xf32, #tpu.memory_space<hbm>>
        %dma_wait3A_172 = tpu.memref_squeeze %dma_wait3A_171 : memref<1x32768xf32, #tpu.memory_space<hbm>> -> memref<32768xf32, #tpu.memory_space<hbm>>
        %dma_wait3A_173 = arith.constant 0 : i32
        %dma_wait3A_174 = tpu.memref_slice %arg4[%run_scoped3A_133, %dma_wait3A_173] : memref<4x32768xf32, #tpu.memory_space<hbm>> -> memref<1x32768xf32, #tpu.memory_space<hbm>>
        %dma_wait3A_175 = tpu.memref_squeeze %dma_wait3A_174 : memref<1x32768xf32, #tpu.memory_space<hbm>> -> memref<32768xf32, #tpu.memory_space<hbm>>
        tpu.wait_dma2 semaphore(%run_scoped3A_165 : memref<!tpu.dma_semaphore, #tpu.memory_space<semaphore_mem>>) src(%dma_wait3A_175 : memref<32768xf32, #tpu.memory_space<hbm>>) dst(%arg10 : memref<32768xf32, #tpu.memory_space<vmem>>)
        tpu.yield
      }) : () -> ()
      %add3A_134 = arith.constant 0 : i32
      %add3A_135 = arith.addi %add3A_134, %mul3A_32 : i32
      %run_scoped3A_136 = arith.constant 3 : i32
      "tpu.region"() ({
        %run_scoped3A_165 = tpu.sem_alloc : memref<!tpu.dma_semaphore, #tpu.memory_space<semaphore_mem>>
        %dma_start3A = arith.constant 0 : i32
        %dma_start3A_166 = tpu.memref_slice %arg11[%dma_start3A] : memref<1536xf32, #tpu.memory_space<vmem>> -> memref<512xf32, #tpu.memory_space<vmem>>
        %dma_start3A_167 = tpu.memref_slice %arg3[%run_scoped3A_136, %add3A_135] : memref<4x24576xf32, #tpu.memory_space<hbm>> -> memref<1x512xf32, #tpu.memory_space<hbm>>
        %dma_start3A_168 = tpu.memref_squeeze %dma_start3A_167 : memref<1x512xf32, #tpu.memory_space<hbm>> -> memref<512xf32, #tpu.memory_space<hbm>>
        %dma_start3A_169 = arith.constant 0 : i32
        %dma_start3A_170 = tpu.memref_slice %arg11[%dma_start3A_169] : memref<1536xf32, #tpu.memory_space<vmem>> -> memref<512xf32, #tpu.memory_space<vmem>>
        %dma_start3A_171 = tpu.memref_slice %arg3[%run_scoped3A_136, %add3A_135] : memref<4x24576xf32, #tpu.memory_space<hbm>> -> memref<1x512xf32, #tpu.memory_space<hbm>>
        %dma_start3A_172 = tpu.memref_squeeze %dma_start3A_171 : memref<1x512xf32, #tpu.memory_space<hbm>> -> memref<512xf32, #tpu.memory_space<hbm>>
        tpu.enqueue_dma source(%dma_start3A_172 : memref<512xf32, #tpu.memory_space<hbm>>) target(%dma_start3A_170 : memref<512xf32, #tpu.memory_space<vmem>>) target_semaphore(%run_scoped3A_165 : memref<!tpu.dma_semaphore, #tpu.memory_space<semaphore_mem>>)
        %dma_wait3A = arith.constant 0 : i32
        %dma_wait3A_173 = tpu.memref_slice %arg11[%dma_wait3A] : memref<1536xf32, #tpu.memory_space<vmem>> -> memref<512xf32, #tpu.memory_space<vmem>>
        %dma_wait3A_174 = tpu.memref_slice %arg3[%run_scoped3A_136, %add3A_135] : memref<4x24576xf32, #tpu.memory_space<hbm>> -> memref<1x512xf32, #tpu.memory_space<hbm>>
        %dma_wait3A_175 = tpu.memref_squeeze %dma_wait3A_174 : memref<1x512xf32, #tpu.memory_space<hbm>> -> memref<512xf32, #tpu.memory_space<hbm>>
        %dma_wait3A_176 = arith.constant 0 : i32
        %dma_wait3A_177 = tpu.memref_slice %arg11[%dma_wait3A_176] : memref<1536xf32, #tpu.memory_space<vmem>> -> memref<512xf32, #tpu.memory_space<vmem>>
        %dma_wait3A_178 = tpu.memref_slice %arg3[%run_scoped3A_136, %add3A_135] : memref<4x24576xf32, #tpu.memory_space<hbm>> -> memref<1x512xf32, #tpu.memory_space<hbm>>
        %dma_wait3A_179 = tpu.memref_squeeze %dma_wait3A_178 : memref<1x512xf32, #tpu.memory_space<hbm>> -> memref<512xf32, #tpu.memory_space<hbm>>
        tpu.wait_dma2 semaphore(%run_scoped3A_165 : memref<!tpu.dma_semaphore, #tpu.memory_space<semaphore_mem>>) src(%dma_wait3A_179 : memref<512xf32, #tpu.memory_space<hbm>>) dst(%dma_wait3A_177 : memref<512xf32, #tpu.memory_space<vmem>>)
        tpu.yield
      }) : () -> ()
      %add3A_137 = arith.constant 8192 : i32
      %add3A_138 = arith.addi %add3A_137, %mul3A_32 : i32
      %run_scoped3A_139 = arith.constant 3 : i32
      "tpu.region"() ({
        %run_scoped3A_165 = tpu.sem_alloc : memref<!tpu.dma_semaphore, #tpu.memory_space<semaphore_mem>>
        %dma_start3A = arith.constant 512 : i32
        %dma_start3A_166 = tpu.memref_slice %arg11[%dma_start3A] : memref<1536xf32, #tpu.memory_space<vmem>> -> memref<512xf32, #tpu.memory_space<vmem>>
        %dma_start3A_167 = tpu.memref_slice %arg3[%run_scoped3A_139, %add3A_138] : memref<4x24576xf32, #tpu.memory_space<hbm>> -> memref<1x512xf32, #tpu.memory_space<hbm>>
        %dma_start3A_168 = tpu.memref_squeeze %dma_start3A_167 : memref<1x512xf32, #tpu.memory_space<hbm>> -> memref<512xf32, #tpu.memory_space<hbm>>
        %dma_start3A_169 = arith.constant 512 : i32
        %dma_start3A_170 = tpu.memref_slice %arg11[%dma_start3A_169] : memref<1536xf32, #tpu.memory_space<vmem>> -> memref<512xf32, #tpu.memory_space<vmem>>
        %dma_start3A_171 = tpu.memref_slice %arg3[%run_scoped3A_139, %add3A_138] : memref<4x24576xf32, #tpu.memory_space<hbm>> -> memref<1x512xf32, #tpu.memory_space<hbm>>
        %dma_start3A_172 = tpu.memref_squeeze %dma_start3A_171 : memref<1x512xf32, #tpu.memory_space<hbm>> -> memref<512xf32, #tpu.memory_space<hbm>>
        tpu.enqueue_dma source(%dma_start3A_172 : memref<512xf32, #tpu.memory_space<hbm>>) target(%dma_start3A_170 : memref<512xf32, #tpu.memory_space<vmem>>) target_semaphore(%run_scoped3A_165 : memref<!tpu.dma_semaphore, #tpu.memory_space<semaphore_mem>>)
        %dma_wait3A = arith.constant 512 : i32
        %dma_wait3A_173 = tpu.memref_slice %arg11[%dma_wait3A] : memref<1536xf32, #tpu.memory_space<vmem>> -> memref<512xf32, #tpu.memory_space<vmem>>
        %dma_wait3A_174 = tpu.memref_slice %arg3[%run_scoped3A_139, %add3A_138] : memref<4x24576xf32, #tpu.memory_space<hbm>> -> memref<1x512xf32, #tpu.memory_space<hbm>>
        %dma_wait3A_175 = tpu.memref_squeeze %dma_wait3A_174 : memref<1x512xf32, #tpu.memory_space<hbm>> -> memref<512xf32, #tpu.memory_space<hbm>>
        %dma_wait3A_176 = arith.constant 512 : i32
        %dma_wait3A_177 = tpu.memref_slice %arg11[%dma_wait3A_176] : memref<1536xf32, #tpu.memory_space<vmem>> -> memref<512xf32, #tpu.memory_space<vmem>>
        %dma_wait3A_178 = tpu.memref_slice %arg3[%run_scoped3A_139, %add3A_138] : memref<4x24576xf32, #tpu.memory_space<hbm>> -> memref<1x512xf32, #tpu.memory_space<hbm>>
        %dma_wait3A_179 = tpu.memref_squeeze %dma_wait3A_178 : memref<1x512xf32, #tpu.memory_space<hbm>> -> memref<512xf32, #tpu.memory_space<hbm>>
        tpu.wait_dma2 semaphore(%run_scoped3A_165 : memref<!tpu.dma_semaphore, #tpu.memory_space<semaphore_mem>>) src(%dma_wait3A_179 : memref<512xf32, #tpu.memory_space<hbm>>) dst(%dma_wait3A_177 : memref<512xf32, #tpu.memory_space<vmem>>)
        tpu.yield
      }) : () -> ()
      %add3A_140 = arith.constant 16384 : i32
      %add3A_141 = arith.addi %add3A_140, %mul3A_32 : i32
      %run_scoped3A_142 = arith.constant 3 : i32
      "tpu.region"() ({
        %run_scoped3A_165 = tpu.sem_alloc : memref<!tpu.dma_semaphore, #tpu.memory_space<semaphore_mem>>
        %dma_start3A = arith.constant 1024 : i32
        %dma_start3A_166 = tpu.memref_slice %arg11[%dma_start3A] : memref<1536xf32, #tpu.memory_space<vmem>> -> memref<512xf32, #tpu.memory_space<vmem>>
        %dma_start3A_167 = tpu.memref_slice %arg3[%run_scoped3A_142, %add3A_141] : memref<4x24576xf32, #tpu.memory_space<hbm>> -> memref<1x512xf32, #tpu.memory_space<hbm>>
        %dma_start3A_168 = tpu.memref_squeeze %dma_start3A_167 : memref<1x512xf32, #tpu.memory_space<hbm>> -> memref<512xf32, #tpu.memory_space<hbm>>
        %dma_start3A_169 = arith.constant 1024 : i32
        %dma_start3A_170 = tpu.memref_slice %arg11[%dma_start3A_169] : memref<1536xf32, #tpu.memory_space<vmem>> -> memref<512xf32, #tpu.memory_space<vmem>>
        %dma_start3A_171 = tpu.memref_slice %arg3[%run_scoped3A_142, %add3A_141] : memref<4x24576xf32, #tpu.memory_space<hbm>> -> memref<1x512xf32, #tpu.memory_space<hbm>>
        %dma_start3A_172 = tpu.memref_squeeze %dma_start3A_171 : memref<1x512xf32, #tpu.memory_space<hbm>> -> memref<512xf32, #tpu.memory_space<hbm>>
        tpu.enqueue_dma source(%dma_start3A_172 : memref<512xf32, #tpu.memory_space<hbm>>) target(%dma_start3A_170 : memref<512xf32, #tpu.memory_space<vmem>>) target_semaphore(%run_scoped3A_165 : memref<!tpu.dma_semaphore, #tpu.memory_space<semaphore_mem>>)
        %dma_wait3A = arith.constant 1024 : i32
        %dma_wait3A_173 = tpu.memref_slice %arg11[%dma_wait3A] : memref<1536xf32, #tpu.memory_space<vmem>> -> memref<512xf32, #tpu.memory_space<vmem>>
        %dma_wait3A_174 = tpu.memref_slice %arg3[%run_scoped3A_142, %add3A_141] : memref<4x24576xf32, #tpu.memory_space<hbm>> -> memref<1x512xf32, #tpu.memory_space<hbm>>
        %dma_wait3A_175 = tpu.memref_squeeze %dma_wait3A_174 : memref<1x512xf32, #tpu.memory_space<hbm>> -> memref<512xf32, #tpu.memory_space<hbm>>
        %dma_wait3A_176 = arith.constant 1024 : i32
        %dma_wait3A_177 = tpu.memref_slice %arg11[%dma_wait3A_176] : memref<1536xf32, #tpu.memory_space<vmem>> -> memref<512xf32, #tpu.memory_space<vmem>>
        %dma_wait3A_178 = tpu.memref_slice %arg3[%run_scoped3A_142, %add3A_141] : memref<4x24576xf32, #tpu.memory_space<hbm>> -> memref<1x512xf32, #tpu.memory_space<hbm>>
        %dma_wait3A_179 = tpu.memref_squeeze %dma_wait3A_178 : memref<1x512xf32, #tpu.memory_space<hbm>> -> memref<512xf32, #tpu.memory_space<hbm>>
        tpu.wait_dma2 semaphore(%run_scoped3A_165 : memref<!tpu.dma_semaphore, #tpu.memory_space<semaphore_mem>>) src(%dma_wait3A_179 : memref<512xf32, #tpu.memory_space<hbm>>) dst(%dma_wait3A_177 : memref<512xf32, #tpu.memory_space<vmem>>)
        tpu.yield
      }) : () -> ()
      %add3A_143 = arith.constant 0 : i32
      %add3A_144 = arith.addi %add3A_143, %mul3A_32 : i32
      %run_scoped3A_145 = arith.constant 3 : i32
      "tpu.region"() ({
        %run_scoped3A_165 = tpu.sem_alloc : memref<!tpu.dma_semaphore, #tpu.memory_space<semaphore_mem>>
        %dma_start3A = arith.constant 0 : i32
        %dma_start3A_166 = tpu.memref_slice %arg12[%dma_start3A] : memref<2048xf32, #tpu.memory_space<vmem>> -> memref<512xf32, #tpu.memory_space<vmem>>
        %dma_start3A_167 = tpu.memref_slice %arg5[%run_scoped3A_145, %add3A_144] : memref<4x32768xf32, #tpu.memory_space<hbm>> -> memref<1x512xf32, #tpu.memory_space<hbm>>
        %dma_start3A_168 = tpu.memref_squeeze %dma_start3A_167 : memref<1x512xf32, #tpu.memory_space<hbm>> -> memref<512xf32, #tpu.memory_space<hbm>>
        %dma_start3A_169 = arith.constant 0 : i32
        %dma_start3A_170 = tpu.memref_slice %arg12[%dma_start3A_169] : memref<2048xf32, #tpu.memory_space<vmem>> -> memref<512xf32, #tpu.memory_space<vmem>>
        %dma_start3A_171 = tpu.memref_slice %arg5[%run_scoped3A_145, %add3A_144] : memref<4x32768xf32, #tpu.memory_space<hbm>> -> memref<1x512xf32, #tpu.memory_space<hbm>>
        %dma_start3A_172 = tpu.memref_squeeze %dma_start3A_171 : memref<1x512xf32, #tpu.memory_space<hbm>> -> memref<512xf32, #tpu.memory_space<hbm>>
        tpu.enqueue_dma source(%dma_start3A_172 : memref<512xf32, #tpu.memory_space<hbm>>) target(%dma_start3A_170 : memref<512xf32, #tpu.memory_space<vmem>>) target_semaphore(%run_scoped3A_165 : memref<!tpu.dma_semaphore, #tpu.memory_space<semaphore_mem>>)
        %dma_wait3A = arith.constant 0 : i32
        %dma_wait3A_173 = tpu.memref_slice %arg12[%dma_wait3A] : memref<2048xf32, #tpu.memory_space<vmem>> -> memref<512xf32, #tpu.memory_space<vmem>>
        %dma_wait3A_174 = tpu.memref_slice %arg5[%run_scoped3A_145, %add3A_144] : memref<4x32768xf32, #tpu.memory_space<hbm>> -> memref<1x512xf32, #tpu.memory_space<hbm>>
        %dma_wait3A_175 = tpu.memref_squeeze %dma_wait3A_174 : memref<1x512xf32, #tpu.memory_space<hbm>> -> memref<512xf32, #tpu.memory_space<hbm>>
        %dma_wait3A_176 = arith.constant 0 : i32
        %dma_wait3A_177 = tpu.memref_slice %arg12[%dma_wait3A_176] : memref<2048xf32, #tpu.memory_space<vmem>> -> memref<512xf32, #tpu.memory_space<vmem>>
        %dma_wait3A_178 = tpu.memref_slice %arg5[%run_scoped3A_145, %add3A_144] : memref<4x32768xf32, #tpu.memory_space<hbm>> -> memref<1x512xf32, #tpu.memory_space<hbm>>
        %dma_wait3A_179 = tpu.memref_squeeze %dma_wait3A_178 : memref<1x512xf32, #tpu.memory_space<hbm>> -> memref<512xf32, #tpu.memory_space<hbm>>
        tpu.wait_dma2 semaphore(%run_scoped3A_165 : memref<!tpu.dma_semaphore, #tpu.memory_space<semaphore_mem>>) src(%dma_wait3A_179 : memref<512xf32, #tpu.memory_space<hbm>>) dst(%dma_wait3A_177 : memref<512xf32, #tpu.memory_space<vmem>>)
        tpu.yield
      }) : () -> ()
      %add3A_146 = arith.constant 8192 : i32
      %add3A_147 = arith.addi %add3A_146, %mul3A_32 : i32
      %run_scoped3A_148 = arith.constant 3 : i32
      "tpu.region"() ({
        %run_scoped3A_165 = tpu.sem_alloc : memref<!tpu.dma_semaphore, #tpu.memory_space<semaphore_mem>>
        %dma_start3A = arith.constant 512 : i32
        %dma_start3A_166 = tpu.memref_slice %arg12[%dma_start3A] : memref<2048xf32, #tpu.memory_space<vmem>> -> memref<512xf32, #tpu.memory_space<vmem>>
        %dma_start3A_167 = tpu.memref_slice %arg5[%run_scoped3A_148, %add3A_147] : memref<4x32768xf32, #tpu.memory_space<hbm>> -> memref<1x512xf32, #tpu.memory_space<hbm>>
        %dma_start3A_168 = tpu.memref_squeeze %dma_start3A_167 : memref<1x512xf32, #tpu.memory_space<hbm>> -> memref<512xf32, #tpu.memory_space<hbm>>
        %dma_start3A_169 = arith.constant 512 : i32
        %dma_start3A_170 = tpu.memref_slice %arg12[%dma_start3A_169] : memref<2048xf32, #tpu.memory_space<vmem>> -> memref<512xf32, #tpu.memory_space<vmem>>
        %dma_start3A_171 = tpu.memref_slice %arg5[%run_scoped3A_148, %add3A_147] : memref<4x32768xf32, #tpu.memory_space<hbm>> -> memref<1x512xf32, #tpu.memory_space<hbm>>
        %dma_start3A_172 = tpu.memref_squeeze %dma_start3A_171 : memref<1x512xf32, #tpu.memory_space<hbm>> -> memref<512xf32, #tpu.memory_space<hbm>>
        tpu.enqueue_dma source(%dma_start3A_172 : memref<512xf32, #tpu.memory_space<hbm>>) target(%dma_start3A_170 : memref<512xf32, #tpu.memory_space<vmem>>) target_semaphore(%run_scoped3A_165 : memref<!tpu.dma_semaphore, #tpu.memory_space<semaphore_mem>>)
        %dma_wait3A = arith.constant 512 : i32
        %dma_wait3A_173 = tpu.memref_slice %arg12[%dma_wait3A] : memref<2048xf32, #tpu.memory_space<vmem>> -> memref<512xf32, #tpu.memory_space<vmem>>
        %dma_wait3A_174 = tpu.memref_slice %arg5[%run_scoped3A_148, %add3A_147] : memref<4x32768xf32, #tpu.memory_space<hbm>> -> memref<1x512xf32, #tpu.memory_space<hbm>>
        %dma_wait3A_175 = tpu.memref_squeeze %dma_wait3A_174 : memref<1x512xf32, #tpu.memory_space<hbm>> -> memref<512xf32, #tpu.memory_space<hbm>>
        %dma_wait3A_176 = arith.constant 512 : i32
        %dma_wait3A_177 = tpu.memref_slice %arg12[%dma_wait3A_176] : memref<2048xf32, #tpu.memory_space<vmem>> -> memref<512xf32, #tpu.memory_space<vmem>>
        %dma_wait3A_178 = tpu.memref_slice %arg5[%run_scoped3A_148, %add3A_147] : memref<4x32768xf32, #tpu.memory_space<hbm>> -> memref<1x512xf32, #tpu.memory_space<hbm>>
        %dma_wait3A_179 = tpu.memref_squeeze %dma_wait3A_178 : memref<1x512xf32, #tpu.memory_space<hbm>> -> memref<512xf32, #tpu.memory_space<hbm>>
        tpu.wait_dma2 semaphore(%run_scoped3A_165 : memref<!tpu.dma_semaphore, #tpu.memory_space<semaphore_mem>>) src(%dma_wait3A_179 : memref<512xf32, #tpu.memory_space<hbm>>) dst(%dma_wait3A_177 : memref<512xf32, #tpu.memory_space<vmem>>)
        tpu.yield
      }) : () -> ()
      %add3A_149 = arith.constant 16384 : i32
      %add3A_150 = arith.addi %add3A_149, %mul3A_32 : i32
      %run_scoped3A_151 = arith.constant 3 : i32
      "tpu.region"() ({
        %run_scoped3A_165 = tpu.sem_alloc : memref<!tpu.dma_semaphore, #tpu.memory_space<semaphore_mem>>
        %dma_start3A = arith.constant 1024 : i32
        %dma_start3A_166 = tpu.memref_slice %arg12[%dma_start3A] : memref<2048xf32, #tpu.memory_space<vmem>> -> memref<512xf32, #tpu.memory_space<vmem>>
        %dma_start3A_167 = tpu.memref_slice %arg5[%run_scoped3A_151, %add3A_150] : memref<4x32768xf32, #tpu.memory_space<hbm>> -> memref<1x512xf32, #tpu.memory_space<hbm>>
        %dma_start3A_168 = tpu.memref_squeeze %dma_start3A_167 : memref<1x512xf32, #tpu.memory_space<hbm>> -> memref<512xf32, #tpu.memory_space<hbm>>
        %dma_start3A_169 = arith.constant 1024 : i32
        %dma_start3A_170 = tpu.memref_slice %arg12[%dma_start3A_169] : memref<2048xf32, #tpu.memory_space<vmem>> -> memref<512xf32, #tpu.memory_space<vmem>>
        %dma_start3A_171 = tpu.memref_slice %arg5[%run_scoped3A_151, %add3A_150] : memref<4x32768xf32, #tpu.memory_space<hbm>> -> memref<1x512xf32, #tpu.memory_space<hbm>>
        %dma_start3A_172 = tpu.memref_squeeze %dma_start3A_171 : memref<1x512xf32, #tpu.memory_space<hbm>> -> memref<512xf32, #tpu.memory_space<hbm>>
        tpu.enqueue_dma source(%dma_start3A_172 : memref<512xf32, #tpu.memory_space<hbm>>) target(%dma_start3A_170 : memref<512xf32, #tpu.memory_space<vmem>>) target_semaphore(%run_scoped3A_165 : memref<!tpu.dma_semaphore, #tpu.memory_space<semaphore_mem>>)
        %dma_wait3A = arith.constant 1024 : i32
        %dma_wait3A_173 = tpu.memref_slice %arg12[%dma_wait3A] : memref<2048xf32, #tpu.memory_space<vmem>> -> memref<512xf32, #tpu.memory_space<vmem>>
        %dma_wait3A_174 = tpu.memref_slice %arg5[%run_scoped3A_151, %add3A_150] : memref<4x32768xf32, #tpu.memory_space<hbm>> -> memref<1x512xf32, #tpu.memory_space<hbm>>
        %dma_wait3A_175 = tpu.memref_squeeze %dma_wait3A_174 : memref<1x512xf32, #tpu.memory_space<hbm>> -> memref<512xf32, #tpu.memory_space<hbm>>
        %dma_wait3A_176 = arith.constant 1024 : i32
        %dma_wait3A_177 = tpu.memref_slice %arg12[%dma_wait3A_176] : memref<2048xf32, #tpu.memory_space<vmem>> -> memref<512xf32, #tpu.memory_space<vmem>>
        %dma_wait3A_178 = tpu.memref_slice %arg5[%run_scoped3A_151, %add3A_150] : memref<4x32768xf32, #tpu.memory_space<hbm>> -> memref<1x512xf32, #tpu.memory_space<hbm>>
        %dma_wait3A_179 = tpu.memref_squeeze %dma_wait3A_178 : memref<1x512xf32, #tpu.memory_space<hbm>> -> memref<512xf32, #tpu.memory_space<hbm>>
        tpu.wait_dma2 semaphore(%run_scoped3A_165 : memref<!tpu.dma_semaphore, #tpu.memory_space<semaphore_mem>>) src(%dma_wait3A_179 : memref<512xf32, #tpu.memory_space<hbm>>) dst(%dma_wait3A_177 : memref<512xf32, #tpu.memory_space<vmem>>)
        tpu.yield
      }) : () -> ()
      %add3A_152 = arith.constant 24576 : i32
      %add3A_153 = arith.addi %add3A_152, %mul3A_32 : i32
      %run_scoped3A_154 = arith.constant 3 : i32
      "tpu.region"() ({
        %run_scoped3A_165 = tpu.sem_alloc : memref<!tpu.dma_semaphore, #tpu.memory_space<semaphore_mem>>
        %dma_start3A = arith.constant 1536 : i32
        %dma_start3A_166 = tpu.memref_slice %arg12[%dma_start3A] : memref<2048xf32, #tpu.memory_space<vmem>> -> memref<512xf32, #tpu.memory_space<vmem>>
        %dma_start3A_167 = tpu.memref_slice %arg5[%run_scoped3A_154, %add3A_153] : memref<4x32768xf32, #tpu.memory_space<hbm>> -> memref<1x512xf32, #tpu.memory_space<hbm>>
        %dma_start3A_168 = tpu.memref_squeeze %dma_start3A_167 : memref<1x512xf32, #tpu.memory_space<hbm>> -> memref<512xf32, #tpu.memory_space<hbm>>
        %dma_start3A_169 = arith.constant 1536 : i32
        %dma_start3A_170 = tpu.memref_slice %arg12[%dma_start3A_169] : memref<2048xf32, #tpu.memory_space<vmem>> -> memref<512xf32, #tpu.memory_space<vmem>>
        %dma_start3A_171 = tpu.memref_slice %arg5[%run_scoped3A_154, %add3A_153] : memref<4x32768xf32, #tpu.memory_space<hbm>> -> memref<1x512xf32, #tpu.memory_space<hbm>>
        %dma_start3A_172 = tpu.memref_squeeze %dma_start3A_171 : memref<1x512xf32, #tpu.memory_space<hbm>> -> memref<512xf32, #tpu.memory_space<hbm>>
        tpu.enqueue_dma source(%dma_start3A_172 : memref<512xf32, #tpu.memory_space<hbm>>) target(%dma_start3A_170 : memref<512xf32, #tpu.memory_space<vmem>>) target_semaphore(%run_scoped3A_165 : memref<!tpu.dma_semaphore, #tpu.memory_space<semaphore_mem>>)
        %dma_wait3A = arith.constant 1536 : i32
        %dma_wait3A_173 = tpu.memref_slice %arg12[%dma_wait3A] : memref<2048xf32, #tpu.memory_space<vmem>> -> memref<512xf32, #tpu.memory_space<vmem>>
        %dma_wait3A_174 = tpu.memref_slice %arg5[%run_scoped3A_154, %add3A_153] : memref<4x32768xf32, #tpu.memory_space<hbm>> -> memref<1x512xf32, #tpu.memory_space<hbm>>
        %dma_wait3A_175 = tpu.memref_squeeze %dma_wait3A_174 : memref<1x512xf32, #tpu.memory_space<hbm>> -> memref<512xf32, #tpu.memory_space<hbm>>
        %dma_wait3A_176 = arith.constant 1536 : i32
        %dma_wait3A_177 = tpu.memref_slice %arg12[%dma_wait3A_176] : memref<2048xf32, #tpu.memory_space<vmem>> -> memref<512xf32, #tpu.memory_space<vmem>>
        %dma_wait3A_178 = tpu.memref_slice %arg5[%run_scoped3A_154, %add3A_153] : memref<4x32768xf32, #tpu.memory_space<hbm>> -> memref<1x512xf32, #tpu.memory_space<hbm>>
        %dma_wait3A_179 = tpu.memref_squeeze %dma_wait3A_178 : memref<1x512xf32, #tpu.memory_space<hbm>> -> memref<512xf32, #tpu.memory_space<hbm>>
        tpu.wait_dma2 semaphore(%run_scoped3A_165 : memref<!tpu.dma_semaphore, #tpu.memory_space<semaphore_mem>>) src(%dma_wait3A_179 : memref<512xf32, #tpu.memory_space<hbm>>) dst(%dma_wait3A_177 : memref<512xf32, #tpu.memory_space<vmem>>)
        tpu.yield
      }) : () -> ()
      %run_scoped3A_155 = arith.constant 3 : i32
      "tpu.region"() ({
        %run_scoped3A_165 = tpu.sem_alloc : memref<!tpu.dma_semaphore, #tpu.memory_space<semaphore_mem>>
        %dma_start3A = tpu.memref_slice %arg7[%run_scoped3A_155, %mul3A_32] : memref<4x8192xi32, #tpu.memory_space<hbm>> -> memref<1x512xi32, #tpu.memory_space<hbm>>
        %dma_start3A_166 = tpu.memref_squeeze %dma_start3A : memref<1x512xi32, #tpu.memory_space<hbm>> -> memref<512xi32, #tpu.memory_space<hbm>>
        %dma_start3A_167 = tpu.memref_slice %arg7[%run_scoped3A_155, %mul3A_32] : memref<4x8192xi32, #tpu.memory_space<hbm>> -> memref<1x512xi32, #tpu.memory_space<hbm>>
        %dma_start3A_168 = tpu.memref_squeeze %dma_start3A_167 : memref<1x512xi32, #tpu.memory_space<hbm>> -> memref<512xi32, #tpu.memory_space<hbm>>
        tpu.enqueue_dma source(%dma_start3A_168 : memref<512xi32, #tpu.memory_space<hbm>>) target(%arg13 : memref<512xi32, #tpu.memory_space<vmem>>) target_semaphore(%run_scoped3A_165 : memref<!tpu.dma_semaphore, #tpu.memory_space<semaphore_mem>>)
        %dma_wait3A = tpu.memref_slice %arg7[%run_scoped3A_155, %mul3A_32] : memref<4x8192xi32, #tpu.memory_space<hbm>> -> memref<1x512xi32, #tpu.memory_space<hbm>>
        %dma_wait3A_169 = tpu.memref_squeeze %dma_wait3A : memref<1x512xi32, #tpu.memory_space<hbm>> -> memref<512xi32, #tpu.memory_space<hbm>>
        %dma_wait3A_170 = tpu.memref_slice %arg7[%run_scoped3A_155, %mul3A_32] : memref<4x8192xi32, #tpu.memory_space<hbm>> -> memref<1x512xi32, #tpu.memory_space<hbm>>
        %dma_wait3A_171 = tpu.memref_squeeze %dma_wait3A_170 : memref<1x512xi32, #tpu.memory_space<hbm>> -> memref<512xi32, #tpu.memory_space<hbm>>
        tpu.wait_dma2 semaphore(%run_scoped3A_165 : memref<!tpu.dma_semaphore, #tpu.memory_space<semaphore_mem>>) src(%dma_wait3A_171 : memref<512xi32, #tpu.memory_space<hbm>>) dst(%arg13 : memref<512xi32, #tpu.memory_space<vmem>>)
        tpu.yield
      }) : () -> ()
      %scan3A_156 = arith.constant 0 : i32
      %scan3A_157 = arith.constant 32 : i32
      %scan3A_158 = arith.addi %scan3A_156, %scan3A_157 : i32
      %scan3A_159 = arith.constant 1 : i32
      %scan3A_160:2 = scf.for %scan3A_165 = %scan3A_156 to %scan3A_158 step %scan3A_159 iter_args(%scan3A_166 = %scan3A_130#0, %scan3A_167 = %scan3A_130#1) -> (vector<16xf32>, vector<16xf32>)  : i32 {
        %mul3A_168 = arith.constant 16 : i32
        %mul3A_169 = arith.muli %scan3A_165, %mul3A_168 : i32
        %get3A = arith.index_cast %mul3A_169 : i32 to index
        %get3A_170 = tpu.vector_load %arg13[%get3A] {strides = array<i32>} : memref<512xi32, #tpu.memory_space<vmem>>, vector<16xi32>,
        %mul3A_171 = arith.constant 16 : i32
        %mul3A_172 = arith.muli %scan3A_165, %mul3A_171 : i32
        %get3A_173 = arith.index_cast %mul3A_172 : i32 to index
        %get3A_174 = tpu.vector_load %arg11[%get3A_173] {strides = array<i32>} : memref<1536xf32, #tpu.memory_space<vmem>>, vector<16xf32>,
        %gather3A = tpu.vector_load_idx %arg9[%get3A_170] : memref<24576xf32, #tpu.memory_space<vmem>>[vector<16xi32>], vector<16xf32>,
        %sub3A_175 = arith.subf %get3A_174, %gather3A : vector<16xf32>
        %mul3A_176 = arith.constant 16 : i32
        %mul3A_177 = arith.muli %scan3A_165, %mul3A_176 : i32
        %add3A_178 = arith.constant 512 : i32
        %add3A_179 = arith.addi %add3A_178, %mul3A_177 : i32
        %get3A_180 = arith.index_cast %add3A_179 : i32 to index
        %get3A_181 = tpu.vector_load %arg11[%get3A_180] {strides = array<i32>} : memref<1536xf32, #tpu.memory_space<vmem>>, vector<16xf32>,
        %add3A_182 = arith.constant 8192 : i32
        %add3A_183 = vector.broadcast %add3A_182 : i32 to vector<16xi32>
        %add3A_184 = arith.addi %get3A_170, %add3A_183 : vector<16xi32>
        %gather3A_185 = tpu.vector_load_idx %arg9[%add3A_184] : memref<24576xf32, #tpu.memory_space<vmem>>[vector<16xi32>], vector<16xf32>,
        %sub3A_186 = arith.subf %get3A_181, %gather3A_185 : vector<16xf32>
        %mul3A_187 = arith.constant 16 : i32
        %mul3A_188 = arith.muli %scan3A_165, %mul3A_187 : i32
        %add3A_189 = arith.constant 1024 : i32
        %add3A_190 = arith.addi %add3A_189, %mul3A_188 : i32
        %get3A_191 = arith.index_cast %add3A_190 : i32 to index
        %get3A_192 = tpu.vector_load %arg11[%get3A_191] {strides = array<i32>} : memref<1536xf32, #tpu.memory_space<vmem>>, vector<16xf32>,
        %add3A_193 = arith.constant 16384 : i32
        %add3A_194 = vector.broadcast %add3A_193 : i32 to vector<16xi32>
        %add3A_195 = arith.addi %get3A_170, %add3A_194 : vector<16xi32>
        %gather3A_196 = tpu.vector_load_idx %arg9[%add3A_195] : memref<24576xf32, #tpu.memory_space<vmem>>[vector<16xi32>], vector<16xf32>,
        %sub3A_197 = arith.subf %get3A_192, %gather3A_196 : vector<16xf32>
        %mul3A_198 = arith.mulf %sub3A_175, %sub3A_175 : vector<16xf32>
        %mul3A_199 = arith.mulf %sub3A_186, %sub3A_186 : vector<16xf32>
        %add3A_200 = arith.addf %mul3A_198, %mul3A_199 : vector<16xf32>
        %mul3A_201 = arith.mulf %sub3A_197, %sub3A_197 : vector<16xf32>
        %add3A_202 = arith.addf %add3A_200, %mul3A_201 : vector<16xf32>
        %mul3A_203 = arith.constant 16 : i32
        %mul3A_204 = arith.muli %scan3A_165, %mul3A_203 : i32
        %get3A_205 = arith.index_cast %mul3A_204 : i32 to index
        %get3A_206 = tpu.vector_load %arg12[%get3A_205] {strides = array<i32>} : memref<2048xf32, #tpu.memory_space<vmem>>, vector<16xf32>,
        %mul3A_207 = arith.constant 16 : i32
        %mul3A_208 = arith.muli %scan3A_165, %mul3A_207 : i32
        %add3A_209 = arith.constant 512 : i32
        %add3A_210 = arith.addi %add3A_209, %mul3A_208 : i32
        %get3A_211 = arith.index_cast %add3A_210 : i32 to index
        %get3A_212 = tpu.vector_load %arg12[%get3A_211] {strides = array<i32>} : memref<2048xf32, #tpu.memory_space<vmem>>, vector<16xf32>,
        %mul3A_213 = arith.constant 16 : i32
        %mul3A_214 = arith.muli %scan3A_165, %mul3A_213 : i32
        %add3A_215 = arith.constant 1024 : i32
        %add3A_216 = arith.addi %add3A_215, %mul3A_214 : i32
        %get3A_217 = arith.index_cast %add3A_216 : i32 to index
        %get3A_218 = tpu.vector_load %arg12[%get3A_217] {strides = array<i32>} : memref<2048xf32, #tpu.memory_space<vmem>>, vector<16xf32>,
        %mul3A_219 = arith.constant 16 : i32
        %mul3A_220 = arith.muli %scan3A_165, %mul3A_219 : i32
        %add3A_221 = arith.constant 1536 : i32
        %add3A_222 = arith.addi %add3A_221, %mul3A_220 : i32
        %get3A_223 = arith.index_cast %add3A_222 : i32 to index
        %get3A_224 = tpu.vector_load %arg12[%get3A_223] {strides = array<i32>} : memref<2048xf32, #tpu.memory_space<vmem>>, vector<16xf32>,
        %gather3A_225 = tpu.vector_load_idx %arg10[%get3A_170] : memref<32768xf32, #tpu.memory_space<vmem>>[vector<16xi32>], vector<16xf32>,
        %add3A_226 = arith.constant 8192 : i32
        %add3A_227 = vector.broadcast %add3A_226 : i32 to vector<16xi32>
        %add3A_228 = arith.addi %get3A_170, %add3A_227 : vector<16xi32>
        %gather3A_229 = tpu.vector_load_idx %arg10[%add3A_228] : memref<32768xf32, #tpu.memory_space<vmem>>[vector<16xi32>], vector<16xf32>,
        %add3A_230 = arith.constant 16384 : i32
        %add3A_231 = vector.broadcast %add3A_230 : i32 to vector<16xi32>
        %add3A_232 = arith.addi %get3A_170, %add3A_231 : vector<16xi32>
        %gather3A_233 = tpu.vector_load_idx %arg10[%add3A_232] : memref<32768xf32, #tpu.memory_space<vmem>>[vector<16xi32>], vector<16xf32>,
        %add3A_234 = arith.constant 24576 : i32
        %add3A_235 = vector.broadcast %add3A_234 : i32 to vector<16xi32>
        %add3A_236 = arith.addi %get3A_170, %add3A_235 : vector<16xi32>
        %gather3A_237 = tpu.vector_load_idx %arg10[%add3A_236] : memref<32768xf32, #tpu.memory_space<vmem>>[vector<16xi32>], vector<16xf32>,
        %mul3A_238 = arith.mulf %get3A_206, %gather3A_225 : vector<16xf32>
        %mul3A_239 = arith.mulf %get3A_212, %gather3A_229 : vector<16xf32>
        %add3A_240 = arith.addf %mul3A_238, %mul3A_239 : vector<16xf32>
        %mul3A_241 = arith.mulf %get3A_218, %gather3A_233 : vector<16xf32>
        %add3A_242 = arith.addf %add3A_240, %mul3A_241 : vector<16xf32>
        %add3A_243 = arith.addf %get3A_224, %gather3A_237 : vector<16xf32>
        %add3A_244 = arith.addf %add3A_242, %add3A_242 : vector<16xf32>
        %sub3A_245 = arith.subf %add3A_243, %add3A_244 : vector<16xf32>
        %add3A_246 = arith.addf %scan3A_166, %add3A_202 : vector<16xf32>
        %add3A_247 = arith.addf %scan3A_167, %sub3A_245 : vector<16xf32>
        scf.yield %add3A_246, %add3A_247 : vector<16xf32>, vector<16xf32>
      }
      %scan3A_161 = arith.constant 32 : i32
      %swap3A = arith.constant 0 : index
      %swap3A_162 = tpu.vector_load %arg14[%swap3A] {strides = array<i32>} : memref<32xf32, #tpu.memory_space<vmem>>, vector<16xf32>,
      tpu.vector_store %arg14[%swap3A], %scan3A_160#0 {strides = array<i32>} : memref<32xf32, #tpu.memory_space<vmem>>, vector<16xf32>,
      %swap3A_163 = arith.constant 16 : index
      %swap3A_164 = tpu.vector_load %arg14[%swap3A_163] {strides = array<i32>} : memref<32xf32, #tpu.memory_space<vmem>>, vector<16xf32>,
      tpu.vector_store %arg14[%swap3A_163], %scan3A_160#1 {strides = array<i32>} : memref<32xf32, #tpu.memory_space<vmem>>, vector<16xf32>,
      "tpu.region"() ({
        %run_scoped3A_165 = tpu.sem_alloc : memref<!tpu.dma_semaphore, #tpu.memory_space<semaphore_mem>>
        %dma_start3A = arith.constant 0 : i32
        %dma_start3A_166 = tpu.memref_slice %arg8[%add3A, %dma_start3A] : memref<32x32xf32, #tpu.memory_space<hbm>> -> memref<1x32xf32, #tpu.memory_space<hbm>>
        %dma_start3A_167 = tpu.memref_squeeze %dma_start3A_166 : memref<1x32xf32, #tpu.memory_space<hbm>> -> memref<32xf32, #tpu.memory_space<hbm>>
        %dma_start3A_168 = arith.constant 0 : i32
        %dma_start3A_169 = tpu.memref_slice %arg8[%add3A, %dma_start3A_168] : memref<32x32xf32, #tpu.memory_space<hbm>> -> memref<1x32xf32, #tpu.memory_space<hbm>>
        %dma_start3A_170 = tpu.memref_squeeze %dma_start3A_169 : memref<1x32xf32, #tpu.memory_space<hbm>> -> memref<32xf32, #tpu.memory_space<hbm>>
        tpu.enqueue_dma source(%arg14 : memref<32xf32, #tpu.memory_space<vmem>>) target(%dma_start3A_170 : memref<32xf32, #tpu.memory_space<hbm>>) target_semaphore(%run_scoped3A_165 : memref<!tpu.dma_semaphore, #tpu.memory_space<semaphore_mem>>)
        %dma_wait3A = arith.constant 0 : i32
        %dma_wait3A_171 = tpu.memref_slice %arg8[%add3A, %dma_wait3A] : memref<32x32xf32, #tpu.memory_space<hbm>> -> memref<1x32xf32, #tpu.memory_space<hbm>>
        %dma_wait3A_172 = tpu.memref_squeeze %dma_wait3A_171 : memref<1x32xf32, #tpu.memory_space<hbm>> -> memref<32xf32, #tpu.memory_space<hbm>>
        %dma_wait3A_173 = arith.constant 0 : i32
        %dma_wait3A_174 = tpu.memref_slice %arg8[%add3A, %dma_wait3A_173] : memref<32x32xf32, #tpu.memory_space<hbm>> -> memref<1x32xf32, #tpu.memory_space<hbm>>
        %dma_wait3A_175 = tpu.memref_squeeze %dma_wait3A_174 : memref<1x32xf32, #tpu.memory_space<hbm>> -> memref<32xf32, #tpu.memory_space<hbm>>
        tpu.wait_dma2 semaphore(%run_scoped3A_165 : memref<!tpu.dma_semaphore, #tpu.memory_space<semaphore_mem>>) src(%arg14 : memref<32xf32, #tpu.memory_space<vmem>>) dst(%dma_wait3A_175 : memref<32xf32, #tpu.memory_space<hbm>>)
        tpu.yield
      }) : () -> ()
    } else {
    }
    return
  }
}

module attributes {stable_mosaic.version = 14 : i64} {
  func.func @_nn_body(%arg0: i32, %arg1: i32, %arg2: i32, %arg3: memref<1x3x1024xf32, #tpu.memory_space<vmem>>, %arg4: memref<1x3x2048xf32, #tpu.memory_space<vmem>>, %arg5: memref<1x1x8192xf32, #tpu.memory_space<vmem>>, %arg6: memref<1x1x8192xi32, #tpu.memory_space<vmem>>, %arg7: memref<1x1x8192xf32, #tpu.memory_space<vmem>>, %arg8: memref<1x1x8192xi32, #tpu.memory_space<vmem>>) attributes {dimension_semantics = [#tpu.dimension_semantics<arbitrary>, #tpu.dimension_semantics<arbitrary>, #tpu.dimension_semantics<arbitrary>], iteration_bounds = array<i64: 4, 8, 4>, scalar_prefetch = 0 : i64, scratch_operands = 0 : i64, tpu.core_type = #tpu.core_type<tc>, window_params = [{transform_indices = @transform_0, window_bounds = array<i64: 1, 3, 1024>}, {transform_indices = @transform_1, window_bounds = array<i64: 1, 3, 2048>}, {transform_indices = @transform_2, window_bounds = array<i64: 1, 1, 8192>}, {transform_indices = @transform_3, window_bounds = array<i64: 1, 1, 8192>}, {transform_indices = @transform_4, window_bounds = array<i64: 1, 1, 8192>}, {transform_indices = @transform_5, window_bounds = array<i64: 1, 1, 8192>}]} {
    %get3A = arith.constant 0 : index
    %get3A_0 = arith.constant 0 : index
    %get3A_1 = arith.constant 0 : index
    %get3A_2 = vector.load %arg3[%get3A, %get3A_0, %get3A_1] : memref<1x3x1024xf32, #tpu.memory_space<vmem>>, vector<1x3x1024xf32>
    %get3A_3 = vector.shape_cast %get3A_2 : vector<1x3x1024xf32> to vector<3x1024xf32>
    %get3A_4 = arith.constant 0 : index
    %get3A_5 = arith.constant 0 : index
    %get3A_6 = arith.constant 0 : index
    %get3A_7 = vector.load %arg4[%get3A_4, %get3A_5, %get3A_6] : memref<1x3x2048xf32, #tpu.memory_space<vmem>>, vector<1x3x2048xf32>
    %get3A_8 = vector.shape_cast %get3A_7 : vector<1x3x2048xf32> to vector<3x2048xf32>
    %convert_element_type3A = arith.truncf %get3A_3 : vector<3x1024xf32> to vector<3x1024xbf16>
    %convert_element_type3A_9 = arith.truncf %get3A_8 : vector<3x2048xf32> to vector<3x2048xbf16>
    %add3A = arith.addf %get3A_3, %get3A_3 : vector<3x1024xf32>
    %convert_element_type3A_10 = arith.truncf %add3A : vector<3x1024xf32> to vector<3x1024xbf16>
    %add3A_11 = arith.addf %get3A_8, %get3A_8 : vector<3x2048xf32>
    %convert_element_type3A_12 = arith.truncf %add3A_11 : vector<3x2048xf32> to vector<3x2048xbf16>
    %dot_general3A = arith.constant dense<0.000000e+00> : vector<2048x1024xf32>
    %dot_general3A_13 = tpu.matmul %convert_element_type3A_12, %convert_element_type3A, %dot_general3A {dimension_numbers = #tpu.dot_dimension_numbers<[0], [0], [1], [1], [0, 1, 1, 1], [], []>, transpose_lhs_hint = false} : vector<3x2048xbf16>, vector<3x1024xbf16>, vector<2048x1024xf32> -> vector<2048x1024xf32>
    %dot_general3A_14 = arith.constant dense<0.000000e+00> : vector<1024x2048xf32>
    %dot_general3A_15 = tpu.matmul %convert_element_type3A_10, %convert_element_type3A_9, %dot_general3A_14 {dimension_numbers = #tpu.dot_dimension_numbers<[0], [0], [1], [1], [0, 1, 1, 1], [], []>, transpose_lhs_hint = false} : vector<3x1024xbf16>, vector<3x2048xbf16>, vector<1024x2048xf32> -> vector<1024x2048xf32>
    %mul3A = arith.mulf %get3A_3, %get3A_3 : vector<3x1024xf32>
    %reduce_sum3A = arith.constant dense<0.000000e+00> : vector<1024xf32>
    %reduce_sum3A_16 = vector.multi_reduction <add>, %mul3A, %reduce_sum3A [0] : vector<3x1024xf32> to vector<1024xf32>
    %mul3A_17 = arith.mulf %get3A_8, %get3A_8 : vector<3x2048xf32>
    %reduce_sum3A_18 = arith.constant dense<0.000000e+00> : vector<2048xf32>
    %reduce_sum3A_19 = vector.multi_reduction <add>, %mul3A_17, %reduce_sum3A_18 [0] : vector<3x2048xf32> to vector<2048xf32>
    %broadcast_in_dim3A = vector.shape_cast %reduce_sum3A_19 : vector<2048xf32> to vector<2048x1xf32>
    %broadcast_in_dim3A_20 = vector.shape_cast %reduce_sum3A_16 : vector<1024xf32> to vector<1x1024xf32>
    %add3A_21 = vector.broadcast %broadcast_in_dim3A : vector<2048x1xf32> to vector<2048x1024xf32>
    %add3A_22 = vector.broadcast %broadcast_in_dim3A_20 : vector<1x1024xf32> to vector<2048x1024xf32>
    %add3A_23 = arith.addf %add3A_21, %add3A_22 : vector<2048x1024xf32>
    %sub3A = arith.subf %add3A_23, %dot_general3A_13 : vector<2048x1024xf32>
    %broadcast_in_dim3A_24 = vector.shape_cast %reduce_sum3A_16 : vector<1024xf32> to vector<1024x1xf32>
    %broadcast_in_dim3A_25 = vector.shape_cast %reduce_sum3A_19 : vector<2048xf32> to vector<1x2048xf32>
    %add3A_26 = vector.broadcast %broadcast_in_dim3A_24 : vector<1024x1xf32> to vector<1024x2048xf32>
    %add3A_27 = vector.broadcast %broadcast_in_dim3A_25 : vector<1x2048xf32> to vector<1024x2048xf32>
    %add3A_28 = arith.addf %add3A_26, %add3A_27 : vector<1024x2048xf32>
    %sub3A_29 = arith.subf %add3A_28, %dot_general3A_15 : vector<1024x2048xf32>
    %iota3A = tpu.iota {dimensions = array<i32: 0>} : vector<2048x1024xi32>
    %and3A = arith.constant 255 : i32
    %and3A_30 = vector.broadcast %and3A : i32 to vector<2048x1024xi32>
    %and3A_31 = arith.andi %iota3A, %and3A_30 : vector<2048x1024xi32>
    %bitcast_convert_type3A = tpu.bitcast %sub3A : vector<2048x1024xf32> -> vector<2048x1024xi32>
    %and3A_32 = arith.constant -256 : i32
    %and3A_33 = vector.broadcast %and3A_32 : i32 to vector<2048x1024xi32>
    %and3A_34 = arith.andi %bitcast_convert_type3A, %and3A_33 : vector<2048x1024xi32>
    %or3A = arith.ori %and3A_34, %and3A_31 : vector<2048x1024xi32>
    %bitcast_convert_type3A_35 = tpu.bitcast %or3A : vector<2048x1024xi32> -> vector<2048x1024xf32>
    %slice3A = vector.extract_strided_slice %bitcast_convert_type3A_35 {offsets = [0, 0], sizes = [256, 1024], strides = [1, 1]} : vector<2048x1024xf32> to vector<256x1024xf32>
    %reduce_min3A = arith.constant dense<0x7F800000> : vector<1024xf32>
    %reduce_min3A_36 = vector.multi_reduction <minimumf>, %slice3A, %reduce_min3A [0] : vector<256x1024xf32> to vector<1024xf32>
    %bitcast_convert_type3A_37 = tpu.bitcast %reduce_min3A_36 : vector<1024xf32> -> vector<1024xi32>
    %and3A_38 = arith.constant 255 : i32
    %and3A_39 = vector.broadcast %and3A_38 : i32 to vector<1024xi32>
    %and3A_40 = arith.andi %bitcast_convert_type3A_37, %and3A_39 : vector<1024xi32>
    %add3A_41 = arith.constant 0 : i32
    %add3A_42 = vector.broadcast %add3A_41 : i32 to vector<1024xi32>
    %add3A_43 = arith.addi %and3A_40, %add3A_42 : vector<1024xi32>
    %slice3A_44 = vector.extract_strided_slice %bitcast_convert_type3A_35 {offsets = [256, 0], sizes = [256, 1024], strides = [1, 1]} : vector<2048x1024xf32> to vector<256x1024xf32>
    %reduce_min3A_45 = arith.constant dense<0x7F800000> : vector<1024xf32>
    %reduce_min3A_46 = vector.multi_reduction <minimumf>, %slice3A_44, %reduce_min3A_45 [0] : vector<256x1024xf32> to vector<1024xf32>
    %bitcast_convert_type3A_47 = tpu.bitcast %reduce_min3A_46 : vector<1024xf32> -> vector<1024xi32>
    %and3A_48 = arith.constant 255 : i32
    %and3A_49 = vector.broadcast %and3A_48 : i32 to vector<1024xi32>
    %and3A_50 = arith.andi %bitcast_convert_type3A_47, %and3A_49 : vector<1024xi32>
    %add3A_51 = arith.constant 256 : i32
    %add3A_52 = vector.broadcast %add3A_51 : i32 to vector<1024xi32>
    %add3A_53 = arith.addi %and3A_50, %add3A_52 : vector<1024xi32>
    %lt3A = arith.cmpf olt, %reduce_min3A_46, %reduce_min3A_36 : vector<1024xf32>
    %select_n3A = arith.select %lt3A, %reduce_min3A_46, %reduce_min3A_36 : vector<1024xi1>, vector<1024xf32>
    %select_n3A_54 = arith.select %lt3A, %add3A_53, %add3A_43 : vector<1024xi1>, vector<1024xi32>
    %slice3A_55 = vector.extract_strided_slice %bitcast_convert_type3A_35 {offsets = [512, 0], sizes = [256, 1024], strides = [1, 1]} : vector<2048x1024xf32> to vector<256x1024xf32>
    %reduce_min3A_56 = arith.constant dense<0x7F800000> : vector<1024xf32>
    %reduce_min3A_57 = vector.multi_reduction <minimumf>, %slice3A_55, %reduce_min3A_56 [0] : vector<256x1024xf32> to vector<1024xf32>
    %bitcast_convert_type3A_58 = tpu.bitcast %reduce_min3A_57 : vector<1024xf32> -> vector<1024xi32>
    %and3A_59 = arith.constant 255 : i32
    %and3A_60 = vector.broadcast %and3A_59 : i32 to vector<1024xi32>
    %and3A_61 = arith.andi %bitcast_convert_type3A_58, %and3A_60 : vector<1024xi32>
    %add3A_62 = arith.constant 512 : i32
    %add3A_63 = vector.broadcast %add3A_62 : i32 to vector<1024xi32>
    %add3A_64 = arith.addi %and3A_61, %add3A_63 : vector<1024xi32>
    %lt3A_65 = arith.cmpf olt, %reduce_min3A_57, %select_n3A : vector<1024xf32>
    %select_n3A_66 = arith.select %lt3A_65, %reduce_min3A_57, %select_n3A : vector<1024xi1>, vector<1024xf32>
    %select_n3A_67 = arith.select %lt3A_65, %add3A_64, %select_n3A_54 : vector<1024xi1>, vector<1024xi32>
    %slice3A_68 = vector.extract_strided_slice %bitcast_convert_type3A_35 {offsets = [768, 0], sizes = [256, 1024], strides = [1, 1]} : vector<2048x1024xf32> to vector<256x1024xf32>
    %reduce_min3A_69 = arith.constant dense<0x7F800000> : vector<1024xf32>
    %reduce_min3A_70 = vector.multi_reduction <minimumf>, %slice3A_68, %reduce_min3A_69 [0] : vector<256x1024xf32> to vector<1024xf32>
    %bitcast_convert_type3A_71 = tpu.bitcast %reduce_min3A_70 : vector<1024xf32> -> vector<1024xi32>
    %and3A_72 = arith.constant 255 : i32
    %and3A_73 = vector.broadcast %and3A_72 : i32 to vector<1024xi32>
    %and3A_74 = arith.andi %bitcast_convert_type3A_71, %and3A_73 : vector<1024xi32>
    %add3A_75 = arith.constant 768 : i32
    %add3A_76 = vector.broadcast %add3A_75 : i32 to vector<1024xi32>
    %add3A_77 = arith.addi %and3A_74, %add3A_76 : vector<1024xi32>
    %lt3A_78 = arith.cmpf olt, %reduce_min3A_70, %select_n3A_66 : vector<1024xf32>
    %select_n3A_79 = arith.select %lt3A_78, %reduce_min3A_70, %select_n3A_66 : vector<1024xi1>, vector<1024xf32>
    %select_n3A_80 = arith.select %lt3A_78, %add3A_77, %select_n3A_67 : vector<1024xi1>, vector<1024xi32>
    %slice3A_81 = vector.extract_strided_slice %bitcast_convert_type3A_35 {offsets = [1024, 0], sizes = [256, 1024], strides = [1, 1]} : vector<2048x1024xf32> to vector<256x1024xf32>
    %reduce_min3A_82 = arith.constant dense<0x7F800000> : vector<1024xf32>
    %reduce_min3A_83 = vector.multi_reduction <minimumf>, %slice3A_81, %reduce_min3A_82 [0] : vector<256x1024xf32> to vector<1024xf32>
    %bitcast_convert_type3A_84 = tpu.bitcast %reduce_min3A_83 : vector<1024xf32> -> vector<1024xi32>
    %and3A_85 = arith.constant 255 : i32
    %and3A_86 = vector.broadcast %and3A_85 : i32 to vector<1024xi32>
    %and3A_87 = arith.andi %bitcast_convert_type3A_84, %and3A_86 : vector<1024xi32>
    %add3A_88 = arith.constant 1024 : i32
    %add3A_89 = vector.broadcast %add3A_88 : i32 to vector<1024xi32>
    %add3A_90 = arith.addi %and3A_87, %add3A_89 : vector<1024xi32>
    %lt3A_91 = arith.cmpf olt, %reduce_min3A_83, %select_n3A_79 : vector<1024xf32>
    %select_n3A_92 = arith.select %lt3A_91, %reduce_min3A_83, %select_n3A_79 : vector<1024xi1>, vector<1024xf32>
    %select_n3A_93 = arith.select %lt3A_91, %add3A_90, %select_n3A_80 : vector<1024xi1>, vector<1024xi32>
    %slice3A_94 = vector.extract_strided_slice %bitcast_convert_type3A_35 {offsets = [1280, 0], sizes = [256, 1024], strides = [1, 1]} : vector<2048x1024xf32> to vector<256x1024xf32>
    %reduce_min3A_95 = arith.constant dense<0x7F800000> : vector<1024xf32>
    %reduce_min3A_96 = vector.multi_reduction <minimumf>, %slice3A_94, %reduce_min3A_95 [0] : vector<256x1024xf32> to vector<1024xf32>
    %bitcast_convert_type3A_97 = tpu.bitcast %reduce_min3A_96 : vector<1024xf32> -> vector<1024xi32>
    %and3A_98 = arith.constant 255 : i32
    %and3A_99 = vector.broadcast %and3A_98 : i32 to vector<1024xi32>
    %and3A_100 = arith.andi %bitcast_convert_type3A_97, %and3A_99 : vector<1024xi32>
    %add3A_101 = arith.constant 1280 : i32
    %add3A_102 = vector.broadcast %add3A_101 : i32 to vector<1024xi32>
    %add3A_103 = arith.addi %and3A_100, %add3A_102 : vector<1024xi32>
    %lt3A_104 = arith.cmpf olt, %reduce_min3A_96, %select_n3A_92 : vector<1024xf32>
    %select_n3A_105 = arith.select %lt3A_104, %reduce_min3A_96, %select_n3A_92 : vector<1024xi1>, vector<1024xf32>
    %select_n3A_106 = arith.select %lt3A_104, %add3A_103, %select_n3A_93 : vector<1024xi1>, vector<1024xi32>
    %slice3A_107 = vector.extract_strided_slice %bitcast_convert_type3A_35 {offsets = [1536, 0], sizes = [256, 1024], strides = [1, 1]} : vector<2048x1024xf32> to vector<256x1024xf32>
    %reduce_min3A_108 = arith.constant dense<0x7F800000> : vector<1024xf32>
    %reduce_min3A_109 = vector.multi_reduction <minimumf>, %slice3A_107, %reduce_min3A_108 [0] : vector<256x1024xf32> to vector<1024xf32>
    %bitcast_convert_type3A_110 = tpu.bitcast %reduce_min3A_109 : vector<1024xf32> -> vector<1024xi32>
    %and3A_111 = arith.constant 255 : i32
    %and3A_112 = vector.broadcast %and3A_111 : i32 to vector<1024xi32>
    %and3A_113 = arith.andi %bitcast_convert_type3A_110, %and3A_112 : vector<1024xi32>
    %add3A_114 = arith.constant 1536 : i32
    %add3A_115 = vector.broadcast %add3A_114 : i32 to vector<1024xi32>
    %add3A_116 = arith.addi %and3A_113, %add3A_115 : vector<1024xi32>
    %lt3A_117 = arith.cmpf olt, %reduce_min3A_109, %select_n3A_105 : vector<1024xf32>
    %select_n3A_118 = arith.select %lt3A_117, %reduce_min3A_109, %select_n3A_105 : vector<1024xi1>, vector<1024xf32>
    %select_n3A_119 = arith.select %lt3A_117, %add3A_116, %select_n3A_106 : vector<1024xi1>, vector<1024xi32>
    %slice3A_120 = vector.extract_strided_slice %bitcast_convert_type3A_35 {offsets = [1792, 0], sizes = [256, 1024], strides = [1, 1]} : vector<2048x1024xf32> to vector<256x1024xf32>
    %reduce_min3A_121 = arith.constant dense<0x7F800000> : vector<1024xf32>
    %reduce_min3A_122 = vector.multi_reduction <minimumf>, %slice3A_120, %reduce_min3A_121 [0] : vector<256x1024xf32> to vector<1024xf32>
    %bitcast_convert_type3A_123 = tpu.bitcast %reduce_min3A_122 : vector<1024xf32> -> vector<1024xi32>
    %and3A_124 = arith.constant 255 : i32
    %and3A_125 = vector.broadcast %and3A_124 : i32 to vector<1024xi32>
    %and3A_126 = arith.andi %bitcast_convert_type3A_123, %and3A_125 : vector<1024xi32>
    %add3A_127 = arith.constant 1792 : i32
    %add3A_128 = vector.broadcast %add3A_127 : i32 to vector<1024xi32>
    %add3A_129 = arith.addi %and3A_126, %add3A_128 : vector<1024xi32>
    %lt3A_130 = arith.cmpf olt, %reduce_min3A_122, %select_n3A_118 : vector<1024xf32>
    %select_n3A_131 = arith.select %lt3A_130, %reduce_min3A_122, %select_n3A_118 : vector<1024xi1>, vector<1024xf32>
    %select_n3A_132 = arith.select %lt3A_130, %add3A_129, %select_n3A_119 : vector<1024xi1>, vector<1024xi32>
    %mul3A_133 = arith.constant 2048 : i32
    %mul3A_134 = arith.muli %arg2, %mul3A_133 : i32
    %add3A_135 = vector.broadcast %mul3A_134 : i32 to vector<1024xi32>
    %add3A_136 = arith.addi %select_n3A_132, %add3A_135 : vector<1024xi32>
    %iota3A_137 = tpu.iota {dimensions = array<i32: 0>} : vector<1024x2048xi32>
    %and3A_138 = arith.constant 255 : i32
    %and3A_139 = vector.broadcast %and3A_138 : i32 to vector<1024x2048xi32>
    %and3A_140 = arith.andi %iota3A_137, %and3A_139 : vector<1024x2048xi32>
    %bitcast_convert_type3A_141 = tpu.bitcast %sub3A_29 : vector<1024x2048xf32> -> vector<1024x2048xi32>
    %and3A_142 = arith.constant -256 : i32
    %and3A_143 = vector.broadcast %and3A_142 : i32 to vector<1024x2048xi32>
    %and3A_144 = arith.andi %bitcast_convert_type3A_141, %and3A_143 : vector<1024x2048xi32>
    %or3A_145 = arith.ori %and3A_144, %and3A_140 : vector<1024x2048xi32>
    %bitcast_convert_type3A_146 = tpu.bitcast %or3A_145 : vector<1024x2048xi32> -> vector<1024x2048xf32>
    %slice3A_147 = vector.extract_strided_slice %bitcast_convert_type3A_146 {offsets = [0, 0], sizes = [256, 2048], strides = [1, 1]} : vector<1024x2048xf32> to vector<256x2048xf32>
    %reduce_min3A_148 = arith.constant dense<0x7F800000> : vector<2048xf32>
    %reduce_min3A_149 = vector.multi_reduction <minimumf>, %slice3A_147, %reduce_min3A_148 [0] : vector<256x2048xf32> to vector<2048xf32>
    %bitcast_convert_type3A_150 = tpu.bitcast %reduce_min3A_149 : vector<2048xf32> -> vector<2048xi32>
    %and3A_151 = arith.constant 255 : i32
    %and3A_152 = vector.broadcast %and3A_151 : i32 to vector<2048xi32>
    %and3A_153 = arith.andi %bitcast_convert_type3A_150, %and3A_152 : vector<2048xi32>
    %add3A_154 = arith.constant 0 : i32
    %add3A_155 = vector.broadcast %add3A_154 : i32 to vector<2048xi32>
    %add3A_156 = arith.addi %and3A_153, %add3A_155 : vector<2048xi32>
    %slice3A_157 = vector.extract_strided_slice %bitcast_convert_type3A_146 {offsets = [256, 0], sizes = [256, 2048], strides = [1, 1]} : vector<1024x2048xf32> to vector<256x2048xf32>
    %reduce_min3A_158 = arith.constant dense<0x7F800000> : vector<2048xf32>
    %reduce_min3A_159 = vector.multi_reduction <minimumf>, %slice3A_157, %reduce_min3A_158 [0] : vector<256x2048xf32> to vector<2048xf32>
    %bitcast_convert_type3A_160 = tpu.bitcast %reduce_min3A_159 : vector<2048xf32> -> vector<2048xi32>
    %and3A_161 = arith.constant 255 : i32
    %and3A_162 = vector.broadcast %and3A_161 : i32 to vector<2048xi32>
    %and3A_163 = arith.andi %bitcast_convert_type3A_160, %and3A_162 : vector<2048xi32>
    %add3A_164 = arith.constant 256 : i32
    %add3A_165 = vector.broadcast %add3A_164 : i32 to vector<2048xi32>
    %add3A_166 = arith.addi %and3A_163, %add3A_165 : vector<2048xi32>
    %lt3A_167 = arith.cmpf olt, %reduce_min3A_159, %reduce_min3A_149 : vector<2048xf32>
    %select_n3A_168 = arith.select %lt3A_167, %reduce_min3A_159, %reduce_min3A_149 : vector<2048xi1>, vector<2048xf32>
    %select_n3A_169 = arith.select %lt3A_167, %add3A_166, %add3A_156 : vector<2048xi1>, vector<2048xi32>
    %slice3A_170 = vector.extract_strided_slice %bitcast_convert_type3A_146 {offsets = [512, 0], sizes = [256, 2048], strides = [1, 1]} : vector<1024x2048xf32> to vector<256x2048xf32>
    %reduce_min3A_171 = arith.constant dense<0x7F800000> : vector<2048xf32>
    %reduce_min3A_172 = vector.multi_reduction <minimumf>, %slice3A_170, %reduce_min3A_171 [0] : vector<256x2048xf32> to vector<2048xf32>
    %bitcast_convert_type3A_173 = tpu.bitcast %reduce_min3A_172 : vector<2048xf32> -> vector<2048xi32>
    %and3A_174 = arith.constant 255 : i32
    %and3A_175 = vector.broadcast %and3A_174 : i32 to vector<2048xi32>
    %and3A_176 = arith.andi %bitcast_convert_type3A_173, %and3A_175 : vector<2048xi32>
    %add3A_177 = arith.constant 512 : i32
    %add3A_178 = vector.broadcast %add3A_177 : i32 to vector<2048xi32>
    %add3A_179 = arith.addi %and3A_176, %add3A_178 : vector<2048xi32>
    %lt3A_180 = arith.cmpf olt, %reduce_min3A_172, %select_n3A_168 : vector<2048xf32>
    %select_n3A_181 = arith.select %lt3A_180, %reduce_min3A_172, %select_n3A_168 : vector<2048xi1>, vector<2048xf32>
    %select_n3A_182 = arith.select %lt3A_180, %add3A_179, %select_n3A_169 : vector<2048xi1>, vector<2048xi32>
    %slice3A_183 = vector.extract_strided_slice %bitcast_convert_type3A_146 {offsets = [768, 0], sizes = [256, 2048], strides = [1, 1]} : vector<1024x2048xf32> to vector<256x2048xf32>
    %reduce_min3A_184 = arith.constant dense<0x7F800000> : vector<2048xf32>
    %reduce_min3A_185 = vector.multi_reduction <minimumf>, %slice3A_183, %reduce_min3A_184 [0] : vector<256x2048xf32> to vector<2048xf32>
    %bitcast_convert_type3A_186 = tpu.bitcast %reduce_min3A_185 : vector<2048xf32> -> vector<2048xi32>
    %and3A_187 = arith.constant 255 : i32
    %and3A_188 = vector.broadcast %and3A_187 : i32 to vector<2048xi32>
    %and3A_189 = arith.andi %bitcast_convert_type3A_186, %and3A_188 : vector<2048xi32>
    %add3A_190 = arith.constant 768 : i32
    %add3A_191 = vector.broadcast %add3A_190 : i32 to vector<2048xi32>
    %add3A_192 = arith.addi %and3A_189, %add3A_191 : vector<2048xi32>
    %lt3A_193 = arith.cmpf olt, %reduce_min3A_185, %select_n3A_181 : vector<2048xf32>
    %select_n3A_194 = arith.select %lt3A_193, %reduce_min3A_185, %select_n3A_181 : vector<2048xi1>, vector<2048xf32>
    %select_n3A_195 = arith.select %lt3A_193, %add3A_192, %select_n3A_182 : vector<2048xi1>, vector<2048xi32>
    %mul3A_196 = arith.constant 1024 : i32
    %mul3A_197 = arith.muli %arg1, %mul3A_196 : i32
    %add3A_198 = vector.broadcast %mul3A_197 : i32 to vector<2048xi32>
    %add3A_199 = arith.addi %select_n3A_195, %add3A_198 : vector<2048xi32>
    %mul3A_200 = arith.constant 1024 : i32
    %mul3A_201 = arith.muli %arg1, %mul3A_200 : i32
    %mul3A_202 = arith.constant 2048 : i32
    %mul3A_203 = arith.muli %arg2, %mul3A_202 : i32
    %eq3A = arith.constant 0 : i32
    %eq3A_204 = arith.cmpi eq, %arg2, %eq3A : i32
    %convert_element_type3A_205 = arith.extui %eq3A_204 : i1 to i32
    %cond3A = arith.constant 0 : i32
    %cond3A_206 = arith.cmpi ne, %convert_element_type3A_205, %cond3A : i32
    scf.if %cond3A_206 {
      %swap3A = arith.constant 0 : index
      %swap3A_221 = arith.constant 0 : index
      %swap3A_222 = arith.index_cast %mul3A_201 : i32 to index
      %swap3A_223 = vector.load %arg5[%swap3A, %swap3A_221, %swap3A_222] : memref<1x1x8192xf32, #tpu.memory_space<vmem>>, vector<1x1x1024xf32>
      %swap3A_224 = vector.shape_cast %swap3A_223 : vector<1x1x1024xf32> to vector<1024xf32>
      %swap3A_225 = vector.shape_cast %select_n3A_131 : vector<1024xf32> to vector<1x1x1024xf32>
      tpu.vector_store %arg5[%swap3A, %swap3A_221, %swap3A_222], %swap3A_225 {strides = array<i32>} : memref<1x1x8192xf32, #tpu.memory_space<vmem>>, vector<1x1x1024xf32>,
      %swap3A_226 = arith.constant 0 : index
      %swap3A_227 = arith.constant 0 : index
      %swap3A_228 = arith.index_cast %mul3A_201 : i32 to index
      %swap3A_229 = vector.load %arg6[%swap3A_226, %swap3A_227, %swap3A_228] : memref<1x1x8192xi32, #tpu.memory_space<vmem>>, vector<1x1x1024xi32>
      %swap3A_230 = vector.shape_cast %swap3A_229 : vector<1x1x1024xi32> to vector<1024xi32>
      %swap3A_231 = vector.shape_cast %add3A_136 : vector<1024xi32> to vector<1x1x1024xi32>
      tpu.vector_store %arg6[%swap3A_226, %swap3A_227, %swap3A_228], %swap3A_231 {strides = array<i32>} : memref<1x1x8192xi32, #tpu.memory_space<vmem>>, vector<1x1x1024xi32>,
    } else {
    }
    %gt3A = arith.constant 0 : i32
    %gt3A_207 = arith.cmpi sgt, %arg2, %gt3A : i32
    %convert_element_type3A_208 = arith.extui %gt3A_207 : i1 to i32
    %cond3A_209 = arith.constant 0 : i32
    %cond3A_210 = arith.cmpi ne, %convert_element_type3A_208, %cond3A_209 : i32
    scf.if %cond3A_210 {
      %get3A_221 = arith.constant 0 : index
      %get3A_222 = arith.constant 0 : index
      %get3A_223 = arith.index_cast %mul3A_201 : i32 to index
      %get3A_224 = vector.load %arg5[%get3A_221, %get3A_222, %get3A_223] : memref<1x1x8192xf32, #tpu.memory_space<vmem>>, vector<1x1x1024xf32>
      %get3A_225 = vector.shape_cast %get3A_224 : vector<1x1x1024xf32> to vector<1024xf32>
      %lt3A_226 = arith.cmpf olt, %select_n3A_131, %get3A_225 : vector<1024xf32>
      %select_n3A_227 = arith.select %lt3A_226, %select_n3A_131, %get3A_225 : vector<1024xi1>, vector<1024xf32>
      %swap3A = arith.constant 0 : index
      %swap3A_228 = arith.constant 0 : index
      %swap3A_229 = arith.index_cast %mul3A_201 : i32 to index
      %swap3A_230 = vector.load %arg5[%swap3A, %swap3A_228, %swap3A_229] : memref<1x1x8192xf32, #tpu.memory_space<vmem>>, vector<1x1x1024xf32>
      %swap3A_231 = vector.shape_cast %swap3A_230 : vector<1x1x1024xf32> to vector<1024xf32>
      %swap3A_232 = vector.shape_cast %select_n3A_227 : vector<1024xf32> to vector<1x1x1024xf32>
      tpu.vector_store %arg5[%swap3A, %swap3A_228, %swap3A_229], %swap3A_232 {strides = array<i32>} : memref<1x1x8192xf32, #tpu.memory_space<vmem>>, vector<1x1x1024xf32>,
      %get3A_233 = arith.constant 0 : index
      %get3A_234 = arith.constant 0 : index
      %get3A_235 = arith.index_cast %mul3A_201 : i32 to index
      %get3A_236 = vector.load %arg6[%get3A_233, %get3A_234, %get3A_235] : memref<1x1x8192xi32, #tpu.memory_space<vmem>>, vector<1x1x1024xi32>
      %get3A_237 = vector.shape_cast %get3A_236 : vector<1x1x1024xi32> to vector<1024xi32>
      %select_n3A_238 = arith.select %lt3A_226, %add3A_136, %get3A_237 : vector<1024xi1>, vector<1024xi32>
      %swap3A_239 = arith.constant 0 : index
      %swap3A_240 = arith.constant 0 : index
      %swap3A_241 = arith.index_cast %mul3A_201 : i32 to index
      %swap3A_242 = vector.load %arg6[%swap3A_239, %swap3A_240, %swap3A_241] : memref<1x1x8192xi32, #tpu.memory_space<vmem>>, vector<1x1x1024xi32>
      %swap3A_243 = vector.shape_cast %swap3A_242 : vector<1x1x1024xi32> to vector<1024xi32>
      %swap3A_244 = vector.shape_cast %select_n3A_238 : vector<1024xi32> to vector<1x1x1024xi32>
      tpu.vector_store %arg6[%swap3A_239, %swap3A_240, %swap3A_241], %swap3A_244 {strides = array<i32>} : memref<1x1x8192xi32, #tpu.memory_space<vmem>>, vector<1x1x1024xi32>,
    } else {
    }
    %eq3A_211 = arith.constant 0 : i32
    %eq3A_212 = arith.cmpi eq, %arg1, %eq3A_211 : i32
    %convert_element_type3A_213 = arith.extui %eq3A_212 : i1 to i32
    %cond3A_214 = arith.constant 0 : i32
    %cond3A_215 = arith.cmpi ne, %convert_element_type3A_213, %cond3A_214 : i32
    scf.if %cond3A_215 {
      %swap3A = arith.constant 0 : index
      %swap3A_221 = arith.constant 0 : index
      %swap3A_222 = arith.index_cast %mul3A_203 : i32 to index
      %swap3A_223 = vector.load %arg7[%swap3A, %swap3A_221, %swap3A_222] : memref<1x1x8192xf32, #tpu.memory_space<vmem>>, vector<1x1x2048xf32>
      %swap3A_224 = vector.shape_cast %swap3A_223 : vector<1x1x2048xf32> to vector<2048xf32>
      %swap3A_225 = vector.shape_cast %select_n3A_194 : vector<2048xf32> to vector<1x1x2048xf32>
      tpu.vector_store %arg7[%swap3A, %swap3A_221, %swap3A_222], %swap3A_225 {strides = array<i32>} : memref<1x1x8192xf32, #tpu.memory_space<vmem>>, vector<1x1x2048xf32>,
      %swap3A_226 = arith.constant 0 : index
      %swap3A_227 = arith.constant 0 : index
      %swap3A_228 = arith.index_cast %mul3A_203 : i32 to index
      %swap3A_229 = vector.load %arg8[%swap3A_226, %swap3A_227, %swap3A_228] : memref<1x1x8192xi32, #tpu.memory_space<vmem>>, vector<1x1x2048xi32>
      %swap3A_230 = vector.shape_cast %swap3A_229 : vector<1x1x2048xi32> to vector<2048xi32>
      %swap3A_231 = vector.shape_cast %add3A_199 : vector<2048xi32> to vector<1x1x2048xi32>
      tpu.vector_store %arg8[%swap3A_226, %swap3A_227, %swap3A_228], %swap3A_231 {strides = array<i32>} : memref<1x1x8192xi32, #tpu.memory_space<vmem>>, vector<1x1x2048xi32>,
    } else {
    }
    %gt3A_216 = arith.constant 0 : i32
    %gt3A_217 = arith.cmpi sgt, %arg1, %gt3A_216 : i32
    %convert_element_type3A_218 = arith.extui %gt3A_217 : i1 to i32
    %cond3A_219 = arith.constant 0 : i32
    %cond3A_220 = arith.cmpi ne, %convert_element_type3A_218, %cond3A_219 : i32
    scf.if %cond3A_220 {
      %get3A_221 = arith.constant 0 : index
      %get3A_222 = arith.constant 0 : index
      %get3A_223 = arith.index_cast %mul3A_203 : i32 to index
      %get3A_224 = vector.load %arg7[%get3A_221, %get3A_222, %get3A_223] : memref<1x1x8192xf32, #tpu.memory_space<vmem>>, vector<1x1x2048xf32>
      %get3A_225 = vector.shape_cast %get3A_224 : vector<1x1x2048xf32> to vector<2048xf32>
      %lt3A_226 = arith.cmpf olt, %select_n3A_194, %get3A_225 : vector<2048xf32>
      %select_n3A_227 = arith.select %lt3A_226, %select_n3A_194, %get3A_225 : vector<2048xi1>, vector<2048xf32>
      %swap3A = arith.constant 0 : index
      %swap3A_228 = arith.constant 0 : index
      %swap3A_229 = arith.index_cast %mul3A_203 : i32 to index
      %swap3A_230 = vector.load %arg7[%swap3A, %swap3A_228, %swap3A_229] : memref<1x1x8192xf32, #tpu.memory_space<vmem>>, vector<1x1x2048xf32>
      %swap3A_231 = vector.shape_cast %swap3A_230 : vector<1x1x2048xf32> to vector<2048xf32>
      %swap3A_232 = vector.shape_cast %select_n3A_227 : vector<2048xf32> to vector<1x1x2048xf32>
      tpu.vector_store %arg7[%swap3A, %swap3A_228, %swap3A_229], %swap3A_232 {strides = array<i32>} : memref<1x1x8192xf32, #tpu.memory_space<vmem>>, vector<1x1x2048xf32>,
      %get3A_233 = arith.constant 0 : index
      %get3A_234 = arith.constant 0 : index
      %get3A_235 = arith.index_cast %mul3A_203 : i32 to index
      %get3A_236 = vector.load %arg8[%get3A_233, %get3A_234, %get3A_235] : memref<1x1x8192xi32, #tpu.memory_space<vmem>>, vector<1x1x2048xi32>
      %get3A_237 = vector.shape_cast %get3A_236 : vector<1x1x2048xi32> to vector<2048xi32>
      %select_n3A_238 = arith.select %lt3A_226, %add3A_199, %get3A_237 : vector<2048xi1>, vector<2048xi32>
      %swap3A_239 = arith.constant 0 : index
      %swap3A_240 = arith.constant 0 : index
      %swap3A_241 = arith.index_cast %mul3A_203 : i32 to index
      %swap3A_242 = vector.load %arg8[%swap3A_239, %swap3A_240, %swap3A_241] : memref<1x1x8192xi32, #tpu.memory_space<vmem>>, vector<1x1x2048xi32>
      %swap3A_243 = vector.shape_cast %swap3A_242 : vector<1x1x2048xi32> to vector<2048xi32>
      %swap3A_244 = vector.shape_cast %select_n3A_238 : vector<2048xi32> to vector<1x1x2048xi32>
      tpu.vector_store %arg8[%swap3A_239, %swap3A_240, %swap3A_241], %swap3A_244 {strides = array<i32>} : memref<1x1x8192xi32, #tpu.memory_space<vmem>>, vector<1x1x2048xi32>,
    } else {
    }
    return
  }
  func.func @transform_0(%arg0: i32, %arg1: i32, %arg2: i32) -> (i32, i32, i32) {
    %c0_i32 = arith.constant 0 : i32
    %c0_i32_0 = arith.constant 0 : i32
    return %arg0, %c0_i32, %arg1 : i32, i32, i32
  }
  func.func @transform_1(%arg0: i32, %arg1: i32, %arg2: i32) -> (i32, i32, i32) {
    %c0_i32 = arith.constant 0 : i32
    %c0_i32_0 = arith.constant 0 : i32
    return %arg0, %c0_i32, %arg2 : i32, i32, i32
  }
  func.func @transform_2(%arg0: i32, %arg1: i32, %arg2: i32) -> (i32, i32, i32) {
    %c0_i32 = arith.constant 0 : i32
    %c0_i32_0 = arith.constant 0 : i32
    %c0_i32_1 = arith.constant 0 : i32
    return %arg0, %c0_i32, %c0_i32_0 : i32, i32, i32
  }
  func.func @transform_3(%arg0: i32, %arg1: i32, %arg2: i32) -> (i32, i32, i32) {
    %c0_i32 = arith.constant 0 : i32
    %c0_i32_0 = arith.constant 0 : i32
    %c0_i32_1 = arith.constant 0 : i32
    return %arg0, %c0_i32, %c0_i32_0 : i32, i32, i32
  }
  func.func @transform_4(%arg0: i32, %arg1: i32, %arg2: i32) -> (i32, i32, i32) {
    %c0_i32 = arith.constant 0 : i32
    %c0_i32_0 = arith.constant 0 : i32
    %c0_i32_1 = arith.constant 0 : i32
    return %arg0, %c0_i32, %c0_i32_0 : i32, i32, i32
  }
  func.func @transform_5(%arg0: i32, %arg1: i32, %arg2: i32) -> (i32, i32, i32) {
    %c0_i32 = arith.constant 0 : i32
    %c0_i32_0 = arith.constant 0 : i32
    %c0_i32_1 = arith.constant 0 : i32
    return %arg0, %c0_i32, %c0_i32_0 : i32, i32, i32
  }
}

module attributes {stable_mosaic.version = 14 : i64} {
  func.func @_norm_body(%arg0: i32, %arg1: memref<1x3x8192xf32, #tpu.memory_space<vmem>>, %arg2: memref<1x3x8192xf32, #tpu.memory_space<vmem>>, %arg3: memref<1x4x8192xf32, #tpu.memory_space<vmem>>, %arg4: memref<1x4x8192xf32, #tpu.memory_space<vmem>>) attributes {dimension_semantics = [#tpu.dimension_semantics<arbitrary>], iteration_bounds = array<i64: 4>, scalar_prefetch = 0 : i64, scratch_operands = 0 : i64, tpu.core_type = #tpu.core_type<tc>, window_params = [{transform_indices = @transform_0, window_bounds = array<i64: 1, 3, 8192>}, {transform_indices = @transform_1, window_bounds = array<i64: 1, 3, 8192>}, {transform_indices = @transform_2, window_bounds = array<i64: 1, 4, 8192>}, {transform_indices = @transform_3, window_bounds = array<i64: 1, 4, 8192>}]} {
    %get3A = arith.constant 0 : index
    %get3A_0 = arith.constant 0 : index
    %get3A_1 = arith.constant 0 : index
    %get3A_2 = vector.load %arg1[%get3A, %get3A_0, %get3A_1] : memref<1x3x8192xf32, #tpu.memory_space<vmem>>, vector<1x3x8192xf32>
    %get3A_3 = vector.shape_cast %get3A_2 : vector<1x3x8192xf32> to vector<3x8192xf32>
    %mul3A = arith.mulf %get3A_3, %get3A_3 : vector<3x8192xf32>
    %reduce_sum3A = arith.constant dense<0.000000e+00> : vector<8192xf32>
    %reduce_sum3A_4 = vector.multi_reduction <add>, %mul3A, %reduce_sum3A [0] : vector<3x8192xf32> to vector<8192xf32>
    %broadcast_in_dim3A = vector.shape_cast %reduce_sum3A_4 : vector<8192xf32> to vector<1x8192xf32>
    %sqrt3A = math.sqrt %broadcast_in_dim3A : vector<1x8192xf32>
    %max3A = arith.constant 9.99999996E-13 : f32
    %max3A_5 = vector.broadcast %max3A : f32 to vector<1x8192xf32>
    %max3A_6 = arith.maximumf %sqrt3A, %max3A_5 : vector<1x8192xf32>
    %div3A = arith.constant 1.000000e+00 : f32
    %div3A_7 = vector.broadcast %div3A : f32 to vector<1x8192xf32>
    %div3A_8 = arith.divf %div3A_7, %max3A_6 : vector<1x8192xf32>
    %mul3A_9 = vector.broadcast %div3A_8 : vector<1x8192xf32> to vector<3x8192xf32>
    %mul3A_10 = arith.mulf %get3A_3, %mul3A_9 : vector<3x8192xf32>
    %mul3A_11 = arith.mulf %mul3A_10, %mul3A_10 : vector<3x8192xf32>
    %reduce_sum3A_12 = arith.constant dense<0.000000e+00> : vector<8192xf32>
    %reduce_sum3A_13 = vector.multi_reduction <add>, %mul3A_11, %reduce_sum3A_12 [0] : vector<3x8192xf32> to vector<8192xf32>
    %broadcast_in_dim3A_14 = vector.shape_cast %reduce_sum3A_13 : vector<8192xf32> to vector<1x8192xf32>
    %concatenate3A = tpu.concatenate %mul3A_10, %broadcast_in_dim3A_14 in 0 : vector<3x8192xf32>, vector<1x8192xf32> -> vector<4x8192xf32>
    %swap3A = arith.constant 0 : index
    %swap3A_15 = arith.constant 0 : index
    %swap3A_16 = arith.constant 0 : index
    %swap3A_17 = vector.load %arg3[%swap3A, %swap3A_15, %swap3A_16] : memref<1x4x8192xf32, #tpu.memory_space<vmem>>, vector<1x4x8192xf32>
    %swap3A_18 = vector.shape_cast %swap3A_17 : vector<1x4x8192xf32> to vector<4x8192xf32>
    %swap3A_19 = vector.shape_cast %concatenate3A : vector<4x8192xf32> to vector<1x4x8192xf32>
    tpu.vector_store %arg3[%swap3A, %swap3A_15, %swap3A_16], %swap3A_19 {strides = array<i32>} : memref<1x4x8192xf32, #tpu.memory_space<vmem>>, vector<1x4x8192xf32>,
    %get3A_20 = arith.constant 0 : index
    %get3A_21 = arith.constant 0 : index
    %get3A_22 = arith.constant 0 : index
    %get3A_23 = vector.load %arg2[%get3A_20, %get3A_21, %get3A_22] : memref<1x3x8192xf32, #tpu.memory_space<vmem>>, vector<1x3x8192xf32>
    %get3A_24 = vector.shape_cast %get3A_23 : vector<1x3x8192xf32> to vector<3x8192xf32>
    %mul3A_25 = arith.mulf %get3A_24, %get3A_24 : vector<3x8192xf32>
    %reduce_sum3A_26 = arith.constant dense<0.000000e+00> : vector<8192xf32>
    %reduce_sum3A_27 = vector.multi_reduction <add>, %mul3A_25, %reduce_sum3A_26 [0] : vector<3x8192xf32> to vector<8192xf32>
    %broadcast_in_dim3A_28 = vector.shape_cast %reduce_sum3A_27 : vector<8192xf32> to vector<1x8192xf32>
    %sqrt3A_29 = math.sqrt %broadcast_in_dim3A_28 : vector<1x8192xf32>
    %max3A_30 = arith.constant 9.99999996E-13 : f32
    %max3A_31 = vector.broadcast %max3A_30 : f32 to vector<1x8192xf32>
    %max3A_32 = arith.maximumf %sqrt3A_29, %max3A_31 : vector<1x8192xf32>
    %div3A_33 = arith.constant 1.000000e+00 : f32
    %div3A_34 = vector.broadcast %div3A_33 : f32 to vector<1x8192xf32>
    %div3A_35 = arith.divf %div3A_34, %max3A_32 : vector<1x8192xf32>
    %mul3A_36 = vector.broadcast %div3A_35 : vector<1x8192xf32> to vector<3x8192xf32>
    %mul3A_37 = arith.mulf %get3A_24, %mul3A_36 : vector<3x8192xf32>
    %mul3A_38 = arith.mulf %mul3A_37, %mul3A_37 : vector<3x8192xf32>
    %reduce_sum3A_39 = arith.constant dense<0.000000e+00> : vector<8192xf32>
    %reduce_sum3A_40 = vector.multi_reduction <add>, %mul3A_38, %reduce_sum3A_39 [0] : vector<3x8192xf32> to vector<8192xf32>
    %broadcast_in_dim3A_41 = vector.shape_cast %reduce_sum3A_40 : vector<8192xf32> to vector<1x8192xf32>
    %concatenate3A_42 = tpu.concatenate %mul3A_37, %broadcast_in_dim3A_41 in 0 : vector<3x8192xf32>, vector<1x8192xf32> -> vector<4x8192xf32>
    %swap3A_43 = arith.constant 0 : index
    %swap3A_44 = arith.constant 0 : index
    %swap3A_45 = arith.constant 0 : index
    %swap3A_46 = vector.load %arg4[%swap3A_43, %swap3A_44, %swap3A_45] : memref<1x4x8192xf32, #tpu.memory_space<vmem>>, vector<1x4x8192xf32>
    %swap3A_47 = vector.shape_cast %swap3A_46 : vector<1x4x8192xf32> to vector<4x8192xf32>
    %swap3A_48 = vector.shape_cast %concatenate3A_42 : vector<4x8192xf32> to vector<1x4x8192xf32>
    tpu.vector_store %arg4[%swap3A_43, %swap3A_44, %swap3A_45], %swap3A_48 {strides = array<i32>} : memref<1x4x8192xf32, #tpu.memory_space<vmem>>, vector<1x4x8192xf32>,
    return
  }
  func.func @transform_0(%arg0: i32) -> (i32, i32, i32) {
    %c0_i32 = arith.constant 0 : i32
    %c0_i32_0 = arith.constant 0 : i32
    %c0_i32_1 = arith.constant 0 : i32
    return %arg0, %c0_i32, %c0_i32_0 : i32, i32, i32
  }
  func.func @transform_1(%arg0: i32) -> (i32, i32, i32) {
    %c0_i32 = arith.constant 0 : i32
    %c0_i32_0 = arith.constant 0 : i32
    %c0_i32_1 = arith.constant 0 : i32
    return %arg0, %c0_i32, %c0_i32_0 : i32, i32, i32
  }
  func.func @transform_2(%arg0: i32) -> (i32, i32, i32) {
    %c0_i32 = arith.constant 0 : i32
    %c0_i32_0 = arith.constant 0 : i32
    %c0_i32_1 = arith.constant 0 : i32
    return %arg0, %c0_i32, %c0_i32_0 : i32, i32, i32
  }
  func.func @transform_3(%arg0: i32) -> (i32, i32, i32) {
    %c0_i32 = arith.constant 0 : i32
    %c0_i32_0 = arith.constant 0 : i32
    %c0_i32_1 = arith.constant 0 : i32
    return %arg0, %c0_i32, %c0_i32_0 : i32, i32, i32
  }
}

</mosaic_0001>

<sc_bundles>
// kernel: kernel.5.cloned.1.call-start
scs
__scs_entry_jumppad:
0x0: {  	(pc) =	sbr.rel $0x88, $3  }
0x1: {  	(tag) =	ssettag $0x0;
	lr =	simm.s32 $0x1  }
0x2: {  	[smem:$0x3F9F] =	sst lr;
	_ =	strace $0xD0000000  }
0x3: {  	_ = 	snop  }
0x4: {  	_ = 	snop  }
0x5: {  	_ = 	snop  }
0x6: {  	_ = 	snop  }
0x7: {  	_ = 	snop  }
__scs_overlays_trampoline_lowered:
0x8: {  	[smem:$0x3FAE] =	sst s0  }
0x9: {  	[smem:$0x3FAF] =	sst s1  }
0xa: {  	[smem:$0x3FB0] =	sst s2  }
0xb: {  	[smem:$0x3FB1] =	sst s3  }
0xc: {  	[smem:$0x3FB2] =	sst s4  }
0xd: {  	[smem:$0x3FB3] =	sst s5  }
0xe: {  	[smem:$0x3FB4] =	sst s6  }
0xf: {  	[smem:$0x3FB5] =	sst s7  }
0x10: {  	[smem:$0x3FB6] =	sst s8  }
0x11: {  	[smem:$0x3FB7] =	sst s9;
	s0 =	simm.s32 @!p0 $0x0  }
0x12: {  	s1 =	sld [smem:$0x3F9D];
	s0 =	simm.s32 @p0 $0x1  }
0x13: {  	[smem:$0x3FB8] =	sst s0;
	s0 =	simm.s32 @!p1 $0x0  }
0x14: {  	s2 =	sld [smem:$0x3F9C];
	s0 =	simm.s32 @p1 $0x1  }
0x15: {  	[smem:$0x3FB9] =	sst s0;
	s0 =	simm.s32 @!p2 $0x0  }
0x16: {  	s3 =	sld [smem:$0x3FDB];
	s0 =	simm.s32 @p2 $0x1  }
0x17: {  	s4 =	simm.s32 $0x1BF5;
	[smem:$0x3FBB] =	sst s0  }
0x18: {  	s0 =	sld [smem:$0x3F9E];
	_ =	swait.ge [sflag:s4], $0x0  }
0x19: {  	s7 =	sld [smem:$0x3F9F]  }
0x1a: {  	s8 =	sadd.s32 $0xFFFFE003, lr  }
0x1b: {  	s9 =	sadd.s32 $0xFFFFFEF7, lr;
	s5 =	simm.s32 $0xFFFFFFFF;
	p2 =	slt.u32 s8, $0xFFFFF086  }
0x1c: {  	p1 =	slt.u32 s9, $0xF7A;
	s5 =	simm.s32 @!p2 $0x0  }
0x1d: {  	s5 =	simm.s32 @p1 $0x1;
	p0 =	seq.s32 s7, s2  }
0x1e: {  	s7 =	smul.u32 @!p0 $0xF7A, s2;
	p2 =	seq.s32 @!p0 s5, $0x0  }
0x1f: {  	s9 =	smul.u32 $0xF7A, s1;
	s8 =	simm.s32 @!p0 $0x1BF5;
	p2 =	por !p2, p0  }
0x20: {  	[sflag:s8] =	ssyncset.s32 @!p0 $0xFFFFF086;
	s6 =	sadd.s32 @!p0 s3, s7;
	s7 =	simm.s32 @!p0 $0x108  }
0x21: {  	s3 =	sadd.s32 s3, s9;
	s6 =	sadd.s32 @!p0 $0x88, s6;
	s7 =	simm.s32 @p2 $0x1082  }
0x22: {  	[simem:s7], [sflag:s8] =	dma.local @!p0 [hbm:s6], $0xF7A  }
0x23: {  	s9 =	sor.u32 $0xD0000000, s2;
	s6 =	simm.s32 $0x108;
	_ =	swait.ge @!p0 [sflag:s8], $0x0  }
0x24: {  	s3 =	sadd.s32 $0x88, s3;
	s6 =	simm.s32 @!p1 $0x1082;
	[sflag:s4] =	ssyncset.s32 $0xFFFFF086  }
0x25: {  	[simem:s6], [sflag:s4] =	dma.local [hbm:s3], $0xF7A  }
0x26: {  	[smem:$0x3F9F] =	sst s1;
	(tag) =	ssettag s2;
	_ =	strace s9  }
0x27: {  	s1 =	sld [smem:$0x3FAF]  }
0x28: {  	s2 =	sld [smem:$0x3FB0]  }
0x29: {  	s4 =	sld [smem:$0x3FB2]  }
0x2a: {  	p0 =	seq.s32 s5, $0x0;
	s5 =	sld [smem:$0x3FB3]  }
0x2b: {  	s6 =	sld [smem:$0x3FB4]  }
0x2c: {  	s7 =	sld [smem:$0x3FB5]  }
0x2d: {  	s3 =	simm.s32 $0x108;
	s8 =	sld [smem:$0x3FB6]  }
0x2e: {  	s3 =	simm.s32 @!p0 $0x1082;
	s9 =	sld [smem:$0x3FB7]  }
0x2f: {  	lr =	sadd.s32 s0, s3;
	s0 =	sld [smem:$0x3FAE]  }
0x30: {  	s3 =	sld [smem:$0x3FB1]  }
0x31: {  	[smem:$0x3FBA] =	sst s10  }
0x32: {  	s10 =	sld [smem:$0x3FB8];
	_ =	sdelay $0x3  }
0x33: {  	p0 =	seq.s32 s10, $0x1;
	s10 =	sld [smem:$0x3FBA];
	_ =	sdelay $0x3  }
0x34: {  	[smem:$0x3FBA] =	sst s10  }
0x35: {  	s10 =	sld [smem:$0x3FB9];
	_ =	sdelay $0x3  }
0x36: {  	p1 =	seq.s32 s10, $0x1;
	s10 =	sld [smem:$0x3FBA];
	_ =	sdelay $0x3  }
0x37: {  	[smem:$0x3FBA] =	sst s10  }
0x38: {  	s10 =	sld [smem:$0x3FBB]  }
0x39: {  	_ = 	snop;
	(pc) =	sbr.ind lr, $3  }
0x3a: {  	_ = 	snop  }
0x3b: {  	_ = 	snop  }
0x3c: {  	p2 =	seq.s32 s10, $0x1;
	s10 =	sld [smem:$0x3FBA]  }
0x3d: {  	_ =	shalt  }
0x3e: {  	_ =	shalt  }
0x3f: {  	_ =	shalt  }
0x40: {  	_ =	shalt  }
0x41: {  	_ =	shalt  }
0x42: {  	_ =	shalt  }
0x43: {  	_ =	shalt  }
0x44: {  	_ =	shalt  }
0x45: {  	_ =	shalt  }
0x46: {  	_ =	shalt  }
0x47: {  	_ =	shalt  }
0x48: {  	_ =	shalt  }
0x49: {  	_ =	shalt  }
0x4a: {  	_ =	shalt  }
0x4b: {  	_ =	shalt  }
0x4c: {  	_ =	shalt  }
0x4d: {  	_ =	shalt  }
0x4e: {  	_ =	shalt  }
0x4f: {  	_ =	shalt  }
0x50: {  	_ =	shalt  }
0x51: {  	_ =	shalt  }
0x52: {  	_ =	shalt  }
0x53: {  	_ =	shalt  }
0x54: {  	_ =	shalt  }
0x55: {  	_ =	shalt  }
0x56: {  	_ =	shalt  }
0x57: {  	_ =	shalt  }
0x58: {  	_ =	shalt  }
0x59: {  	_ =	shalt  }
0x5a: {  	_ =	shalt  }
0x5b: {  	_ =	shalt  }
0x5c: {  	_ =	shalt  }
0x5d: {  	_ =	shalt  }
0x5e: {  	_ =	shalt  }
0x5f: {  	_ =	shalt  }
0x60: {  	_ =	shalt  }
0x61: {  	_ =	shalt  }
0x62: {  	_ =	shalt  }
0x63: {  	_ =	shalt  }
0x64: {  	_ =	shalt  }
0x65: {  	_ =	shalt  }
0x66: {  	_ =	shalt  }
0x67: {  	_ =	shalt  }
0x68: {  	_ =	shalt  }
0x69: {  	_ =	shalt  }
0x6a: {  	_ =	shalt  }
0x6b: {  	_ =	shalt  }
0x6c: {  	_ =	shalt  }
0x6d: {  	_ =	shalt  }
0x6e: {  	_ =	shalt  }
0x6f: {  	_ =	shalt  }
0x70: {  	_ =	shalt  }
0x71: {  	_ =	shalt  }
0x72: {  	_ =	shalt  }
0x73: {  	_ =	shalt  }
0x74: {  	_ =	shalt  }
0x75: {  	_ =	shalt  }
0x76: {  	_ =	shalt  }
0x77: {  	_ =	shalt  }
0x78: {  	_ =	shalt  }
0x79: {  	_ =	shalt  }
0x7a: {  	_ =	shalt  }
0x7b: {  	_ =	shalt  }
0x7c: {  	_ =	shalt  }
0x7d: {  	_ =	shalt  }
0x7e: {  	_ =	shalt  }
0x7f: {  	_ =	shalt  }
0x80: {  	_ =	shalt  }
0x81: {  	_ =	shalt  }
0x82: {  	_ =	shalt  }
0x83: {  	_ =	shalt  }
0x84: {  	_ =	shalt  }
0x85: {  	_ =	shalt  }
0x86: {  	_ =	shalt  }
0x87: {  	_ =	shalt  }
.Lfunc_end0:
.L_simem_size_0:
called_computation_lowered:
.L_overlay_start_0:
0x88: {  	s2 =	sld [smem:$0x3FD9]  }
0x89: {  	s3 =	sld [smem:$0x3FFE];
	_ =	sdelay $0x1  }
0x8a: {  	s1 =	srdreg.scid  }
0x8b: {  	s0 =	sand.u32 $0x1, s1  }
0x8c: {  	s16 =	sshll.u32 s0, $0xA;
	s2 =	sadd.s32 s3, s2  }
0x8d: {  	s2 =	sadd.s32 s2, s16  }
0x8e: {  	[smem:$0x3FC6] =	sst s2  }
0x8f: {  	_ = 	snop  }
0x90: {  	(tm) =	ssettm $0x1  }
0x91: {  	s17 =	sld [smem:$0x3FFB];
	_ =	sdelay $0x3  }
0x92: {  	_ =	strace s17  }
0x93: {  	s2 =	sld [smem:$0x3FFC];
	_ =	sdelay $0x3  }
0x94: {  	_ =	strace s2  }
0x95: {  	s2 =	sld [smem:$0x3FFD];
	_ =	sdelay $0x3  }
0x96: {  	_ =	strace s2  }
0x97: {  	_ =	strace $0x8FFFFFFF  }
0x98: {  	s18 =	sld [smem:$0x3FDB];
	_ =	sdelay $0x1  }
0x99: {  	s19 =	simm.s32 $_scs_section_size  }
0x9a: {  	s4 =	simm.s32 $_size__tile_overlayer_lowered;
	s5 =	simm.s32 $_tile_overlayer_lowered  }
0x9b: {  	s22 =	simm.s32 $0x1BFF;
	s21 =	sshll.u32 s5, $0x1;
	s2 =	sadd.s32 s19, s18  }
0x9c: {  	s6 =	simm.s32 $0x0;
	s20 =	sshll.u32 s4, $0x1;
	s4 =	sadd.s32 s21, s2  }
0x9d: {  	[timem:s6], [sflag:s22] =	dma.local [hbm:s4], s20  }
0x9e: {  	_ =	swait.ge [sflag:s22], s20  }
0x9f: {  	s3 =	ssub.s32 $0x0, s20;
	[sflag:s22] =	ssyncset.done $0x0  }
0xa0: {  	[sflag:s22] =	ssyncadd.s32 s3;
	_ =	sdelay $0x1  }
0xa1: {  	s23 =	simm.s32 $0x1B8B  }
0xa2: {  	_ =	swait.ge [sflag:s23], $0x1  }
0xa3: {  	[sflag:s23] =	ssyncset.done $0x0  }
0xa4: {  	s25 =	simm.s32 $0x1B8E;
	s24 =	sld [smem:$0x3FFE];
	[sflag:s23] =	ssyncadd.s32 $0xFFFFFFFF  }
0xa5: {  	s26 =	simm.s32 $execute0_lowered;
	[smem:$0x3FD2] =	sst s25  }
0xa6: {  	s4 =	sshll.u32 s26, $0x1;
	_ =	strace $0x80000046;
	[dreg:$0x1] =	wrdreg $0xFFFFFFFF  }
0xa7: {  	s28 =	simm.s32 $_size_execute0_lowered;
	s2 =	sadd.s32 s2, s4;
	[dreg:$0x0] =	wrdreg $0x0  }
0xa8: {  	s4 =	sshll.u32 s28, $0x1;
	[dreg:$0x2] =	wrdreg s2  }
0xa9: {  	[dreg:$0x3] =	wrdreg s4  }
0xaa: {  	[dreg:$0x4] =	wrdreg $0xC0  }
0xab: {  	_ =	task [dreg:s6], $0x5FFFF  }
0xac: {  	[dreg:$0x1] =	wrdreg $0xFFFFFFFF  }
0xad: {  	[dreg:$0x0] =	wrdreg $0x60  }
0xae: {  	[dreg:$0x2] =	wrdreg s24  }
0xaf: {  	[dreg:$0x3] =	wrdreg $0x9  }
0xb0: {  	_ =	task.clear_ibuf [dreg:s6], $0x4FFFF;
	_ =	strace $0x90000046  }
0xb1: {  	s29 =	simm.s32 $0x9;
	_ =	strace $0x80000048  }
0xb2: {  	_ =	swait.ge [sflag:s29], $0x1  }
0xb3: {  	[sflag:s29] =	ssyncadd.s32 $0xFFFFFFFF  }
0xb4: {  	_ =	strace $0x90000048  }
0xb5: {  	_ =	sfence  }
0xb6: {  	s30 =	sld [smem:$0x0];
	_ =	sdelay $0x2  }
0xb7: {  	s31 =	sshll.u32 s1, $0xD;
	s1 =	sshrl.u32 s1, $0x2  }
0xb8: {  	s3 =	sand.u32 $0x4000, s31;
	s1 =	sadd.s32 s1, s30  }
0xb9: {  	s0 =	sor.u32 s3, s0;
	s1 =	sshll.u32 s1, $0x11  }
0xba: {  	s0 =	sor.u32 s1, s0  }
0xbb: {  	s0 =	sadd.s32 $0x8F2B, s0  }
0xbc: {  	[sflag:s0] =	ssyncadd.remote.s32 $0x1  }
0xbd: {  	_ =	sfence.sel $0xFFFF  }
0xbe: {  	[dreg:$0x0] =	wrdreg $0xFFFFFFFF;
	(pc) =	sbr.abs _section_cstart, $3  }
0xbf: {  	[dreg:$0x1] =	wrdreg $0xFFFFFFFF  }
0xc0: {  	_ =	task.clear_ibuf [dreg:s6], $0x2FFFF;
	_ =	strace $0x9FFFFFFF  }
0xc1: {  	(tm) =	ssettm $0x7FFFFFFF  }
tec
execute0_lowered:
.L_overlay_start_1:
0x0: {  	(tag) =	ssettag $0x1  }
0x1: {  	s0 =	rddreg [dreg:$0x0];
	s2 =	simm.s32 $0x0;
	s1 =	srdreg.scid  }
0x2: {  	s12 =	stileid.u32;
	[smem:$0x7FF] =	sst s2;
	s5 =	sand.u32 $0x1, s1  }
0x3: {  	s17 =	sshll.u32 s12, $0x1;
	s3 =	sadd.s32 $0x5A00, s0;
	s4 =	sadd.s32 $0xCA00, s0  }
0x4: {  	_ =	strace $0x80000047;
	s6 =	sor.u32 s5, s17;
	s5 =	ssub.s32 $0x2, s5  }
0x5: {  	s1 =	sshll.u32 s6, $0x8;
	s6 =	sshll.u32 s6, $0x4;
	s9 =	sshrl.u32 s5, $0x1  }
0x6: {  	s8 =	sand.u32 $0xF00, s1;
	s11 =	sadd.s32 s6, s0;
	s20 =	sor.u32 $0x3000, s1  }
0x7: {  	s6 =	ssub.s32 s5, s9;
	s26 =	sor.u32 $0x3010, s1;
	s5 =	sadd.s32 s4, s20  }
0x8: {  	s10 =	sor.u32 $0x2000, s8;
	s13 =	sadd.s32 s4, s26;
	[dreg:$0x4] =	wrdreg s5  }
0x9: {  	s18 =	sadd.s32 s3, s10;
	[dreg:$0x9] =	wrdreg s13  }
0xa: {  	s21 =	sor.u32 $0x10, s8;
	s19 =	sadd.s32 s4, s10;
	[dreg:$0x2] =	wrdreg s18  }
0xb: {  	s23 =	sor.u32 $0x2010, s8;
	s22 =	sadd.s32 s3, s21;
	[dreg:$0x3] =	wrdreg s19  }
0xc: {  	s24 =	sadd.s32 s3, s23;
	[dreg:$0x5] =	wrdreg s22  }
0xd: {  	s25 =	sadd.s32 s4, s21;
	[dreg:$0x6] =	wrdreg s24  }
0xe: {  	s7 =	sadd.s32 $0x3A00, s0;
	s5 =	sadd.s32 s4, s23;
	[dreg:$0x7] =	wrdreg s25  }
0xf: {  	s14 =	sor.u32 $0x20, s8;
	s9 =	sadd.s32 s7, s21;
	[dreg:$0x8] =	wrdreg s5  }
0x10: {  	s16 =	sor.u32 $0x2020, s8;
	s15 =	sadd.s32 s3, s14;
	[dreg:$0xa] =	wrdreg s9  }
0x11: {  	s17 =	sadd.s32 s3, s16;
	[dreg:$0xb] =	wrdreg s15  }
0x12: {  	[dreg:$0xc] =	wrdreg s17;
	s18 =	sadd.s32 s4, s14  }
0x13: {  	s9 =	sadd.s32 s4, s16;
	[dreg:$0xd] =	wrdreg s18  }
0x14: {  	s5 =	sadd.s32 s7, s14;
	[dreg:$0xe] =	wrdreg s9  }
0x15: {  	s21 =	sor.u32 $0x30, s8;
	s22 =	sadd.s32 s7, s8;
	[dreg:$0x10] =	wrdreg s5  }
0x16: {  	s23 =	sadd.s32 s7, s21;
	[dreg:$0x11] =	wrdreg s22  }
0x17: {  	s24 =	sadd.s32 s3, s21;
	[dreg:$0x12] =	wrdreg s23  }
0x18: {  	s13 =	sor.u32 $0x1000, s1;
	s25 =	sadd.s32 s4, s21;
	[dreg:$0x13] =	wrdreg s24  }
0x19: {  	s14 =	sadd.s32 s3, s13;
	[dreg:$0x14] =	wrdreg s25  }
0x1a: {  	s29 =	sadd.s32 $0xA00, s0;
	s15 =	sadd.s32 s4, s13;
	[dreg:$0x18] =	wrdreg s14  }
0x1b: {  	s16 =	sadd.s32 s29, s13;
	[dreg:$0x19] =	wrdreg s15  }
0x1c: {  	s19 =	sor.u32 $0x3020, s1;
	s21 =	sadd.s32 s4, s8;
	[dreg:$0x1a] =	wrdreg s16  }
0x1d: {  	s26 =	sor.u32 $0x2030, s8;
	s20 =	sadd.s32 s4, s19;
	[dreg:$0x1f] =	wrdreg s21  }
0x1e: {  	s9 =	sadd.s32 s3, s26;
	[dreg:$0xf] =	wrdreg s20  }
0x1f: {  	s17 =	sor.u32 $0x2000, s1;
	s5 =	sadd.s32 s4, s26;
	[dreg:$0x15] =	wrdreg s9  }
0x20: {  	s30 =	sadd.s32 $0x8A00, s0;
	s18 =	sadd.s32 s29, s17;
	[dreg:$0x16] =	wrdreg s5  }
0x21: {  	s19 =	sadd.s32 s30, s17;
	[dreg:$0x1c] =	wrdreg s18  }
0x22: {  	s23 =	sadd.s32 s29, s8;
	[dreg:$0x1d] =	wrdreg s19  }
0x23: {  	s10 =	sor.u32 $0x3030, s1;
	s24 =	sadd.s32 s30, s8;
	[smem:$0x7D7] =	sst s23  }
0x24: {  	s5 =	sadd.s32 s4, s10;
	[smem:$0x7D8] =	sst s24  }
0x25: {  	s22 =	sor.u32 $0x1010, s1;
	s20 =	sadd.s32 s3, s8;
	[dreg:$0x17] =	wrdreg s5  }
0x26: {  	s25 =	sadd.s32 s3, s22;
	[dreg:$0x1e] =	wrdreg s20  }
0x27: {  	s26 =	sadd.s32 s4, s22;
	[smem:$0x7DA] =	sst s25  }
0x28: {  	s9 =	sadd.s32 s29, s22;
	[smem:$0x7DB] =	sst s26  }
0x29: {  	s14 =	sor.u32 $0x1020, s1;
	s7 =	sadd.s32 s30, s22;
	[smem:$0x7DC] =	sst s9  }
0x2a: {  	s17 =	sadd.s32 s3, s14;
	[smem:$0x7DD] =	sst s7  }
0x2b: {  	s18 =	sadd.s32 s4, s14;
	[smem:$0x7E3] =	sst s17  }
0x2c: {  	s21 =	sor.u32 $0x2020, s1;
	s19 =	sadd.s32 s29, s14;
	[smem:$0x7E4] =	sst s18  }
0x2d: {  	s22 =	sadd.s32 s29, s21;
	[smem:$0x7E5] =	sst s19  }
0x2e: {  	s10 =	sor.u32 $0x2010, s1;
	s5 =	sadd.s32 s30, s13;
	[smem:$0x7E7] =	sst s22  }
0x2f: {  	s28 =	sadd.s32 $0x10A00, s11;
	s11 =	sadd.s32 s29, s10;
	[dreg:$0x1b] =	wrdreg s5  }
0x30: {  	s7 =	sadd.s32 s30, s10;
	[smem:$0x7DE] =	sst s11  }
0x31: {  	s23 =	sor.u32 $0x20, s1;
	s20 =	sadd.s32 s30, s14;
	[smem:$0x7DF] =	sst s7  }
0x32: {  	s24 =	sadd.s32 s29, s23;
	[smem:$0x7E6] =	sst s20  }
0x33: {  	s25 =	sadd.s32 s30, s23;
	[smem:$0x7E9] =	sst s24  }
0x34: {  	s26 =	sadd.s32 $0xA10, s0;
	[smem:$0x7EA] =	sst s25  }
0x35: {  	s9 =	sadd.s32 $0xA20, s0;
	[smem:$0x7EC] =	sst s26  }
0x36: {  	s10 =	sadd.s32 $0x8A20, s0;
	[smem:$0x7EE] =	sst s9  }
0x37: {  	p0 =	sgt.u32 s12, $0x7;
	s14 =	sadd.s32 $0x5A10, s0;
	[smem:$0x7EF] =	sst s10  }
0x38: {  	s12 =	simm.s32 $0xE400;
	s17 =	sadd.s32 $0xCA20, s0;
	[smem:$0x7F2] =	sst s14  }
0x39: {  	s13 =	sor.u32 $0x10, s1;
	s18 =	sadd.s32 $0x5A30, s0;
	[smem:$0x7F5] =	sst s17  }
0x3a: {  	s6 =	smax.u32 s6, $0x1;
	s15 =	sadd.s32 s29, s13;
	[smem:$0x7F6] =	sst s18  }
0x3b: {  	s19 =	sor.u32 $0x1030, s1;
	s16 =	sadd.s32 s30, s13;
	[smem:$0x7E0] =	sst s15  }
0x3c: {  	s5 =	sadd.s32 $0x4A00, s0;
	s11 =	sadd.s32 $0xA30, s0;
	[smem:$0x7E1] =	sst s16  }
0x3d: {  	s20 =	sadd.s32 s1, s30;
	s24 =	sadd.s32 s3, s19;
	[smem:$0x7F0] =	sst s11  }
0x3e: {  	s25 =	sadd.s32 s4, s19;
	s26 =	sadd.s32 s29, s19;
	[smem:$0x7FB] =	sst s24  }
0x3f: {  	s9 =	simm.s32 $0x1;
	s10 =	simm.s32 $0x6000;
	[smem:$0x7FC] =	sst s25  }
0x40: {  	s14 =	simm.s32 $0xEA00;
	s8 =	sadd.s32 s5, s8;
	[smem:$0x7FD] =	sst s26  }
0x41: {  	s7 =	sadd.s32 s5, s13;
	s13 =	sadd.s32 $0x8A30, s0;
	[smem:$0x7D9] =	sst s8  }
0x42: {  	s15 =	sadd.s32 $0xCA10, s0;
	s16 =	sadd.s32 $0x5A20, s0;
	[smem:$0x7E2] =	sst s7  }
0x43: {  	s24 =	sadd.s32 s30, s19;
	s31 =	sadd.s32 $0x3000, s20;
	[smem:$0x7F1] =	sst s13  }
0x44: {  	s11 =	simm.s32 $0xE000;
	s7 =	sadd.s32 s30, s21;
	[smem:$0x7F3] =	sst s15  }
0x45: {  	s8 =	sadd.s32 $0x8A10, s0;
	[smem:$0x7F4] =	sst s16;
	s0 =	sadd.s32 $0xCA30, s0  }
0x46: {  	s21 =	sor.u32 $0x30, s1;
	s1 =	sor.u32 $0x2030, s1;
	[smem:$0x7E8] =	sst s7  }
0x47: {  	s13 =	simm.s32 $0xE600;
	s15 =	simm.s32 $0xEC00;
	[smem:$0x7ED] =	sst s8  }
0x48: {  	s16 =	simm.s32 $0x0;
	s7 =	sadd.s32 s5, s23;
	[smem:$0x7F7] =	sst s0  }
.Ltmp0:
0x49: {  	s5 =	sadd.s32 s5, s21;
	s22 =	sadd.s32 s29, s21;
	(pc) =	sbr.rel .LBB2_1-.Ltmp0, $4  }
0x4a: {  	s23 =	sadd.s32 s30, s21;
	s25 =	sadd.s32 s29, s1;
	[smem:$0x7EB] =	sst s7  }
0x4b: {  	s26 =	sadd.s32 s30, s1;
	s0 =	sadd.s32 $0x3010, s20;
	[smem:$0x7F8] =	sst s5  }
0x4c: {  	s1 =	sadd.s32 $0x3020, s20;
	s8 =	simm.s32 $0x200;
	[smem:$0x7F9] =	sst s22  }
0x4d: {  	[smem:$0x7FA] =	sst s23;
	s5 =	sadd.s32 $0x3030, s20;
	s7 =	simm.s32 $0x80  }
.LBB2_19:
0x4e: {  	_ =	sdelay $0x3  }
0x4f: {  	v15 =	vld.idx.msk [tilespmem:v15+s10+$0x0], $0xffff  }
0x50: {  	v3 =	vld.idx.msk [tilespmem:v3+s2+$0x0], $0xffff  }
0x51: {  	v5 =	vld.idx.msk [tilespmem:v5+s2+$0x0], $0xffff  }
0x52: {  	v18 =	vld [tilespmem:s17+$0x200]  }
0x53: {  	v23 =	vld.idx.msk [tilespmem:v8+s10+$0x0], $0xffff  }
0x54: {  	s20 =	sand.u32 $0x1F0, s21;
	v54 =	vld.idx.msk [tilespmem:v8+s2+$0x0], $0xffff  }
0x55: {  	s22 =	sadd.s32 $0x10, s17;
	v16 =	vld [tilespmem:s20+$0xEC00]  }
0x56: {  	v19 =	vld [tilespmem:s22+$0xFFFFFE00]  }
0x57: {  	v17 =	vadd.s32 $0x2000, v8;
	s18 =	sadd.s32 $0x10, s18;
	v20 =	vld [tilespmem:s22+$0x0]  }
0x58: {  	v21 =	vadd.s32 $0x4000, v8;
	v22 =	vld [tilespmem:s18+$0xFFFFFE00]  }
0x59: {  	v48 =	vld [tilespmem:s18+$0x0]  }
0x5a: {  	v51 =	vld [tilespmem:s18+$0x200]  }
0x5b: {  	v6 =	vmul.f32 v7, v6;
	v47 =	vmul.f32 v9, v12;
	v57 =	vld [tilespmem:s22+$0x200]  }
0x5c: {  	v25 =	vadd.s32 $0x6000, v8;
	v24 =	vld.idx.msk [tilespmem:v17+s10+$0x0], $0xffff  }
0x5d: {  	v50 =	vmul.f32 v10, v13;
	v6 =	vadd.f32 v47, v6;
	v49 =	vld.idx.msk [tilespmem:v21+s10+$0x0], $0xffff  }
0x5e: {  	v4 =	vadd.f32 v14, v4;
	v2 =	vsub.f32 v2, v11;
	s23 =	sand.u32 $0x1F0, s19;
	v52 =	vld.idx.msk [tilespmem:v17+s2+$0x0], $0xffff  }
0x5f: {  	v58 =	vld [tilespmem:s23+$0xEC00];
	v6 =	vadd.f32 v50, v6;
	v1 =	vsub.f32 v1, v3  }
0x60: {  	v2 =	vmul.f32 v2, v2;
	v56 =	vld.idx.msk [tilespmem:v21+s2+$0x0], $0xffff;
	v5 =	vsub.f32 v18, v5;
	v55 =	vadd.f32 v15, v16  }
0x61: {  	v53 =	vld.idx.msk [tilespmem:v25+s10+$0x0], $0xffff;
	v6 =	vadd.f32 v6, v6;
	v3 =	vmul.f32 v23, v22;
	v9 =	vmul.f32 v24, v48  }
0x62: {  	v8 =	vsub.f32 v19, v54;
	v1 =	vmul.f32 v1, v1;
	v5 =	vmul.f32 v5, v5  }
0x63: {  	v59 =	vmul.f32 v49, v51;
	v60 =	vsub.f32 v20, v52;
	v3 =	vadd.f32 v9, v3  }
0x64: {  	v6 =	vsub.f32 v55, v6;
	v8 =	vmul.f32 v8, v8;
	v1 =	vadd.f32 v2, v1  }
0x65: {  	v61 =	vsub.f32 v57, v56;
	v2 =	vadd.f32 v59, v3;
	v3 =	vmul.f32 v60, v60  }
0x66: {  	v62 =	vadd.f32 v53, v58;
	v1 =	vadd.f32 v5, v1  }
0x67: {  	v63 =	vmul.f32 v61, v61;
	v2 =	vadd.f32 v2, v2;
	v3 =	vadd.f32 v3, v8  }
0x68: {  	v0 =	vadd.f32 v6, v0;
	v1 =	vadd.f32 v1, v4  }
0x69: {  	v2 =	vsub.f32 v62, v2;
	v3 =	vadd.f32 v63, v3;
	_ =	sdelay $0x1  }
0x6a: {  	v0 =	vadd.f32 v2, v0;
	v1 =	vadd.f32 v3, v1  }
.LBB2_20:
0x6b: {  	s16 =	sadd.s32 $0x1, s16  }
0x6c: {  	[tilespmem:$0xF000] =	vst v1;
	p1 =	sne.s32 s16, s6  }
.Ltmp1:
0x6d: {  	s17 =	simm.s32 $0xF000;
	[tilespmem:$0xF010] =	vst v0;
	(pc) =	sbr.rel @!p1 .LBB2_21-.Ltmp1, $4  }
0x6e: {  	[hbm4b:s28+s2] =	stream.linear.scatter [tilespmem:s17], [sflag:$0x1], $0x80, $0x38;
	[tilespmem:$0xF080] =	vst v63  }
0x6f: {  	_ =	swait.ge [sflag:s9], $0x80  }
0x70: {  	[sflag:s9] =	ssyncset.done $0x0  }
0x71: {  	[sflag:s9] =	ssyncadd.s32 $0xFFFFFF80  }
.LBB2_1:
.Ltmp2:
0x72: {  	(pc) =	sbr.rel @p0 .LBB2_11-.Ltmp2, $2  }
0x73: {  	_ =	sdelay $0x2  }
0x74: {  	s17 =	simm.s32 $0x0  }
0x75: {  	[tilespmem:s17], [sflag:$0x1] =	stream.strided.gather [hbm4b:s3+s7], $0x6000, s8, s7, $0x38;
	[tilespmem:$0xF080] =	vst v63  }
0x76: {  	_ =	swait.ge [sflag:s9], $0x6000  }
0x77: {  	[sflag:s9] =	ssyncset.done $0x0  }
0x78: {  	[sflag:s9] =	ssyncadd.s32 $0xFFFFA000  }
0x79: {  	[tilespmem:s10], [sflag:$0x1] =	stream.strided.gather [hbm4b:s4+s7], $0x8000, s8, s7, $0x38;
	[tilespmem:$0xF080] =	vst v63  }
0x7a: {  	_ =	swait.ge [sflag:s9], $0x8000  }
0x7b: {  	s18 =	sld [smem:$0x7D7]  }
0x7c: {  	[sflag:s9] =	ssyncset.done $0x0  }
0x7d: {  	[sflag:s9] =	ssyncadd.s32 $0xFFFF8000  }
0x7e: {  	[tilespmem:s11], [sflag:$0x1] =	stream.strided.gather [hbm4b:s18+s7], $0x200, s8, s7, $0x38;
	[tilespmem:$0xF080] =	vst v63  }
0x7f: {  	_ =	swait.ge [sflag:s9], $0x200  }
0x80: {  	[sflag:s9] =	ssyncset.done $0x0  }
0x81: {  	s18 =	simm.s32 $0xE200;
	s19 =	rddreg [dreg:$0x1a];
	[sflag:s9] =	ssyncadd.s32 $0xFFFFFE00  }
0x82: {  	[tilespmem:s18], [sflag:$0x1] =	stream.strided.gather [hbm4b:s19+s7], $0x200, s8, s7, $0x38;
	[tilespmem:$0xF080] =	vst v63  }
0x83: {  	_ =	swait.ge [sflag:s9], $0x200  }
0x84: {  	[sflag:s9] =	ssyncset.done $0x0  }
0x85: {  	s20 =	rddreg [dreg:$0x1c];
	[sflag:s9] =	ssyncadd.s32 $0xFFFFFE00  }
0x86: {  	[tilespmem:s12], [sflag:$0x1] =	stream.strided.gather [hbm4b:s20+s7], $0x200, s8, s7, $0x38;
	[tilespmem:$0xF080] =	vst v63  }
0x87: {  	_ =	swait.ge [sflag:s9], $0x200  }
0x88: {  	s21 =	sld [smem:$0x7D8]  }
0x89: {  	[sflag:s9] =	ssyncset.done $0x0  }
0x8a: {  	[sflag:s9] =	ssyncadd.s32 $0xFFFFFE00  }
0x8b: {  	[tilespmem:s13], [sflag:$0x1] =	stream.strided.gather [hbm4b:s21+s7], $0x200, s8, s7, $0x38;
	[tilespmem:$0xF080] =	vst v63  }
0x8c: {  	_ =	swait.ge [sflag:s9], $0x200  }
0x8d: {  	[sflag:s9] =	ssyncset.done $0x0  }
0x8e: {  	s19 =	simm.s32 $0xE800;
	s20 =	rddreg [dreg:$0x1b];
	[sflag:s9] =	ssyncadd.s32 $0xFFFFFE00  }
0x8f: {  	[tilespmem:s19], [sflag:$0x1] =	stream.strided.gather [hbm4b:s20+s7], $0x200, s8, s7, $0x38;
	[tilespmem:$0xF080] =	vst v63  }
0x90: {  	_ =	swait.ge [sflag:s9], $0x200  }
0x91: {  	[sflag:s9] =	ssyncset.done $0x0  }
0x92: {  	s22 =	rddreg [dreg:$0x1d];
	[sflag:s9] =	ssyncadd.s32 $0xFFFFFE00  }
0x93: {  	[tilespmem:s14], [sflag:$0x1] =	stream.strided.gather [hbm4b:s22+s7], $0x200, s8, s7, $0x38;
	[tilespmem:$0xF080] =	vst v63  }
0x94: {  	_ =	swait.ge [sflag:s9], $0x200  }
0x95: {  	[sflag:s9] =	ssyncset.done $0x0  }
0x96: {  	[sflag:s9] =	ssyncadd.s32 $0xFFFFFE00  }
0x97: {  	[tilespmem:s15], [sflag:$0x1] =	stream.strided.gather [hbm4b:s31+s7], $0x200, s8, s7, $0x38;
	[tilespmem:$0xF080] =	vst v63  }
0x98: {  	_ =	swait.ge [sflag:s9], $0x200  }
0x99: {  	s21 =	sld [smem:$0x7D9]  }
0x9a: {  	[sflag:s9] =	ssyncset.done $0x0  }
0x9b: {  	s23 =	simm.s32 $0xEE00;
	[sflag:s9] =	ssyncadd.s32 $0xFFFFFE00  }
0x9c: {  	[tilespmem:s23], [sflag:$0x1] =	stream.strided.gather [hbm4b:s21+s7], $0x200, s8, s7, $0x38;
	[tilespmem:$0xF080] =	vst v63  }
0x9d: {  	_ =	swait.ge [sflag:s9], $0x200  }
0x9e: {  	[sflag:s9] =	ssyncset.done $0x0  }
0x9f: {  	[sflag:s9] =	ssyncadd.s32 $0xFFFFFE00  }
0xa0: {  	v0 =	vld [tilespmem:s23+$0x0];
	_ =	sdelay $0x2  }
0xa1: {  	v6 =	vld [tilespmem:s18+$0xFFFFFE00]  }
0xa2: {  	v5 =	vld [tilespmem:s18+$0x0]  }
0xa3: {  	v3 =	vld [tilespmem:s19+$0xFFFFFE00];
	v1 =	vadd.s32 $0x2000, v0  }
0xa4: {  	v8 =	vld [tilespmem:s19+$0x0]  }
0xa5: {  	s22 =	simm.s32 $0xEE10;
	v11 =	vld [tilespmem:s19+$0x200];
	v2 =	vadd.s32 $0x4000, v0  }
0xa6: {  	v12 =	vld [tilespmem:s22+$0x0]  }
0xa7: {  	v4 =	vld.idx.msk [tilespmem:v0+s10+$0x0], $0xffff  }
0xa8: {  	s23 =	sand.u32 $0x1F0, s17;
	v9 =	vadd.s32 $0x6000, v0;
	v7 =	vld.idx.msk [tilespmem:v1+s10+$0x0], $0xffff  }
0xa9: {  	v14 =	vld [tilespmem:s23+$0xEC00]  }
0xaa: {  	v10 =	vld.idx.msk [tilespmem:v2+s10+$0x0], $0xffff  }
0xab: {  	v15 =	vadd.s32 $0x2000, v12;
	v0 =	vld.idx.msk [tilespmem:v0+s2+$0x0], $0xffff  }
0xac: {  	v1 =	vld.idx.msk [tilespmem:v1+s2+$0x0], $0xffff  }
0xad: {  	v9 =	vld.idx.msk [tilespmem:v9+s10+$0x0], $0xffff;
	v3 =	vmul.f32 v4, v3;
	v4 =	vmul.f32 v7, v8  }
0xae: {  	v7 =	vld.idx.msk [tilespmem:v2+s2+$0x0], $0xffff  }
0xaf: {  	v8 =	vld [tilespmem:s18+$0x200];
	v10 =	vmul.f32 v10, v11;
	v4 =	vadd.f32 v4, v3  }
0xb0: {  	s17 =	simm.s32 $0xE210;
	v0 =	vsub.f32 v6, v0;
	v6 =	vld.idx.msk [tilespmem:v15+s10+$0x0], $0xffff  }
0xb1: {  	v13 =	vadd.s32 $0x4000, v12;
	v2 =	vld [tilespmem:s17+$0xFFFFFE00];
	v10 =	vadd.f32 v10, v4  }
0xb2: {  	s18 =	simm.s32 $0xE810;
	v1 =	vsub.f32 v5, v1;
	v5 =	vld.idx.msk [tilespmem:v12+s10+$0x0], $0xffff  }
0xb3: {  	v9 =	vadd.f32 v9, v14;
	v4 =	vld [tilespmem:s18+$0xFFFFFE00];
	v10 =	vadd.f32 v10, v10  }
0xb4: {  	v0 =	vmul.f32 v0, v0;
	v11 =	vsub.f32 v8, v7;
	v8 =	vld [tilespmem:s18+$0x0]  }
0xb5: {  	v1 =	vmul.f32 v1, v1;
	v14 =	vsub.f32 v9, v10;
	v10 =	vld.idx.msk [tilespmem:v15+s2+$0x0], $0xffff;
	v15 =	vadd.s32 $0x6000, v12  }
0xb6: {  	v7 =	vld.idx.msk [tilespmem:v13+s10+$0x0], $0xffff  }
0xb7: {  	v16 =	vadd.f32 v1, v0;
	v11 =	vmul.f32 v11, v11;
	v9 =	vld [tilespmem:s18+$0x200]  }
0xb8: {  	s20 =	simm.s32 $0xEE20;
	v3 =	vld [tilespmem:s17+$0x0];
	v0 =	vimm.f32 $0.0e+00  }
0xb9: {  	s21 =	simm.s32 $0x10;
	s19 =	simm.s32 $0x20;
	s22 =	simm.s32 $0x30;
	v11 =	vadd.f32 v11, v16;
	v1 =	vadd.f32 v14, v0;
	v14 =	vld [tilespmem:s20+$0x0]  }
.LBB2_3:
0xba: {  	p1 =	sne.s32 s22, $0x1F0;
	s23 =	sand.u32 $0x1F0, s21;
	v15 =	vld.idx.msk [tilespmem:v15+s10+$0x0], $0xffff;
	v4 =	vmul.f32 v5, v4;
	v5 =	vmul.f32 v6, v8;
	s21 =	smov.u32 s19  }
0xbb: {  	s19 =	smov.u32 s22;
	v6 =	vld [tilespmem:s23+$0xEC00];
	v0 =	vadd.f32 v11, v0  }
0xbc: {  	v8 =	vld.idx.msk [tilespmem:v12+s2+$0x0], $0xffff;
	v4 =	vadd.f32 v5, v4;
	v5 =	vmul.f32 v7, v9  }
0xbd: {  	v7 =	vld.idx.msk [tilespmem:v13+s2+$0x0], $0xffff  }
0xbe: {  	v9 =	vsub.f32 v3, v10;
	v11 =	vadd.s32 $0x2000, v14;
	v10 =	vld [tilespmem:s17+$0x200];
	v4 =	vadd.f32 v5, v4;
	s17 =	sadd.s32 $0x10, s17;
	v12 =	vmovc v14  }
0xbf: {  	v16 =	vld [tilespmem:s17+$0xFFFFFE00]  }
0xc0: {  	s18 =	sadd.s32 $0x10, s18;
	v13 =	vadd.s32 $0x4000, v12;
	v3 =	vld [tilespmem:s17+$0x0];
	v6 =	vadd.f32 v15, v6;
	v15 =	vadd.f32 v4, v4  }
0xc1: {  	v17 =	vmul.f32 v9, v9;
	v4 =	vld [tilespmem:s18+$0xFFFFFE00]  }
0xc2: {  	v18 =	vsub.f32 v2, v8;
	v5 =	vld.idx.msk [tilespmem:v14+s10+$0x0], $0xffff;
	v9 =	vsub.f32 v6, v15  }
0xc3: {  	v6 =	vld.idx.msk [tilespmem:v11+s10+$0x0], $0xffff;
	v10 =	vsub.f32 v10, v7  }
.Ltmp3:
0xc4: {  	v15 =	vadd.s32 $0x6000, v12;
	v14 =	vmul.f32 v18, v18;
	v8 =	vld [tilespmem:s18+$0x0];
	v1 =	vadd.f32 v9, v1;
	v2 =	vmovc v16;
	(pc) =	sbr.rel @p1 .LBB2_3-.Ltmp3, $4  }
0xc5: {  	v7 =	vld.idx.msk [tilespmem:v13+s10+$0x0], $0xffff;
	v16 =	vmul.f32 v10, v10  }
0xc6: {  	v17 =	vadd.f32 v17, v14;
	v9 =	vld [tilespmem:s18+$0x200]  }
0xc7: {  	s20 =	sadd.s32 $0x10, s20;
	v10 =	vld.idx.msk [tilespmem:v11+s2+$0x0], $0xffff  }
0xc8: {  	s22 =	sadd.s32 $0x10, s22;
	v11 =	vadd.f32 v16, v17;
	v14 =	vld [tilespmem:s20+$0x0]  }
0xc9: {  	_ =	sdelay $0x3  }
0xca: {  	v15 =	vld.idx.msk [tilespmem:v15+s10+$0x0], $0xffff  }
0xcb: {  	v12 =	vld.idx.msk [tilespmem:v12+s2+$0x0], $0xffff  }
0xcc: {  	v13 =	vld.idx.msk [tilespmem:v13+s2+$0x0], $0xffff  }
0xcd: {  	s20 =	sand.u32 $0x1F0, s21;
	v18 =	vld [tilespmem:s17+$0x200]  }
0xce: {  	s22 =	sadd.s32 $0x10, s17;
	v16 =	vld [tilespmem:s20+$0xEC00]  }
0xcf: {  	v19 =	vld [tilespmem:s22+$0xFFFFFE00]  }
0xd0: {  	s18 =	sadd.s32 $0x10, s18;
	v20 =	vld [tilespmem:s22+$0x0]  }
0xd1: {  	v22 =	vld [tilespmem:s18+$0xFFFFFE00]  }
0xd2: {  	v26 =	vld [tilespmem:s18+$0x0]  }
0xd3: {  	s23 =	sand.u32 $0x1F0, s19;
	v28 =	vld [tilespmem:s18+$0x200];
	v17 =	vadd.s32 $0x2000, v14  }
0xd4: {  	v29 =	vld [tilespmem:s23+$0xEC00];
	v21 =	vadd.s32 $0x4000, v14  }
0xd5: {  	v30 =	vld [tilespmem:s22+$0x200]  }
0xd6: {  	v23 =	vld.idx.msk [tilespmem:v14+s10+$0x0], $0xffff;
	v25 =	vadd.s32 $0x6000, v14  }
0xd7: {  	v14 =	vld.idx.msk [tilespmem:v14+s2+$0x0], $0xffff  }
0xd8: {  	v24 =	vld.idx.msk [tilespmem:v17+s10+$0x0], $0xffff  }
0xd9: {  	s19 =	sld [smem:$0x7F2];
	v27 =	vld.idx.msk [tilespmem:v21+s10+$0x0], $0xffff  }
0xda: {  	v17 =	vld.idx.msk [tilespmem:v17+s2+$0x0], $0xffff  }
0xdb: {  	s18 =	simm.s32 $0x0;
	v25 =	vld.idx.msk [tilespmem:v25+s10+$0x0], $0xffff  }
0xdc: {  	v21 =	vld.idx.msk [tilespmem:v21+s2+$0x0], $0xffff;
	[tilespmem:s18], [sflag:$0x1] =	stream.strided.gather [hbm4b:s19+s7], $0x6000, s8, s7, $0x38  }
0xdd: {  	_ =	swait.ge [sflag:s9], $0x6000  }
0xde: {  	s20 =	sld [smem:$0x7F3]  }
0xdf: {  	[sflag:s9] =	ssyncset.done $0x0  }
0xe0: {  	[sflag:s9] =	ssyncadd.s32 $0xFFFFA000  }
0xe1: {  	[tilespmem:s10], [sflag:$0x1] =	stream.strided.gather [hbm4b:s20+s7], $0x8000, s8, s7, $0x38;
	[tilespmem:$0xF080] =	vst v63  }
0xe2: {  	_ =	swait.ge [sflag:s9], $0x8000  }
0xe3: {  	s21 =	sld [smem:$0x7E0]  }
0xe4: {  	[sflag:s9] =	ssyncset.done $0x0  }
0xe5: {  	[sflag:s9] =	ssyncadd.s32 $0xFFFF8000  }
0xe6: {  	[tilespmem:s11], [sflag:$0x1] =	stream.strided.gather [hbm4b:s21+s7], $0x200, s8, s7, $0x38;
	[tilespmem:$0xF080] =	vst v63  }
0xe7: {  	_ =	swait.ge [sflag:s9], $0x200  }
0xe8: {  	s22 =	sld [smem:$0x7DC]  }
0xe9: {  	[sflag:s9] =	ssyncset.done $0x0  }
0xea: {  	s17 =	simm.s32 $0xE200;
	[sflag:s9] =	ssyncadd.s32 $0xFFFFFE00  }
0xeb: {  	[tilespmem:s17], [sflag:$0x1] =	stream.strided.gather [hbm4b:s22+s7], $0x200, s8, s7, $0x38;
	[tilespmem:$0xF080] =	vst v63  }
0xec: {  	_ =	swait.ge [sflag:s9], $0x200  }
0xed: {  	s23 =	sld [smem:$0x7DE]  }
0xee: {  	[sflag:s9] =	ssyncset.done $0x0  }
0xef: {  	[sflag:s9] =	ssyncadd.s32 $0xFFFFFE00  }
0xf0: {  	[tilespmem:s12], [sflag:$0x1] =	stream.strided.gather [hbm4b:s23+s7], $0x200, s8, s7, $0x38;
	[tilespmem:$0xF080] =	vst v63  }
0xf1: {  	_ =	swait.ge [sflag:s9], $0x200  }
0xf2: {  	s20 =	sld [smem:$0x7E1]  }
0xf3: {  	[sflag:s9] =	ssyncset.done $0x0  }
0xf4: {  	[sflag:s9] =	ssyncadd.s32 $0xFFFFFE00  }
0xf5: {  	[tilespmem:s13], [sflag:$0x1] =	stream.strided.gather [hbm4b:s20+s7], $0x200, s8, s7, $0x38;
	[tilespmem:$0xF080] =	vst v63  }
0xf6: {  	_ =	swait.ge [sflag:s9], $0x200  }
0xf7: {  	s21 =	sld [smem:$0x7DD]  }
0xf8: {  	[sflag:s9] =	ssyncset.done $0x0  }
0xf9: {  	s19 =	simm.s32 $0xE800;
	[sflag:s9] =	ssyncadd.s32 $0xFFFFFE00  }
0xfa: {  	[tilespmem:s19], [sflag:$0x1] =	stream.strided.gather [hbm4b:s21+s7], $0x200, s8, s7, $0x38;
	[tilespmem:$0xF080] =	vst v63  }
0xfb: {  	_ =	swait.ge [sflag:s9], $0x200  }
0xfc: {  	s22 =	sld [smem:$0x7DF]  }
0xfd: {  	[sflag:s9] =	ssyncset.done $0x0  }
0xfe: {  	[sflag:s9] =	ssyncadd.s32 $0xFFFFFE00  }
0xff: {  	[tilespmem:s14], [sflag:$0x1] =	stream.strided.gather [hbm4b:s22+s7], $0x200, s8, s7, $0x38;
	[tilespmem:$0xF080] =	vst v63  }
0x100: {  	_ =	swait.ge [sflag:s9], $0x200  }
0x101: {  	[sflag:s9] =	ssyncset.done $0x0  }
0x102: {  	[sflag:s9] =	ssyncadd.s32 $0xFFFFFE00  }
0x103: {  	[tilespmem:s15], [sflag:$0x1] =	stream.strided.gather [hbm4b:s0+s7], $0x200, s8, s7, $0x38;
	[tilespmem:$0xF080] =	vst v63  }
0x104: {  	_ =	swait.ge [sflag:s9], $0x200  }
0x105: {  	s22 =	sld [smem:$0x7E2]  }
0x106: {  	[sflag:s9] =	ssyncset.done $0x0  }
0x107: {  	s23 =	simm.s32 $0xEE00;
	[sflag:s9] =	ssyncadd.s32 $0xFFFFFE00  }
0x108: {  	[tilespmem:s23], [sflag:$0x1] =	stream.strided.gather [hbm4b:s22+s7], $0x200, s8, s7, $0x38;
	[tilespmem:$0xF080] =	vst v63  }
0x109: {  	_ =	swait.ge [sflag:s9], $0x200  }
0x10a: {  	[sflag:s9] =	ssyncset.done $0x0  }
0x10b: {  	v4 =	vmul.f32 v5, v4;
	v5 =	vmul.f32 v6, v8;
	[sflag:s9] =	ssyncadd.s32 $0xFFFFFE00  }
0x10c: {  	v3 =	vsub.f32 v3, v10;
	v2 =	vsub.f32 v2, v12;
	v31 =	vld [tilespmem:s23+$0x0]  }
0x10d: {  	v4 =	vadd.f32 v5, v4;
	v5 =	vmul.f32 v7, v9  }
0x10e: {  	v3 =	vmul.f32 v3, v3;
	v9 =	vsub.f32 v18, v13;
	v2 =	vmul.f32 v2, v2  }
0x10f: {  	v6 =	vld [tilespmem:s17+$0xFFFFFE00]  }
0x110: {  	v9 =	vmul.f32 v9, v9;
	v2 =	vadd.f32 v3, v2;
	v8 =	vld [tilespmem:s17+$0x0]  }
0x111: {  	v7 =	vld [tilespmem:s19+$0xFFFFFE00];
	v32 =	vadd.s32 $0x2000, v31  }
0x112: {  	v0 =	vadd.f32 v11, v0;
	v2 =	vadd.f32 v9, v2;
	v12 =	vld [tilespmem:s19+$0x0]  }
0x113: {  	v4 =	vadd.f32 v5, v4;
	s18 =	sand.u32 $0x1F0, s18;
	v3 =	vld [tilespmem:s19+$0x200];
	v33 =	vadd.s32 $0x4000, v31  }
0x114: {  	v0 =	vadd.f32 v2, v0;
	v2 =	vsub.f32 v20, v17;
	v17 =	vld [tilespmem:s18+$0xEC00]  }
0x115: {  	v15 =	vadd.f32 v15, v16;
	v4 =	vadd.f32 v4, v4;
	v10 =	vld.idx.msk [tilespmem:v31+s10+$0x0], $0xffff  }
0x116: {  	s23 =	simm.s32 $0xEE10;
	v13 =	vadd.s32 $0x6000, v31;
	v5 =	vld.idx.msk [tilespmem:v32+s10+$0x0], $0xffff  }
0x117: {  	v4 =	vsub.f32 v15, v4;
	v9 =	vld [tilespmem:s23+$0x0]  }
0x118: {  	v15 =	vmul.f32 v23, v22;
	v56 =	vmul.f32 v24, v26;
	v16 =	vld.idx.msk [tilespmem:v33+s10+$0x0], $0xffff  }
0x119: {  	v11 =	vadd.f32 v4, v1;
	v57 =	vld.idx.msk [tilespmem:v32+s2+$0x0], $0xffff  }
0x11a: {  	v4 =	vmul.f32 v27, v28;
	v60 =	vsub.f32 v30, v21;
	v1 =	vadd.f32 v56, v15;
	v59 =	vld [tilespmem:s17+$0x200]  }
0x11b: {  	v15 =	vld.idx.msk [tilespmem:v13+s10+$0x0], $0xffff;
	v13 =	vsub.f32 v19, v14;
	v7 =	vmul.f32 v10, v7;
	v5 =	vmul.f32 v5, v12  }
0x11c: {  	v2 =	vmul.f32 v2, v2;
	v1 =	vadd.f32 v4, v1;
	v4 =	vadd.f32 v25, v29;
	v58 =	vld.idx.msk [tilespmem:v31+s2+$0x0], $0xffff  }
0x11d: {  	s17 =	simm.s32 $0xE210;
	v10 =	vld.idx.msk [tilespmem:v33+s2+$0x0], $0xffff;
	v16 =	vmul.f32 v16, v3;
	v5 =	vadd.f32 v5, v7;
	v7 =	vmul.f32 v13, v13  }
0x11e: {  	v14 =	vadd.s32 $0x2000, v9;
	v12 =	vadd.f32 v1, v1;
	v1 =	vld [tilespmem:s17+$0xFFFFFE00];
	v8 =	vsub.f32 v8, v57  }
0x11f: {  	s18 =	simm.s32 $0xE810;
	v3 =	vld [tilespmem:s17+$0x0];
	v2 =	vadd.f32 v2, v7;
	v7 =	vadd.f32 v16, v5  }
0x120: {  	v15 =	vadd.f32 v15, v17;
	v12 =	vsub.f32 v4, v12;
	v13 =	vadd.s32 $0x4000, v9;
	v4 =	vld [tilespmem:s18+$0xFFFFFE00]  }
0x121: {  	v62 =	vmul.f32 v8, v8;
	v8 =	vld [tilespmem:s18+$0x0];
	v16 =	vsub.f32 v6, v58;
	v17 =	vadd.f32 v7, v7  }
0x122: {  	v61 =	vmul.f32 v60, v60;
	v10 =	vsub.f32 v59, v10;
	v5 =	vld.idx.msk [tilespmem:v9+s10+$0x0], $0xffff  }
0x123: {  	v6 =	vld.idx.msk [tilespmem:v14+s10+$0x0], $0xffff;
	v16 =	vmul.f32 v16, v16;
	v17 =	vsub.f32 v15, v17;
	v15 =	vadd.s32 $0x6000, v9  }
0x124: {  	v11 =	vadd.f32 v12, v11;
	v12 =	vld [tilespmem:s18+$0x200];
	v2 =	vadd.f32 v61, v2  }
0x125: {  	v63 =	vmul.f32 v10, v10;
	v7 =	vld.idx.msk [tilespmem:v13+s10+$0x0], $0xffff;
	v16 =	vadd.f32 v62, v16  }
0x126: {  	s20 =	simm.s32 $0xEE20;
	v10 =	vld.idx.msk [tilespmem:v14+s2+$0x0], $0xffff;
	v0 =	vadd.f32 v2, v0  }
0x127: {  	s21 =	simm.s32 $0x10;
	s22 =	simm.s32 $0x30;
	s19 =	simm.s32 $0x20;
	v14 =	vld [tilespmem:s20+$0x0];
	v2 =	vadd.f32 v17, v11;
	v11 =	vadd.f32 v63, v16  }
.LBB2_5:
0x128: {  	p1 =	sne.s32 s22, $0x1F0;
	s23 =	sand.u32 $0x1F0, s21;
	v15 =	vld.idx.msk [tilespmem:v15+s10+$0x0], $0xffff;
	v4 =	vmul.f32 v5, v4;
	v5 =	vmul.f32 v6, v8;
	s21 =	smov.u32 s19  }
0x129: {  	s19 =	smov.u32 s22;
	v6 =	vld [tilespmem:s23+$0xEC00];
	v0 =	vadd.f32 v11, v0  }
0x12a: {  	v8 =	vld.idx.msk [tilespmem:v9+s2+$0x0], $0xffff;
	v4 =	vadd.f32 v5, v4;
	v5 =	vmul.f32 v7, v12  }
0x12b: {  	v7 =	vld.idx.msk [tilespmem:v13+s2+$0x0], $0xffff  }
0x12c: {  	v10 =	vsub.f32 v3, v10;
	v11 =	vadd.s32 $0x2000, v14;
	v12 =	vld [tilespmem:s17+$0x200];
	v4 =	vadd.f32 v5, v4;
	s17 =	sadd.s32 $0x10, s17;
	v9 =	vmovc v14  }
0x12d: {  	v16 =	vld [tilespmem:s17+$0xFFFFFE00]  }
0x12e: {  	s18 =	sadd.s32 $0x10, s18;
	v13 =	vadd.s32 $0x4000, v9;
	v3 =	vld [tilespmem:s17+$0x0];
	v6 =	vadd.f32 v15, v6;
	v15 =	vadd.f32 v4, v4  }
0x12f: {  	v10 =	vmul.f32 v10, v10;
	v4 =	vld [tilespmem:s18+$0xFFFFFE00]  }
0x130: {  	v18 =	vsub.f32 v1, v8;
	v5 =	vld.idx.msk [tilespmem:v14+s10+$0x0], $0xffff;
	v14 =	vsub.f32 v6, v15  }
0x131: {  	v6 =	vld.idx.msk [tilespmem:v11+s10+$0x0], $0xffff;
	v12 =	vsub.f32 v12, v7  }
.Ltmp4:
0x132: {  	v15 =	vadd.s32 $0x6000, v9;
	v17 =	vmul.f32 v18, v18;
	v8 =	vld [tilespmem:s18+$0x0];
	v2 =	vadd.f32 v14, v2;
	v1 =	vmovc v16;
	(pc) =	sbr.rel @p1 .LBB2_5-.Ltmp4, $4  }
0x133: {  	v7 =	vld.idx.msk [tilespmem:v13+s10+$0x0], $0xffff;
	v16 =	vmul.f32 v12, v12  }
0x134: {  	v17 =	vadd.f32 v10, v17;
	v12 =	vld [tilespmem:s18+$0x200]  }
0x135: {  	s20 =	sadd.s32 $0x10, s20;
	v10 =	vld.idx.msk [tilespmem:v11+s2+$0x0], $0xffff  }
0x136: {  	s22 =	sadd.s32 $0x10, s22;
	v11 =	vadd.f32 v16, v17;
	v14 =	vld [tilespmem:s20+$0x0]  }
0x137: {  	_ =	sdelay $0x3  }
0x138: {  	v15 =	vld.idx.msk [tilespmem:v15+s10+$0x0], $0xffff  }
0x139: {  	v9 =	vld.idx.msk [tilespmem:v9+s2+$0x0], $0xffff  }
0x13a: {  	v13 =	vld.idx.msk [tilespmem:v13+s2+$0x0], $0xffff  }
0x13b: {  	s20 =	sand.u32 $0x1F0, s21;
	v18 =	vld [tilespmem:s17+$0x200]  }
0x13c: {  	s22 =	sadd.s32 $0x10, s17;
	v16 =	vld [tilespmem:s20+$0xEC00]  }
0x13d: {  	v19 =	vld [tilespmem:s22+$0xFFFFFE00]  }
0x13e: {  	s18 =	sadd.s32 $0x10, s18;
	v20 =	vld [tilespmem:s22+$0x0]  }
0x13f: {  	v22 =	vld [tilespmem:s18+$0xFFFFFE00]  }
0x140: {  	v26 =	vld [tilespmem:s18+$0x0]  }
0x141: {  	s23 =	sand.u32 $0x1F0, s19;
	v28 =	vld [tilespmem:s18+$0x200];
	v17 =	vadd.s32 $0x2000, v14  }
0x142: {  	v29 =	vld [tilespmem:s23+$0xEC00];
	v21 =	vadd.s32 $0x4000, v14  }
0x143: {  	v30 =	vld [tilespmem:s22+$0x200]  }
0x144: {  	v23 =	vld.idx.msk [tilespmem:v14+s10+$0x0], $0xffff;
	v25 =	vadd.s32 $0x6000, v14  }
0x145: {  	v14 =	vld.idx.msk [tilespmem:v14+s2+$0x0], $0xffff  }
0x146: {  	v24 =	vld.idx.msk [tilespmem:v17+s10+$0x0], $0xffff  }
0x147: {  	s19 =	sld [smem:$0x7F4];
	v27 =	vld.idx.msk [tilespmem:v21+s10+$0x0], $0xffff  }
0x148: {  	v17 =	vld.idx.msk [tilespmem:v17+s2+$0x0], $0xffff  }
0x149: {  	s18 =	simm.s32 $0x0;
	v25 =	vld.idx.msk [tilespmem:v25+s10+$0x0], $0xffff  }
0x14a: {  	v21 =	vld.idx.msk [tilespmem:v21+s2+$0x0], $0xffff;
	[tilespmem:s18], [sflag:$0x1] =	stream.strided.gather [hbm4b:s19+s7], $0x6000, s8, s7, $0x38  }
0x14b: {  	_ =	swait.ge [sflag:s9], $0x6000  }
0x14c: {  	s20 =	sld [smem:$0x7F5]  }
0x14d: {  	[sflag:s9] =	ssyncset.done $0x0  }
0x14e: {  	[sflag:s9] =	ssyncadd.s32 $0xFFFFA000  }
0x14f: {  	[tilespmem:s10], [sflag:$0x1] =	stream.strided.gather [hbm4b:s20+s7], $0x8000, s8, s7, $0x38;
	[tilespmem:$0xF080] =	vst v63  }
0x150: {  	_ =	swait.ge [sflag:s9], $0x8000  }
0x151: {  	s21 =	sld [smem:$0x7E9]  }
0x152: {  	[sflag:s9] =	ssyncset.done $0x0  }
0x153: {  	[sflag:s9] =	ssyncadd.s32 $0xFFFF8000  }
0x154: {  	[tilespmem:s11], [sflag:$0x1] =	stream.strided.gather [hbm4b:s21+s7], $0x200, s8, s7, $0x38;
	[tilespmem:$0xF080] =	vst v63  }
0x155: {  	_ =	swait.ge [sflag:s9], $0x200  }
0x156: {  	s22 =	sld [smem:$0x7E5]  }
0x157: {  	[sflag:s9] =	ssyncset.done $0x0  }
0x158: {  	s17 =	simm.s32 $0xE200;
	[sflag:s9] =	ssyncadd.s32 $0xFFFFFE00  }
0x159: {  	[tilespmem:s17], [sflag:$0x1] =	stream.strided.gather [hbm4b:s22+s7], $0x200, s8, s7, $0x38;
	[tilespmem:$0xF080] =	vst v63  }
0x15a: {  	_ =	swait.ge [sflag:s9], $0x200  }
0x15b: {  	s23 =	sld [smem:$0x7E7]  }
0x15c: {  	[sflag:s9] =	ssyncset.done $0x0  }
0x15d: {  	[sflag:s9] =	ssyncadd.s32 $0xFFFFFE00  }
0x15e: {  	[tilespmem:s12], [sflag:$0x1] =	stream.strided.gather [hbm4b:s23+s7], $0x200, s8, s7, $0x38;
	[tilespmem:$0xF080] =	vst v63  }
0x15f: {  	_ =	swait.ge [sflag:s9], $0x200  }
0x160: {  	s20 =	sld [smem:$0x7EA]  }
0x161: {  	[sflag:s9] =	ssyncset.done $0x0  }
0x162: {  	[sflag:s9] =	ssyncadd.s32 $0xFFFFFE00  }
0x163: {  	[tilespmem:s13], [sflag:$0x1] =	stream.strided.gather [hbm4b:s20+s7], $0x200, s8, s7, $0x38;
	[tilespmem:$0xF080] =	vst v63  }
0x164: {  	_ =	swait.ge [sflag:s9], $0x200  }
0x165: {  	s21 =	sld [smem:$0x7E6]  }
0x166: {  	[sflag:s9] =	ssyncset.done $0x0  }
0x167: {  	s19 =	simm.s32 $0xE800;
	[sflag:s9] =	ssyncadd.s32 $0xFFFFFE00  }
0x168: {  	[tilespmem:s19], [sflag:$0x1] =	stream.strided.gather [hbm4b:s21+s7], $0x200, s8, s7, $0x38;
	[tilespmem:$0xF080] =	vst v63  }
0x169: {  	_ =	swait.ge [sflag:s9], $0x200  }
0x16a: {  	s22 =	sld [smem:$0x7E8]  }
0x16b: {  	[sflag:s9] =	ssyncset.done $0x0  }
0x16c: {  	[sflag:s9] =	ssyncadd.s32 $0xFFFFFE00  }
0x16d: {  	[tilespmem:s14], [sflag:$0x1] =	stream.strided.gather [hbm4b:s22+s7], $0x200, s8, s7, $0x38;
	[tilespmem:$0xF080] =	vst v63  }
0x16e: {  	_ =	swait.ge [sflag:s9], $0x200  }
0x16f: {  	[sflag:s9] =	ssyncset.done $0x0  }
0x170: {  	[sflag:s9] =	ssyncadd.s32 $0xFFFFFE00  }
0x171: {  	[tilespmem:s15], [sflag:$0x1] =	stream.strided.gather [hbm4b:s1+s7], $0x200, s8, s7, $0x38;
	[tilespmem:$0xF080] =	vst v63  }
0x172: {  	_ =	swait.ge [sflag:s9], $0x200  }
0x173: {  	s22 =	sld [smem:$0x7EB]  }
0x174: {  	[sflag:s9] =	ssyncset.done $0x0  }
0x175: {  	s23 =	simm.s32 $0xEE00;
	[sflag:s9] =	ssyncadd.s32 $0xFFFFFE00  }
0x176: {  	[tilespmem:s23], [sflag:$0x1] =	stream.strided.gather [hbm4b:s22+s7], $0x200, s8, s7, $0x38;
	[tilespmem:$0xF080] =	vst v63  }
0x177: {  	_ =	swait.ge [sflag:s9], $0x200  }
0x178: {  	[sflag:s9] =	ssyncset.done $0x0  }
0x179: {  	[sflag:s9] =	ssyncadd.s32 $0xFFFFFE00  }
0x17a: {  	v3 =	vsub.f32 v3, v10;
	v1 =	vsub.f32 v1, v9;
	v31 =	vld [tilespmem:s23+$0x0]  }
0x17b: {  	v4 =	vmul.f32 v5, v4;
	v5 =	vmul.f32 v6, v8  }
0x17c: {  	v3 =	vmul.f32 v3, v3;
	v9 =	vsub.f32 v18, v13;
	v1 =	vmul.f32 v1, v1  }
0x17d: {  	v4 =	vadd.f32 v5, v4;
	v5 =	vmul.f32 v7, v12;
	v6 =	vld [tilespmem:s17+$0xFFFFFE00]  }
0x17e: {  	v9 =	vmul.f32 v9, v9;
	v1 =	vadd.f32 v3, v1;
	v8 =	vld [tilespmem:s17+$0x0]  }
0x17f: {  	v4 =	vadd.f32 v5, v4;
	v7 =	vld [tilespmem:s19+$0xFFFFFE00];
	v32 =	vadd.s32 $0x2000, v31  }
0x180: {  	v0 =	vadd.f32 v11, v0;
	v1 =	vadd.f32 v9, v1;
	v12 =	vld [tilespmem:s19+$0x0]  }
0x181: {  	v15 =	vadd.f32 v15, v16;
	v4 =	vadd.f32 v4, v4;
	s18 =	sand.u32 $0x1F0, s18;
	v3 =	vld [tilespmem:s19+$0x200];
	v33 =	vadd.s32 $0x4000, v31  }
0x182: {  	v0 =	vadd.f32 v1, v0;
	v1 =	vsub.f32 v20, v17;
	v17 =	vld [tilespmem:s18+$0xEC00]  }
0x183: {  	v4 =	vsub.f32 v15, v4;
	v10 =	vld.idx.msk [tilespmem:v31+s10+$0x0], $0xffff  }
0x184: {  	v15 =	vmul.f32 v23, v22;
	v57 =	vmul.f32 v24, v26;
	s23 =	simm.s32 $0xEE10;
	v13 =	vadd.s32 $0x6000, v31;
	v5 =	vld.idx.msk [tilespmem:v32+s10+$0x0], $0xffff  }
0x185: {  	v9 =	vld [tilespmem:s23+$0x0]  }
0x186: {  	v2 =	vadd.f32 v4, v2;
	v11 =	vmul.f32 v27, v28;
	v4 =	vadd.f32 v57, v15;
	v16 =	vld.idx.msk [tilespmem:v33+s10+$0x0], $0xffff  }
0x187: {  	v58 =	vld.idx.msk [tilespmem:v32+s2+$0x0], $0xffff  }
0x188: {  	v4 =	vadd.f32 v11, v4;
	v60 =	vld [tilespmem:s17+$0x200]  }
0x189: {  	v15 =	vld.idx.msk [tilespmem:v13+s10+$0x0], $0xffff;
	v13 =	vsub.f32 v19, v14;
	v7 =	vmul.f32 v10, v7;
	v5 =	vmul.f32 v5, v12  }
0x18a: {  	v11 =	vadd.f32 v25, v29;
	v4 =	vadd.f32 v4, v4;
	v59 =	vld.idx.msk [tilespmem:v31+s2+$0x0], $0xffff;
	v12 =	vmul.f32 v1, v1  }
0x18b: {  	s18 =	simm.s32 $0xE810;
	v10 =	vld.idx.msk [tilespmem:v33+s2+$0x0], $0xffff;
	v16 =	vmul.f32 v16, v3;
	v5 =	vadd.f32 v5, v7;
	v7 =	vmul.f32 v13, v13  }
0x18c: {  	v11 =	vsub.f32 v11, v4;
	s17 =	simm.s32 $0xE210;
	v4 =	vld [tilespmem:s18+$0xFFFFFE00];
	v14 =	vadd.s32 $0x2000, v9;
	v8 =	vsub.f32 v8, v58  }
0x18d: {  	v1 =	vld [tilespmem:s17+$0xFFFFFE00];
	v13 =	vadd.s32 $0x4000, v9;
	v7 =	vadd.f32 v12, v7;
	v12 =	vadd.f32 v16, v5  }
0x18e: {  	v61 =	vsub.f32 v30, v21;
	v3 =	vld [tilespmem:s17+$0x0];
	v15 =	vadd.f32 v15, v17  }
0x18f: {  	v17 =	vmul.f32 v8, v8;
	v8 =	vld [tilespmem:s18+$0x0];
	v16 =	vsub.f32 v6, v59;
	v12 =	vadd.f32 v12, v12  }
0x190: {  	v62 =	vmul.f32 v61, v61;
	v10 =	vsub.f32 v60, v10;
	v5 =	vld.idx.msk [tilespmem:v9+s10+$0x0], $0xffff  }
0x191: {  	v6 =	vld.idx.msk [tilespmem:v14+s10+$0x0], $0xffff;
	v16 =	vmul.f32 v16, v16;
	v63 =	vsub.f32 v15, v12;
	v15 =	vadd.s32 $0x6000, v9  }
0x192: {  	v2 =	vadd.f32 v11, v2;
	v11 =	vadd.f32 v62, v7;
	v7 =	vld.idx.msk [tilespmem:v13+s10+$0x0], $0xffff  }
0x193: {  	v19 =	vmul.f32 v10, v10;
	v16 =	vadd.f32 v17, v16;
	v12 =	vld [tilespmem:s18+$0x200]  }
0x194: {  	s20 =	simm.s32 $0xEE20;
	v10 =	vld.idx.msk [tilespmem:v14+s2+$0x0], $0xffff;
	v0 =	vadd.f32 v11, v0  }
0x195: {  	s21 =	simm.s32 $0x10;
	s22 =	simm.s32 $0x30;
	s19 =	simm.s32 $0x20;
	v14 =	vld [tilespmem:s20+$0x0];
	v2 =	vadd.f32 v63, v2;
	v11 =	vadd.f32 v19, v16  }
.LBB2_7:
0x196: {  	p1 =	sne.s32 s22, $0x1F0;
	s23 =	sand.u32 $0x1F0, s21;
	v15 =	vld.idx.msk [tilespmem:v15+s10+$0x0], $0xffff;
	v4 =	vmul.f32 v5, v4;
	v5 =	vmul.f32 v6, v8;
	s21 =	smov.u32 s19  }
0x197: {  	s19 =	smov.u32 s22;
	v6 =	vld [tilespmem:s23+$0xEC00];
	v0 =	vadd.f32 v11, v0  }
0x198: {  	v8 =	vld.idx.msk [tilespmem:v9+s2+$0x0], $0xffff;
	v4 =	vadd.f32 v5, v4;
	v5 =	vmul.f32 v7, v12  }
0x199: {  	v7 =	vld.idx.msk [tilespmem:v13+s2+$0x0], $0xffff  }
0x19a: {  	v10 =	vsub.f32 v3, v10;
	v11 =	vadd.s32 $0x2000, v14;
	v12 =	vld [tilespmem:s17+$0x200];
	v4 =	vadd.f32 v5, v4;
	s17 =	sadd.s32 $0x10, s17;
	v9 =	vmovc v14  }
0x19b: {  	v16 =	vld [tilespmem:s17+$0xFFFFFE00]  }
0x19c: {  	s18 =	sadd.s32 $0x10, s18;
	v13 =	vadd.s32 $0x4000, v9;
	v3 =	vld [tilespmem:s17+$0x0];
	v6 =	vadd.f32 v15, v6;
	v15 =	vadd.f32 v4, v4  }
0x19d: {  	v10 =	vmul.f32 v10, v10;
	v4 =	vld [tilespmem:s18+$0xFFFFFE00]  }
0x19e: {  	v18 =	vsub.f32 v1, v8;
	v5 =	vld.idx.msk [tilespmem:v14+s10+$0x0], $0xffff;
	v14 =	vsub.f32 v6, v15  }
0x19f: {  	v6 =	vld.idx.msk [tilespmem:v11+s10+$0x0], $0xffff;
	v12 =	vsub.f32 v12, v7  }
.Ltmp5:
0x1a0: {  	v15 =	vadd.s32 $0x6000, v9;
	v17 =	vmul.f32 v18, v18;
	v8 =	vld [tilespmem:s18+$0x0];
	v2 =	vadd.f32 v14, v2;
	v1 =	vmovc v16;
	(pc) =	sbr.rel @p1 .LBB2_7-.Ltmp5, $4  }
0x1a1: {  	v7 =	vld.idx.msk [tilespmem:v13+s10+$0x0], $0xffff;
	v16 =	vmul.f32 v12, v12  }
0x1a2: {  	v17 =	vadd.f32 v10, v17;
	v12 =	vld [tilespmem:s18+$0x200]  }
0x1a3: {  	s20 =	sadd.s32 $0x10, s20;
	v10 =	vld.idx.msk [tilespmem:v11+s2+$0x0], $0xffff  }
0x1a4: {  	s22 =	sadd.s32 $0x10, s22;
	v11 =	vadd.f32 v16, v17;
	v14 =	vld [tilespmem:s20+$0x0]  }
0x1a5: {  	_ =	sdelay $0x3  }
0x1a6: {  	v15 =	vld.idx.msk [tilespmem:v15+s10+$0x0], $0xffff  }
0x1a7: {  	v9 =	vld.idx.msk [tilespmem:v9+s2+$0x0], $0xffff  }
0x1a8: {  	v13 =	vld.idx.msk [tilespmem:v13+s2+$0x0], $0xffff  }
0x1a9: {  	s20 =	sand.u32 $0x1F0, s21;
	v18 =	vld [tilespmem:s17+$0x200]  }
0x1aa: {  	s21 =	sadd.s32 $0x10, s17;
	v16 =	vld [tilespmem:s20+$0xEC00]  }
0x1ab: {  	v19 =	vld [tilespmem:s21+$0xFFFFFE00]  }
0x1ac: {  	s18 =	sadd.s32 $0x10, s18;
	v20 =	vld [tilespmem:s21+$0x0]  }
0x1ad: {  	v22 =	vld [tilespmem:s18+$0xFFFFFE00]  }
0x1ae: {  	v26 =	vld [tilespmem:s18+$0x0]  }
0x1af: {  	s22 =	sand.u32 $0x1F0, s19;
	v28 =	vld [tilespmem:s18+$0x200];
	v17 =	vadd.s32 $0x2000, v14  }
0x1b0: {  	v29 =	vld [tilespmem:s22+$0xEC00];
	v21 =	vadd.s32 $0x4000, v14  }
0x1b1: {  	v30 =	vld [tilespmem:s21+$0x200]  }
0x1b2: {  	v23 =	vld.idx.msk [tilespmem:v14+s10+$0x0], $0xffff;
	v25 =	vadd.s32 $0x6000, v14  }
0x1b3: {  	v14 =	vld.idx.msk [tilespmem:v14+s2+$0x0], $0xffff  }
0x1b4: {  	v24 =	vld.idx.msk [tilespmem:v17+s10+$0x0], $0xffff  }
0x1b5: {  	s23 =	sld [smem:$0x7F6];
	v27 =	vld.idx.msk [tilespmem:v21+s10+$0x0], $0xffff  }
0x1b6: {  	v17 =	vld.idx.msk [tilespmem:v17+s2+$0x0], $0xffff  }
0x1b7: {  	s18 =	simm.s32 $0x0;
	v25 =	vld.idx.msk [tilespmem:v25+s10+$0x0], $0xffff  }
0x1b8: {  	v21 =	vld.idx.msk [tilespmem:v21+s2+$0x0], $0xffff;
	[tilespmem:s18], [sflag:$0x1] =	stream.strided.gather [hbm4b:s23+s7], $0x6000, s8, s7, $0x38  }
0x1b9: {  	_ =	swait.ge [sflag:s9], $0x6000  }
0x1ba: {  	s19 =	sld [smem:$0x7F7]  }
0x1bb: {  	[sflag:s9] =	ssyncset.done $0x0  }
0x1bc: {  	[sflag:s9] =	ssyncadd.s32 $0xFFFFA000  }
0x1bd: {  	[tilespmem:s10], [sflag:$0x1] =	stream.strided.gather [hbm4b:s19+s7], $0x8000, s8, s7, $0x38;
	[tilespmem:$0xF080] =	vst v63  }
0x1be: {  	_ =	swait.ge [sflag:s9], $0x8000  }
0x1bf: {  	s20 =	sld [smem:$0x7F9]  }
0x1c0: {  	[sflag:s9] =	ssyncset.done $0x0  }
0x1c1: {  	[sflag:s9] =	ssyncadd.s32 $0xFFFF8000  }
0x1c2: {  	[tilespmem:s11], [sflag:$0x1] =	stream.strided.gather [hbm4b:s20+s7], $0x200, s8, s7, $0x38;
	[tilespmem:$0xF080] =	vst v63  }
0x1c3: {  	_ =	swait.ge [sflag:s9], $0x200  }
0x1c4: {  	s21 =	sld [smem:$0x7FD]  }
0x1c5: {  	[sflag:s9] =	ssyncset.done $0x0  }
0x1c6: {  	s17 =	simm.s32 $0xE200;
	[sflag:s9] =	ssyncadd.s32 $0xFFFFFE00  }
0x1c7: {  	[tilespmem:s17], [sflag:$0x1] =	stream.strided.gather [hbm4b:s21+s7], $0x200, s8, s7, $0x38;
	[tilespmem:$0xF080] =	vst v63  }
0x1c8: {  	_ =	swait.ge [sflag:s9], $0x200  }
0x1c9: {  	[sflag:s9] =	ssyncset.done $0x0  }
0x1ca: {  	[sflag:s9] =	ssyncadd.s32 $0xFFFFFE00  }
0x1cb: {  	[tilespmem:s12], [sflag:$0x1] =	stream.strided.gather [hbm4b:s25+s7], $0x200, s8, s7, $0x38;
	[tilespmem:$0xF080] =	vst v63  }
0x1cc: {  	_ =	swait.ge [sflag:s9], $0x200  }
0x1cd: {  	s22 =	sld [smem:$0x7FA]  }
0x1ce: {  	[sflag:s9] =	ssyncset.done $0x0  }
0x1cf: {  	[sflag:s9] =	ssyncadd.s32 $0xFFFFFE00  }
0x1d0: {  	[tilespmem:s13], [sflag:$0x1] =	stream.strided.gather [hbm4b:s22+s7], $0x200, s8, s7, $0x38;
	[tilespmem:$0xF080] =	vst v63  }
0x1d1: {  	_ =	swait.ge [sflag:s9], $0x200  }
0x1d2: {  	[sflag:s9] =	ssyncset.done $0x0  }
0x1d3: {  	s19 =	simm.s32 $0xE800;
	[sflag:s9] =	ssyncadd.s32 $0xFFFFFE00  }
0x1d4: {  	[tilespmem:s19], [sflag:$0x1] =	stream.strided.gather [hbm4b:s24+s7], $0x200, s8, s7, $0x38;
	[tilespmem:$0xF080] =	vst v63  }
0x1d5: {  	_ =	swait.ge [sflag:s9], $0x200  }
0x1d6: {  	[sflag:s9] =	ssyncset.done $0x0  }
0x1d7: {  	[sflag:s9] =	ssyncadd.s32 $0xFFFFFE00  }
0x1d8: {  	[tilespmem:s14], [sflag:$0x1] =	stream.strided.gather [hbm4b:s26+s7], $0x200, s8, s7, $0x38;
	[tilespmem:$0xF080] =	vst v63  }
0x1d9: {  	_ =	swait.ge [sflag:s9], $0x200  }
0x1da: {  	[sflag:s9] =	ssyncset.done $0x0  }
0x1db: {  	[sflag:s9] =	ssyncadd.s32 $0xFFFFFE00  }
0x1dc: {  	[tilespmem:s15], [sflag:$0x1] =	stream.strided.gather [hbm4b:s5+s7], $0x200, s8, s7, $0x38;
	[tilespmem:$0xF080] =	vst v63  }
0x1dd: {  	_ =	swait.ge [sflag:s9], $0x200  }
0x1de: {  	s22 =	sld [smem:$0x7F8]  }
0x1df: {  	[sflag:s9] =	ssyncset.done $0x0  }
0x1e0: {  	v4 =	vmul.f32 v5, v4;
	v5 =	vmul.f32 v6, v8;
	s23 =	simm.s32 $0xEE00;
	[sflag:s9] =	ssyncadd.s32 $0xFFFFFE00  }
0x1e1: {  	[tilespmem:s23], [sflag:$0x1] =	stream.strided.gather [hbm4b:s22+s7], $0x200, s8, s7, $0x38;
	[tilespmem:$0xF080] =	vst v63  }
0x1e2: {  	v4 =	vadd.f32 v5, v4;
	v5 =	vmul.f32 v7, v12;
	_ =	swait.ge [sflag:s9], $0x200  }
0x1e3: {  	v3 =	vsub.f32 v3, v10;
	[sflag:s9] =	ssyncset.done $0x0  }
0x1e4: {  	v4 =	vadd.f32 v5, v4;
	v1 =	vsub.f32 v1, v9;
	[sflag:s9] =	ssyncadd.s32 $0xFFFFFE00  }
0x1e5: {  	v3 =	vmul.f32 v3, v3;
	v10 =	vsub.f32 v18, v13;
	v31 =	vld [tilespmem:s23+$0x0]  }
0x1e6: {  	v15 =	vadd.f32 v15, v16;
	v4 =	vadd.f32 v4, v4;
	v1 =	vmul.f32 v1, v1;
	v8 =	vld [tilespmem:s17+$0xFFFFFE00]  }
0x1e7: {  	v33 =	vld [tilespmem:s17+$0x0]  }
0x1e8: {  	v10 =	vmul.f32 v10, v10;
	v4 =	vsub.f32 v15, v4;
	v1 =	vadd.f32 v3, v1;
	v7 =	vld [tilespmem:s19+$0xFFFFFE00]  }
0x1e9: {  	v15 =	vmul.f32 v23, v22;
	v58 =	vmul.f32 v24, v26;
	v12 =	vld [tilespmem:s19+$0x0]  }
0x1ea: {  	v4 =	vadd.f32 v4, v2;
	v1 =	vadd.f32 v10, v1;
	v57 =	vld [tilespmem:s19+$0x200];
	v32 =	vadd.s32 $0x2000, v31  }
0x1eb: {  	v10 =	vmul.f32 v27, v28;
	v2 =	vadd.f32 v58, v15;
	s23 =	simm.s32 $0xEE10;
	v60 =	vld [tilespmem:s17+$0x200];
	v6 =	vadd.s32 $0x4000, v31  }
0x1ec: {  	v3 =	vld [tilespmem:s23+$0x0];
	v13 =	vadd.s32 $0x6000, v31  }
0x1ed: {  	v2 =	vadd.f32 v10, v2;
	v9 =	vld.idx.msk [tilespmem:v31+s10+$0x0], $0xffff  }
0x1ee: {  	v15 =	vld.idx.msk [tilespmem:v31+s2+$0x0], $0xffff  }
0x1ef: {  	v10 =	vadd.f32 v25, v29;
	v2 =	vadd.f32 v2, v2;
	v5 =	vld.idx.msk [tilespmem:v32+s10+$0x0], $0xffff  }
0x1f0: {  	v0 =	vadd.f32 v11, v0;
	v16 =	vld.idx.msk [tilespmem:v6+s10+$0x0], $0xffff  }
0x1f1: {  	s18 =	sand.u32 $0x1F0, s18;
	v10 =	vsub.f32 v10, v2;
	v11 =	vld.idx.msk [tilespmem:v13+s10+$0x0], $0xffff  }
0x1f2: {  	v14 =	vsub.f32 v19, v14;
	v0 =	vadd.f32 v1, v0;
	v13 =	vld [tilespmem:s18+$0xEC00]  }
0x1f3: {  	v1 =	vsub.f32 v20, v17;
	v62 =	vadd.f32 v10, v4;
	v59 =	vld.idx.msk [tilespmem:v32+s2+$0x0], $0xffff;
	v7 =	vmul.f32 v9, v7  }
0x1f4: {  	s17 =	simm.s32 $0xE210;
	v17 =	vadd.s32 $0x2000, v3;
	v9 =	vmul.f32 v14, v14;
	v5 =	vmul.f32 v5, v12;
	v12 =	vld.idx.msk [tilespmem:v6+s2+$0x0], $0xffff  }
0x1f5: {  	v2 =	vld [tilespmem:s17+$0x0];
	v6 =	vmul.f32 v1, v1;
	v14 =	vmul.f32 v16, v57;
	v16 =	vsub.f32 v30, v21  }
0x1f6: {  	s18 =	simm.s32 $0xE810;
	v8 =	vsub.f32 v8, v15;
	v1 =	vld [tilespmem:s17+$0xFFFFFE00];
	v7 =	vadd.f32 v5, v7;
	v5 =	vadd.s32 $0x4000, v3  }
0x1f7: {  	v11 =	vadd.f32 v11, v13;
	v61 =	vadd.f32 v6, v9;
	v6 =	vld [tilespmem:s18+$0xFFFFFE00];
	v15 =	vmul.f32 v16, v16  }
0x1f8: {  	v9 =	vadd.f32 v14, v7;
	v14 =	vsub.f32 v33, v59;
	v7 =	vld.idx.msk [tilespmem:v3+s10+$0x0], $0xffff  }
0x1f9: {  	v8 =	vmul.f32 v8, v8;
	v4 =	vadd.f32 v15, v61;
	v16 =	vsub.f32 v60, v12;
	v12 =	vld [tilespmem:s18+$0x0]  }
0x1fa: {  	v15 =	vadd.s32 $0x6000, v3;
	v13 =	vadd.f32 v9, v9;
	v9 =	vld.idx.msk [tilespmem:v17+s10+$0x0], $0xffff;
	v14 =	vmul.f32 v14, v14  }
0x1fb: {  	v10 =	vld.idx.msk [tilespmem:v5+s10+$0x0], $0xffff  }
0x1fc: {  	v16 =	vmul.f32 v16, v16;
	v63 =	vsub.f32 v11, v13;
	v14 =	vadd.f32 v14, v8;
	v13 =	vld [tilespmem:s18+$0x200]  }
0x1fd: {  	s20 =	simm.s32 $0xEE20;
	v4 =	vadd.f32 v4, v0;
	v11 =	vld.idx.msk [tilespmem:v17+s2+$0x0], $0xffff  }
0x1fe: {  	s21 =	simm.s32 $0x10;
	s22 =	simm.s32 $0x30;
	s19 =	simm.s32 $0x20;
	v8 =	vld [tilespmem:s20+$0x0];
	v0 =	vadd.f32 v63, v62;
	v14 =	vadd.f32 v16, v14  }
.LBB2_9:
0x1ff: {  	p1 =	seq.s32 s22, $0x1F0;
	s23 =	sand.u32 $0x1F0, s21;
	v15 =	vld.idx.msk [tilespmem:v15+s10+$0x0], $0xffff;
	v6 =	vmul.f32 v7, v6;
	v7 =	vmul.f32 v9, v12;
	s21 =	smov.u32 s19  }
0x200: {  	s19 =	smov.u32 s22;
	v9 =	vld [tilespmem:s23+$0xEC00];
	v4 =	vadd.f32 v14, v4  }
0x201: {  	v12 =	vld.idx.msk [tilespmem:v3+s2+$0x0], $0xffff;
	v16 =	vadd.f32 v7, v6;
	v6 =	vmul.f32 v10, v13  }
0x202: {  	v10 =	vld.idx.msk [tilespmem:v5+s2+$0x0], $0xffff  }
0x203: {  	v7 =	vsub.f32 v2, v11;
	v14 =	vadd.s32 $0x2000, v8;
	v11 =	vld [tilespmem:s17+$0x200];
	v6 =	vadd.f32 v6, v16;
	s17 =	sadd.s32 $0x10, s17;
	v3 =	vmovc v8  }
0x204: {  	v13 =	vld [tilespmem:s17+$0xFFFFFE00]  }
0x205: {  	s18 =	sadd.s32 $0x10, s18;
	v5 =	vadd.s32 $0x4000, v3;
	v2 =	vld [tilespmem:s17+$0x0];
	v9 =	vadd.f32 v15, v9;
	v15 =	vadd.f32 v6, v6  }
0x206: {  	v16 =	vmul.f32 v7, v7;
	v6 =	vld [tilespmem:s18+$0xFFFFFE00]  }
0x207: {  	v18 =	vsub.f32 v1, v12;
	v7 =	vld.idx.msk [tilespmem:v8+s10+$0x0], $0xffff;
	v8 =	vsub.f32 v9, v15  }
0x208: {  	v9 =	vld.idx.msk [tilespmem:v14+s10+$0x0], $0xffff;
	v11 =	vsub.f32 v11, v10  }
.Ltmp6:
0x209: {  	v15 =	vadd.s32 $0x6000, v3;
	v17 =	vmul.f32 v18, v18;
	v12 =	vld [tilespmem:s18+$0x0];
	v0 =	vadd.f32 v8, v0;
	v1 =	vmovc v13;
	(pc) =	sbr.rel @!p1 .LBB2_9-.Ltmp6, $4  }
0x20a: {  	v10 =	vld.idx.msk [tilespmem:v5+s10+$0x0], $0xffff;
	v18 =	vmul.f32 v11, v11  }
0x20b: {  	v16 =	vadd.f32 v16, v17;
	v13 =	vld [tilespmem:s18+$0x200]  }
0x20c: {  	s20 =	sadd.s32 $0x10, s20;
	v11 =	vld.idx.msk [tilespmem:v14+s2+$0x0], $0xffff  }
0x20d: {  	s22 =	sadd.s32 $0x10, s22;
	v14 =	vadd.f32 v18, v16;
	v8 =	vld [tilespmem:s20+$0x0]  }
0x20e: {  	_ =	sdelay $0x3  }
0x20f: {  	v15 =	vld.idx.msk [tilespmem:v15+s10+$0x0], $0xffff  }
0x210: {  	v3 =	vld.idx.msk [tilespmem:v3+s2+$0x0], $0xffff  }
0x211: {  	v5 =	vld.idx.msk [tilespmem:v5+s2+$0x0], $0xffff  }
0x212: {  	s20 =	sand.u32 $0x1F0, s21;
	v18 =	vld [tilespmem:s17+$0x200]  }
0x213: {  	s22 =	sadd.s32 $0x10, s17;
	v16 =	vld [tilespmem:s20+$0xEC00]  }
0x214: {  	v19 =	vld [tilespmem:s22+$0xFFFFFE00]  }
0x215: {  	s18 =	sadd.s32 $0x10, s18;
	v20 =	vld [tilespmem:s22+$0x0]  }
0x216: {  	v22 =	vld [tilespmem:s18+$0xFFFFFE00]  }
0x217: {  	v48 =	vld [tilespmem:s18+$0x0];
	v17 =	vadd.s32 $0x2000, v8  }
0x218: {  	v51 =	vld [tilespmem:s18+$0x200];
	v21 =	vadd.s32 $0x4000, v8  }
0x219: {  	v57 =	vld [tilespmem:s22+$0x200]  }
0x21a: {  	v23 =	vld.idx.msk [tilespmem:v8+s10+$0x0], $0xffff  }
0x21b: {  	v6 =	vmul.f32 v7, v6;
	v47 =	vmul.f32 v9, v12;
	v54 =	vld.idx.msk [tilespmem:v8+s2+$0x0], $0xffff  }
0x21c: {  	v25 =	vadd.s32 $0x6000, v8;
	v24 =	vld.idx.msk [tilespmem:v17+s10+$0x0], $0xffff  }
0x21d: {  	v6 =	vadd.f32 v47, v6;
	v50 =	vmul.f32 v10, v13;
	v49 =	vld.idx.msk [tilespmem:v21+s10+$0x0], $0xffff  }
0x21e: {  	s23 =	sand.u32 $0x1F0, s19;
	v4 =	vadd.f32 v14, v4;
	v2 =	vsub.f32 v2, v11;
	v52 =	vld.idx.msk [tilespmem:v17+s2+$0x0], $0xffff  }
0x21f: {  	v58 =	vld [tilespmem:s23+$0xEC00];
	v6 =	vadd.f32 v50, v6;
	v1 =	vsub.f32 v1, v3  }
0x220: {  	v2 =	vmul.f32 v2, v2;
	v5 =	vsub.f32 v18, v5;
	v55 =	vadd.f32 v15, v16;
	v56 =	vld.idx.msk [tilespmem:v21+s2+$0x0], $0xffff  }
0x221: {  	v6 =	vadd.f32 v6, v6;
	v53 =	vld.idx.msk [tilespmem:v25+s10+$0x0], $0xffff;
	v3 =	vmul.f32 v23, v22;
	v9 =	vmul.f32 v24, v48  }
0x222: {  	v1 =	vmul.f32 v1, v1;
	v5 =	vmul.f32 v5, v5;
	v8 =	vsub.f32 v19, v54  }
0x223: {  	v59 =	vmul.f32 v49, v51;
	v60 =	vsub.f32 v20, v52;
	v3 =	vadd.f32 v9, v3  }
0x224: {  	v6 =	vsub.f32 v55, v6;
	v1 =	vadd.f32 v2, v1;
	v8 =	vmul.f32 v8, v8  }
0x225: {  	v61 =	vsub.f32 v57, v56;
	v2 =	vadd.f32 v59, v3;
	v3 =	vmul.f32 v60, v60  }
0x226: {  	v1 =	vadd.f32 v5, v1;
	v62 =	vadd.f32 v53, v58  }
.Ltmp7:
0x227: {  	v63 =	vmul.f32 v61, v61;
	v2 =	vadd.f32 v2, v2;
	v3 =	vadd.f32 v3, v8;
	(pc) =	sbr.rel .LBB2_20-.Ltmp7, $3  }
0x228: {  	v0 =	vadd.f32 v6, v0;
	v1 =	vadd.f32 v1, v4  }
0x229: {  	v2 =	vsub.f32 v62, v2;
	v3 =	vadd.f32 v63, v3;
	_ =	sdelay $0x1  }
0x22a: {  	v0 =	vadd.f32 v2, v0;
	v1 =	vadd.f32 v3, v1  }
.LBB2_11:
0x22b: {  	[tilespmem:s17], [sflag:$0x1] =	stream.strided.gather [hbm4b:s29+s7], $0x6000, s8, s7, $0x38;
	[tilespmem:$0xF080] =	vst v63  }
0x22c: {  	_ =	swait.ge [sflag:s9], $0x6000  }
0x22d: {  	[sflag:s9] =	ssyncset.done $0x0  }
0x22e: {  	[sflag:s9] =	ssyncadd.s32 $0xFFFFA000  }
0x22f: {  	[tilespmem:s10], [sflag:$0x1] =	stream.strided.gather [hbm4b:s30+s7], $0x8000, s8, s7, $0x38;
	[tilespmem:$0xF080] =	vst v63  }
0x230: {  	_ =	swait.ge [sflag:s9], $0x8000  }
0x231: {  	[sflag:s9] =	ssyncset.done $0x0  }
0x232: {  	s18 =	rddreg [dreg:$0x1e];
	[sflag:s9] =	ssyncadd.s32 $0xFFFF8000  }
0x233: {  	[tilespmem:s11], [sflag:$0x1] =	stream.strided.gather [hbm4b:s18+s7], $0x200, s8, s7, $0x38;
	[tilespmem:$0xF080] =	vst v63  }
0x234: {  	_ =	swait.ge [sflag:s9], $0x200  }
0x235: {  	[sflag:s9] =	ssyncset.done $0x0  }
0x236: {  	s18 =	simm.s32 $0xE200;
	s19 =	rddreg [dreg:$0x18];
	[sflag:s9] =	ssyncadd.s32 $0xFFFFFE00  }
0x237: {  	[tilespmem:s18], [sflag:$0x1] =	stream.strided.gather [hbm4b:s19+s7], $0x200, s8, s7, $0x38;
	[tilespmem:$0xF080] =	vst v63  }
0x238: {  	_ =	swait.ge [sflag:s9], $0x200  }
0x239: {  	[sflag:s9] =	ssyncset.done $0x0  }
0x23a: {  	s23 =	rddreg [dreg:$0x2];
	[sflag:s9] =	ssyncadd.s32 $0xFFFFFE00  }
0x23b: {  	[tilespmem:s12], [sflag:$0x1] =	stream.strided.gather [hbm4b:s23+s7], $0x200, s8, s7, $0x38;
	[tilespmem:$0xF080] =	vst v63  }
0x23c: {  	_ =	swait.ge [sflag:s9], $0x200  }
0x23d: {  	[sflag:s9] =	ssyncset.done $0x0  }
0x23e: {  	s20 =	rddreg [dreg:$0x1f];
	[sflag:s9] =	ssyncadd.s32 $0xFFFFFE00  }
0x23f: {  	[tilespmem:s13], [sflag:$0x1] =	stream.strided.gather [hbm4b:s20+s7], $0x200, s8, s7, $0x38;
	[tilespmem:$0xF080] =	vst v63  }
0x240: {  	_ =	swait.ge [sflag:s9], $0x200  }
0x241: {  	[sflag:s9] =	ssyncset.done $0x0  }
0x242: {  	s19 =	simm.s32 $0xE800;
	s20 =	rddreg [dreg:$0x19];
	[sflag:s9] =	ssyncadd.s32 $0xFFFFFE00  }
0x243: {  	[tilespmem:s19], [sflag:$0x1] =	stream.strided.gather [hbm4b:s20+s7], $0x200, s8, s7, $0x38;
	[tilespmem:$0xF080] =	vst v63  }
0x244: {  	_ =	swait.ge [sflag:s9], $0x200  }
0x245: {  	[sflag:s9] =	ssyncset.done $0x0  }
0x246: {  	s21 =	rddreg [dreg:$0x3];
	[sflag:s9] =	ssyncadd.s32 $0xFFFFFE00  }
0x247: {  	[tilespmem:s14], [sflag:$0x1] =	stream.strided.gather [hbm4b:s21+s7], $0x200, s8, s7, $0x38;
	[tilespmem:$0xF080] =	vst v63  }
0x248: {  	_ =	swait.ge [sflag:s9], $0x200  }
0x249: {  	[sflag:s9] =	ssyncset.done $0x0  }
0x24a: {  	s22 =	rddreg [dreg:$0x4];
	[sflag:s9] =	ssyncadd.s32 $0xFFFFFE00  }
0x24b: {  	[tilespmem:s15], [sflag:$0x1] =	stream.strided.gather [hbm4b:s22+s7], $0x200, s8, s7, $0x38;
	[tilespmem:$0xF080] =	vst v63  }
0x24c: {  	_ =	swait.ge [sflag:s9], $0x200  }
0x24d: {  	[sflag:s9] =	ssyncset.done $0x0  }
0x24e: {  	s23 =	simm.s32 $0xEE00;
	s21 =	rddreg [dreg:$0x11];
	[sflag:s9] =	ssyncadd.s32 $0xFFFFFE00  }
0x24f: {  	[tilespmem:s23], [sflag:$0x1] =	stream.strided.gather [hbm4b:s21+s7], $0x200, s8, s7, $0x38;
	[tilespmem:$0xF080] =	vst v63  }
0x250: {  	_ =	swait.ge [sflag:s9], $0x200  }
0x251: {  	[sflag:s9] =	ssyncset.done $0x0  }
0x252: {  	[sflag:s9] =	ssyncadd.s32 $0xFFFFFE00  }
0x253: {  	v0 =	vld [tilespmem:s23+$0x0];
	_ =	sdelay $0x2  }
0x254: {  	v6 =	vld [tilespmem:s18+$0xFFFFFE00]  }
0x255: {  	v5 =	vld [tilespmem:s18+$0x0]  }
0x256: {  	v3 =	vld [tilespmem:s19+$0xFFFFFE00];
	v1 =	vadd.s32 $0x2000, v0  }
0x257: {  	v8 =	vld [tilespmem:s19+$0x0]  }
0x258: {  	s22 =	simm.s32 $0xEE10;
	v11 =	vld [tilespmem:s19+$0x200];
	v2 =	vadd.s32 $0x4000, v0  }
0x259: {  	v12 =	vld [tilespmem:s22+$0x0]  }
0x25a: {  	v4 =	vld.idx.msk [tilespmem:v0+s10+$0x0], $0xffff  }
0x25b: {  	s23 =	sand.u32 $0x1F0, s17;
	v9 =	vadd.s32 $0x6000, v0;
	v7 =	vld.idx.msk [tilespmem:v1+s10+$0x0], $0xffff  }
0x25c: {  	v14 =	vld [tilespmem:s23+$0xEC00]  }
0x25d: {  	v10 =	vld.idx.msk [tilespmem:v2+s10+$0x0], $0xffff  }
0x25e: {  	v15 =	vadd.s32 $0x2000, v12;
	v0 =	vld.idx.msk [tilespmem:v0+s2+$0x0], $0xffff  }
0x25f: {  	v1 =	vld.idx.msk [tilespmem:v1+s2+$0x0], $0xffff  }
0x260: {  	v9 =	vld.idx.msk [tilespmem:v9+s10+$0x0], $0xffff;
	v3 =	vmul.f32 v4, v3;
	v4 =	vmul.f32 v7, v8  }
0x261: {  	v7 =	vld.idx.msk [tilespmem:v2+s2+$0x0], $0xffff  }
0x262: {  	v8 =	vld [tilespmem:s18+$0x200];
	v10 =	vmul.f32 v10, v11;
	v4 =	vadd.f32 v4, v3  }
0x263: {  	s17 =	simm.s32 $0xE210;
	v0 =	vsub.f32 v6, v0;
	v6 =	vld.idx.msk [tilespmem:v15+s10+$0x0], $0xffff  }
0x264: {  	v13 =	vadd.s32 $0x4000, v12;
	v2 =	vld [tilespmem:s17+$0xFFFFFE00];
	v10 =	vadd.f32 v10, v4  }
0x265: {  	s18 =	simm.s32 $0xE810;
	v1 =	vsub.f32 v5, v1;
	v5 =	vld.idx.msk [tilespmem:v12+s10+$0x0], $0xffff  }
0x266: {  	v9 =	vadd.f32 v9, v14;
	v4 =	vld [tilespmem:s18+$0xFFFFFE00];
	v10 =	vadd.f32 v10, v10  }
0x267: {  	v0 =	vmul.f32 v0, v0;
	v11 =	vsub.f32 v8, v7;
	v8 =	vld [tilespmem:s18+$0x0]  }
0x268: {  	v1 =	vmul.f32 v1, v1;
	v14 =	vsub.f32 v9, v10;
	v10 =	vld.idx.msk [tilespmem:v15+s2+$0x0], $0xffff;
	v15 =	vadd.s32 $0x6000, v12  }
0x269: {  	v7 =	vld.idx.msk [tilespmem:v13+s10+$0x0], $0xffff  }
0x26a: {  	v16 =	vadd.f32 v1, v0;
	v11 =	vmul.f32 v11, v11;
	v9 =	vld [tilespmem:s18+$0x200]  }
0x26b: {  	s20 =	simm.s32 $0xEE20;
	v3 =	vld [tilespmem:s17+$0x0];
	v0 =	vimm.f32 $0.0e+00  }
0x26c: {  	s21 =	simm.s32 $0x10;
	s19 =	simm.s32 $0x20;
	s22 =	simm.s32 $0x30;
	v11 =	vadd.f32 v11, v16;
	v1 =	vadd.f32 v14, v0;
	v14 =	vld [tilespmem:s20+$0x0]  }
.LBB2_12:
0x26d: {  	p1 =	sne.s32 s22, $0x1F0;
	s23 =	sand.u32 $0x1F0, s21;
	v15 =	vld.idx.msk [tilespmem:v15+s10+$0x0], $0xffff;
	v4 =	vmul.f32 v5, v4;
	v5 =	vmul.f32 v6, v8;
	s21 =	smov.u32 s19  }
0x26e: {  	s19 =	smov.u32 s22;
	v6 =	vld [tilespmem:s23+$0xEC00];
	v0 =	vadd.f32 v11, v0  }
0x26f: {  	v8 =	vld.idx.msk [tilespmem:v12+s2+$0x0], $0xffff;
	v4 =	vadd.f32 v5, v4;
	v5 =	vmul.f32 v7, v9  }
0x270: {  	v7 =	vld.idx.msk [tilespmem:v13+s2+$0x0], $0xffff  }
0x271: {  	v9 =	vsub.f32 v3, v10;
	v11 =	vadd.s32 $0x2000, v14;
	v10 =	vld [tilespmem:s17+$0x200];
	v4 =	vadd.f32 v5, v4;
	s17 =	sadd.s32 $0x10, s17;
	v12 =	vmovc v14  }
0x272: {  	v16 =	vld [tilespmem:s17+$0xFFFFFE00]  }
0x273: {  	s18 =	sadd.s32 $0x10, s18;
	v13 =	vadd.s32 $0x4000, v12;
	v3 =	vld [tilespmem:s17+$0x0];
	v6 =	vadd.f32 v15, v6;
	v15 =	vadd.f32 v4, v4  }
0x274: {  	v17 =	vmul.f32 v9, v9;
	v4 =	vld [tilespmem:s18+$0xFFFFFE00]  }
0x275: {  	v18 =	vsub.f32 v2, v8;
	v5 =	vld.idx.msk [tilespmem:v14+s10+$0x0], $0xffff;
	v9 =	vsub.f32 v6, v15  }
0x276: {  	v6 =	vld.idx.msk [tilespmem:v11+s10+$0x0], $0xffff;
	v10 =	vsub.f32 v10, v7  }
.Ltmp8:
0x277: {  	v15 =	vadd.s32 $0x6000, v12;
	v14 =	vmul.f32 v18, v18;
	v8 =	vld [tilespmem:s18+$0x0];
	v1 =	vadd.f32 v9, v1;
	v2 =	vmovc v16;
	(pc) =	sbr.rel @p1 .LBB2_12-.Ltmp8, $4  }
0x278: {  	v7 =	vld.idx.msk [tilespmem:v13+s10+$0x0], $0xffff;
	v16 =	vmul.f32 v10, v10  }
0x279: {  	v17 =	vadd.f32 v17, v14;
	v9 =	vld [tilespmem:s18+$0x200]  }
0x27a: {  	s20 =	sadd.s32 $0x10, s20;
	v10 =	vld.idx.msk [tilespmem:v11+s2+$0x0], $0xffff  }
0x27b: {  	s22 =	sadd.s32 $0x10, s22;
	v11 =	vadd.f32 v16, v17;
	v14 =	vld [tilespmem:s20+$0x0]  }
0x27c: {  	_ =	sdelay $0x3  }
0x27d: {  	v15 =	vld.idx.msk [tilespmem:v15+s10+$0x0], $0xffff  }
0x27e: {  	v12 =	vld.idx.msk [tilespmem:v12+s2+$0x0], $0xffff  }
0x27f: {  	v13 =	vld.idx.msk [tilespmem:v13+s2+$0x0], $0xffff  }
0x280: {  	s20 =	sand.u32 $0x1F0, s21;
	v18 =	vld [tilespmem:s17+$0x200]  }
0x281: {  	s18 =	sadd.s32 $0x10, s18;
	v16 =	vld [tilespmem:s20+$0xEC00]  }
0x282: {  	v22 =	vld [tilespmem:s18+$0xFFFFFE00]  }
0x283: {  	v26 =	vld [tilespmem:s18+$0x0]  }
0x284: {  	s21 =	sand.u32 $0x1F0, s19;
	v28 =	vld [tilespmem:s18+$0x200]  }
0x285: {  	s20 =	sadd.s32 $0x10, s17;
	v29 =	vld [tilespmem:s21+$0xEC00]  }
0x286: {  	v19 =	vld [tilespmem:s20+$0xFFFFFE00];
	v17 =	vadd.s32 $0x2000, v14  }
0x287: {  	v20 =	vld [tilespmem:s20+$0x0];
	v21 =	vadd.s32 $0x4000, v14  }
0x288: {  	v30 =	vld [tilespmem:s20+$0x200]  }
0x289: {  	v23 =	vld.idx.msk [tilespmem:v14+s10+$0x0], $0xffff;
	v25 =	vadd.s32 $0x6000, v14  }
0x28a: {  	v14 =	vld.idx.msk [tilespmem:v14+s2+$0x0], $0xffff  }
0x28b: {  	v24 =	vld.idx.msk [tilespmem:v17+s10+$0x0], $0xffff  }
0x28c: {  	s22 =	sld [smem:$0x7EC];
	v27 =	vld.idx.msk [tilespmem:v21+s10+$0x0], $0xffff  }
0x28d: {  	v17 =	vld.idx.msk [tilespmem:v17+s2+$0x0], $0xffff  }
0x28e: {  	s18 =	simm.s32 $0x0;
	v25 =	vld.idx.msk [tilespmem:v25+s10+$0x0], $0xffff  }
0x28f: {  	v21 =	vld.idx.msk [tilespmem:v21+s2+$0x0], $0xffff;
	[tilespmem:s18], [sflag:$0x1] =	stream.strided.gather [hbm4b:s22+s7], $0x6000, s8, s7, $0x38  }
0x290: {  	_ =	swait.ge [sflag:s9], $0x6000  }
0x291: {  	s23 =	sld [smem:$0x7ED]  }
0x292: {  	[sflag:s9] =	ssyncset.done $0x0  }
0x293: {  	[sflag:s9] =	ssyncadd.s32 $0xFFFFA000  }
0x294: {  	[tilespmem:s10], [sflag:$0x1] =	stream.strided.gather [hbm4b:s23+s7], $0x8000, s8, s7, $0x38;
	[tilespmem:$0xF080] =	vst v63  }
0x295: {  	_ =	swait.ge [sflag:s9], $0x8000  }
0x296: {  	[sflag:s9] =	ssyncset.done $0x0  }
0x297: {  	s19 =	rddreg [dreg:$0x5];
	[sflag:s9] =	ssyncadd.s32 $0xFFFF8000  }
0x298: {  	[tilespmem:s11], [sflag:$0x1] =	stream.strided.gather [hbm4b:s19+s7], $0x200, s8, s7, $0x38;
	[tilespmem:$0xF080] =	vst v63  }
0x299: {  	_ =	swait.ge [sflag:s9], $0x200  }
0x29a: {  	s20 =	sld [smem:$0x7DA]  }
0x29b: {  	[sflag:s9] =	ssyncset.done $0x0  }
0x29c: {  	s17 =	simm.s32 $0xE200;
	[sflag:s9] =	ssyncadd.s32 $0xFFFFFE00  }
0x29d: {  	[tilespmem:s17], [sflag:$0x1] =	stream.strided.gather [hbm4b:s20+s7], $0x200, s8, s7, $0x38;
	[tilespmem:$0xF080] =	vst v63  }
0x29e: {  	_ =	swait.ge [sflag:s9], $0x200  }
0x29f: {  	[sflag:s9] =	ssyncset.done $0x0  }
0x2a0: {  	s21 =	rddreg [dreg:$0x6];
	[sflag:s9] =	ssyncadd.s32 $0xFFFFFE00  }
0x2a1: {  	[tilespmem:s12], [sflag:$0x1] =	stream.strided.gather [hbm4b:s21+s7], $0x200, s8, s7, $0x38;
	[tilespmem:$0xF080] =	vst v63  }
0x2a2: {  	_ =	swait.ge [sflag:s9], $0x200  }
0x2a3: {  	[sflag:s9] =	ssyncset.done $0x0  }
0x2a4: {  	s22 =	rddreg [dreg:$0x7];
	[sflag:s9] =	ssyncadd.s32 $0xFFFFFE00  }
0x2a5: {  	[tilespmem:s13], [sflag:$0x1] =	stream.strided.gather [hbm4b:s22+s7], $0x200, s8, s7, $0x38;
	[tilespmem:$0xF080] =	vst v63  }
0x2a6: {  	_ =	swait.ge [sflag:s9], $0x200  }
0x2a7: {  	s23 =	sld [smem:$0x7DB]  }
0x2a8: {  	[sflag:s9] =	ssyncset.done $0x0  }
0x2a9: {  	s19 =	simm.s32 $0xE800;
	[sflag:s9] =	ssyncadd.s32 $0xFFFFFE00  }
0x2aa: {  	[tilespmem:s19], [sflag:$0x1] =	stream.strided.gather [hbm4b:s23+s7], $0x200, s8, s7, $0x38;
	[tilespmem:$0xF080] =	vst v63  }
0x2ab: {  	_ =	swait.ge [sflag:s9], $0x200  }
0x2ac: {  	[sflag:s9] =	ssyncset.done $0x0  }
0x2ad: {  	s21 =	rddreg [dreg:$0x8];
	[sflag:s9] =	ssyncadd.s32 $0xFFFFFE00  }
0x2ae: {  	[tilespmem:s14], [sflag:$0x1] =	stream.strided.gather [hbm4b:s21+s7], $0x200, s8, s7, $0x38;
	[tilespmem:$0xF080] =	vst v63  }
0x2af: {  	_ =	swait.ge [sflag:s9], $0x200  }
0x2b0: {  	[sflag:s9] =	ssyncset.done $0x0  }
0x2b1: {  	s22 =	rddreg [dreg:$0x9];
	[sflag:s9] =	ssyncadd.s32 $0xFFFFFE00  }
0x2b2: {  	[tilespmem:s15], [sflag:$0x1] =	stream.strided.gather [hbm4b:s22+s7], $0x200, s8, s7, $0x38;
	[tilespmem:$0xF080] =	vst v63  }
0x2b3: {  	_ =	swait.ge [sflag:s9], $0x200  }
0x2b4: {  	[sflag:s9] =	ssyncset.done $0x0  }
0x2b5: {  	s23 =	simm.s32 $0xEE00;
	s22 =	rddreg [dreg:$0xa];
	[sflag:s9] =	ssyncadd.s32 $0xFFFFFE00  }
0x2b6: {  	[tilespmem:s23], [sflag:$0x1] =	stream.strided.gather [hbm4b:s22+s7], $0x200, s8, s7, $0x38;
	[tilespmem:$0xF080] =	vst v63  }
0x2b7: {  	_ =	swait.ge [sflag:s9], $0x200  }
0x2b8: {  	[sflag:s9] =	ssyncset.done $0x0  }
0x2b9: {  	v4 =	vmul.f32 v5, v4;
	v5 =	vmul.f32 v6, v8;
	[sflag:s9] =	ssyncadd.s32 $0xFFFFFE00  }
0x2ba: {  	v3 =	vsub.f32 v3, v10;
	v2 =	vsub.f32 v2, v12;
	v31 =	vld [tilespmem:s23+$0x0]  }
0x2bb: {  	v4 =	vadd.f32 v5, v4;
	v5 =	vmul.f32 v7, v9  }
0x2bc: {  	v3 =	vmul.f32 v3, v3;
	v9 =	vsub.f32 v18, v13;
	v2 =	vmul.f32 v2, v2  }
0x2bd: {  	v6 =	vld [tilespmem:s17+$0xFFFFFE00]  }
0x2be: {  	v9 =	vmul.f32 v9, v9;
	v2 =	vadd.f32 v3, v2;
	v8 =	vld [tilespmem:s17+$0x0]  }
0x2bf: {  	v7 =	vld [tilespmem:s19+$0xFFFFFE00];
	v32 =	vadd.s32 $0x2000, v31  }
0x2c0: {  	v0 =	vadd.f32 v11, v0;
	v2 =	vadd.f32 v9, v2;
	v12 =	vld [tilespmem:s19+$0x0]  }
0x2c1: {  	v4 =	vadd.f32 v5, v4;
	s18 =	sand.u32 $0x1F0, s18;
	v3 =	vld [tilespmem:s19+$0x200];
	v33 =	vadd.s32 $0x4000, v31  }
0x2c2: {  	v0 =	vadd.f32 v2, v0;
	v2 =	vsub.f32 v20, v17;
	v17 =	vld [tilespmem:s18+$0xEC00]  }
0x2c3: {  	v15 =	vadd.f32 v15, v16;
	v4 =	vadd.f32 v4, v4;
	v10 =	vld.idx.msk [tilespmem:v31+s10+$0x0], $0xffff  }
0x2c4: {  	s23 =	simm.s32 $0xEE10;
	v13 =	vadd.s32 $0x6000, v31;
	v5 =	vld.idx.msk [tilespmem:v32+s10+$0x0], $0xffff  }
0x2c5: {  	v4 =	vsub.f32 v15, v4;
	v9 =	vld [tilespmem:s23+$0x0]  }
0x2c6: {  	v15 =	vmul.f32 v23, v22;
	v56 =	vmul.f32 v24, v26;
	v16 =	vld.idx.msk [tilespmem:v33+s10+$0x0], $0xffff  }
0x2c7: {  	v11 =	vadd.f32 v4, v1;
	v57 =	vld.idx.msk [tilespmem:v32+s2+$0x0], $0xffff  }
0x2c8: {  	v4 =	vmul.f32 v27, v28;
	v60 =	vsub.f32 v30, v21;
	v1 =	vadd.f32 v56, v15;
	v59 =	vld [tilespmem:s17+$0x200]  }
0x2c9: {  	v15 =	vld.idx.msk [tilespmem:v13+s10+$0x0], $0xffff;
	v13 =	vsub.f32 v19, v14;
	v7 =	vmul.f32 v10, v7;
	v5 =	vmul.f32 v5, v12  }
0x2ca: {  	v2 =	vmul.f32 v2, v2;
	v1 =	vadd.f32 v4, v1;
	v4 =	vadd.f32 v25, v29;
	v58 =	vld.idx.msk [tilespmem:v31+s2+$0x0], $0xffff  }
0x2cb: {  	s17 =	simm.s32 $0xE210;
	v10 =	vld.idx.msk [tilespmem:v33+s2+$0x0], $0xffff;
	v16 =	vmul.f32 v16, v3;
	v5 =	vadd.f32 v5, v7;
	v7 =	vmul.f32 v13, v13  }
0x2cc: {  	v14 =	vadd.s32 $0x2000, v9;
	v12 =	vadd.f32 v1, v1;
	v1 =	vld [tilespmem:s17+$0xFFFFFE00];
	v8 =	vsub.f32 v8, v57  }
0x2cd: {  	s18 =	simm.s32 $0xE810;
	v3 =	vld [tilespmem:s17+$0x0];
	v2 =	vadd.f32 v2, v7;
	v7 =	vadd.f32 v16, v5  }
0x2ce: {  	v15 =	vadd.f32 v15, v17;
	v12 =	vsub.f32 v4, v12;
	v13 =	vadd.s32 $0x4000, v9;
	v4 =	vld [tilespmem:s18+$0xFFFFFE00]  }
0x2cf: {  	v62 =	vmul.f32 v8, v8;
	v8 =	vld [tilespmem:s18+$0x0];
	v16 =	vsub.f32 v6, v58;
	v17 =	vadd.f32 v7, v7  }
0x2d0: {  	v61 =	vmul.f32 v60, v60;
	v10 =	vsub.f32 v59, v10;
	v5 =	vld.idx.msk [tilespmem:v9+s10+$0x0], $0xffff  }
0x2d1: {  	v6 =	vld.idx.msk [tilespmem:v14+s10+$0x0], $0xffff;
	v16 =	vmul.f32 v16, v16;
	v17 =	vsub.f32 v15, v17;
	v15 =	vadd.s32 $0x6000, v9  }
0x2d2: {  	v11 =	vadd.f32 v12, v11;
	v12 =	vld [tilespmem:s18+$0x200];
	v2 =	vadd.f32 v61, v2  }
0x2d3: {  	v63 =	vmul.f32 v10, v10;
	v7 =	vld.idx.msk [tilespmem:v13+s10+$0x0], $0xffff;
	v16 =	vadd.f32 v62, v16  }
0x2d4: {  	s20 =	simm.s32 $0xEE20;
	v10 =	vld.idx.msk [tilespmem:v14+s2+$0x0], $0xffff;
	v0 =	vadd.f32 v2, v0  }
0x2d5: {  	s21 =	simm.s32 $0x10;
	s22 =	simm.s32 $0x30;
	s19 =	simm.s32 $0x20;
	v14 =	vld [tilespmem:s20+$0x0];
	v2 =	vadd.f32 v17, v11;
	v11 =	vadd.f32 v63, v16  }
.LBB2_14:
0x2d6: {  	p1 =	sne.s32 s22, $0x1F0;
	s23 =	sand.u32 $0x1F0, s21;
	v15 =	vld.idx.msk [tilespmem:v15+s10+$0x0], $0xffff;
	v4 =	vmul.f32 v5, v4;
	v5 =	vmul.f32 v6, v8;
	s21 =	smov.u32 s19  }
0x2d7: {  	s19 =	smov.u32 s22;
	v6 =	vld [tilespmem:s23+$0xEC00];
	v0 =	vadd.f32 v11, v0  }
0x2d8: {  	v8 =	vld.idx.msk [tilespmem:v9+s2+$0x0], $0xffff;
	v4 =	vadd.f32 v5, v4;
	v5 =	vmul.f32 v7, v12  }
0x2d9: {  	v7 =	vld.idx.msk [tilespmem:v13+s2+$0x0], $0xffff  }
0x2da: {  	v10 =	vsub.f32 v3, v10;
	v11 =	vadd.s32 $0x2000, v14;
	v12 =	vld [tilespmem:s17+$0x200];
	v4 =	vadd.f32 v5, v4;
	s17 =	sadd.s32 $0x10, s17;
	v9 =	vmovc v14  }
0x2db: {  	v16 =	vld [tilespmem:s17+$0xFFFFFE00]  }
0x2dc: {  	s18 =	sadd.s32 $0x10, s18;
	v13 =	vadd.s32 $0x4000, v9;
	v3 =	vld [tilespmem:s17+$0x0];
	v6 =	vadd.f32 v15, v6;
	v15 =	vadd.f32 v4, v4  }
0x2dd: {  	v10 =	vmul.f32 v10, v10;
	v4 =	vld [tilespmem:s18+$0xFFFFFE00]  }
0x2de: {  	v18 =	vsub.f32 v1, v8;
	v5 =	vld.idx.msk [tilespmem:v14+s10+$0x0], $0xffff;
	v14 =	vsub.f32 v6, v15  }
0x2df: {  	v6 =	vld.idx.msk [tilespmem:v11+s10+$0x0], $0xffff;
	v12 =	vsub.f32 v12, v7  }
.Ltmp9:
0x2e0: {  	v15 =	vadd.s32 $0x6000, v9;
	v17 =	vmul.f32 v18, v18;
	v8 =	vld [tilespmem:s18+$0x0];
	v2 =	vadd.f32 v14, v2;
	v1 =	vmovc v16;
	(pc) =	sbr.rel @p1 .LBB2_14-.Ltmp9, $4  }
0x2e1: {  	v7 =	vld.idx.msk [tilespmem:v13+s10+$0x0], $0xffff;
	v16 =	vmul.f32 v12, v12  }
0x2e2: {  	v17 =	vadd.f32 v10, v17;
	v12 =	vld [tilespmem:s18+$0x200]  }
0x2e3: {  	s20 =	sadd.s32 $0x10, s20;
	v10 =	vld.idx.msk [tilespmem:v11+s2+$0x0], $0xffff  }
0x2e4: {  	s22 =	sadd.s32 $0x10, s22;
	v11 =	vadd.f32 v16, v17;
	v14 =	vld [tilespmem:s20+$0x0]  }
0x2e5: {  	_ =	sdelay $0x3  }
0x2e6: {  	v15 =	vld.idx.msk [tilespmem:v15+s10+$0x0], $0xffff  }
0x2e7: {  	v9 =	vld.idx.msk [tilespmem:v9+s2+$0x0], $0xffff  }
0x2e8: {  	v13 =	vld.idx.msk [tilespmem:v13+s2+$0x0], $0xffff  }
0x2e9: {  	s20 =	sand.u32 $0x1F0, s21;
	v18 =	vld [tilespmem:s17+$0x200]  }
0x2ea: {  	s18 =	sadd.s32 $0x10, s18;
	v16 =	vld [tilespmem:s20+$0xEC00]  }
0x2eb: {  	v22 =	vld [tilespmem:s18+$0xFFFFFE00]  }
0x2ec: {  	v26 =	vld [tilespmem:s18+$0x0]  }
0x2ed: {  	s21 =	sand.u32 $0x1F0, s19;
	v28 =	vld [tilespmem:s18+$0x200]  }
0x2ee: {  	s20 =	sadd.s32 $0x10, s17;
	v29 =	vld [tilespmem:s21+$0xEC00]  }
0x2ef: {  	v19 =	vld [tilespmem:s20+$0xFFFFFE00];
	v17 =	vadd.s32 $0x2000, v14  }
0x2f0: {  	v20 =	vld [tilespmem:s20+$0x0];
	v21 =	vadd.s32 $0x4000, v14  }
0x2f1: {  	v30 =	vld [tilespmem:s20+$0x200]  }
0x2f2: {  	v23 =	vld.idx.msk [tilespmem:v14+s10+$0x0], $0xffff;
	v25 =	vadd.s32 $0x6000, v14  }
0x2f3: {  	v14 =	vld.idx.msk [tilespmem:v14+s2+$0x0], $0xffff  }
0x2f4: {  	v24 =	vld.idx.msk [tilespmem:v17+s10+$0x0], $0xffff  }
0x2f5: {  	s22 =	sld [smem:$0x7EE];
	v27 =	vld.idx.msk [tilespmem:v21+s10+$0x0], $0xffff  }
0x2f6: {  	v17 =	vld.idx.msk [tilespmem:v17+s2+$0x0], $0xffff  }
0x2f7: {  	s18 =	simm.s32 $0x0;
	v25 =	vld.idx.msk [tilespmem:v25+s10+$0x0], $0xffff  }
0x2f8: {  	v21 =	vld.idx.msk [tilespmem:v21+s2+$0x0], $0xffff;
	[tilespmem:s18], [sflag:$0x1] =	stream.strided.gather [hbm4b:s22+s7], $0x6000, s8, s7, $0x38  }
0x2f9: {  	_ =	swait.ge [sflag:s9], $0x6000  }
0x2fa: {  	s23 =	sld [smem:$0x7EF]  }
0x2fb: {  	[sflag:s9] =	ssyncset.done $0x0  }
0x2fc: {  	[sflag:s9] =	ssyncadd.s32 $0xFFFFA000  }
0x2fd: {  	[tilespmem:s10], [sflag:$0x1] =	stream.strided.gather [hbm4b:s23+s7], $0x8000, s8, s7, $0x38;
	[tilespmem:$0xF080] =	vst v63  }
0x2fe: {  	_ =	swait.ge [sflag:s9], $0x8000  }
0x2ff: {  	[sflag:s9] =	ssyncset.done $0x0  }
0x300: {  	s19 =	rddreg [dreg:$0xb];
	[sflag:s9] =	ssyncadd.s32 $0xFFFF8000  }
0x301: {  	[tilespmem:s11], [sflag:$0x1] =	stream.strided.gather [hbm4b:s19+s7], $0x200, s8, s7, $0x38;
	[tilespmem:$0xF080] =	vst v63  }
0x302: {  	_ =	swait.ge [sflag:s9], $0x200  }
0x303: {  	s20 =	sld [smem:$0x7E3]  }
0x304: {  	[sflag:s9] =	ssyncset.done $0x0  }
0x305: {  	s17 =	simm.s32 $0xE200;
	[sflag:s9] =	ssyncadd.s32 $0xFFFFFE00  }
0x306: {  	[tilespmem:s17], [sflag:$0x1] =	stream.strided.gather [hbm4b:s20+s7], $0x200, s8, s7, $0x38;
	[tilespmem:$0xF080] =	vst v63  }
0x307: {  	_ =	swait.ge [sflag:s9], $0x200  }
0x308: {  	[sflag:s9] =	ssyncset.done $0x0  }
0x309: {  	s21 =	rddreg [dreg:$0xc];
	[sflag:s9] =	ssyncadd.s32 $0xFFFFFE00  }
0x30a: {  	[tilespmem:s12], [sflag:$0x1] =	stream.strided.gather [hbm4b:s21+s7], $0x200, s8, s7, $0x38;
	[tilespmem:$0xF080] =	vst v63  }
0x30b: {  	_ =	swait.ge [sflag:s9], $0x200  }
0x30c: {  	[sflag:s9] =	ssyncset.done $0x0  }
0x30d: {  	s22 =	rddreg [dreg:$0xd];
	[sflag:s9] =	ssyncadd.s32 $0xFFFFFE00  }
0x30e: {  	[tilespmem:s13], [sflag:$0x1] =	stream.strided.gather [hbm4b:s22+s7], $0x200, s8, s7, $0x38;
	[tilespmem:$0xF080] =	vst v63  }
0x30f: {  	_ =	swait.ge [sflag:s9], $0x200  }
0x310: {  	s23 =	sld [smem:$0x7E4]  }
0x311: {  	[sflag:s9] =	ssyncset.done $0x0  }
0x312: {  	s19 =	simm.s32 $0xE800;
	[sflag:s9] =	ssyncadd.s32 $0xFFFFFE00  }
0x313: {  	[tilespmem:s19], [sflag:$0x1] =	stream.strided.gather [hbm4b:s23+s7], $0x200, s8, s7, $0x38;
	[tilespmem:$0xF080] =	vst v63  }
0x314: {  	_ =	swait.ge [sflag:s9], $0x200  }
0x315: {  	[sflag:s9] =	ssyncset.done $0x0  }
0x316: {  	s21 =	rddreg [dreg:$0xe];
	[sflag:s9] =	ssyncadd.s32 $0xFFFFFE00  }
0x317: {  	[tilespmem:s14], [sflag:$0x1] =	stream.strided.gather [hbm4b:s21+s7], $0x200, s8, s7, $0x38;
	[tilespmem:$0xF080] =	vst v63  }
0x318: {  	_ =	swait.ge [sflag:s9], $0x200  }
0x319: {  	[sflag:s9] =	ssyncset.done $0x0  }
0x31a: {  	s22 =	rddreg [dreg:$0xf];
	[sflag:s9] =	ssyncadd.s32 $0xFFFFFE00  }
0x31b: {  	[tilespmem:s15], [sflag:$0x1] =	stream.strided.gather [hbm4b:s22+s7], $0x200, s8, s7, $0x38;
	[tilespmem:$0xF080] =	vst v63  }
0x31c: {  	_ =	swait.ge [sflag:s9], $0x200  }
0x31d: {  	[sflag:s9] =	ssyncset.done $0x0  }
0x31e: {  	s23 =	simm.s32 $0xEE00;
	s22 =	rddreg [dreg:$0x10];
	[sflag:s9] =	ssyncadd.s32 $0xFFFFFE00  }
0x31f: {  	[tilespmem:s23], [sflag:$0x1] =	stream.strided.gather [hbm4b:s22+s7], $0x200, s8, s7, $0x38;
	[tilespmem:$0xF080] =	vst v63  }
0x320: {  	_ =	swait.ge [sflag:s9], $0x200  }
0x321: {  	[sflag:s9] =	ssyncset.done $0x0  }
0x322: {  	[sflag:s9] =	ssyncadd.s32 $0xFFFFFE00  }
0x323: {  	v3 =	vsub.f32 v3, v10;
	v1 =	vsub.f32 v1, v9;
	v31 =	vld [tilespmem:s23+$0x0]  }
0x324: {  	v4 =	vmul.f32 v5, v4;
	v5 =	vmul.f32 v6, v8  }
0x325: {  	v3 =	vmul.f32 v3, v3;
	v9 =	vsub.f32 v18, v13;
	v1 =	vmul.f32 v1, v1  }
0x326: {  	v4 =	vadd.f32 v5, v4;
	v5 =	vmul.f32 v7, v12;
	v6 =	vld [tilespmem:s17+$0xFFFFFE00]  }
0x327: {  	v9 =	vmul.f32 v9, v9;
	v1 =	vadd.f32 v3, v1;
	v8 =	vld [tilespmem:s17+$0x0]  }
0x328: {  	v4 =	vadd.f32 v5, v4;
	v7 =	vld [tilespmem:s19+$0xFFFFFE00];
	v32 =	vadd.s32 $0x2000, v31  }
0x329: {  	v0 =	vadd.f32 v11, v0;
	v1 =	vadd.f32 v9, v1;
	v12 =	vld [tilespmem:s19+$0x0]  }
0x32a: {  	v15 =	vadd.f32 v15, v16;
	v4 =	vadd.f32 v4, v4;
	s18 =	sand.u32 $0x1F0, s18;
	v3 =	vld [tilespmem:s19+$0x200];
	v33 =	vadd.s32 $0x4000, v31  }
0x32b: {  	v0 =	vadd.f32 v1, v0;
	v1 =	vsub.f32 v20, v17;
	v17 =	vld [tilespmem:s18+$0xEC00]  }
0x32c: {  	v4 =	vsub.f32 v15, v4;
	v10 =	vld.idx.msk [tilespmem:v31+s10+$0x0], $0xffff  }
0x32d: {  	v15 =	vmul.f32 v23, v22;
	v57 =	vmul.f32 v24, v26;
	s23 =	simm.s32 $0xEE10;
	v13 =	vadd.s32 $0x6000, v31;
	v5 =	vld.idx.msk [tilespmem:v32+s10+$0x0], $0xffff  }
0x32e: {  	v9 =	vld [tilespmem:s23+$0x0]  }
0x32f: {  	v2 =	vadd.f32 v4, v2;
	v11 =	vmul.f32 v27, v28;
	v4 =	vadd.f32 v57, v15;
	v16 =	vld.idx.msk [tilespmem:v33+s10+$0x0], $0xffff  }
0x330: {  	v58 =	vld.idx.msk [tilespmem:v32+s2+$0x0], $0xffff  }
0x331: {  	v4 =	vadd.f32 v11, v4;
	v60 =	vld [tilespmem:s17+$0x200]  }
0x332: {  	v15 =	vld.idx.msk [tilespmem:v13+s10+$0x0], $0xffff;
	v13 =	vsub.f32 v19, v14;
	v7 =	vmul.f32 v10, v7;
	v5 =	vmul.f32 v5, v12  }
0x333: {  	v11 =	vadd.f32 v25, v29;
	v4 =	vadd.f32 v4, v4;
	v59 =	vld.idx.msk [tilespmem:v31+s2+$0x0], $0xffff;
	v12 =	vmul.f32 v1, v1  }
0x334: {  	s18 =	simm.s32 $0xE810;
	v10 =	vld.idx.msk [tilespmem:v33+s2+$0x0], $0xffff;
	v16 =	vmul.f32 v16, v3;
	v5 =	vadd.f32 v5, v7;
	v7 =	vmul.f32 v13, v13  }
0x335: {  	v11 =	vsub.f32 v11, v4;
	s17 =	simm.s32 $0xE210;
	v4 =	vld [tilespmem:s18+$0xFFFFFE00];
	v14 =	vadd.s32 $0x2000, v9;
	v8 =	vsub.f32 v8, v58  }
0x336: {  	v1 =	vld [tilespmem:s17+$0xFFFFFE00];
	v13 =	vadd.s32 $0x4000, v9;
	v7 =	vadd.f32 v12, v7;
	v12 =	vadd.f32 v16, v5  }
0x337: {  	v61 =	vsub.f32 v30, v21;
	v3 =	vld [tilespmem:s17+$0x0];
	v15 =	vadd.f32 v15, v17  }
0x338: {  	v17 =	vmul.f32 v8, v8;
	v8 =	vld [tilespmem:s18+$0x0];
	v16 =	vsub.f32 v6, v59;
	v12 =	vadd.f32 v12, v12  }
0x339: {  	v62 =	vmul.f32 v61, v61;
	v10 =	vsub.f32 v60, v10;
	v5 =	vld.idx.msk [tilespmem:v9+s10+$0x0], $0xffff  }
0x33a: {  	v6 =	vld.idx.msk [tilespmem:v14+s10+$0x0], $0xffff;
	v16 =	vmul.f32 v16, v16;
	v63 =	vsub.f32 v15, v12;
	v15 =	vadd.s32 $0x6000, v9  }
0x33b: {  	v2 =	vadd.f32 v11, v2;
	v11 =	vadd.f32 v62, v7;
	v7 =	vld.idx.msk [tilespmem:v13+s10+$0x0], $0xffff  }
0x33c: {  	v19 =	vmul.f32 v10, v10;
	v16 =	vadd.f32 v17, v16;
	v12 =	vld [tilespmem:s18+$0x200]  }
0x33d: {  	s20 =	simm.s32 $0xEE20;
	v10 =	vld.idx.msk [tilespmem:v14+s2+$0x0], $0xffff;
	v0 =	vadd.f32 v11, v0  }
0x33e: {  	s21 =	simm.s32 $0x10;
	s22 =	simm.s32 $0x30;
	s19 =	simm.s32 $0x20;
	v14 =	vld [tilespmem:s20+$0x0];
	v2 =	vadd.f32 v63, v2;
	v11 =	vadd.f32 v19, v16  }
.LBB2_16:
0x33f: {  	p1 =	sne.s32 s22, $0x1F0;
	s23 =	sand.u32 $0x1F0, s21;
	v15 =	vld.idx.msk [tilespmem:v15+s10+$0x0], $0xffff;
	v4 =	vmul.f32 v5, v4;
	v5 =	vmul.f32 v6, v8;
	s21 =	smov.u32 s19  }
0x340: {  	s19 =	smov.u32 s22;
	v6 =	vld [tilespmem:s23+$0xEC00];
	v0 =	vadd.f32 v11, v0  }
0x341: {  	v8 =	vld.idx.msk [tilespmem:v9+s2+$0x0], $0xffff;
	v4 =	vadd.f32 v5, v4;
	v5 =	vmul.f32 v7, v12  }
0x342: {  	v7 =	vld.idx.msk [tilespmem:v13+s2+$0x0], $0xffff  }
0x343: {  	v10 =	vsub.f32 v3, v10;
	v11 =	vadd.s32 $0x2000, v14;
	v12 =	vld [tilespmem:s17+$0x200];
	v4 =	vadd.f32 v5, v4;
	s17 =	sadd.s32 $0x10, s17;
	v9 =	vmovc v14  }
0x344: {  	v16 =	vld [tilespmem:s17+$0xFFFFFE00]  }
0x345: {  	s18 =	sadd.s32 $0x10, s18;
	v13 =	vadd.s32 $0x4000, v9;
	v3 =	vld [tilespmem:s17+$0x0];
	v6 =	vadd.f32 v15, v6;
	v15 =	vadd.f32 v4, v4  }
0x346: {  	v10 =	vmul.f32 v10, v10;
	v4 =	vld [tilespmem:s18+$0xFFFFFE00]  }
0x347: {  	v18 =	vsub.f32 v1, v8;
	v5 =	vld.idx.msk [tilespmem:v14+s10+$0x0], $0xffff;
	v14 =	vsub.f32 v6, v15  }
0x348: {  	v6 =	vld.idx.msk [tilespmem:v11+s10+$0x0], $0xffff;
	v12 =	vsub.f32 v12, v7  }
.Ltmp10:
0x349: {  	v15 =	vadd.s32 $0x6000, v9;
	v17 =	vmul.f32 v18, v18;
	v8 =	vld [tilespmem:s18+$0x0];
	v2 =	vadd.f32 v14, v2;
	v1 =	vmovc v16;
	(pc) =	sbr.rel @p1 .LBB2_16-.Ltmp10, $4  }
0x34a: {  	v7 =	vld.idx.msk [tilespmem:v13+s10+$0x0], $0xffff;
	v16 =	vmul.f32 v12, v12  }
0x34b: {  	v17 =	vadd.f32 v10, v17;
	v12 =	vld [tilespmem:s18+$0x200]  }
0x34c: {  	s20 =	sadd.s32 $0x10, s20;
	v10 =	vld.idx.msk [tilespmem:v11+s2+$0x0], $0xffff  }
0x34d: {  	s22 =	sadd.s32 $0x10, s22;
	v11 =	vadd.f32 v16, v17;
	v14 =	vld [tilespmem:s20+$0x0]  }
0x34e: {  	_ =	sdelay $0x3  }
0x34f: {  	v15 =	vld.idx.msk [tilespmem:v15+s10+$0x0], $0xffff  }
0x350: {  	v9 =	vld.idx.msk [tilespmem:v9+s2+$0x0], $0xffff  }
0x351: {  	v13 =	vld.idx.msk [tilespmem:v13+s2+$0x0], $0xffff  }
0x352: {  	s20 =	sand.u32 $0x1F0, s21;
	v18 =	vld [tilespmem:s17+$0x200]  }
0x353: {  	s18 =	sadd.s32 $0x10, s18;
	v16 =	vld [tilespmem:s20+$0xEC00]  }
0x354: {  	v22 =	vld [tilespmem:s18+$0xFFFFFE00]  }
0x355: {  	v26 =	vld [tilespmem:s18+$0x0]  }
0x356: {  	s21 =	sand.u32 $0x1F0, s19;
	v28 =	vld [tilespmem:s18+$0x200]  }
0x357: {  	s20 =	sadd.s32 $0x10, s17;
	v29 =	vld [tilespmem:s21+$0xEC00]  }
0x358: {  	v19 =	vld [tilespmem:s20+$0xFFFFFE00];
	v17 =	vadd.s32 $0x2000, v14  }
0x359: {  	v20 =	vld [tilespmem:s20+$0x0];
	v21 =	vadd.s32 $0x4000, v14  }
0x35a: {  	v30 =	vld [tilespmem:s20+$0x200]  }
0x35b: {  	v23 =	vld.idx.msk [tilespmem:v14+s10+$0x0], $0xffff;
	v25 =	vadd.s32 $0x6000, v14  }
0x35c: {  	v14 =	vld.idx.msk [tilespmem:v14+s2+$0x0], $0xffff  }
0x35d: {  	v24 =	vld.idx.msk [tilespmem:v17+s10+$0x0], $0xffff  }
0x35e: {  	s22 =	sld [smem:$0x7F0];
	v27 =	vld.idx.msk [tilespmem:v21+s10+$0x0], $0xffff  }
0x35f: {  	v17 =	vld.idx.msk [tilespmem:v17+s2+$0x0], $0xffff  }
0x360: {  	s18 =	simm.s32 $0x0;
	v25 =	vld.idx.msk [tilespmem:v25+s10+$0x0], $0xffff  }
0x361: {  	v21 =	vld.idx.msk [tilespmem:v21+s2+$0x0], $0xffff;
	[tilespmem:s18], [sflag:$0x1] =	stream.strided.gather [hbm4b:s22+s7], $0x6000, s8, s7, $0x38  }
0x362: {  	_ =	swait.ge [sflag:s9], $0x6000  }
0x363: {  	s23 =	sld [smem:$0x7F1]  }
0x364: {  	[sflag:s9] =	ssyncset.done $0x0  }
0x365: {  	[sflag:s9] =	ssyncadd.s32 $0xFFFFA000  }
0x366: {  	[tilespmem:s10], [sflag:$0x1] =	stream.strided.gather [hbm4b:s23+s7], $0x8000, s8, s7, $0x38;
	[tilespmem:$0xF080] =	vst v63  }
0x367: {  	_ =	swait.ge [sflag:s9], $0x8000  }
0x368: {  	[sflag:s9] =	ssyncset.done $0x0  }
0x369: {  	s19 =	rddreg [dreg:$0x13];
	[sflag:s9] =	ssyncadd.s32 $0xFFFF8000  }
0x36a: {  	[tilespmem:s11], [sflag:$0x1] =	stream.strided.gather [hbm4b:s19+s7], $0x200, s8, s7, $0x38;
	[tilespmem:$0xF080] =	vst v63  }
0x36b: {  	_ =	swait.ge [sflag:s9], $0x200  }
0x36c: {  	s20 =	sld [smem:$0x7FB]  }
0x36d: {  	[sflag:s9] =	ssyncset.done $0x0  }
0x36e: {  	s17 =	simm.s32 $0xE200;
	[sflag:s9] =	ssyncadd.s32 $0xFFFFFE00  }
0x36f: {  	[tilespmem:s17], [sflag:$0x1] =	stream.strided.gather [hbm4b:s20+s7], $0x200, s8, s7, $0x38;
	[tilespmem:$0xF080] =	vst v63  }
0x370: {  	_ =	swait.ge [sflag:s9], $0x200  }
0x371: {  	[sflag:s9] =	ssyncset.done $0x0  }
0x372: {  	s21 =	rddreg [dreg:$0x15];
	[sflag:s9] =	ssyncadd.s32 $0xFFFFFE00  }
0x373: {  	[tilespmem:s12], [sflag:$0x1] =	stream.strided.gather [hbm4b:s21+s7], $0x200, s8, s7, $0x38;
	[tilespmem:$0xF080] =	vst v63  }
0x374: {  	_ =	swait.ge [sflag:s9], $0x200  }
0x375: {  	[sflag:s9] =	ssyncset.done $0x0  }
0x376: {  	s22 =	rddreg [dreg:$0x14];
	[sflag:s9] =	ssyncadd.s32 $0xFFFFFE00  }
0x377: {  	[tilespmem:s13], [sflag:$0x1] =	stream.strided.gather [hbm4b:s22+s7], $0x200, s8, s7, $0x38;
	[tilespmem:$0xF080] =	vst v63  }
0x378: {  	_ =	swait.ge [sflag:s9], $0x200  }
0x379: {  	s23 =	sld [smem:$0x7FC]  }
0x37a: {  	[sflag:s9] =	ssyncset.done $0x0  }
0x37b: {  	s19 =	simm.s32 $0xE800;
	[sflag:s9] =	ssyncadd.s32 $0xFFFFFE00  }
0x37c: {  	[tilespmem:s19], [sflag:$0x1] =	stream.strided.gather [hbm4b:s23+s7], $0x200, s8, s7, $0x38;
	[tilespmem:$0xF080] =	vst v63  }
0x37d: {  	_ =	swait.ge [sflag:s9], $0x200  }
0x37e: {  	[sflag:s9] =	ssyncset.done $0x0  }
0x37f: {  	s21 =	rddreg [dreg:$0x16];
	[sflag:s9] =	ssyncadd.s32 $0xFFFFFE00  }
0x380: {  	[tilespmem:s14], [sflag:$0x1] =	stream.strided.gather [hbm4b:s21+s7], $0x200, s8, s7, $0x38;
	[tilespmem:$0xF080] =	vst v63  }
0x381: {  	_ =	swait.ge [sflag:s9], $0x200  }
0x382: {  	[sflag:s9] =	ssyncset.done $0x0  }
0x383: {  	s22 =	rddreg [dreg:$0x17];
	[sflag:s9] =	ssyncadd.s32 $0xFFFFFE00  }
0x384: {  	[tilespmem:s15], [sflag:$0x1] =	stream.strided.gather [hbm4b:s22+s7], $0x200, s8, s7, $0x38;
	[tilespmem:$0xF080] =	vst v63  }
0x385: {  	_ =	swait.ge [sflag:s9], $0x200  }
0x386: {  	[sflag:s9] =	ssyncset.done $0x0  }
0x387: {  	v4 =	vmul.f32 v5, v4;
	v5 =	vmul.f32 v6, v8;
	s23 =	simm.s32 $0xEE00;
	s22 =	rddreg [dreg:$0x12];
	[sflag:s9] =	ssyncadd.s32 $0xFFFFFE00  }
0x388: {  	[tilespmem:s23], [sflag:$0x1] =	stream.strided.gather [hbm4b:s22+s7], $0x200, s8, s7, $0x38;
	[tilespmem:$0xF080] =	vst v63  }
0x389: {  	v4 =	vadd.f32 v5, v4;
	v5 =	vmul.f32 v7, v12;
	_ =	swait.ge [sflag:s9], $0x200  }
0x38a: {  	v3 =	vsub.f32 v3, v10;
	[sflag:s9] =	ssyncset.done $0x0  }
0x38b: {  	v4 =	vadd.f32 v5, v4;
	v1 =	vsub.f32 v1, v9;
	[sflag:s9] =	ssyncadd.s32 $0xFFFFFE00  }
0x38c: {  	v3 =	vmul.f32 v3, v3;
	v10 =	vsub.f32 v18, v13;
	v31 =	vld [tilespmem:s23+$0x0]  }
0x38d: {  	v15 =	vadd.f32 v15, v16;
	v4 =	vadd.f32 v4, v4;
	v1 =	vmul.f32 v1, v1;
	v8 =	vld [tilespmem:s17+$0xFFFFFE00]  }
0x38e: {  	v33 =	vld [tilespmem:s17+$0x0]  }
0x38f: {  	v10 =	vmul.f32 v10, v10;
	v4 =	vsub.f32 v15, v4;
	v1 =	vadd.f32 v3, v1;
	v7 =	vld [tilespmem:s19+$0xFFFFFE00]  }
0x390: {  	v15 =	vmul.f32 v23, v22;
	v58 =	vmul.f32 v24, v26;
	v12 =	vld [tilespmem:s19+$0x0]  }
0x391: {  	v4 =	vadd.f32 v4, v2;
	v1 =	vadd.f32 v10, v1;
	v57 =	vld [tilespmem:s19+$0x200];
	v32 =	vadd.s32 $0x2000, v31  }
0x392: {  	v10 =	vmul.f32 v27, v28;
	v2 =	vadd.f32 v58, v15;
	s23 =	simm.s32 $0xEE10;
	v60 =	vld [tilespmem:s17+$0x200];
	v6 =	vadd.s32 $0x4000, v31  }
0x393: {  	v3 =	vld [tilespmem:s23+$0x0];
	v13 =	vadd.s32 $0x6000, v31  }
0x394: {  	v2 =	vadd.f32 v10, v2;
	v9 =	vld.idx.msk [tilespmem:v31+s10+$0x0], $0xffff  }
0x395: {  	v15 =	vld.idx.msk [tilespmem:v31+s2+$0x0], $0xffff  }
0x396: {  	v10 =	vadd.f32 v25, v29;
	v2 =	vadd.f32 v2, v2;
	v5 =	vld.idx.msk [tilespmem:v32+s10+$0x0], $0xffff  }
0x397: {  	v0 =	vadd.f32 v11, v0;
	v16 =	vld.idx.msk [tilespmem:v6+s10+$0x0], $0xffff  }
0x398: {  	s18 =	sand.u32 $0x1F0, s18;
	v10 =	vsub.f32 v10, v2;
	v11 =	vld.idx.msk [tilespmem:v13+s10+$0x0], $0xffff  }
0x399: {  	v14 =	vsub.f32 v19, v14;
	v0 =	vadd.f32 v1, v0;
	v13 =	vld [tilespmem:s18+$0xEC00]  }
0x39a: {  	v1 =	vsub.f32 v20, v17;
	v62 =	vadd.f32 v10, v4;
	v59 =	vld.idx.msk [tilespmem:v32+s2+$0x0], $0xffff;
	v7 =	vmul.f32 v9, v7  }
0x39b: {  	s17 =	simm.s32 $0xE210;
	v17 =	vadd.s32 $0x2000, v3;
	v9 =	vmul.f32 v14, v14;
	v5 =	vmul.f32 v5, v12;
	v12 =	vld.idx.msk [tilespmem:v6+s2+$0x0], $0xffff  }
0x39c: {  	v2 =	vld [tilespmem:s17+$0x0];
	v6 =	vmul.f32 v1, v1;
	v14 =	vmul.f32 v16, v57;
	v16 =	vsub.f32 v30, v21  }
0x39d: {  	s18 =	simm.s32 $0xE810;
	v8 =	vsub.f32 v8, v15;
	v1 =	vld [tilespmem:s17+$0xFFFFFE00];
	v7 =	vadd.f32 v5, v7;
	v5 =	vadd.s32 $0x4000, v3  }
0x39e: {  	v11 =	vadd.f32 v11, v13;
	v61 =	vadd.f32 v6, v9;
	v6 =	vld [tilespmem:s18+$0xFFFFFE00];
	v15 =	vmul.f32 v16, v16  }
0x39f: {  	v9 =	vadd.f32 v14, v7;
	v14 =	vsub.f32 v33, v59;
	v7 =	vld.idx.msk [tilespmem:v3+s10+$0x0], $0xffff  }
0x3a0: {  	v8 =	vmul.f32 v8, v8;
	v4 =	vadd.f32 v15, v61;
	v16 =	vsub.f32 v60, v12;
	v12 =	vld [tilespmem:s18+$0x0]  }
0x3a1: {  	v15 =	vadd.s32 $0x6000, v3;
	v13 =	vadd.f32 v9, v9;
	v9 =	vld.idx.msk [tilespmem:v17+s10+$0x0], $0xffff;
	v14 =	vmul.f32 v14, v14  }
0x3a2: {  	v10 =	vld.idx.msk [tilespmem:v5+s10+$0x0], $0xffff  }
0x3a3: {  	v16 =	vmul.f32 v16, v16;
	v63 =	vsub.f32 v11, v13;
	v14 =	vadd.f32 v14, v8;
	v13 =	vld [tilespmem:s18+$0x200]  }
0x3a4: {  	s20 =	simm.s32 $0xEE20;
	v4 =	vadd.f32 v4, v0;
	v11 =	vld.idx.msk [tilespmem:v17+s2+$0x0], $0xffff  }
0x3a5: {  	s21 =	simm.s32 $0x10;
	s22 =	simm.s32 $0x30;
	s19 =	simm.s32 $0x20;
	v8 =	vld [tilespmem:s20+$0x0];
	v0 =	vadd.f32 v63, v62;
	v14 =	vadd.f32 v16, v14  }
.LBB2_18:
0x3a6: {  	p1 =	sne.s32 s22, $0x1F0;
	s23 =	sand.u32 $0x1F0, s21;
	v15 =	vld.idx.msk [tilespmem:v15+s10+$0x0], $0xffff;
	v6 =	vmul.f32 v7, v6;
	v7 =	vmul.f32 v9, v12;
	s21 =	smov.u32 s19  }
0x3a7: {  	v4 =	vadd.f32 v14, v4;
	s19 =	smov.u32 s22;
	v9 =	vld [tilespmem:s23+$0xEC00]  }
0x3a8: {  	v12 =	vld.idx.msk [tilespmem:v3+s2+$0x0], $0xffff;
	v16 =	vadd.f32 v7, v6;
	v6 =	vmul.f32 v10, v13  }
0x3a9: {  	v10 =	vld.idx.msk [tilespmem:v5+s2+$0x0], $0xffff  }
0x3aa: {  	v14 =	vadd.s32 $0x2000, v8;
	v7 =	vsub.f32 v2, v11;
	v3 =	vmovc v8;
	v11 =	vld [tilespmem:s17+$0x200];
	v6 =	vadd.f32 v6, v16;
	s17 =	sadd.s32 $0x10, s17  }
0x3ab: {  	v13 =	vld [tilespmem:s17+$0xFFFFFE00]  }
0x3ac: {  	s18 =	sadd.s32 $0x10, s18;
	v5 =	vadd.s32 $0x4000, v3;
	v2 =	vld [tilespmem:s17+$0x0];
	v9 =	vadd.f32 v15, v9;
	v15 =	vadd.f32 v6, v6  }
0x3ad: {  	v16 =	vmul.f32 v7, v7;
	v6 =	vld [tilespmem:s18+$0xFFFFFE00]  }
0x3ae: {  	v18 =	vsub.f32 v1, v12;
	v7 =	vld.idx.msk [tilespmem:v8+s10+$0x0], $0xffff;
	v8 =	vsub.f32 v9, v15  }
0x3af: {  	v9 =	vld.idx.msk [tilespmem:v14+s10+$0x0], $0xffff;
	v11 =	vsub.f32 v11, v10  }
.Ltmp11:
0x3b0: {  	v15 =	vadd.s32 $0x6000, v3;
	v17 =	vmul.f32 v18, v18;
	v12 =	vld [tilespmem:s18+$0x0];
	v0 =	vadd.f32 v8, v0;
	v1 =	vmovc v13;
	(pc) =	sbr.rel @p1 .LBB2_18-.Ltmp11, $4  }
0x3b1: {  	v10 =	vld.idx.msk [tilespmem:v5+s10+$0x0], $0xffff;
	v18 =	vmul.f32 v11, v11  }
0x3b2: {  	v16 =	vadd.f32 v16, v17;
	v13 =	vld [tilespmem:s18+$0x200]  }
0x3b3: {  	s20 =	sadd.s32 $0x10, s20;
	v11 =	vld.idx.msk [tilespmem:v14+s2+$0x0], $0xffff  }
0x3b4: {  	s22 =	sadd.s32 $0x10, s22;
	v14 =	vadd.f32 v18, v16;
	v8 =	vld [tilespmem:s20+$0x0]  }
.Ltmp12:
0x3b5: {  	_ = 	snop;
	(pc) =	sbr.rel .LBB2_19-.Ltmp12, $1  }
0x3b6: {  	_ =	sdelay $0x3  }
.LBB2_21:
0x3b7: {  	_ =	sfence.sel $0x180000  }
0x3b8: {  	[bflag:$0x0] =	sbarrier.arrive $0xFFFF  }
0x3b9: {  	_ =	strace $0x90000047  }
0x3ba: {  	s0 =	stileid.u32;
	[bflag:$0x2] =	sbarrier.arrive $0xFFFF  }
0x3bb: {  	p0 =	sne.s32 s0, $0x0;
	s0 =	rddreg [dreg:$0x1]  }
0x3bc: {  	s0 =	sadd.s32 @!p0 $0x100000, s0  }
0x3bd: {  	[sflag:s0] =	ssyncadd.tile.s32 @!p0 $0x1;
	_ =	shalt  }
.Lfunc_end2:
_tile_overlayer_lowered:
.L_overlay_start_2:
0x3be: {  	(tag) =	ssettag $0x2  }
0x3bf: {  	s0 =	rddreg [dreg:$0x0];
	s2 =	stileid.u32  }
0x3c0: {  	s1 =	rddreg [dreg:$0x1];
	p0 =	sne.s32 s2, $0x0  }
0x3c1: {  	s3 =	rddreg [dreg:$0x2];
	[bflag:$0x3] =	sbarrier.arrive $0xFFFF;
	s2 =	simm.s32 @!p0 $0x1C01  }
0x3c2: {  	[timem:s3], [sflag:s2] =	dma.local @!p0 [hbm:s0], s1  }
0x3c3: {  	s0 =	simm.s32 @!p0 $0x1  }
0x3c4: {  	_ =	swait.ge @!p0 [sflag:s0], s1  }
0x3c5: {  	s1 =	ssub.s32 @!p0 $0x0, s1;
	[sflag:s0] =	ssyncset.done @!p0 $0x0  }
0x3c6: {  	[sflag:s0] =	ssyncadd.s32 @!p0 s1  }
0x3c7: {  	[bflag:$0x3] =	sbarrier.arrive $0xFFFF  }
0x3c8: {  	_ =	shalt  }

</sc_bundles>
